<compile_context>
chip_gen: v7x
topology: tpu7x:2x2x1
jax: 0.10.2.dev20260603
libtpu: 0.0.44.dev20260713+nightly
codegen_flags: <defaults>
</compile_context>

<pallas_src>
import functools

import jax
import jax.numpy as jnp
from jax import lax
from jax.experimental import pallas as pl
from jax.experimental.pallas import tpu as pltpu
from jax.experimental.pallas import tpu_sc as plsc

VOCAB = 100000
EMB = 128
SEQ = 200
BATCH = 4096
NTOK = BATCH * SEQ

NC = 2
NS = 16
NW = NC * NS
TOK_PER_W = NTOK // NW
SEQ_PER_W = TOK_PER_W // SEQ
NJ = EMB // 16
NSLOT = 4
CHUNK_OFFS = tuple(list(range(0, SEQ - 16 + 1, 16)) + [SEQ - 16])
GCHUNKS = ((0, 104), (104, 96))


def _lanesum(x, iota):
    dn = lax.GatherDimensionNumbers(
        offset_dims=(), collapsed_slice_dims=(0,), start_index_map=(0,))
    for k in (8, 4, 2, 1):
        perm = lax.gather(x, (iota ^ k)[:, None], dn, slice_sizes=(1,),
                          mode=lax.GatherScatterMode.PROMISE_IN_BOUNDS)
        x = x + perm
    return x


def _rsqrt(x):
    xi = lax.bitcast_convert_type(x, jnp.int32)
    yi = jnp.int32(0x5F3759DF) - lax.shift_right_arithmetic(xi, 1)
    y = lax.bitcast_convert_type(yi, jnp.float32)
    for _ in range(3):
        y = y * (jnp.float32(1.5) - jnp.float32(0.5) * x * y * y)
    return y


def _body(tok_hbm, sid_hbm, t_hbm, word_hbm, gb_hbm, out_hbm,
          buf_v, idx_vs, sid_vs, ix2_vs, gb_v, t_sh,
          sem_i, sem_w, sem_a, sem_o):
    wid = lax.axis_index("s") * NC + lax.axis_index("c")
    base = wid * TOK_PER_W

    pltpu.sync_copy(gb_hbm, gb_v)

    @pl.when(lax.axis_index("s") == 0)
    def _():
        pltpu.sync_copy(t_hbm, t_sh)
    plsc.subcore_barrier()
    g_regs = tuple(gb_v[0, pl.ds(16 * j, 16)] for j in range(NJ))
    b_regs = tuple(gb_v[1, pl.ds(16 * j, 16)] for j in range(NJ))
    iota16 = lax.iota(jnp.int32, 16)
    iota2 = 2 * iota16

    def ids_copies(s, k):
        tb = base + s * SEQ
        return (pltpu.make_async_copy(tok_hbm.at[pl.ds(tb, SEQ)],
                                      idx_vs[k], sem_i.at[k]),
                pltpu.make_async_copy(sid_hbm.at[pl.ds(tb, SEQ)],
                                      sid_vs[k], sem_i.at[k]))

    def word_copies(k):
        return tuple(
            pltpu.make_async_copy(word_hbm.at[idx_vs[k].at[pl.ds(o, n)]],
                                  buf_v.at[k, pl.ds(o, n)], sem_w.at[k])
            for o, n in GCHUNKS)

    def add_starts(k):
        for o, n in GCHUNKS:
            pltpu.async_copy(t_sh.at[ix2_vs[k].at[pl.ds(o, n)]],
                             buf_v.at[k, pl.ds(o, n)], sem_a.at[k], add=True)

    def add_waits(k):
        for o, n in GCHUNKS:
            pltpu.make_async_copy(t_sh.at[ix2_vs[k].at[pl.ds(o, n)]],
                                  buf_v.at[k, pl.ds(o, n)], sem_a.at[k]).wait()

    def out_copy(s, k):
        tb = base + s * SEQ
        return pltpu.make_async_copy(buf_v.at[k],
                                     out_hbm.at[pl.ds(tb, SEQ)], sem_o.at[k])

    def tok_body(i, k):
        g, b = g_regs, b_regs
        x = [buf_v[k, i, pl.ds(16 * j, 16)] for j in range(NJ)]
        s4 = [(x[0] + x[1]) + (x[2] + x[3]), (x[4] + x[5]) + (x[6] + x[7])]
        q4 = [(x[0] * x[0] + x[1] * x[1]) + (x[2] * x[2] + x[3] * x[3]),
              (x[4] * x[4] + x[5] * x[5]) + (x[6] * x[6] + x[7] * x[7])]
        mean = jnp.sum(s4[0] + s4[1]) * jnp.float32(1.0 / EMB)
        msq = jnp.sum(q4[0] + q4[1]) * jnp.float32(1.0 / EMB)
        var = msq - mean * mean
        istd = _rsqrt(var + jnp.float32(1e-12))
        shift = mean * istd
        for j in range(NJ):
            buf_v[k, i, pl.ds(16 * j, 16)] = (x[j] * istd - shift) * g[j] + b[j]

    def step(v, u):
        s_d, k_d = v + 3, (u + 3) % NSLOT
        s_a, k_a = v + 2, (u + 2) % NSLOT
        s_b, k_b = v + 1, (u + 1) % NSLOT
        s_c, k_c = v, u % NSLOT

        @pl.when(jnp.logical_and(s_d >= 0, s_d < SEQ_PER_W))
        def _():
            for c in ids_copies(s_d, k_d):
                c.start()

        @pl.when(jnp.logical_and(s_a >= 0, s_a < SEQ_PER_W))
        def _():
            for c in ids_copies(s_a, k_a):
                c.wait()
            for off in CHUNK_OFFS:
                ix2_vs[k_a][pl.ds(off, 16)] = (
                    sid_vs[k_a][pl.ds(off, 16)] + (iota2 + jnp.int32(2 * off)))

        @pl.when(jnp.logical_and(s_a >= NSLOT, s_a < SEQ_PER_W))
        def _():
            out_copy(s_a - NSLOT, k_a).wait()

        @pl.when(jnp.logical_and(s_a >= 0, s_a < SEQ_PER_W))
        def _():
            for c in word_copies(k_a):
                c.start()

        @pl.when(jnp.logical_and(s_b >= 0, s_b < SEQ_PER_W))
        def _():
            for c in word_copies(k_b):
                c.wait()
            add_starts(k_b)

        @pl.when(jnp.logical_and(s_c >= 0, s_c < SEQ_PER_W))
        def _():
            add_waits(k_c)
            plsc.parallel_loop(0, SEQ, unroll=4)(
                functools.partial(tok_body, k=k_c))
            out_copy(s_c, k_c).start()

    def quad_body(t, _):
        for u in range(NSLOT):
            step(NSLOT * t + u - NSLOT, u)
        return _

    lax.fori_loop(0, SEQ_PER_W // NSLOT + 1, quad_body, jnp.int32(0))

    for s in range(SEQ_PER_W - NSLOT, SEQ_PER_W):
        out_copy(s, s % NSLOT).wait()


@functools.partial(
    pl.kernel,
    out_type=jax.ShapeDtypeStruct((NTOK, EMB), jnp.float32),
    mesh=plsc.VectorSubcoreMesh(core_axis_name="c", subcore_axis_name="s"),
    scratch_types=[
        pltpu.VMEM((NSLOT, SEQ, EMB), jnp.float32),
        *[pltpu.VMEM((SEQ,), jnp.int32) for _ in range(3 * NSLOT)],
        pltpu.VMEM((2, EMB), jnp.float32),
        pltpu.VMEM_SHARED((2 * SEQ, EMB), jnp.float32),
        pltpu.SemaphoreType.DMA((NSLOT,)),
        pltpu.SemaphoreType.DMA((NSLOT,)),
        pltpu.SemaphoreType.DMA((NSLOT,)),
        pltpu.SemaphoreType.DMA((NSLOT,)),
    ],
    compiler_params=pltpu.CompilerParams(needs_layout_passes=False),
)
def _sc_kernel(tok_hbm, sid_hbm, t_hbm, word_hbm, gb_hbm, out_hbm,
               buf_v, *rest):
    ids = rest[:3 * NSLOT]
    idx_vs, sid_vs, ix2_vs = (ids[0:NSLOT], ids[NSLOT:2 * NSLOT],
                              ids[2 * NSLOT:3 * NSLOT])
    gb_v, t_sh, sem_i, sem_w, sem_a, sem_o = rest[3 * NSLOT:]
    _body(tok_hbm, sid_hbm, t_hbm, word_hbm, gb_hbm, out_hbm,
          buf_v, idx_vs, sid_vs, ix2_vs, gb_v, t_sh,
          sem_i, sem_w, sem_a, sem_o)


def kernel(token_ids, segment_ids, word_emb, position_emb, segment_emb,
           ln_gamma, ln_beta):
    tok = token_ids.reshape(-1).astype(jnp.int32)
    sid = segment_ids.reshape(-1).astype(jnp.int32)
    t_tab = (position_emb[:SEQ, None, :] + segment_emb[None, :, :]).reshape(
        2 * SEQ, EMB)
    gb = jnp.stack([ln_gamma, ln_beta]).astype(jnp.float32)
    out = _sc_kernel(tok, sid, t_tab, word_emb.astype(jnp.float32), gb)
    return out.reshape(BATCH, SEQ, EMB)

# --- scband reference (transcript-rebuilt; emitter-appended) ---
"""Pipeline reference for scband-bert-embeddings-73650099191927 (READ-ONLY COPY).

The authoritative reference and input builder live on the scoring server;
editing this copy changes nothing except your own understanding.
"""

import jax, jax.numpy as jnp
import numpy as np

VOCAB = 100000
EMB = 128
MAX_POS = 512
SEG_VOCAB = 2
B = 4096
L = 200


def setup_inputs(seed: int = 0) -> dict:
    key = jax.random.key(seed)
    k1, k2, k3, k4, k5 = jax.random.split(key, 5)
    token_ids = jax.random.randint(k1, (B, L), 0, VOCAB, dtype=jnp.int64 if jax.config.jax_enable_x64 else jnp.int32)
    segment_ids = jax.random.randint(k2, (B, L), 0, SEG_VOCAB, dtype=jnp.int64 if jax.config.jax_enable_x64 else jnp.int32)
    word_emb = jax.random.normal(k3, (VOCAB, EMB), dtype=jnp.float32) * 0.02
    word_emb = word_emb.at[0].set(0.0)  # padding_idx=0
    position_emb = jax.random.normal(k4, (MAX_POS, EMB), dtype=jnp.float32) * 0.02
    segment_emb = jax.random.normal(k5, (SEG_VOCAB, EMB), dtype=jnp.float32) * 0.02
    ln_gamma = jnp.ones((EMB,), dtype=jnp.float32)
    ln_beta = jnp.zeros((EMB,), dtype=jnp.float32)
    return {
        "token_ids": token_ids,
        "segment_ids": segment_ids,
        "word_emb": word_emb,
        "position_emb": position_emb,
        "segment_emb": segment_emb,
        "ln_gamma": ln_gamma,
        "ln_beta": ln_beta,
    }


def _layer_norm(x, gamma, beta, eps=1e-12):
    mean = jnp.mean(x, axis=-1, keepdims=True)
    var = jnp.mean(jnp.square(x - mean), axis=-1, keepdims=True)
    xhat = (x - mean) / jnp.sqrt(var + eps)
    return xhat * gamma + beta


def reference(token_ids, segment_ids, word_emb, position_emb, segment_emb, ln_gamma, ln_beta):
    # word embedding lookup (gather)
    words_embeddings = jnp.take(word_emb, token_ids, axis=0)
    # segment embedding lookup (segment_vocab_size > 0, not shared)
    segment_embeddings = jnp.take(segment_emb, segment_ids, axis=0)
    embeddings = words_embeddings + segment_embeddings
    # position embeddings: arange(seq_len) broadcast over batch
    seq_length = token_ids.shape[1]
    position_ids = jnp.arange(seq_length, dtype=jnp.int32)
    position_embeddings = jnp.take(position_emb, position_ids, axis=0)  # [L, EMB]
    embeddings = embeddings + position_embeddings[None, :, :]
    # LayerNorm (conditional_size=False -> plain LN, eps=1e-12)
    embeddings = _layer_norm(embeddings, ln_gamma, ln_beta)
    # dropout p=0.0 -> identity; embedding_size == hidden_size -> no mapping
    return embeddings

if __name__ == "__main__":
    import jax
    _d = setup_inputs()
    print(jax.jit(kernel)(*tuple(_d.values())))

</pallas_src>

<mosaic_0001>
#map = affine_map<(d0, d1) -> (0)>
#map1 = affine_map<(d0, d1) -> (0, 0)>
module attributes {stable_mosaic.version = 14 : i64} {
  func.func @_sc_kernel(%arg0: i32, %arg1: i32, %arg2: memref<819200xi32, #tpu.memory_space<hbm>>, %arg3: memref<819200xi32, #tpu.memory_space<hbm>>, %arg4: memref<400x128xf32, #tpu.memory_space<hbm>>, %arg5: memref<100000x128xf32, #tpu.memory_space<hbm>>, %arg6: memref<2x128xf32, #tpu.memory_space<hbm>>, %arg7: memref<819200x128xf32, #tpu.memory_space<hbm>>, %arg8: memref<4x200x128xf32, #tpu.memory_space<vmem>>, %arg9: memref<200xi32, #tpu.memory_space<vmem>>, %arg10: memref<200xi32, #tpu.memory_space<vmem>>, %arg11: memref<200xi32, #tpu.memory_space<vmem>>, %arg12: memref<200xi32, #tpu.memory_space<vmem>>, %arg13: memref<200xi32, #tpu.memory_space<vmem>>, %arg14: memref<200xi32, #tpu.memory_space<vmem>>, %arg15: memref<200xi32, #tpu.memory_space<vmem>>, %arg16: memref<200xi32, #tpu.memory_space<vmem>>, %arg17: memref<200xi32, #tpu.memory_space<vmem>>, %arg18: memref<200xi32, #tpu.memory_space<vmem>>, %arg19: memref<200xi32, #tpu.memory_space<vmem>>, %arg20: memref<200xi32, #tpu.memory_space<vmem>>, %arg21: memref<2x128xf32, #tpu.memory_space<vmem>>, %arg22: memref<400x128xf32, #tpu.memory_space<vmem_shared>>, %arg23: memref<4x!tpu.dma_semaphore, #tpu.memory_space<semaphore_mem>>, %arg24: memref<4x!tpu.dma_semaphore, #tpu.memory_space<semaphore_mem>>, %arg25: memref<4x!tpu.dma_semaphore, #tpu.memory_space<semaphore_mem>>, %arg26: memref<4x!tpu.dma_semaphore, #tpu.memory_space<semaphore_mem>>) attributes {dimension_semantics = [#tpu.dimension_semantics<core_parallel>, #tpu.dimension_semantics<subcore_parallel>], iteration_bounds = array<i64: 2, 16>, scalar_prefetch = 0 : i64, scratch_operands = 19 : i64, tpu.core_type = #tpu.core_type<sc_vector_subcore>, window_params = [{transform_indices = #map}, {transform_indices = #map}, {transform_indices = #map1}, {transform_indices = #map1}, {transform_indices = #map1}, {transform_indices = #map1}]} {
    %mul3A = arith.constant 2 : i32
    %mul3A_0 = arith.muli %arg1, %mul3A : i32
    %add3A = arith.addi %mul3A_0, %arg0 : i32
    %mul3A_1 = arith.constant 25600 : i32
    %mul3A_2 = arith.muli %add3A, %mul3A_1 : i32
    "tpu.region"() ({
      %run_scoped3A = tpu.sem_alloc : memref<!tpu.dma_semaphore, #tpu.memory_space<semaphore_mem>>
      tpu.enqueue_dma source(%arg6 : memref<2x128xf32, #tpu.memory_space<hbm>>) target(%arg21 : memref<2x128xf32, #tpu.memory_space<vmem>>) target_semaphore(%run_scoped3A : memref<!tpu.dma_semaphore, #tpu.memory_space<semaphore_mem>>)
      tpu.wait_dma2 semaphore(%run_scoped3A : memref<!tpu.dma_semaphore, #tpu.memory_space<semaphore_mem>>) src(%arg6 : memref<2x128xf32, #tpu.memory_space<hbm>>) dst(%arg21 : memref<2x128xf32, #tpu.memory_space<vmem>>)
      tpu.yield
    }) : () -> ()
    %eq3A = arith.constant 0 : i32
    %eq3A_3 = arith.cmpi eq, %arg1, %eq3A : i32
    %convert_element_type3A = arith.extui %eq3A_3 : i1 to i32
    %cond3A = arith.constant 0 : i32
    %cond3A_4 = arith.cmpi ne, %convert_element_type3A, %cond3A : i32
    scf.if %cond3A_4 {
      "tpu.region"() ({
        %run_scoped3A = tpu.sem_alloc : memref<!tpu.dma_semaphore, #tpu.memory_space<semaphore_mem>>
        tpu.enqueue_dma source(%arg4 : memref<400x128xf32, #tpu.memory_space<hbm>>) target(%arg22 : memref<400x128xf32, #tpu.memory_space<vmem_shared>>) target_semaphore(%run_scoped3A : memref<!tpu.dma_semaphore, #tpu.memory_space<semaphore_mem>>)
        tpu.wait_dma2 semaphore(%run_scoped3A : memref<!tpu.dma_semaphore, #tpu.memory_space<semaphore_mem>>) src(%arg4 : memref<400x128xf32, #tpu.memory_space<hbm>>) dst(%arg22 : memref<400x128xf32, #tpu.memory_space<vmem_shared>>)
        tpu.yield
      }) : () -> ()
    } else {
    }
    %barrier3A = arith.constant 0 : index
    tpu.barrier barrier_id(%barrier3A)
    %get3A = arith.constant 0 : i32
    %get3A_5 = arith.index_cast %get3A : i32 to index
    %get3A_6 = arith.constant 0 : index
    %get3A_7 = tpu.vector_load %arg21[%get3A_5, %get3A_6] {strides = array<i32>} : memref<2x128xf32, #tpu.memory_space<vmem>>, vector<16xf32>,
    %get3A_8 = arith.constant 0 : i32
    %get3A_9 = arith.index_cast %get3A_8 : i32 to index
    %get3A_10 = arith.constant 16 : index
    %get3A_11 = tpu.vector_load %arg21[%get3A_9, %get3A_10] {strides = array<i32>} : memref<2x128xf32, #tpu.memory_space<vmem>>, vector<16xf32>,
    %get3A_12 = arith.constant 0 : i32
    %get3A_13 = arith.index_cast %get3A_12 : i32 to index
    %get3A_14 = arith.constant 32 : index
    %get3A_15 = tpu.vector_load %arg21[%get3A_13, %get3A_14] {strides = array<i32>} : memref<2x128xf32, #tpu.memory_space<vmem>>, vector<16xf32>,
    %get3A_16 = arith.constant 0 : i32
    %get3A_17 = arith.index_cast %get3A_16 : i32 to index
    %get3A_18 = arith.constant 48 : index
    %get3A_19 = tpu.vector_load %arg21[%get3A_17, %get3A_18] {strides = array<i32>} : memref<2x128xf32, #tpu.memory_space<vmem>>, vector<16xf32>,
    %get3A_20 = arith.constant 0 : i32
    %get3A_21 = arith.index_cast %get3A_20 : i32 to index
    %get3A_22 = arith.constant 64 : index
    %get3A_23 = tpu.vector_load %arg21[%get3A_21, %get3A_22] {strides = array<i32>} : memref<2x128xf32, #tpu.memory_space<vmem>>, vector<16xf32>,
    %get3A_24 = arith.constant 0 : i32
    %get3A_25 = arith.index_cast %get3A_24 : i32 to index
    %get3A_26 = arith.constant 80 : index
    %get3A_27 = tpu.vector_load %arg21[%get3A_25, %get3A_26] {strides = array<i32>} : memref<2x128xf32, #tpu.memory_space<vmem>>, vector<16xf32>,
    %get3A_28 = arith.constant 0 : i32
    %get3A_29 = arith.index_cast %get3A_28 : i32 to index
    %get3A_30 = arith.constant 96 : index
    %get3A_31 = tpu.vector_load %arg21[%get3A_29, %get3A_30] {strides = array<i32>} : memref<2x128xf32, #tpu.memory_space<vmem>>, vector<16xf32>,
    %get3A_32 = arith.constant 0 : i32
    %get3A_33 = arith.index_cast %get3A_32 : i32 to index
    %get3A_34 = arith.constant 112 : index
    %get3A_35 = tpu.vector_load %arg21[%get3A_33, %get3A_34] {strides = array<i32>} : memref<2x128xf32, #tpu.memory_space<vmem>>, vector<16xf32>,
    %get3A_36 = arith.constant 1 : i32
    %get3A_37 = arith.index_cast %get3A_36 : i32 to index
    %get3A_38 = arith.constant 0 : index
    %get3A_39 = tpu.vector_load %arg21[%get3A_37, %get3A_38] {strides = array<i32>} : memref<2x128xf32, #tpu.memory_space<vmem>>, vector<16xf32>,
    %get3A_40 = arith.constant 1 : i32
    %get3A_41 = arith.index_cast %get3A_40 : i32 to index
    %get3A_42 = arith.constant 16 : index
    %get3A_43 = tpu.vector_load %arg21[%get3A_41, %get3A_42] {strides = array<i32>} : memref<2x128xf32, #tpu.memory_space<vmem>>, vector<16xf32>,
    %get3A_44 = arith.constant 1 : i32
    %get3A_45 = arith.index_cast %get3A_44 : i32 to index
    %get3A_46 = arith.constant 32 : index
    %get3A_47 = tpu.vector_load %arg21[%get3A_45, %get3A_46] {strides = array<i32>} : memref<2x128xf32, #tpu.memory_space<vmem>>, vector<16xf32>,
    %get3A_48 = arith.constant 1 : i32
    %get3A_49 = arith.index_cast %get3A_48 : i32 to index
    %get3A_50 = arith.constant 48 : index
    %get3A_51 = tpu.vector_load %arg21[%get3A_49, %get3A_50] {strides = array<i32>} : memref<2x128xf32, #tpu.memory_space<vmem>>, vector<16xf32>,
    %get3A_52 = arith.constant 1 : i32
    %get3A_53 = arith.index_cast %get3A_52 : i32 to index
    %get3A_54 = arith.constant 64 : index
    %get3A_55 = tpu.vector_load %arg21[%get3A_53, %get3A_54] {strides = array<i32>} : memref<2x128xf32, #tpu.memory_space<vmem>>, vector<16xf32>,
    %get3A_56 = arith.constant 1 : i32
    %get3A_57 = arith.index_cast %get3A_56 : i32 to index
    %get3A_58 = arith.constant 80 : index
    %get3A_59 = tpu.vector_load %arg21[%get3A_57, %get3A_58] {strides = array<i32>} : memref<2x128xf32, #tpu.memory_space<vmem>>, vector<16xf32>,
    %get3A_60 = arith.constant 1 : i32
    %get3A_61 = arith.index_cast %get3A_60 : i32 to index
    %get3A_62 = arith.constant 96 : index
    %get3A_63 = tpu.vector_load %arg21[%get3A_61, %get3A_62] {strides = array<i32>} : memref<2x128xf32, #tpu.memory_space<vmem>>, vector<16xf32>,
    %get3A_64 = arith.constant 1 : i32
    %get3A_65 = arith.index_cast %get3A_64 : i32 to index
    %get3A_66 = arith.constant 112 : index
    %get3A_67 = tpu.vector_load %arg21[%get3A_65, %get3A_66] {strides = array<i32>} : memref<2x128xf32, #tpu.memory_space<vmem>>, vector<16xf32>,
    %iota3A = tpu.iota {dimensions = array<i32: 0>} : vector<16xi32>
    %mul3A_68 = arith.constant 2 : i32
    %mul3A_69 = vector.broadcast %mul3A_68 : i32 to vector<16xi32>
    %mul3A_70 = arith.muli %mul3A_69, %iota3A : vector<16xi32>
    %scan3A = arith.constant 0 : i32
    %scan3A_71 = arith.constant 0 : i32
    %scan3A_72 = arith.constant 33 : i32
    %scan3A_73 = arith.addi %scan3A_71, %scan3A_72 : i32
    %scan3A_74 = arith.constant 1 : i32
    scf.for %scan3A_147 = %scan3A_71 to %scan3A_73 step %scan3A_74  : i32 {
      %mul3A_148 = arith.constant 4 : i32
      %mul3A_149 = arith.muli %mul3A_148, %scan3A_147 : i32
      %add3A_150 = arith.constant 0 : i32
      %add3A_151 = arith.addi %mul3A_149, %add3A_150 : i32
      %sub3A = arith.constant 4 : i32
      %sub3A_152 = arith.subi %add3A_151, %sub3A : i32
      %add3A_153 = arith.constant 3 : i32
      %add3A_154 = arith.addi %sub3A_152, %add3A_153 : i32
      %add3A_155 = arith.constant 2 : i32
      %add3A_156 = arith.addi %sub3A_152, %add3A_155 : i32
      %add3A_157 = arith.constant 1 : i32
      %add3A_158 = arith.addi %sub3A_152, %add3A_157 : i32
      %ge3A = arith.constant 0 : i32
      %ge3A_159 = arith.cmpi sge, %add3A_154, %ge3A : i32
      %lt3A = arith.constant 128 : i32
      %lt3A_160 = arith.cmpi slt, %add3A_154, %lt3A : i32
      %and3A = arith.andi %ge3A_159, %lt3A_160 : i1
      %convert_element_type3A_161 = arith.extui %and3A : i1 to i32
      %cond3A_162 = arith.constant 0 : i32
      %cond3A_163 = arith.cmpi ne, %convert_element_type3A_161, %cond3A_162 : i32
      scf.if %cond3A_163 {
        %mul3A_384 = arith.constant 200 : i32
        %mul3A_385 = arith.muli %add3A_154, %mul3A_384 : i32
        %add3A_386 = arith.addi %mul3A_2, %mul3A_385 : i32
        %dma_start3A = arith.constant 3 : i32
        %dma_start3A_387 = tpu.memref_slice %arg2[%add3A_386] : memref<819200xi32, #tpu.memory_space<hbm>> -> memref<200xi32, #tpu.memory_space<hbm>>
        %dma_start3A_388 = tpu.memref_slice %arg23[%dma_start3A] : memref<4x!tpu.dma_semaphore, #tpu.memory_space<semaphore_mem>> -> memref<1x!tpu.dma_semaphore, #tpu.memory_space<semaphore_mem>>
        %dma_start3A_389 = tpu.memref_squeeze %dma_start3A_388 : memref<1x!tpu.dma_semaphore, #tpu.memory_space<semaphore_mem>> -> memref<!tpu.dma_semaphore, #tpu.memory_space<semaphore_mem>>
        %dma_start3A_390 = tpu.memref_slice %arg2[%add3A_386] : memref<819200xi32, #tpu.memory_space<hbm>> -> memref<200xi32, #tpu.memory_space<hbm>>
        tpu.enqueue_dma source(%dma_start3A_390 : memref<200xi32, #tpu.memory_space<hbm>>) target(%arg12 : memref<200xi32, #tpu.memory_space<vmem>>) target_semaphore(%dma_start3A_389 : memref<!tpu.dma_semaphore, #tpu.memory_space<semaphore_mem>>)
        %dma_start3A_391 = arith.constant 3 : i32
        %dma_start3A_392 = tpu.memref_slice %arg3[%add3A_386] : memref<819200xi32, #tpu.memory_space<hbm>> -> memref<200xi32, #tpu.memory_space<hbm>>
        %dma_start3A_393 = tpu.memref_slice %arg23[%dma_start3A_391] : memref<4x!tpu.dma_semaphore, #tpu.memory_space<semaphore_mem>> -> memref<1x!tpu.dma_semaphore, #tpu.memory_space<semaphore_mem>>
        %dma_start3A_394 = tpu.memref_squeeze %dma_start3A_393 : memref<1x!tpu.dma_semaphore, #tpu.memory_space<semaphore_mem>> -> memref<!tpu.dma_semaphore, #tpu.memory_space<semaphore_mem>>
        %dma_start3A_395 = tpu.memref_slice %arg3[%add3A_386] : memref<819200xi32, #tpu.memory_space<hbm>> -> memref<200xi32, #tpu.memory_space<hbm>>
        tpu.enqueue_dma source(%dma_start3A_395 : memref<200xi32, #tpu.memory_space<hbm>>) target(%arg16 : memref<200xi32, #tpu.memory_space<vmem>>) target_semaphore(%dma_start3A_394 : memref<!tpu.dma_semaphore, #tpu.memory_space<semaphore_mem>>)
      } else {
      }
      %ge3A_164 = arith.constant 0 : i32
      %ge3A_165 = arith.cmpi sge, %add3A_156, %ge3A_164 : i32
      %lt3A_166 = arith.constant 128 : i32
      %lt3A_167 = arith.cmpi slt, %add3A_156, %lt3A_166 : i32
      %and3A_168 = arith.andi %ge3A_165, %lt3A_167 : i1
      %convert_element_type3A_169 = arith.extui %and3A_168 : i1 to i32
      %cond3A_170 = arith.constant 0 : i32
      %cond3A_171 = arith.cmpi ne, %convert_element_type3A_169, %cond3A_170 : i32
      scf.if %cond3A_171 {
        %mul3A_384 = arith.constant 200 : i32
        %mul3A_385 = arith.muli %add3A_156, %mul3A_384 : i32
        %add3A_386 = arith.addi %mul3A_2, %mul3A_385 : i32
        %dma_wait3A_387 = arith.constant 2 : i32
        %dma_wait3A_388 = tpu.memref_slice %arg2[%add3A_386] : memref<819200xi32, #tpu.memory_space<hbm>> -> memref<200xi32, #tpu.memory_space<hbm>>
        %dma_wait3A_389 = tpu.memref_slice %arg23[%dma_wait3A_387] : memref<4x!tpu.dma_semaphore, #tpu.memory_space<semaphore_mem>> -> memref<1x!tpu.dma_semaphore, #tpu.memory_space<semaphore_mem>>
        %dma_wait3A_390 = tpu.memref_squeeze %dma_wait3A_389 : memref<1x!tpu.dma_semaphore, #tpu.memory_space<semaphore_mem>> -> memref<!tpu.dma_semaphore, #tpu.memory_space<semaphore_mem>>
        %dma_wait3A_391 = tpu.memref_slice %arg2[%add3A_386] : memref<819200xi32, #tpu.memory_space<hbm>> -> memref<200xi32, #tpu.memory_space<hbm>>
        tpu.wait_dma2 semaphore(%dma_wait3A_390 : memref<!tpu.dma_semaphore, #tpu.memory_space<semaphore_mem>>) src(%dma_wait3A_391 : memref<200xi32, #tpu.memory_space<hbm>>) dst(%arg11 : memref<200xi32, #tpu.memory_space<vmem>>)
        %dma_wait3A_392 = arith.constant 2 : i32
        %dma_wait3A_393 = tpu.memref_slice %arg3[%add3A_386] : memref<819200xi32, #tpu.memory_space<hbm>> -> memref<200xi32, #tpu.memory_space<hbm>>
        %dma_wait3A_394 = tpu.memref_slice %arg23[%dma_wait3A_392] : memref<4x!tpu.dma_semaphore, #tpu.memory_space<semaphore_mem>> -> memref<1x!tpu.dma_semaphore, #tpu.memory_space<semaphore_mem>>
        %dma_wait3A_395 = tpu.memref_squeeze %dma_wait3A_394 : memref<1x!tpu.dma_semaphore, #tpu.memory_space<semaphore_mem>> -> memref<!tpu.dma_semaphore, #tpu.memory_space<semaphore_mem>>
        %dma_wait3A_396 = tpu.memref_slice %arg3[%add3A_386] : memref<819200xi32, #tpu.memory_space<hbm>> -> memref<200xi32, #tpu.memory_space<hbm>>
        tpu.wait_dma2 semaphore(%dma_wait3A_395 : memref<!tpu.dma_semaphore, #tpu.memory_space<semaphore_mem>>) src(%dma_wait3A_396 : memref<200xi32, #tpu.memory_space<hbm>>) dst(%arg15 : memref<200xi32, #tpu.memory_space<vmem>>)
        %get3A_397 = arith.constant 0 : index
        %get3A_398 = tpu.vector_load %arg15[%get3A_397] {strides = array<i32>} : memref<200xi32, #tpu.memory_space<vmem>>, vector<16xi32>,
        %add3A_399 = arith.constant 0 : i32
        %add3A_400 = vector.broadcast %add3A_399 : i32 to vector<16xi32>
        %add3A_401 = arith.addi %mul3A_70, %add3A_400 : vector<16xi32>
        %add3A_402 = arith.addi %get3A_398, %add3A_401 : vector<16xi32>
        %swap3A = arith.constant 0 : index
        %swap3A_403 = tpu.vector_load %arg19[%swap3A] {strides = array<i32>} : memref<200xi32, #tpu.memory_space<vmem>>, vector<16xi32>,
        tpu.vector_store %arg19[%swap3A], %add3A_402 {strides = array<i32>} : memref<200xi32, #tpu.memory_space<vmem>>, vector<16xi32>,
        %get3A_404 = arith.constant 16 : index
        %get3A_405 = tpu.vector_load %arg15[%get3A_404] {strides = array<i32>} : memref<200xi32, #tpu.memory_space<vmem>>, vector<16xi32>,
        %add3A_406 = arith.constant 32 : i32
        %add3A_407 = vector.broadcast %add3A_406 : i32 to vector<16xi32>
        %add3A_408 = arith.addi %mul3A_70, %add3A_407 : vector<16xi32>
        %add3A_409 = arith.addi %get3A_405, %add3A_408 : vector<16xi32>
        %swap3A_410 = arith.constant 16 : index
        %swap3A_411 = tpu.vector_load %arg19[%swap3A_410] {strides = array<i32>} : memref<200xi32, #tpu.memory_space<vmem>>, vector<16xi32>,
        tpu.vector_store %arg19[%swap3A_410], %add3A_409 {strides = array<i32>} : memref<200xi32, #tpu.memory_space<vmem>>, vector<16xi32>,
        %get3A_412 = arith.constant 32 : index
        %get3A_413 = tpu.vector_load %arg15[%get3A_412] {strides = array<i32>} : memref<200xi32, #tpu.memory_space<vmem>>, vector<16xi32>,
        %add3A_414 = arith.constant 64 : i32
        %add3A_415 = vector.broadcast %add3A_414 : i32 to vector<16xi32>
        %add3A_416 = arith.addi %mul3A_70, %add3A_415 : vector<16xi32>
        %add3A_417 = arith.addi %get3A_413, %add3A_416 : vector<16xi32>
        %swap3A_418 = arith.constant 32 : index
        %swap3A_419 = tpu.vector_load %arg19[%swap3A_418] {strides = array<i32>} : memref<200xi32, #tpu.memory_space<vmem>>, vector<16xi32>,
        tpu.vector_store %arg19[%swap3A_418], %add3A_417 {strides = array<i32>} : memref<200xi32, #tpu.memory_space<vmem>>, vector<16xi32>,
        %get3A_420 = arith.constant 48 : index
        %get3A_421 = tpu.vector_load %arg15[%get3A_420] {strides = array<i32>} : memref<200xi32, #tpu.memory_space<vmem>>, vector<16xi32>,
        %add3A_422 = arith.constant 96 : i32
        %add3A_423 = vector.broadcast %add3A_422 : i32 to vector<16xi32>
        %add3A_424 = arith.addi %mul3A_70, %add3A_423 : vector<16xi32>
        %add3A_425 = arith.addi %get3A_421, %add3A_424 : vector<16xi32>
        %swap3A_426 = arith.constant 48 : index
        %swap3A_427 = tpu.vector_load %arg19[%swap3A_426] {strides = array<i32>} : memref<200xi32, #tpu.memory_space<vmem>>, vector<16xi32>,
        tpu.vector_store %arg19[%swap3A_426], %add3A_425 {strides = array<i32>} : memref<200xi32, #tpu.memory_space<vmem>>, vector<16xi32>,
        %get3A_428 = arith.constant 64 : index
        %get3A_429 = tpu.vector_load %arg15[%get3A_428] {strides = array<i32>} : memref<200xi32, #tpu.memory_space<vmem>>, vector<16xi32>,
        %add3A_430 = arith.constant 128 : i32
        %add3A_431 = vector.broadcast %add3A_430 : i32 to vector<16xi32>
        %add3A_432 = arith.addi %mul3A_70, %add3A_431 : vector<16xi32>
        %add3A_433 = arith.addi %get3A_429, %add3A_432 : vector<16xi32>
        %swap3A_434 = arith.constant 64 : index
        %swap3A_435 = tpu.vector_load %arg19[%swap3A_434] {strides = array<i32>} : memref<200xi32, #tpu.memory_space<vmem>>, vector<16xi32>,
        tpu.vector_store %arg19[%swap3A_434], %add3A_433 {strides = array<i32>} : memref<200xi32, #tpu.memory_space<vmem>>, vector<16xi32>,
        %get3A_436 = arith.constant 80 : index
        %get3A_437 = tpu.vector_load %arg15[%get3A_436] {strides = array<i32>} : memref<200xi32, #tpu.memory_space<vmem>>, vector<16xi32>,
        %add3A_438 = arith.constant 160 : i32
        %add3A_439 = vector.broadcast %add3A_438 : i32 to vector<16xi32>
        %add3A_440 = arith.addi %mul3A_70, %add3A_439 : vector<16xi32>
        %add3A_441 = arith.addi %get3A_437, %add3A_440 : vector<16xi32>
        %swap3A_442 = arith.constant 80 : index
        %swap3A_443 = tpu.vector_load %arg19[%swap3A_442] {strides = array<i32>} : memref<200xi32, #tpu.memory_space<vmem>>, vector<16xi32>,
        tpu.vector_store %arg19[%swap3A_442], %add3A_441 {strides = array<i32>} : memref<200xi32, #tpu.memory_space<vmem>>, vector<16xi32>,
        %get3A_444 = arith.constant 96 : index
        %get3A_445 = tpu.vector_load %arg15[%get3A_444] {strides = array<i32>} : memref<200xi32, #tpu.memory_space<vmem>>, vector<16xi32>,
        %add3A_446 = arith.constant 192 : i32
        %add3A_447 = vector.broadcast %add3A_446 : i32 to vector<16xi32>
        %add3A_448 = arith.addi %mul3A_70, %add3A_447 : vector<16xi32>
        %add3A_449 = arith.addi %get3A_445, %add3A_448 : vector<16xi32>
        %swap3A_450 = arith.constant 96 : index
        %swap3A_451 = tpu.vector_load %arg19[%swap3A_450] {strides = array<i32>} : memref<200xi32, #tpu.memory_space<vmem>>, vector<16xi32>,
        tpu.vector_store %arg19[%swap3A_450], %add3A_449 {strides = array<i32>} : memref<200xi32, #tpu.memory_space<vmem>>, vector<16xi32>,
        %get3A_452 = arith.constant 112 : index
        %get3A_453 = tpu.vector_load %arg15[%get3A_452] {strides = array<i32>} : memref<200xi32, #tpu.memory_space<vmem>>, vector<16xi32>,
        %add3A_454 = arith.constant 224 : i32
        %add3A_455 = vector.broadcast %add3A_454 : i32 to vector<16xi32>
        %add3A_456 = arith.addi %mul3A_70, %add3A_455 : vector<16xi32>
        %add3A_457 = arith.addi %get3A_453, %add3A_456 : vector<16xi32>
        %swap3A_458 = arith.constant 112 : index
        %swap3A_459 = tpu.vector_load %arg19[%swap3A_458] {strides = array<i32>} : memref<200xi32, #tpu.memory_space<vmem>>, vector<16xi32>,
        tpu.vector_store %arg19[%swap3A_458], %add3A_457 {strides = array<i32>} : memref<200xi32, #tpu.memory_space<vmem>>, vector<16xi32>,
        %get3A_460 = arith.constant 128 : index
        %get3A_461 = tpu.vector_load %arg15[%get3A_460] {strides = array<i32>} : memref<200xi32, #tpu.memory_space<vmem>>, vector<16xi32>,
        %add3A_462 = arith.constant 256 : i32
        %add3A_463 = vector.broadcast %add3A_462 : i32 to vector<16xi32>
        %add3A_464 = arith.addi %mul3A_70, %add3A_463 : vector<16xi32>
        %add3A_465 = arith.addi %get3A_461, %add3A_464 : vector<16xi32>
        %swap3A_466 = arith.constant 128 : index
        %swap3A_467 = tpu.vector_load %arg19[%swap3A_466] {strides = array<i32>} : memref<200xi32, #tpu.memory_space<vmem>>, vector<16xi32>,
        tpu.vector_store %arg19[%swap3A_466], %add3A_465 {strides = array<i32>} : memref<200xi32, #tpu.memory_space<vmem>>, vector<16xi32>,
        %get3A_468 = arith.constant 144 : index
        %get3A_469 = tpu.vector_load %arg15[%get3A_468] {strides = array<i32>} : memref<200xi32, #tpu.memory_space<vmem>>, vector<16xi32>,
        %add3A_470 = arith.constant 288 : i32
        %add3A_471 = vector.broadcast %add3A_470 : i32 to vector<16xi32>
        %add3A_472 = arith.addi %mul3A_70, %add3A_471 : vector<16xi32>
        %add3A_473 = arith.addi %get3A_469, %add3A_472 : vector<16xi32>
        %swap3A_474 = arith.constant 144 : index
        %swap3A_475 = tpu.vector_load %arg19[%swap3A_474] {strides = array<i32>} : memref<200xi32, #tpu.memory_space<vmem>>, vector<16xi32>,
        tpu.vector_store %arg19[%swap3A_474], %add3A_473 {strides = array<i32>} : memref<200xi32, #tpu.memory_space<vmem>>, vector<16xi32>,
        %get3A_476 = arith.constant 160 : index
        %get3A_477 = tpu.vector_load %arg15[%get3A_476] {strides = array<i32>} : memref<200xi32, #tpu.memory_space<vmem>>, vector<16xi32>,
        %add3A_478 = arith.constant 320 : i32
        %add3A_479 = vector.broadcast %add3A_478 : i32 to vector<16xi32>
        %add3A_480 = arith.addi %mul3A_70, %add3A_479 : vector<16xi32>
        %add3A_481 = arith.addi %get3A_477, %add3A_480 : vector<16xi32>
        %swap3A_482 = arith.constant 160 : index
        %swap3A_483 = tpu.vector_load %arg19[%swap3A_482] {strides = array<i32>} : memref<200xi32, #tpu.memory_space<vmem>>, vector<16xi32>,
        tpu.vector_store %arg19[%swap3A_482], %add3A_481 {strides = array<i32>} : memref<200xi32, #tpu.memory_space<vmem>>, vector<16xi32>,
        %get3A_484 = arith.constant 176 : index
        %get3A_485 = tpu.vector_load %arg15[%get3A_484] {strides = array<i32>} : memref<200xi32, #tpu.memory_space<vmem>>, vector<16xi32>,
        %add3A_486 = arith.constant 352 : i32
        %add3A_487 = vector.broadcast %add3A_486 : i32 to vector<16xi32>
        %add3A_488 = arith.addi %mul3A_70, %add3A_487 : vector<16xi32>
        %add3A_489 = arith.addi %get3A_485, %add3A_488 : vector<16xi32>
        %swap3A_490 = arith.constant 176 : index
        %swap3A_491 = tpu.vector_load %arg19[%swap3A_490] {strides = array<i32>} : memref<200xi32, #tpu.memory_space<vmem>>, vector<16xi32>,
        tpu.vector_store %arg19[%swap3A_490], %add3A_489 {strides = array<i32>} : memref<200xi32, #tpu.memory_space<vmem>>, vector<16xi32>,
        %get3A_492 = arith.constant 184 : index
        %get3A_493 = tpu.vector_load %arg15[%get3A_492] {strides = array<i32>} : memref<200xi32, #tpu.memory_space<vmem>>, vector<16xi32>,
        %add3A_494 = arith.constant 368 : i32
        %add3A_495 = vector.broadcast %add3A_494 : i32 to vector<16xi32>
        %add3A_496 = arith.addi %mul3A_70, %add3A_495 : vector<16xi32>
        %add3A_497 = arith.addi %get3A_493, %add3A_496 : vector<16xi32>
        %swap3A_498 = arith.constant 184 : index
        %swap3A_499 = tpu.vector_load %arg19[%swap3A_498] {strides = array<i32>} : memref<200xi32, #tpu.memory_space<vmem>>, vector<16xi32>,
        tpu.vector_store %arg19[%swap3A_498], %add3A_497 {strides = array<i32>} : memref<200xi32, #tpu.memory_space<vmem>>, vector<16xi32>,
      } else {
      }
      %ge3A_172 = arith.constant 4 : i32
      %ge3A_173 = arith.cmpi sge, %add3A_156, %ge3A_172 : i32
      %lt3A_174 = arith.constant 128 : i32
      %lt3A_175 = arith.cmpi slt, %add3A_156, %lt3A_174 : i32
      %and3A_176 = arith.andi %ge3A_173, %lt3A_175 : i1
      %convert_element_type3A_177 = arith.extui %and3A_176 : i1 to i32
      %cond3A_178 = arith.constant 0 : i32
      %cond3A_179 = arith.cmpi ne, %convert_element_type3A_177, %cond3A_178 : i32
      scf.if %cond3A_179 {
        %sub3A_384 = arith.constant 4 : i32
        %sub3A_385 = arith.subi %add3A_156, %sub3A_384 : i32
        %mul3A_386 = arith.constant 200 : i32
        %mul3A_387 = arith.muli %sub3A_385, %mul3A_386 : i32
        %add3A_388 = arith.addi %mul3A_2, %mul3A_387 : i32
        %dma_wait3A_389 = arith.constant 2 : i32
        %dma_wait3A_390 = arith.constant 2 : i32
        %dma_wait3A_391 = arith.constant 0 : i32
        %dma_wait3A_392 = arith.constant 0 : i32
        %dma_wait3A_393 = tpu.memref_slice %arg8[%dma_wait3A_389, %dma_wait3A_391, %dma_wait3A_392] : memref<4x200x128xf32, #tpu.memory_space<vmem>> -> memref<1x200x128xf32, #tpu.memory_space<vmem>>
        %dma_wait3A_394 = tpu.memref_squeeze %dma_wait3A_393 : memref<1x200x128xf32, #tpu.memory_space<vmem>> -> memref<200x128xf32, #tpu.memory_space<vmem>>
        %dma_wait3A_395 = arith.constant 0 : i32
        %dma_wait3A_396 = tpu.memref_slice %arg7[%add3A_388, %dma_wait3A_395] : memref<819200x128xf32, #tpu.memory_space<hbm>> -> memref<200x128xf32, #tpu.memory_space<hbm>>
        %dma_wait3A_397 = tpu.memref_slice %arg26[%dma_wait3A_390] : memref<4x!tpu.dma_semaphore, #tpu.memory_space<semaphore_mem>> -> memref<1x!tpu.dma_semaphore, #tpu.memory_space<semaphore_mem>>
        %dma_wait3A_398 = tpu.memref_squeeze %dma_wait3A_397 : memref<1x!tpu.dma_semaphore, #tpu.memory_space<semaphore_mem>> -> memref<!tpu.dma_semaphore, #tpu.memory_space<semaphore_mem>>
        %dma_wait3A_399 = arith.constant 0 : i32
        %dma_wait3A_400 = tpu.memref_slice %arg7[%add3A_388, %dma_wait3A_399] : memref<819200x128xf32, #tpu.memory_space<hbm>> -> memref<200x128xf32, #tpu.memory_space<hbm>>
        %dma_wait3A_401 = arith.constant 0 : i32
        %dma_wait3A_402 = arith.constant 0 : i32
        %dma_wait3A_403 = tpu.memref_slice %arg8[%dma_wait3A_389, %dma_wait3A_401, %dma_wait3A_402] : memref<4x200x128xf32, #tpu.memory_space<vmem>> -> memref<1x200x128xf32, #tpu.memory_space<vmem>>
        %dma_wait3A_404 = tpu.memref_squeeze %dma_wait3A_403 : memref<1x200x128xf32, #tpu.memory_space<vmem>> -> memref<200x128xf32, #tpu.memory_space<vmem>>
        tpu.wait_dma2 semaphore(%dma_wait3A_398 : memref<!tpu.dma_semaphore, #tpu.memory_space<semaphore_mem>>) src(%dma_wait3A_404 : memref<200x128xf32, #tpu.memory_space<vmem>>) dst(%dma_wait3A_400 : memref<200x128xf32, #tpu.memory_space<hbm>>)
      } else {
      }
      %ge3A_180 = arith.constant 0 : i32
      %ge3A_181 = arith.cmpi sge, %add3A_156, %ge3A_180 : i32
      %lt3A_182 = arith.constant 128 : i32
      %lt3A_183 = arith.cmpi slt, %add3A_156, %lt3A_182 : i32
      %and3A_184 = arith.andi %ge3A_181, %lt3A_183 : i1
      %convert_element_type3A_185 = arith.extui %and3A_184 : i1 to i32
      %cond3A_186 = arith.constant 0 : i32
      %cond3A_187 = arith.cmpi ne, %convert_element_type3A_185, %cond3A_186 : i32
      scf.if %cond3A_187 {
        %dma_start3A = arith.constant 2 : i32
        %dma_start3A_384 = arith.constant 2 : i32
        %dma_start3A_385 = arith.constant 0 : i32
        %dma_start3A_386 = arith.constant 0 : i32
        %dma_start3A_387 = tpu.memref_slice %arg8[%dma_start3A, %dma_start3A_385, %dma_start3A_386] : memref<4x200x128xf32, #tpu.memory_space<vmem>> -> memref<1x104x128xf32, #tpu.memory_space<vmem>>
        %dma_start3A_388 = tpu.memref_squeeze %dma_start3A_387 : memref<1x104x128xf32, #tpu.memory_space<vmem>> -> memref<104x128xf32, #tpu.memory_space<vmem>>
        %dma_start3A_389 = arith.constant 0 : i32
        %dma_start3A_390 = tpu.memref_slice %arg11[%dma_start3A_389] : memref<200xi32, #tpu.memory_space<vmem>> -> memref<104xi32, #tpu.memory_space<vmem>>
        %dma_start3A_391 = arith.constant 0 : i32
        %dma_start3A_392 = arith.constant 0 : i32
        %dma_start3A_393 = tpu.memref_slice %arg5[%dma_start3A_391, %dma_start3A_392] : memref<100000x128xf32, #tpu.memory_space<hbm>> -> memref<100000x128xf32, #tpu.memory_space<hbm>>
        %dma_start3A_394 = tpu.memref_slice %arg24[%dma_start3A_384] : memref<4x!tpu.dma_semaphore, #tpu.memory_space<semaphore_mem>> -> memref<1x!tpu.dma_semaphore, #tpu.memory_space<semaphore_mem>>
        %dma_start3A_395 = tpu.memref_squeeze %dma_start3A_394 : memref<1x!tpu.dma_semaphore, #tpu.memory_space<semaphore_mem>> -> memref<!tpu.dma_semaphore, #tpu.memory_space<semaphore_mem>>
        tpu.enqueue_indirect_dma source(%dma_start3A_393 : memref<100000x128xf32, #tpu.memory_space<hbm>>) target(%dma_start3A_388 : memref<104x128xf32, #tpu.memory_space<vmem>>) offsets(%dma_start3A_390 : memref<104xi32, #tpu.memory_space<vmem>>) semaphore(%dma_start3A_395 : memref<!tpu.dma_semaphore, #tpu.memory_space<semaphore_mem>>)
        %dma_start3A_396 = arith.constant 2 : i32
        %dma_start3A_397 = arith.constant 2 : i32
        %dma_start3A_398 = arith.constant 104 : i32
        %dma_start3A_399 = arith.constant 0 : i32
        %dma_start3A_400 = tpu.memref_slice %arg8[%dma_start3A_396, %dma_start3A_398, %dma_start3A_399] : memref<4x200x128xf32, #tpu.memory_space<vmem>> -> memref<1x96x128xf32, #tpu.memory_space<vmem>>
        %dma_start3A_401 = tpu.memref_squeeze %dma_start3A_400 : memref<1x96x128xf32, #tpu.memory_space<vmem>> -> memref<96x128xf32, #tpu.memory_space<vmem>>
        %dma_start3A_402 = arith.constant 104 : i32
        %dma_start3A_403 = tpu.memref_slice %arg11[%dma_start3A_402] : memref<200xi32, #tpu.memory_space<vmem>> -> memref<96xi32, #tpu.memory_space<vmem>>
        %dma_start3A_404 = arith.constant 0 : i32
        %dma_start3A_405 = arith.constant 0 : i32
        %dma_start3A_406 = tpu.memref_slice %arg5[%dma_start3A_404, %dma_start3A_405] : memref<100000x128xf32, #tpu.memory_space<hbm>> -> memref<100000x128xf32, #tpu.memory_space<hbm>>
        %dma_start3A_407 = tpu.memref_slice %arg24[%dma_start3A_397] : memref<4x!tpu.dma_semaphore, #tpu.memory_space<semaphore_mem>> -> memref<1x!tpu.dma_semaphore, #tpu.memory_space<semaphore_mem>>
        %dma_start3A_408 = tpu.memref_squeeze %dma_start3A_407 : memref<1x!tpu.dma_semaphore, #tpu.memory_space<semaphore_mem>> -> memref<!tpu.dma_semaphore, #tpu.memory_space<semaphore_mem>>
        tpu.enqueue_indirect_dma source(%dma_start3A_406 : memref<100000x128xf32, #tpu.memory_space<hbm>>) target(%dma_start3A_401 : memref<96x128xf32, #tpu.memory_space<vmem>>) offsets(%dma_start3A_403 : memref<96xi32, #tpu.memory_space<vmem>>) semaphore(%dma_start3A_408 : memref<!tpu.dma_semaphore, #tpu.memory_space<semaphore_mem>>)
      } else {
      }
      %ge3A_188 = arith.constant 0 : i32
      %ge3A_189 = arith.cmpi sge, %add3A_158, %ge3A_188 : i32
      %lt3A_190 = arith.constant 128 : i32
      %lt3A_191 = arith.cmpi slt, %add3A_158, %lt3A_190 : i32
      %and3A_192 = arith.andi %ge3A_189, %lt3A_191 : i1
      %convert_element_type3A_193 = arith.extui %and3A_192 : i1 to i32
      %cond3A_194 = arith.constant 0 : i32
      %cond3A_195 = arith.cmpi ne, %convert_element_type3A_193, %cond3A_194 : i32
      scf.if %cond3A_195 {
        %dma_wait3A_384 = arith.constant 1 : i32
        %dma_wait3A_385 = arith.constant 1 : i32
        %dma_wait3A_386 = arith.constant 0 : i32
        %dma_wait3A_387 = arith.constant 0 : i32
        %dma_wait3A_388 = tpu.memref_slice %arg8[%dma_wait3A_384, %dma_wait3A_386, %dma_wait3A_387] : memref<4x200x128xf32, #tpu.memory_space<vmem>> -> memref<1x104x128xf32, #tpu.memory_space<vmem>>
        %dma_wait3A_389 = tpu.memref_squeeze %dma_wait3A_388 : memref<1x104x128xf32, #tpu.memory_space<vmem>> -> memref<104x128xf32, #tpu.memory_space<vmem>>
        %dma_wait3A_390 = arith.constant 0 : i32
        %dma_wait3A_391 = tpu.memref_slice %arg10[%dma_wait3A_390] : memref<200xi32, #tpu.memory_space<vmem>> -> memref<104xi32, #tpu.memory_space<vmem>>
        %dma_wait3A_392 = arith.constant 0 : i32
        %dma_wait3A_393 = arith.constant 0 : i32
        %dma_wait3A_394 = tpu.memref_slice %arg5[%dma_wait3A_392, %dma_wait3A_393] : memref<100000x128xf32, #tpu.memory_space<hbm>> -> memref<100000x128xf32, #tpu.memory_space<hbm>>
        %dma_wait3A_395 = tpu.memref_slice %arg24[%dma_wait3A_385] : memref<4x!tpu.dma_semaphore, #tpu.memory_space<semaphore_mem>> -> memref<1x!tpu.dma_semaphore, #tpu.memory_space<semaphore_mem>>
        %dma_wait3A_396 = tpu.memref_squeeze %dma_wait3A_395 : memref<1x!tpu.dma_semaphore, #tpu.memory_space<semaphore_mem>> -> memref<!tpu.dma_semaphore, #tpu.memory_space<semaphore_mem>>
        tpu.wait_indirect_dma semaphore(%dma_wait3A_396 : memref<!tpu.dma_semaphore, #tpu.memory_space<semaphore_mem>>) src(%dma_wait3A_394 : memref<100000x128xf32, #tpu.memory_space<hbm>>) dst(%dma_wait3A_389 : memref<104x128xf32, #tpu.memory_space<vmem>>)
        %dma_wait3A_397 = arith.constant 1 : i32
        %dma_wait3A_398 = arith.constant 1 : i32
        %dma_wait3A_399 = arith.constant 104 : i32
        %dma_wait3A_400 = arith.constant 0 : i32
        %dma_wait3A_401 = tpu.memref_slice %arg8[%dma_wait3A_397, %dma_wait3A_399, %dma_wait3A_400] : memref<4x200x128xf32, #tpu.memory_space<vmem>> -> memref<1x96x128xf32, #tpu.memory_space<vmem>>
        %dma_wait3A_402 = tpu.memref_squeeze %dma_wait3A_401 : memref<1x96x128xf32, #tpu.memory_space<vmem>> -> memref<96x128xf32, #tpu.memory_space<vmem>>
        %dma_wait3A_403 = arith.constant 104 : i32
        %dma_wait3A_404 = tpu.memref_slice %arg10[%dma_wait3A_403] : memref<200xi32, #tpu.memory_space<vmem>> -> memref<96xi32, #tpu.memory_space<vmem>>
        %dma_wait3A_405 = arith.constant 0 : i32
        %dma_wait3A_406 = arith.constant 0 : i32
        %dma_wait3A_407 = tpu.memref_slice %arg5[%dma_wait3A_405, %dma_wait3A_406] : memref<100000x128xf32, #tpu.memory_space<hbm>> -> memref<100000x128xf32, #tpu.memory_space<hbm>>
        %dma_wait3A_408 = tpu.memref_slice %arg24[%dma_wait3A_398] : memref<4x!tpu.dma_semaphore, #tpu.memory_space<semaphore_mem>> -> memref<1x!tpu.dma_semaphore, #tpu.memory_space<semaphore_mem>>
        %dma_wait3A_409 = tpu.memref_squeeze %dma_wait3A_408 : memref<1x!tpu.dma_semaphore, #tpu.memory_space<semaphore_mem>> -> memref<!tpu.dma_semaphore, #tpu.memory_space<semaphore_mem>>
        tpu.wait_indirect_dma semaphore(%dma_wait3A_409 : memref<!tpu.dma_semaphore, #tpu.memory_space<semaphore_mem>>) src(%dma_wait3A_407 : memref<100000x128xf32, #tpu.memory_space<hbm>>) dst(%dma_wait3A_402 : memref<96x128xf32, #tpu.memory_space<vmem>>)
        %dma_start3A = arith.constant 1 : i32
        %dma_start3A_410 = arith.constant 1 : i32
        %dma_start3A_411 = arith.constant 0 : i32
        %dma_start3A_412 = arith.constant 0 : i32
        %dma_start3A_413 = tpu.memref_slice %arg8[%dma_start3A, %dma_start3A_411, %dma_start3A_412] : memref<4x200x128xf32, #tpu.memory_space<vmem>> -> memref<1x104x128xf32, #tpu.memory_space<vmem>>
        %dma_start3A_414 = tpu.memref_squeeze %dma_start3A_413 : memref<1x104x128xf32, #tpu.memory_space<vmem>> -> memref<104x128xf32, #tpu.memory_space<vmem>>
        %dma_start3A_415 = arith.constant 0 : i32
        %dma_start3A_416 = tpu.memref_slice %arg18[%dma_start3A_415] : memref<200xi32, #tpu.memory_space<vmem>> -> memref<104xi32, #tpu.memory_space<vmem>>
        %dma_start3A_417 = arith.constant 0 : i32
        %dma_start3A_418 = arith.constant 0 : i32
        %dma_start3A_419 = tpu.memref_slice %arg22[%dma_start3A_417, %dma_start3A_418] : memref<400x128xf32, #tpu.memory_space<vmem_shared>> -> memref<400x128xf32, #tpu.memory_space<vmem_shared>>
        %dma_start3A_420 = tpu.memref_slice %arg25[%dma_start3A_410] : memref<4x!tpu.dma_semaphore, #tpu.memory_space<semaphore_mem>> -> memref<1x!tpu.dma_semaphore, #tpu.memory_space<semaphore_mem>>
        %dma_start3A_421 = tpu.memref_squeeze %dma_start3A_420 : memref<1x!tpu.dma_semaphore, #tpu.memory_space<semaphore_mem>> -> memref<!tpu.dma_semaphore, #tpu.memory_space<semaphore_mem>>
        tpu.enqueue_indirect_dma source(%dma_start3A_419 : memref<400x128xf32, #tpu.memory_space<vmem_shared>>) target(%dma_start3A_414 : memref<104x128xf32, #tpu.memory_space<vmem>>) offsets(%dma_start3A_416 : memref<104xi32, #tpu.memory_space<vmem>>) semaphore(%dma_start3A_421 : memref<!tpu.dma_semaphore, #tpu.memory_space<semaphore_mem>>) {add = true}
        %dma_start3A_422 = arith.constant 1 : i32
        %dma_start3A_423 = arith.constant 1 : i32
        %dma_start3A_424 = arith.constant 104 : i32
        %dma_start3A_425 = arith.constant 0 : i32
        %dma_start3A_426 = tpu.memref_slice %arg8[%dma_start3A_422, %dma_start3A_424, %dma_start3A_425] : memref<4x200x128xf32, #tpu.memory_space<vmem>> -> memref<1x96x128xf32, #tpu.memory_space<vmem>>
        %dma_start3A_427 = tpu.memref_squeeze %dma_start3A_426 : memref<1x96x128xf32, #tpu.memory_space<vmem>> -> memref<96x128xf32, #tpu.memory_space<vmem>>
        %dma_start3A_428 = arith.constant 104 : i32
        %dma_start3A_429 = tpu.memref_slice %arg18[%dma_start3A_428] : memref<200xi32, #tpu.memory_space<vmem>> -> memref<96xi32, #tpu.memory_space<vmem>>
        %dma_start3A_430 = arith.constant 0 : i32
        %dma_start3A_431 = arith.constant 0 : i32
        %dma_start3A_432 = tpu.memref_slice %arg22[%dma_start3A_430, %dma_start3A_431] : memref<400x128xf32, #tpu.memory_space<vmem_shared>> -> memref<400x128xf32, #tpu.memory_space<vmem_shared>>
        %dma_start3A_433 = tpu.memref_slice %arg25[%dma_start3A_423] : memref<4x!tpu.dma_semaphore, #tpu.memory_space<semaphore_mem>> -> memref<1x!tpu.dma_semaphore, #tpu.memory_space<semaphore_mem>>
        %dma_start3A_434 = tpu.memref_squeeze %dma_start3A_433 : memref<1x!tpu.dma_semaphore, #tpu.memory_space<semaphore_mem>> -> memref<!tpu.dma_semaphore, #tpu.memory_space<semaphore_mem>>
        tpu.enqueue_indirect_dma source(%dma_start3A_432 : memref<400x128xf32, #tpu.memory_space<vmem_shared>>) target(%dma_start3A_427 : memref<96x128xf32, #tpu.memory_space<vmem>>) offsets(%dma_start3A_429 : memref<96xi32, #tpu.memory_space<vmem>>) semaphore(%dma_start3A_434 : memref<!tpu.dma_semaphore, #tpu.memory_space<semaphore_mem>>) {add = true}
      } else {
      }
      %ge3A_196 = arith.constant 0 : i32
      %ge3A_197 = arith.cmpi sge, %sub3A_152, %ge3A_196 : i32
      %lt3A_198 = arith.constant 128 : i32
      %lt3A_199 = arith.cmpi slt, %sub3A_152, %lt3A_198 : i32
      %and3A_200 = arith.andi %ge3A_197, %lt3A_199 : i1
      %convert_element_type3A_201 = arith.extui %and3A_200 : i1 to i32
      %cond3A_202 = arith.constant 0 : i32
      %cond3A_203 = arith.cmpi ne, %convert_element_type3A_201, %cond3A_202 : i32
      scf.if %cond3A_203 {
        %dma_wait3A_384 = arith.constant 0 : i32
        %dma_wait3A_385 = arith.constant 0 : i32
        %dma_wait3A_386 = arith.constant 0 : i32
        %dma_wait3A_387 = arith.constant 0 : i32
        %dma_wait3A_388 = tpu.memref_slice %arg8[%dma_wait3A_384, %dma_wait3A_386, %dma_wait3A_387] : memref<4x200x128xf32, #tpu.memory_space<vmem>> -> memref<1x104x128xf32, #tpu.memory_space<vmem>>
        %dma_wait3A_389 = tpu.memref_squeeze %dma_wait3A_388 : memref<1x104x128xf32, #tpu.memory_space<vmem>> -> memref<104x128xf32, #tpu.memory_space<vmem>>
        %dma_wait3A_390 = arith.constant 0 : i32
        %dma_wait3A_391 = tpu.memref_slice %arg17[%dma_wait3A_390] : memref<200xi32, #tpu.memory_space<vmem>> -> memref<104xi32, #tpu.memory_space<vmem>>
        %dma_wait3A_392 = arith.constant 0 : i32
        %dma_wait3A_393 = arith.constant 0 : i32
        %dma_wait3A_394 = tpu.memref_slice %arg22[%dma_wait3A_392, %dma_wait3A_393] : memref<400x128xf32, #tpu.memory_space<vmem_shared>> -> memref<400x128xf32, #tpu.memory_space<vmem_shared>>
        %dma_wait3A_395 = tpu.memref_slice %arg25[%dma_wait3A_385] : memref<4x!tpu.dma_semaphore, #tpu.memory_space<semaphore_mem>> -> memref<1x!tpu.dma_semaphore, #tpu.memory_space<semaphore_mem>>
        %dma_wait3A_396 = tpu.memref_squeeze %dma_wait3A_395 : memref<1x!tpu.dma_semaphore, #tpu.memory_space<semaphore_mem>> -> memref<!tpu.dma_semaphore, #tpu.memory_space<semaphore_mem>>
        tpu.wait_indirect_dma semaphore(%dma_wait3A_396 : memref<!tpu.dma_semaphore, #tpu.memory_space<semaphore_mem>>) src(%dma_wait3A_394 : memref<400x128xf32, #tpu.memory_space<vmem_shared>>) dst(%dma_wait3A_389 : memref<104x128xf32, #tpu.memory_space<vmem>>)
        %dma_wait3A_397 = arith.constant 0 : i32
        %dma_wait3A_398 = arith.constant 0 : i32
        %dma_wait3A_399 = arith.constant 104 : i32
        %dma_wait3A_400 = arith.constant 0 : i32
        %dma_wait3A_401 = tpu.memref_slice %arg8[%dma_wait3A_397, %dma_wait3A_399, %dma_wait3A_400] : memref<4x200x128xf32, #tpu.memory_space<vmem>> -> memref<1x96x128xf32, #tpu.memory_space<vmem>>
        %dma_wait3A_402 = tpu.memref_squeeze %dma_wait3A_401 : memref<1x96x128xf32, #tpu.memory_space<vmem>> -> memref<96x128xf32, #tpu.memory_space<vmem>>
        %dma_wait3A_403 = arith.constant 104 : i32
        %dma_wait3A_404 = tpu.memref_slice %arg17[%dma_wait3A_403] : memref<200xi32, #tpu.memory_space<vmem>> -> memref<96xi32, #tpu.memory_space<vmem>>
        %dma_wait3A_405 = arith.constant 0 : i32
        %dma_wait3A_406 = arith.constant 0 : i32
        %dma_wait3A_407 = tpu.memref_slice %arg22[%dma_wait3A_405, %dma_wait3A_406] : memref<400x128xf32, #tpu.memory_space<vmem_shared>> -> memref<400x128xf32, #tpu.memory_space<vmem_shared>>
        %dma_wait3A_408 = tpu.memref_slice %arg25[%dma_wait3A_398] : memref<4x!tpu.dma_semaphore, #tpu.memory_space<semaphore_mem>> -> memref<1x!tpu.dma_semaphore, #tpu.memory_space<semaphore_mem>>
        %dma_wait3A_409 = tpu.memref_squeeze %dma_wait3A_408 : memref<1x!tpu.dma_semaphore, #tpu.memory_space<semaphore_mem>> -> memref<!tpu.dma_semaphore, #tpu.memory_space<semaphore_mem>>
        tpu.wait_indirect_dma semaphore(%dma_wait3A_409 : memref<!tpu.dma_semaphore, #tpu.memory_space<semaphore_mem>>) src(%dma_wait3A_407 : memref<400x128xf32, #tpu.memory_space<vmem_shared>>) dst(%dma_wait3A_402 : memref<96x128xf32, #tpu.memory_space<vmem>>)
        %parallel_loop3A = arith.constant 0 : i32
        %parallel_loop3A_410 = arith.constant 200 : i32
        %parallel_loop3A_411 = arith.constant 1 : i32
        scf.for %parallel_loop3A_430 = %parallel_loop3A to %parallel_loop3A_410 step %parallel_loop3A_411  : i32 {
          %parallel_loop3A_431 = arith.constant 0 : i32
          %parallel_loop3A_432 = arith.index_cast %parallel_loop3A_431 : i32 to index
          %parallel_loop3A_433 = arith.index_cast %parallel_loop3A_430 : i32 to index
          %parallel_loop3A_434 = arith.constant 0 : index
          %parallel_loop3A_435 = tpu.vector_load %arg8[%parallel_loop3A_432, %parallel_loop3A_433, %parallel_loop3A_434] {strides = array<i32>} : memref<4x200x128xf32, #tpu.memory_space<vmem>>, vector<16xf32>,
          %parallel_loop3A_436 = arith.constant 0 : i32
          %parallel_loop3A_437 = arith.index_cast %parallel_loop3A_436 : i32 to index
          %parallel_loop3A_438 = arith.index_cast %parallel_loop3A_430 : i32 to index
          %parallel_loop3A_439 = arith.constant 16 : index
          %parallel_loop3A_440 = tpu.vector_load %arg8[%parallel_loop3A_437, %parallel_loop3A_438, %parallel_loop3A_439] {strides = array<i32>} : memref<4x200x128xf32, #tpu.memory_space<vmem>>, vector<16xf32>,
          %parallel_loop3A_441 = arith.constant 0 : i32
          %parallel_loop3A_442 = arith.index_cast %parallel_loop3A_441 : i32 to index
          %parallel_loop3A_443 = arith.index_cast %parallel_loop3A_430 : i32 to index
          %parallel_loop3A_444 = arith.constant 32 : index
          %parallel_loop3A_445 = tpu.vector_load %arg8[%parallel_loop3A_442, %parallel_loop3A_443, %parallel_loop3A_444] {strides = array<i32>} : memref<4x200x128xf32, #tpu.memory_space<vmem>>, vector<16xf32>,
          %parallel_loop3A_446 = arith.constant 0 : i32
          %parallel_loop3A_447 = arith.index_cast %parallel_loop3A_446 : i32 to index
          %parallel_loop3A_448 = arith.index_cast %parallel_loop3A_430 : i32 to index
          %parallel_loop3A_449 = arith.constant 48 : index
          %parallel_loop3A_450 = tpu.vector_load %arg8[%parallel_loop3A_447, %parallel_loop3A_448, %parallel_loop3A_449] {strides = array<i32>} : memref<4x200x128xf32, #tpu.memory_space<vmem>>, vector<16xf32>,
          %parallel_loop3A_451 = arith.constant 0 : i32
          %parallel_loop3A_452 = arith.index_cast %parallel_loop3A_451 : i32 to index
          %parallel_loop3A_453 = arith.index_cast %parallel_loop3A_430 : i32 to index
          %parallel_loop3A_454 = arith.constant 64 : index
          %parallel_loop3A_455 = tpu.vector_load %arg8[%parallel_loop3A_452, %parallel_loop3A_453, %parallel_loop3A_454] {strides = array<i32>} : memref<4x200x128xf32, #tpu.memory_space<vmem>>, vector<16xf32>,
          %parallel_loop3A_456 = arith.constant 0 : i32
          %parallel_loop3A_457 = arith.index_cast %parallel_loop3A_456 : i32 to index
          %parallel_loop3A_458 = arith.index_cast %parallel_loop3A_430 : i32 to index
          %parallel_loop3A_459 = arith.constant 80 : index
          %parallel_loop3A_460 = tpu.vector_load %arg8[%parallel_loop3A_457, %parallel_loop3A_458, %parallel_loop3A_459] {strides = array<i32>} : memref<4x200x128xf32, #tpu.memory_space<vmem>>, vector<16xf32>,
          %parallel_loop3A_461 = arith.constant 0 : i32
          %parallel_loop3A_462 = arith.index_cast %parallel_loop3A_461 : i32 to index
          %parallel_loop3A_463 = arith.index_cast %parallel_loop3A_430 : i32 to index
          %parallel_loop3A_464 = arith.constant 96 : index
          %parallel_loop3A_465 = tpu.vector_load %arg8[%parallel_loop3A_462, %parallel_loop3A_463, %parallel_loop3A_464] {strides = array<i32>} : memref<4x200x128xf32, #tpu.memory_space<vmem>>, vector<16xf32>,
          %parallel_loop3A_466 = arith.constant 0 : i32
          %parallel_loop3A_467 = arith.index_cast %parallel_loop3A_466 : i32 to index
          %parallel_loop3A_468 = arith.index_cast %parallel_loop3A_430 : i32 to index
          %parallel_loop3A_469 = arith.constant 112 : index
          %parallel_loop3A_470 = tpu.vector_load %arg8[%parallel_loop3A_467, %parallel_loop3A_468, %parallel_loop3A_469] {strides = array<i32>} : memref<4x200x128xf32, #tpu.memory_space<vmem>>, vector<16xf32>,
          %parallel_loop3A_471 = arith.addf %parallel_loop3A_435, %parallel_loop3A_440 : vector<16xf32>
          %parallel_loop3A_472 = arith.addf %parallel_loop3A_445, %parallel_loop3A_450 : vector<16xf32>
          %parallel_loop3A_473 = arith.addf %parallel_loop3A_471, %parallel_loop3A_472 : vector<16xf32>
          %parallel_loop3A_474 = arith.addf %parallel_loop3A_455, %parallel_loop3A_460 : vector<16xf32>
          %parallel_loop3A_475 = arith.addf %parallel_loop3A_465, %parallel_loop3A_470 : vector<16xf32>
          %parallel_loop3A_476 = arith.addf %parallel_loop3A_474, %parallel_loop3A_475 : vector<16xf32>
          %parallel_loop3A_477 = arith.mulf %parallel_loop3A_435, %parallel_loop3A_435 : vector<16xf32>
          %parallel_loop3A_478 = arith.mulf %parallel_loop3A_440, %parallel_loop3A_440 : vector<16xf32>
          %parallel_loop3A_479 = arith.addf %parallel_loop3A_477, %parallel_loop3A_478 : vector<16xf32>
          %parallel_loop3A_480 = arith.mulf %parallel_loop3A_445, %parallel_loop3A_445 : vector<16xf32>
          %parallel_loop3A_481 = arith.mulf %parallel_loop3A_450, %parallel_loop3A_450 : vector<16xf32>
          %parallel_loop3A_482 = arith.addf %parallel_loop3A_480, %parallel_loop3A_481 : vector<16xf32>
          %parallel_loop3A_483 = arith.addf %parallel_loop3A_479, %parallel_loop3A_482 : vector<16xf32>
          %parallel_loop3A_484 = arith.mulf %parallel_loop3A_455, %parallel_loop3A_455 : vector<16xf32>
          %parallel_loop3A_485 = arith.mulf %parallel_loop3A_460, %parallel_loop3A_460 : vector<16xf32>
          %parallel_loop3A_486 = arith.addf %parallel_loop3A_484, %parallel_loop3A_485 : vector<16xf32>
          %parallel_loop3A_487 = arith.mulf %parallel_loop3A_465, %parallel_loop3A_465 : vector<16xf32>
          %parallel_loop3A_488 = arith.mulf %parallel_loop3A_470, %parallel_loop3A_470 : vector<16xf32>
          %parallel_loop3A_489 = arith.addf %parallel_loop3A_487, %parallel_loop3A_488 : vector<16xf32>
          %parallel_loop3A_490 = arith.addf %parallel_loop3A_486, %parallel_loop3A_489 : vector<16xf32>
          %parallel_loop3A_491 = arith.addf %parallel_loop3A_473, %parallel_loop3A_476 : vector<16xf32>
          %parallel_loop3A_492 = arith.constant true
          %parallel_loop3A_493 = vector.broadcast %parallel_loop3A_492 : i1 to vector<16xi1>
          %parallel_loop3A_494 = tpu.scan <sum>, %parallel_loop3A_491 masked %parallel_loop3A_493 : vector<16xf32>, vector<16xi1> -> vector<16xf32>
          %parallel_loop3A_495 = vector.extract %parallel_loop3A_494[15] : f32 from vector<16xf32>
          %parallel_loop3A_496 = arith.constant 7.812500e-03 : f32
          %parallel_loop3A_497 = arith.mulf %parallel_loop3A_495, %parallel_loop3A_496 : f32
          %parallel_loop3A_498 = arith.addf %parallel_loop3A_483, %parallel_loop3A_490 : vector<16xf32>
          %parallel_loop3A_499 = arith.constant true
          %parallel_loop3A_500 = vector.broadcast %parallel_loop3A_499 : i1 to vector<16xi1>
          %parallel_loop3A_501 = tpu.scan <sum>, %parallel_loop3A_498 masked %parallel_loop3A_500 : vector<16xf32>, vector<16xi1> -> vector<16xf32>
          %parallel_loop3A_502 = vector.extract %parallel_loop3A_501[15] : f32 from vector<16xf32>
          %parallel_loop3A_503 = arith.constant 7.812500e-03 : f32
          %parallel_loop3A_504 = arith.mulf %parallel_loop3A_502, %parallel_loop3A_503 : f32
          %parallel_loop3A_505 = arith.mulf %parallel_loop3A_497, %parallel_loop3A_497 : f32
          %parallel_loop3A_506 = arith.subf %parallel_loop3A_504, %parallel_loop3A_505 : f32
          %parallel_loop3A_507 = arith.constant 9.99999996E-13 : f32
          %parallel_loop3A_508 = arith.addf %parallel_loop3A_506, %parallel_loop3A_507 : f32
          %parallel_loop3A_509 = arith.bitcast %parallel_loop3A_508 : f32 to i32
          %parallel_loop3A_510 = arith.constant 1 : i32
          %parallel_loop3A_511 = arith.shrsi %parallel_loop3A_509, %parallel_loop3A_510 : i32
          %parallel_loop3A_512 = arith.constant 1597463007 : i32
          %parallel_loop3A_513 = arith.subi %parallel_loop3A_512, %parallel_loop3A_511 : i32
          %parallel_loop3A_514 = arith.bitcast %parallel_loop3A_513 : i32 to f32
          %parallel_loop3A_515 = arith.constant 5.000000e-01 : f32
          %parallel_loop3A_516 = arith.mulf %parallel_loop3A_515, %parallel_loop3A_508 : f32
          %parallel_loop3A_517 = arith.mulf %parallel_loop3A_516, %parallel_loop3A_514 : f32
          %parallel_loop3A_518 = arith.mulf %parallel_loop3A_517, %parallel_loop3A_514 : f32
          %parallel_loop3A_519 = arith.constant 1.500000e+00 : f32
          %parallel_loop3A_520 = arith.subf %parallel_loop3A_519, %parallel_loop3A_518 : f32
          %parallel_loop3A_521 = arith.mulf %parallel_loop3A_514, %parallel_loop3A_520 : f32
          %parallel_loop3A_522 = arith.constant 5.000000e-01 : f32
          %parallel_loop3A_523 = arith.mulf %parallel_loop3A_522, %parallel_loop3A_508 : f32
          %parallel_loop3A_524 = arith.mulf %parallel_loop3A_523, %parallel_loop3A_521 : f32
          %parallel_loop3A_525 = arith.mulf %parallel_loop3A_524, %parallel_loop3A_521 : f32
          %parallel_loop3A_526 = arith.constant 1.500000e+00 : f32
          %parallel_loop3A_527 = arith.subf %parallel_loop3A_526, %parallel_loop3A_525 : f32
          %parallel_loop3A_528 = arith.mulf %parallel_loop3A_521, %parallel_loop3A_527 : f32
          %parallel_loop3A_529 = arith.constant 5.000000e-01 : f32
          %parallel_loop3A_530 = arith.mulf %parallel_loop3A_529, %parallel_loop3A_508 : f32
          %parallel_loop3A_531 = arith.mulf %parallel_loop3A_530, %parallel_loop3A_528 : f32
          %parallel_loop3A_532 = arith.mulf %parallel_loop3A_531, %parallel_loop3A_528 : f32
          %parallel_loop3A_533 = arith.constant 1.500000e+00 : f32
          %parallel_loop3A_534 = arith.subf %parallel_loop3A_533, %parallel_loop3A_532 : f32
          %parallel_loop3A_535 = arith.mulf %parallel_loop3A_528, %parallel_loop3A_534 : f32
          %parallel_loop3A_536 = arith.mulf %parallel_loop3A_497, %parallel_loop3A_535 : f32
          %parallel_loop3A_537 = vector.broadcast %parallel_loop3A_535 : f32 to vector<16xf32>
          %parallel_loop3A_538 = arith.mulf %parallel_loop3A_435, %parallel_loop3A_537 : vector<16xf32>
          %parallel_loop3A_539 = vector.broadcast %parallel_loop3A_536 : f32 to vector<16xf32>
          %parallel_loop3A_540 = arith.subf %parallel_loop3A_538, %parallel_loop3A_539 : vector<16xf32>
          %parallel_loop3A_541 = arith.mulf %parallel_loop3A_540, %get3A_7 : vector<16xf32>
          %parallel_loop3A_542 = arith.addf %parallel_loop3A_541, %get3A_39 : vector<16xf32>
          %parallel_loop3A_543 = arith.constant 0 : i32
          %parallel_loop3A_544 = arith.index_cast %parallel_loop3A_543 : i32 to index
          %parallel_loop3A_545 = arith.index_cast %parallel_loop3A_430 : i32 to index
          %parallel_loop3A_546 = arith.constant 0 : index
          %parallel_loop3A_547 = tpu.vector_load %arg8[%parallel_loop3A_544, %parallel_loop3A_545, %parallel_loop3A_546] {strides = array<i32>} : memref<4x200x128xf32, #tpu.memory_space<vmem>>, vector<16xf32>,
          tpu.vector_store %arg8[%parallel_loop3A_544, %parallel_loop3A_545, %parallel_loop3A_546], %parallel_loop3A_542 {strides = array<i32>} : memref<4x200x128xf32, #tpu.memory_space<vmem>>, vector<16xf32>,
          %parallel_loop3A_548 = vector.broadcast %parallel_loop3A_535 : f32 to vector<16xf32>
          %parallel_loop3A_549 = arith.mulf %parallel_loop3A_440, %parallel_loop3A_548 : vector<16xf32>
          %parallel_loop3A_550 = vector.broadcast %parallel_loop3A_536 : f32 to vector<16xf32>
          %parallel_loop3A_551 = arith.subf %parallel_loop3A_549, %parallel_loop3A_550 : vector<16xf32>
          %parallel_loop3A_552 = arith.mulf %parallel_loop3A_551, %get3A_11 : vector<16xf32>
          %parallel_loop3A_553 = arith.addf %parallel_loop3A_552, %get3A_43 : vector<16xf32>
          %parallel_loop3A_554 = arith.constant 0 : i32
          %parallel_loop3A_555 = arith.index_cast %parallel_loop3A_554 : i32 to index
          %parallel_loop3A_556 = arith.index_cast %parallel_loop3A_430 : i32 to index
          %parallel_loop3A_557 = arith.constant 16 : index
          %parallel_loop3A_558 = tpu.vector_load %arg8[%parallel_loop3A_555, %parallel_loop3A_556, %parallel_loop3A_557] {strides = array<i32>} : memref<4x200x128xf32, #tpu.memory_space<vmem>>, vector<16xf32>,
          tpu.vector_store %arg8[%parallel_loop3A_555, %parallel_loop3A_556, %parallel_loop3A_557], %parallel_loop3A_553 {strides = array<i32>} : memref<4x200x128xf32, #tpu.memory_space<vmem>>, vector<16xf32>,
          %parallel_loop3A_559 = vector.broadcast %parallel_loop3A_535 : f32 to vector<16xf32>
          %parallel_loop3A_560 = arith.mulf %parallel_loop3A_445, %parallel_loop3A_559 : vector<16xf32>
          %parallel_loop3A_561 = vector.broadcast %parallel_loop3A_536 : f32 to vector<16xf32>
          %parallel_loop3A_562 = arith.subf %parallel_loop3A_560, %parallel_loop3A_561 : vector<16xf32>
          %parallel_loop3A_563 = arith.mulf %parallel_loop3A_562, %get3A_15 : vector<16xf32>
          %parallel_loop3A_564 = arith.addf %parallel_loop3A_563, %get3A_47 : vector<16xf32>
          %parallel_loop3A_565 = arith.constant 0 : i32
          %parallel_loop3A_566 = arith.index_cast %parallel_loop3A_565 : i32 to index
          %parallel_loop3A_567 = arith.index_cast %parallel_loop3A_430 : i32 to index
          %parallel_loop3A_568 = arith.constant 32 : index
          %parallel_loop3A_569 = tpu.vector_load %arg8[%parallel_loop3A_566, %parallel_loop3A_567, %parallel_loop3A_568] {strides = array<i32>} : memref<4x200x128xf32, #tpu.memory_space<vmem>>, vector<16xf32>,
          tpu.vector_store %arg8[%parallel_loop3A_566, %parallel_loop3A_567, %parallel_loop3A_568], %parallel_loop3A_564 {strides = array<i32>} : memref<4x200x128xf32, #tpu.memory_space<vmem>>, vector<16xf32>,
          %parallel_loop3A_570 = vector.broadcast %parallel_loop3A_535 : f32 to vector<16xf32>
          %parallel_loop3A_571 = arith.mulf %parallel_loop3A_450, %parallel_loop3A_570 : vector<16xf32>
          %parallel_loop3A_572 = vector.broadcast %parallel_loop3A_536 : f32 to vector<16xf32>
          %parallel_loop3A_573 = arith.subf %parallel_loop3A_571, %parallel_loop3A_572 : vector<16xf32>
          %parallel_loop3A_574 = arith.mulf %parallel_loop3A_573, %get3A_19 : vector<16xf32>
          %parallel_loop3A_575 = arith.addf %parallel_loop3A_574, %get3A_51 : vector<16xf32>
          %parallel_loop3A_576 = arith.constant 0 : i32
          %parallel_loop3A_577 = arith.index_cast %parallel_loop3A_576 : i32 to index
          %parallel_loop3A_578 = arith.index_cast %parallel_loop3A_430 : i32 to index
          %parallel_loop3A_579 = arith.constant 48 : index
          %parallel_loop3A_580 = tpu.vector_load %arg8[%parallel_loop3A_577, %parallel_loop3A_578, %parallel_loop3A_579] {strides = array<i32>} : memref<4x200x128xf32, #tpu.memory_space<vmem>>, vector<16xf32>,
          tpu.vector_store %arg8[%parallel_loop3A_577, %parallel_loop3A_578, %parallel_loop3A_579], %parallel_loop3A_575 {strides = array<i32>} : memref<4x200x128xf32, #tpu.memory_space<vmem>>, vector<16xf32>,
          %parallel_loop3A_581 = vector.broadcast %parallel_loop3A_535 : f32 to vector<16xf32>
          %parallel_loop3A_582 = arith.mulf %parallel_loop3A_455, %parallel_loop3A_581 : vector<16xf32>
          %parallel_loop3A_583 = vector.broadcast %parallel_loop3A_536 : f32 to vector<16xf32>
          %parallel_loop3A_584 = arith.subf %parallel_loop3A_582, %parallel_loop3A_583 : vector<16xf32>
          %parallel_loop3A_585 = arith.mulf %parallel_loop3A_584, %get3A_23 : vector<16xf32>
          %parallel_loop3A_586 = arith.addf %parallel_loop3A_585, %get3A_55 : vector<16xf32>
          %parallel_loop3A_587 = arith.constant 0 : i32
          %parallel_loop3A_588 = arith.index_cast %parallel_loop3A_587 : i32 to index
          %parallel_loop3A_589 = arith.index_cast %parallel_loop3A_430 : i32 to index
          %parallel_loop3A_590 = arith.constant 64 : index
          %parallel_loop3A_591 = tpu.vector_load %arg8[%parallel_loop3A_588, %parallel_loop3A_589, %parallel_loop3A_590] {strides = array<i32>} : memref<4x200x128xf32, #tpu.memory_space<vmem>>, vector<16xf32>,
          tpu.vector_store %arg8[%parallel_loop3A_588, %parallel_loop3A_589, %parallel_loop3A_590], %parallel_loop3A_586 {strides = array<i32>} : memref<4x200x128xf32, #tpu.memory_space<vmem>>, vector<16xf32>,
          %parallel_loop3A_592 = vector.broadcast %parallel_loop3A_535 : f32 to vector<16xf32>
          %parallel_loop3A_593 = arith.mulf %parallel_loop3A_460, %parallel_loop3A_592 : vector<16xf32>
          %parallel_loop3A_594 = vector.broadcast %parallel_loop3A_536 : f32 to vector<16xf32>
          %parallel_loop3A_595 = arith.subf %parallel_loop3A_593, %parallel_loop3A_594 : vector<16xf32>
          %parallel_loop3A_596 = arith.mulf %parallel_loop3A_595, %get3A_27 : vector<16xf32>
          %parallel_loop3A_597 = arith.addf %parallel_loop3A_596, %get3A_59 : vector<16xf32>
          %parallel_loop3A_598 = arith.constant 0 : i32
          %parallel_loop3A_599 = arith.index_cast %parallel_loop3A_598 : i32 to index
          %parallel_loop3A_600 = arith.index_cast %parallel_loop3A_430 : i32 to index
          %parallel_loop3A_601 = arith.constant 80 : index
          %parallel_loop3A_602 = tpu.vector_load %arg8[%parallel_loop3A_599, %parallel_loop3A_600, %parallel_loop3A_601] {strides = array<i32>} : memref<4x200x128xf32, #tpu.memory_space<vmem>>, vector<16xf32>,
          tpu.vector_store %arg8[%parallel_loop3A_599, %parallel_loop3A_600, %parallel_loop3A_601], %parallel_loop3A_597 {strides = array<i32>} : memref<4x200x128xf32, #tpu.memory_space<vmem>>, vector<16xf32>,
          %parallel_loop3A_603 = vector.broadcast %parallel_loop3A_535 : f32 to vector<16xf32>
          %parallel_loop3A_604 = arith.mulf %parallel_loop3A_465, %parallel_loop3A_603 : vector<16xf32>
          %parallel_loop3A_605 = vector.broadcast %parallel_loop3A_536 : f32 to vector<16xf32>
          %parallel_loop3A_606 = arith.subf %parallel_loop3A_604, %parallel_loop3A_605 : vector<16xf32>
          %parallel_loop3A_607 = arith.mulf %parallel_loop3A_606, %get3A_31 : vector<16xf32>
          %parallel_loop3A_608 = arith.addf %parallel_loop3A_607, %get3A_63 : vector<16xf32>
          %parallel_loop3A_609 = arith.constant 0 : i32
          %parallel_loop3A_610 = arith.index_cast %parallel_loop3A_609 : i32 to index
          %parallel_loop3A_611 = arith.index_cast %parallel_loop3A_430 : i32 to index
          %parallel_loop3A_612 = arith.constant 96 : index
          %parallel_loop3A_613 = tpu.vector_load %arg8[%parallel_loop3A_610, %parallel_loop3A_611, %parallel_loop3A_612] {strides = array<i32>} : memref<4x200x128xf32, #tpu.memory_space<vmem>>, vector<16xf32>,
          tpu.vector_store %arg8[%parallel_loop3A_610, %parallel_loop3A_611, %parallel_loop3A_612], %parallel_loop3A_608 {strides = array<i32>} : memref<4x200x128xf32, #tpu.memory_space<vmem>>, vector<16xf32>,
          %parallel_loop3A_614 = vector.broadcast %parallel_loop3A_535 : f32 to vector<16xf32>
          %parallel_loop3A_615 = arith.mulf %parallel_loop3A_470, %parallel_loop3A_614 : vector<16xf32>
          %parallel_loop3A_616 = vector.broadcast %parallel_loop3A_536 : f32 to vector<16xf32>
          %parallel_loop3A_617 = arith.subf %parallel_loop3A_615, %parallel_loop3A_616 : vector<16xf32>
          %parallel_loop3A_618 = arith.mulf %parallel_loop3A_617, %get3A_35 : vector<16xf32>
          %parallel_loop3A_619 = arith.addf %parallel_loop3A_618, %get3A_67 : vector<16xf32>
          %parallel_loop3A_620 = arith.constant 0 : i32
          %parallel_loop3A_621 = arith.index_cast %parallel_loop3A_620 : i32 to index
          %parallel_loop3A_622 = arith.index_cast %parallel_loop3A_430 : i32 to index
          %parallel_loop3A_623 = arith.constant 112 : index
          %parallel_loop3A_624 = tpu.vector_load %arg8[%parallel_loop3A_621, %parallel_loop3A_622, %parallel_loop3A_623] {strides = array<i32>} : memref<4x200x128xf32, #tpu.memory_space<vmem>>, vector<16xf32>,
          tpu.vector_store %arg8[%parallel_loop3A_621, %parallel_loop3A_622, %parallel_loop3A_623], %parallel_loop3A_619 {strides = array<i32>} : memref<4x200x128xf32, #tpu.memory_space<vmem>>, vector<16xf32>,
        } {sc.loop_unroll_factor = 4 : i64, sc.parallel_access}
        %mul3A_412 = arith.constant 200 : i32
        %mul3A_413 = arith.muli %sub3A_152, %mul3A_412 : i32
        %add3A_414 = arith.addi %mul3A_2, %mul3A_413 : i32
        %dma_start3A = arith.constant 0 : i32
        %dma_start3A_415 = arith.constant 0 : i32
        %dma_start3A_416 = arith.constant 0 : i32
        %dma_start3A_417 = arith.constant 0 : i32
        %dma_start3A_418 = tpu.memref_slice %arg8[%dma_start3A, %dma_start3A_416, %dma_start3A_417] : memref<4x200x128xf32, #tpu.memory_space<vmem>> -> memref<1x200x128xf32, #tpu.memory_space<vmem>>
        %dma_start3A_419 = tpu.memref_squeeze %dma_start3A_418 : memref<1x200x128xf32, #tpu.memory_space<vmem>> -> memref<200x128xf32, #tpu.memory_space<vmem>>
        %dma_start3A_420 = arith.constant 0 : i32
        %dma_start3A_421 = tpu.memref_slice %arg7[%add3A_414, %dma_start3A_420] : memref<819200x128xf32, #tpu.memory_space<hbm>> -> memref<200x128xf32, #tpu.memory_space<hbm>>
        %dma_start3A_422 = tpu.memref_slice %arg26[%dma_start3A_415] : memref<4x!tpu.dma_semaphore, #tpu.memory_space<semaphore_mem>> -> memref<1x!tpu.dma_semaphore, #tpu.memory_space<semaphore_mem>>
        %dma_start3A_423 = tpu.memref_squeeze %dma_start3A_422 : memref<1x!tpu.dma_semaphore, #tpu.memory_space<semaphore_mem>> -> memref<!tpu.dma_semaphore, #tpu.memory_space<semaphore_mem>>
        %dma_start3A_424 = arith.constant 0 : i32
        %dma_start3A_425 = tpu.memref_slice %arg7[%add3A_414, %dma_start3A_424] : memref<819200x128xf32, #tpu.memory_space<hbm>> -> memref<200x128xf32, #tpu.memory_space<hbm>>
        %dma_start3A_426 = arith.constant 0 : i32
        %dma_start3A_427 = arith.constant 0 : i32
        %dma_start3A_428 = tpu.memref_slice %arg8[%dma_start3A, %dma_start3A_426, %dma_start3A_427] : memref<4x200x128xf32, #tpu.memory_space<vmem>> -> memref<1x200x128xf32, #tpu.memory_space<vmem>>
        %dma_start3A_429 = tpu.memref_squeeze %dma_start3A_428 : memref<1x200x128xf32, #tpu.memory_space<vmem>> -> memref<200x128xf32, #tpu.memory_space<vmem>>
        tpu.enqueue_dma source(%dma_start3A_429 : memref<200x128xf32, #tpu.memory_space<vmem>>) target(%dma_start3A_425 : memref<200x128xf32, #tpu.memory_space<hbm>>) target_semaphore(%dma_start3A_423 : memref<!tpu.dma_semaphore, #tpu.memory_space<semaphore_mem>>)
      } else {
      }
      %mul3A_204 = arith.constant 4 : i32
      %mul3A_205 = arith.muli %mul3A_204, %scan3A_147 : i32
      %add3A_206 = arith.constant 1 : i32
      %add3A_207 = arith.addi %mul3A_205, %add3A_206 : i32
      %sub3A_208 = arith.constant 4 : i32
      %sub3A_209 = arith.subi %add3A_207, %sub3A_208 : i32
      %add3A_210 = arith.constant 3 : i32
      %add3A_211 = arith.addi %sub3A_209, %add3A_210 : i32
      %add3A_212 = arith.constant 2 : i32
      %add3A_213 = arith.addi %sub3A_209, %add3A_212 : i32
      %add3A_214 = arith.constant 1 : i32
      %add3A_215 = arith.addi %sub3A_209, %add3A_214 : i32
      %ge3A_216 = arith.constant 0 : i32
      %ge3A_217 = arith.cmpi sge, %add3A_211, %ge3A_216 : i32
      %lt3A_218 = arith.constant 128 : i32
      %lt3A_219 = arith.cmpi slt, %add3A_211, %lt3A_218 : i32
      %and3A_220 = arith.andi %ge3A_217, %lt3A_219 : i1
      %convert_element_type3A_221 = arith.extui %and3A_220 : i1 to i32
      %cond3A_222 = arith.constant 0 : i32
      %cond3A_223 = arith.cmpi ne, %convert_element_type3A_221, %cond3A_222 : i32
      scf.if %cond3A_223 {
        %mul3A_384 = arith.constant 200 : i32
        %mul3A_385 = arith.muli %add3A_211, %mul3A_384 : i32
        %add3A_386 = arith.addi %mul3A_2, %mul3A_385 : i32
        %dma_start3A = arith.constant 0 : i32
        %dma_start3A_387 = tpu.memref_slice %arg2[%add3A_386] : memref<819200xi32, #tpu.memory_space<hbm>> -> memref<200xi32, #tpu.memory_space<hbm>>
        %dma_start3A_388 = tpu.memref_slice %arg23[%dma_start3A] : memref<4x!tpu.dma_semaphore, #tpu.memory_space<semaphore_mem>> -> memref<1x!tpu.dma_semaphore, #tpu.memory_space<semaphore_mem>>
        %dma_start3A_389 = tpu.memref_squeeze %dma_start3A_388 : memref<1x!tpu.dma_semaphore, #tpu.memory_space<semaphore_mem>> -> memref<!tpu.dma_semaphore, #tpu.memory_space<semaphore_mem>>
        %dma_start3A_390 = tpu.memref_slice %arg2[%add3A_386] : memref<819200xi32, #tpu.memory_space<hbm>> -> memref<200xi32, #tpu.memory_space<hbm>>
        tpu.enqueue_dma source(%dma_start3A_390 : memref<200xi32, #tpu.memory_space<hbm>>) target(%arg9 : memref<200xi32, #tpu.memory_space<vmem>>) target_semaphore(%dma_start3A_389 : memref<!tpu.dma_semaphore, #tpu.memory_space<semaphore_mem>>)
        %dma_start3A_391 = arith.constant 0 : i32
        %dma_start3A_392 = tpu.memref_slice %arg3[%add3A_386] : memref<819200xi32, #tpu.memory_space<hbm>> -> memref<200xi32, #tpu.memory_space<hbm>>
        %dma_start3A_393 = tpu.memref_slice %arg23[%dma_start3A_391] : memref<4x!tpu.dma_semaphore, #tpu.memory_space<semaphore_mem>> -> memref<1x!tpu.dma_semaphore, #tpu.memory_space<semaphore_mem>>
        %dma_start3A_394 = tpu.memref_squeeze %dma_start3A_393 : memref<1x!tpu.dma_semaphore, #tpu.memory_space<semaphore_mem>> -> memref<!tpu.dma_semaphore, #tpu.memory_space<semaphore_mem>>
        %dma_start3A_395 = tpu.memref_slice %arg3[%add3A_386] : memref<819200xi32, #tpu.memory_space<hbm>> -> memref<200xi32, #tpu.memory_space<hbm>>
        tpu.enqueue_dma source(%dma_start3A_395 : memref<200xi32, #tpu.memory_space<hbm>>) target(%arg13 : memref<200xi32, #tpu.memory_space<vmem>>) target_semaphore(%dma_start3A_394 : memref<!tpu.dma_semaphore, #tpu.memory_space<semaphore_mem>>)
      } else {
      }
      %ge3A_224 = arith.constant 0 : i32
      %ge3A_225 = arith.cmpi sge, %add3A_213, %ge3A_224 : i32
      %lt3A_226 = arith.constant 128 : i32
      %lt3A_227 = arith.cmpi slt, %add3A_213, %lt3A_226 : i32
      %and3A_228 = arith.andi %ge3A_225, %lt3A_227 : i1
      %convert_element_type3A_229 = arith.extui %and3A_228 : i1 to i32
      %cond3A_230 = arith.constant 0 : i32
      %cond3A_231 = arith.cmpi ne, %convert_element_type3A_229, %cond3A_230 : i32
      scf.if %cond3A_231 {
        %mul3A_384 = arith.constant 200 : i32
        %mul3A_385 = arith.muli %add3A_213, %mul3A_384 : i32
        %add3A_386 = arith.addi %mul3A_2, %mul3A_385 : i32
        %dma_wait3A_387 = arith.constant 3 : i32
        %dma_wait3A_388 = tpu.memref_slice %arg2[%add3A_386] : memref<819200xi32, #tpu.memory_space<hbm>> -> memref<200xi32, #tpu.memory_space<hbm>>
        %dma_wait3A_389 = tpu.memref_slice %arg23[%dma_wait3A_387] : memref<4x!tpu.dma_semaphore, #tpu.memory_space<semaphore_mem>> -> memref<1x!tpu.dma_semaphore, #tpu.memory_space<semaphore_mem>>
        %dma_wait3A_390 = tpu.memref_squeeze %dma_wait3A_389 : memref<1x!tpu.dma_semaphore, #tpu.memory_space<semaphore_mem>> -> memref<!tpu.dma_semaphore, #tpu.memory_space<semaphore_mem>>
        %dma_wait3A_391 = tpu.memref_slice %arg2[%add3A_386] : memref<819200xi32, #tpu.memory_space<hbm>> -> memref<200xi32, #tpu.memory_space<hbm>>
        tpu.wait_dma2 semaphore(%dma_wait3A_390 : memref<!tpu.dma_semaphore, #tpu.memory_space<semaphore_mem>>) src(%dma_wait3A_391 : memref<200xi32, #tpu.memory_space<hbm>>) dst(%arg12 : memref<200xi32, #tpu.memory_space<vmem>>)
        %dma_wait3A_392 = arith.constant 3 : i32
        %dma_wait3A_393 = tpu.memref_slice %arg3[%add3A_386] : memref<819200xi32, #tpu.memory_space<hbm>> -> memref<200xi32, #tpu.memory_space<hbm>>
        %dma_wait3A_394 = tpu.memref_slice %arg23[%dma_wait3A_392] : memref<4x!tpu.dma_semaphore, #tpu.memory_space<semaphore_mem>> -> memref<1x!tpu.dma_semaphore, #tpu.memory_space<semaphore_mem>>
        %dma_wait3A_395 = tpu.memref_squeeze %dma_wait3A_394 : memref<1x!tpu.dma_semaphore, #tpu.memory_space<semaphore_mem>> -> memref<!tpu.dma_semaphore, #tpu.memory_space<semaphore_mem>>
        %dma_wait3A_396 = tpu.memref_slice %arg3[%add3A_386] : memref<819200xi32, #tpu.memory_space<hbm>> -> memref<200xi32, #tpu.memory_space<hbm>>
        tpu.wait_dma2 semaphore(%dma_wait3A_395 : memref<!tpu.dma_semaphore, #tpu.memory_space<semaphore_mem>>) src(%dma_wait3A_396 : memref<200xi32, #tpu.memory_space<hbm>>) dst(%arg16 : memref<200xi32, #tpu.memory_space<vmem>>)
        %get3A_397 = arith.constant 0 : index
        %get3A_398 = tpu.vector_load %arg16[%get3A_397] {strides = array<i32>} : memref<200xi32, #tpu.memory_space<vmem>>, vector<16xi32>,
        %add3A_399 = arith.constant 0 : i32
        %add3A_400 = vector.broadcast %add3A_399 : i32 to vector<16xi32>
        %add3A_401 = arith.addi %mul3A_70, %add3A_400 : vector<16xi32>
        %add3A_402 = arith.addi %get3A_398, %add3A_401 : vector<16xi32>
        %swap3A = arith.constant 0 : index
        %swap3A_403 = tpu.vector_load %arg20[%swap3A] {strides = array<i32>} : memref<200xi32, #tpu.memory_space<vmem>>, vector<16xi32>,
        tpu.vector_store %arg20[%swap3A], %add3A_402 {strides = array<i32>} : memref<200xi32, #tpu.memory_space<vmem>>, vector<16xi32>,
        %get3A_404 = arith.constant 16 : index
        %get3A_405 = tpu.vector_load %arg16[%get3A_404] {strides = array<i32>} : memref<200xi32, #tpu.memory_space<vmem>>, vector<16xi32>,
        %add3A_406 = arith.constant 32 : i32
        %add3A_407 = vector.broadcast %add3A_406 : i32 to vector<16xi32>
        %add3A_408 = arith.addi %mul3A_70, %add3A_407 : vector<16xi32>
        %add3A_409 = arith.addi %get3A_405, %add3A_408 : vector<16xi32>
        %swap3A_410 = arith.constant 16 : index
        %swap3A_411 = tpu.vector_load %arg20[%swap3A_410] {strides = array<i32>} : memref<200xi32, #tpu.memory_space<vmem>>, vector<16xi32>,
        tpu.vector_store %arg20[%swap3A_410], %add3A_409 {strides = array<i32>} : memref<200xi32, #tpu.memory_space<vmem>>, vector<16xi32>,
        %get3A_412 = arith.constant 32 : index
        %get3A_413 = tpu.vector_load %arg16[%get3A_412] {strides = array<i32>} : memref<200xi32, #tpu.memory_space<vmem>>, vector<16xi32>,
        %add3A_414 = arith.constant 64 : i32
        %add3A_415 = vector.broadcast %add3A_414 : i32 to vector<16xi32>
        %add3A_416 = arith.addi %mul3A_70, %add3A_415 : vector<16xi32>
        %add3A_417 = arith.addi %get3A_413, %add3A_416 : vector<16xi32>
        %swap3A_418 = arith.constant 32 : index
        %swap3A_419 = tpu.vector_load %arg20[%swap3A_418] {strides = array<i32>} : memref<200xi32, #tpu.memory_space<vmem>>, vector<16xi32>,
        tpu.vector_store %arg20[%swap3A_418], %add3A_417 {strides = array<i32>} : memref<200xi32, #tpu.memory_space<vmem>>, vector<16xi32>,
        %get3A_420 = arith.constant 48 : index
        %get3A_421 = tpu.vector_load %arg16[%get3A_420] {strides = array<i32>} : memref<200xi32, #tpu.memory_space<vmem>>, vector<16xi32>,
        %add3A_422 = arith.constant 96 : i32
        %add3A_423 = vector.broadcast %add3A_422 : i32 to vector<16xi32>
        %add3A_424 = arith.addi %mul3A_70, %add3A_423 : vector<16xi32>
        %add3A_425 = arith.addi %get3A_421, %add3A_424 : vector<16xi32>
        %swap3A_426 = arith.constant 48 : index
        %swap3A_427 = tpu.vector_load %arg20[%swap3A_426] {strides = array<i32>} : memref<200xi32, #tpu.memory_space<vmem>>, vector<16xi32>,
        tpu.vector_store %arg20[%swap3A_426], %add3A_425 {strides = array<i32>} : memref<200xi32, #tpu.memory_space<vmem>>, vector<16xi32>,
        %get3A_428 = arith.constant 64 : index
        %get3A_429 = tpu.vector_load %arg16[%get3A_428] {strides = array<i32>} : memref<200xi32, #tpu.memory_space<vmem>>, vector<16xi32>,
        %add3A_430 = arith.constant 128 : i32
        %add3A_431 = vector.broadcast %add3A_430 : i32 to vector<16xi32>
        %add3A_432 = arith.addi %mul3A_70, %add3A_431 : vector<16xi32>
        %add3A_433 = arith.addi %get3A_429, %add3A_432 : vector<16xi32>
        %swap3A_434 = arith.constant 64 : index
        %swap3A_435 = tpu.vector_load %arg20[%swap3A_434] {strides = array<i32>} : memref<200xi32, #tpu.memory_space<vmem>>, vector<16xi32>,
        tpu.vector_store %arg20[%swap3A_434], %add3A_433 {strides = array<i32>} : memref<200xi32, #tpu.memory_space<vmem>>, vector<16xi32>,
        %get3A_436 = arith.constant 80 : index
        %get3A_437 = tpu.vector_load %arg16[%get3A_436] {strides = array<i32>} : memref<200xi32, #tpu.memory_space<vmem>>, vector<16xi32>,
        %add3A_438 = arith.constant 160 : i32
        %add3A_439 = vector.broadcast %add3A_438 : i32 to vector<16xi32>
        %add3A_440 = arith.addi %mul3A_70, %add3A_439 : vector<16xi32>
        %add3A_441 = arith.addi %get3A_437, %add3A_440 : vector<16xi32>
        %swap3A_442 = arith.constant 80 : index
        %swap3A_443 = tpu.vector_load %arg20[%swap3A_442] {strides = array<i32>} : memref<200xi32, #tpu.memory_space<vmem>>, vector<16xi32>,
        tpu.vector_store %arg20[%swap3A_442], %add3A_441 {strides = array<i32>} : memref<200xi32, #tpu.memory_space<vmem>>, vector<16xi32>,
        %get3A_444 = arith.constant 96 : index
        %get3A_445 = tpu.vector_load %arg16[%get3A_444] {strides = array<i32>} : memref<200xi32, #tpu.memory_space<vmem>>, vector<16xi32>,
        %add3A_446 = arith.constant 192 : i32
        %add3A_447 = vector.broadcast %add3A_446 : i32 to vector<16xi32>
        %add3A_448 = arith.addi %mul3A_70, %add3A_447 : vector<16xi32>
        %add3A_449 = arith.addi %get3A_445, %add3A_448 : vector<16xi32>
        %swap3A_450 = arith.constant 96 : index
        %swap3A_451 = tpu.vector_load %arg20[%swap3A_450] {strides = array<i32>} : memref<200xi32, #tpu.memory_space<vmem>>, vector<16xi32>,
        tpu.vector_store %arg20[%swap3A_450], %add3A_449 {strides = array<i32>} : memref<200xi32, #tpu.memory_space<vmem>>, vector<16xi32>,
        %get3A_452 = arith.constant 112 : index
        %get3A_453 = tpu.vector_load %arg16[%get3A_452] {strides = array<i32>} : memref<200xi32, #tpu.memory_space<vmem>>, vector<16xi32>,
        %add3A_454 = arith.constant 224 : i32
        %add3A_455 = vector.broadcast %add3A_454 : i32 to vector<16xi32>
        %add3A_456 = arith.addi %mul3A_70, %add3A_455 : vector<16xi32>
        %add3A_457 = arith.addi %get3A_453, %add3A_456 : vector<16xi32>
        %swap3A_458 = arith.constant 112 : index
        %swap3A_459 = tpu.vector_load %arg20[%swap3A_458] {strides = array<i32>} : memref<200xi32, #tpu.memory_space<vmem>>, vector<16xi32>,
        tpu.vector_store %arg20[%swap3A_458], %add3A_457 {strides = array<i32>} : memref<200xi32, #tpu.memory_space<vmem>>, vector<16xi32>,
        %get3A_460 = arith.constant 128 : index
        %get3A_461 = tpu.vector_load %arg16[%get3A_460] {strides = array<i32>} : memref<200xi32, #tpu.memory_space<vmem>>, vector<16xi32>,
        %add3A_462 = arith.constant 256 : i32
        %add3A_463 = vector.broadcast %add3A_462 : i32 to vector<16xi32>
        %add3A_464 = arith.addi %mul3A_70, %add3A_463 : vector<16xi32>
        %add3A_465 = arith.addi %get3A_461, %add3A_464 : vector<16xi32>
        %swap3A_466 = arith.constant 128 : index
        %swap3A_467 = tpu.vector_load %arg20[%swap3A_466] {strides = array<i32>} : memref<200xi32, #tpu.memory_space<vmem>>, vector<16xi32>,
        tpu.vector_store %arg20[%swap3A_466], %add3A_465 {strides = array<i32>} : memref<200xi32, #tpu.memory_space<vmem>>, vector<16xi32>,
        %get3A_468 = arith.constant 144 : index
        %get3A_469 = tpu.vector_load %arg16[%get3A_468] {strides = array<i32>} : memref<200xi32, #tpu.memory_space<vmem>>, vector<16xi32>,
        %add3A_470 = arith.constant 288 : i32
        %add3A_471 = vector.broadcast %add3A_470 : i32 to vector<16xi32>
        %add3A_472 = arith.addi %mul3A_70, %add3A_471 : vector<16xi32>
        %add3A_473 = arith.addi %get3A_469, %add3A_472 : vector<16xi32>
        %swap3A_474 = arith.constant 144 : index
        %swap3A_475 = tpu.vector_load %arg20[%swap3A_474] {strides = array<i32>} : memref<200xi32, #tpu.memory_space<vmem>>, vector<16xi32>,
        tpu.vector_store %arg20[%swap3A_474], %add3A_473 {strides = array<i32>} : memref<200xi32, #tpu.memory_space<vmem>>, vector<16xi32>,
        %get3A_476 = arith.constant 160 : index
        %get3A_477 = tpu.vector_load %arg16[%get3A_476] {strides = array<i32>} : memref<200xi32, #tpu.memory_space<vmem>>, vector<16xi32>,
        %add3A_478 = arith.constant 320 : i32
        %add3A_479 = vector.broadcast %add3A_478 : i32 to vector<16xi32>
        %add3A_480 = arith.addi %mul3A_70, %add3A_479 : vector<16xi32>
        %add3A_481 = arith.addi %get3A_477, %add3A_480 : vector<16xi32>
        %swap3A_482 = arith.constant 160 : index
        %swap3A_483 = tpu.vector_load %arg20[%swap3A_482] {strides = array<i32>} : memref<200xi32, #tpu.memory_space<vmem>>, vector<16xi32>,
        tpu.vector_store %arg20[%swap3A_482], %add3A_481 {strides = array<i32>} : memref<200xi32, #tpu.memory_space<vmem>>, vector<16xi32>,
        %get3A_484 = arith.constant 176 : index
        %get3A_485 = tpu.vector_load %arg16[%get3A_484] {strides = array<i32>} : memref<200xi32, #tpu.memory_space<vmem>>, vector<16xi32>,
        %add3A_486 = arith.constant 352 : i32
        %add3A_487 = vector.broadcast %add3A_486 : i32 to vector<16xi32>
        %add3A_488 = arith.addi %mul3A_70, %add3A_487 : vector<16xi32>
        %add3A_489 = arith.addi %get3A_485, %add3A_488 : vector<16xi32>
        %swap3A_490 = arith.constant 176 : index
        %swap3A_491 = tpu.vector_load %arg20[%swap3A_490] {strides = array<i32>} : memref<200xi32, #tpu.memory_space<vmem>>, vector<16xi32>,
        tpu.vector_store %arg20[%swap3A_490], %add3A_489 {strides = array<i32>} : memref<200xi32, #tpu.memory_space<vmem>>, vector<16xi32>,
        %get3A_492 = arith.constant 184 : index
        %get3A_493 = tpu.vector_load %arg16[%get3A_492] {strides = array<i32>} : memref<200xi32, #tpu.memory_space<vmem>>, vector<16xi32>,
        %add3A_494 = arith.constant 368 : i32
        %add3A_495 = vector.broadcast %add3A_494 : i32 to vector<16xi32>
        %add3A_496 = arith.addi %mul3A_70, %add3A_495 : vector<16xi32>
        %add3A_497 = arith.addi %get3A_493, %add3A_496 : vector<16xi32>
        %swap3A_498 = arith.constant 184 : index
        %swap3A_499 = tpu.vector_load %arg20[%swap3A_498] {strides = array<i32>} : memref<200xi32, #tpu.memory_space<vmem>>, vector<16xi32>,
        tpu.vector_store %arg20[%swap3A_498], %add3A_497 {strides = array<i32>} : memref<200xi32, #tpu.memory_space<vmem>>, vector<16xi32>,
      } else {
      }
      %ge3A_232 = arith.constant 4 : i32
      %ge3A_233 = arith.cmpi sge, %add3A_213, %ge3A_232 : i32
      %lt3A_234 = arith.constant 128 : i32
      %lt3A_235 = arith.cmpi slt, %add3A_213, %lt3A_234 : i32
      %and3A_236 = arith.andi %ge3A_233, %lt3A_235 : i1
      %convert_element_type3A_237 = arith.extui %and3A_236 : i1 to i32
      %cond3A_238 = arith.constant 0 : i32
      %cond3A_239 = arith.cmpi ne, %convert_element_type3A_237, %cond3A_238 : i32
      scf.if %cond3A_239 {
        %sub3A_384 = arith.constant 4 : i32
        %sub3A_385 = arith.subi %add3A_213, %sub3A_384 : i32
        %mul3A_386 = arith.constant 200 : i32
        %mul3A_387 = arith.muli %sub3A_385, %mul3A_386 : i32
        %add3A_388 = arith.addi %mul3A_2, %mul3A_387 : i32
        %dma_wait3A_389 = arith.constant 3 : i32
        %dma_wait3A_390 = arith.constant 3 : i32
        %dma_wait3A_391 = arith.constant 0 : i32
        %dma_wait3A_392 = arith.constant 0 : i32
        %dma_wait3A_393 = tpu.memref_slice %arg8[%dma_wait3A_389, %dma_wait3A_391, %dma_wait3A_392] : memref<4x200x128xf32, #tpu.memory_space<vmem>> -> memref<1x200x128xf32, #tpu.memory_space<vmem>>
        %dma_wait3A_394 = tpu.memref_squeeze %dma_wait3A_393 : memref<1x200x128xf32, #tpu.memory_space<vmem>> -> memref<200x128xf32, #tpu.memory_space<vmem>>
        %dma_wait3A_395 = arith.constant 0 : i32
        %dma_wait3A_396 = tpu.memref_slice %arg7[%add3A_388, %dma_wait3A_395] : memref<819200x128xf32, #tpu.memory_space<hbm>> -> memref<200x128xf32, #tpu.memory_space<hbm>>
        %dma_wait3A_397 = tpu.memref_slice %arg26[%dma_wait3A_390] : memref<4x!tpu.dma_semaphore, #tpu.memory_space<semaphore_mem>> -> memref<1x!tpu.dma_semaphore, #tpu.memory_space<semaphore_mem>>
        %dma_wait3A_398 = tpu.memref_squeeze %dma_wait3A_397 : memref<1x!tpu.dma_semaphore, #tpu.memory_space<semaphore_mem>> -> memref<!tpu.dma_semaphore, #tpu.memory_space<semaphore_mem>>
        %dma_wait3A_399 = arith.constant 0 : i32
        %dma_wait3A_400 = tpu.memref_slice %arg7[%add3A_388, %dma_wait3A_399] : memref<819200x128xf32, #tpu.memory_space<hbm>> -> memref<200x128xf32, #tpu.memory_space<hbm>>
        %dma_wait3A_401 = arith.constant 0 : i32
        %dma_wait3A_402 = arith.constant 0 : i32
        %dma_wait3A_403 = tpu.memref_slice %arg8[%dma_wait3A_389, %dma_wait3A_401, %dma_wait3A_402] : memref<4x200x128xf32, #tpu.memory_space<vmem>> -> memref<1x200x128xf32, #tpu.memory_space<vmem>>
        %dma_wait3A_404 = tpu.memref_squeeze %dma_wait3A_403 : memref<1x200x128xf32, #tpu.memory_space<vmem>> -> memref<200x128xf32, #tpu.memory_space<vmem>>
        tpu.wait_dma2 semaphore(%dma_wait3A_398 : memref<!tpu.dma_semaphore, #tpu.memory_space<semaphore_mem>>) src(%dma_wait3A_404 : memref<200x128xf32, #tpu.memory_space<vmem>>) dst(%dma_wait3A_400 : memref<200x128xf32, #tpu.memory_space<hbm>>)
      } else {
      }
      %ge3A_240 = arith.constant 0 : i32
      %ge3A_241 = arith.cmpi sge, %add3A_213, %ge3A_240 : i32
      %lt3A_242 = arith.constant 128 : i32
      %lt3A_243 = arith.cmpi slt, %add3A_213, %lt3A_242 : i32
      %and3A_244 = arith.andi %ge3A_241, %lt3A_243 : i1
      %convert_element_type3A_245 = arith.extui %and3A_244 : i1 to i32
      %cond3A_246 = arith.constant 0 : i32
      %cond3A_247 = arith.cmpi ne, %convert_element_type3A_245, %cond3A_246 : i32
      scf.if %cond3A_247 {
        %dma_start3A = arith.constant 3 : i32
        %dma_start3A_384 = arith.constant 3 : i32
        %dma_start3A_385 = arith.constant 0 : i32
        %dma_start3A_386 = arith.constant 0 : i32
        %dma_start3A_387 = tpu.memref_slice %arg8[%dma_start3A, %dma_start3A_385, %dma_start3A_386] : memref<4x200x128xf32, #tpu.memory_space<vmem>> -> memref<1x104x128xf32, #tpu.memory_space<vmem>>
        %dma_start3A_388 = tpu.memref_squeeze %dma_start3A_387 : memref<1x104x128xf32, #tpu.memory_space<vmem>> -> memref<104x128xf32, #tpu.memory_space<vmem>>
        %dma_start3A_389 = arith.constant 0 : i32
        %dma_start3A_390 = tpu.memref_slice %arg12[%dma_start3A_389] : memref<200xi32, #tpu.memory_space<vmem>> -> memref<104xi32, #tpu.memory_space<vmem>>
        %dma_start3A_391 = arith.constant 0 : i32
        %dma_start3A_392 = arith.constant 0 : i32
        %dma_start3A_393 = tpu.memref_slice %arg5[%dma_start3A_391, %dma_start3A_392] : memref<100000x128xf32, #tpu.memory_space<hbm>> -> memref<100000x128xf32, #tpu.memory_space<hbm>>
        %dma_start3A_394 = tpu.memref_slice %arg24[%dma_start3A_384] : memref<4x!tpu.dma_semaphore, #tpu.memory_space<semaphore_mem>> -> memref<1x!tpu.dma_semaphore, #tpu.memory_space<semaphore_mem>>
        %dma_start3A_395 = tpu.memref_squeeze %dma_start3A_394 : memref<1x!tpu.dma_semaphore, #tpu.memory_space<semaphore_mem>> -> memref<!tpu.dma_semaphore, #tpu.memory_space<semaphore_mem>>
        tpu.enqueue_indirect_dma source(%dma_start3A_393 : memref<100000x128xf32, #tpu.memory_space<hbm>>) target(%dma_start3A_388 : memref<104x128xf32, #tpu.memory_space<vmem>>) offsets(%dma_start3A_390 : memref<104xi32, #tpu.memory_space<vmem>>) semaphore(%dma_start3A_395 : memref<!tpu.dma_semaphore, #tpu.memory_space<semaphore_mem>>)
        %dma_start3A_396 = arith.constant 3 : i32
        %dma_start3A_397 = arith.constant 3 : i32
        %dma_start3A_398 = arith.constant 104 : i32
        %dma_start3A_399 = arith.constant 0 : i32
        %dma_start3A_400 = tpu.memref_slice %arg8[%dma_start3A_396, %dma_start3A_398, %dma_start3A_399] : memref<4x200x128xf32, #tpu.memory_space<vmem>> -> memref<1x96x128xf32, #tpu.memory_space<vmem>>
        %dma_start3A_401 = tpu.memref_squeeze %dma_start3A_400 : memref<1x96x128xf32, #tpu.memory_space<vmem>> -> memref<96x128xf32, #tpu.memory_space<vmem>>
        %dma_start3A_402 = arith.constant 104 : i32
        %dma_start3A_403 = tpu.memref_slice %arg12[%dma_start3A_402] : memref<200xi32, #tpu.memory_space<vmem>> -> memref<96xi32, #tpu.memory_space<vmem>>
        %dma_start3A_404 = arith.constant 0 : i32
        %dma_start3A_405 = arith.constant 0 : i32
        %dma_start3A_406 = tpu.memref_slice %arg5[%dma_start3A_404, %dma_start3A_405] : memref<100000x128xf32, #tpu.memory_space<hbm>> -> memref<100000x128xf32, #tpu.memory_space<hbm>>
        %dma_start3A_407 = tpu.memref_slice %arg24[%dma_start3A_397] : memref<4x!tpu.dma_semaphore, #tpu.memory_space<semaphore_mem>> -> memref<1x!tpu.dma_semaphore, #tpu.memory_space<semaphore_mem>>
        %dma_start3A_408 = tpu.memref_squeeze %dma_start3A_407 : memref<1x!tpu.dma_semaphore, #tpu.memory_space<semaphore_mem>> -> memref<!tpu.dma_semaphore, #tpu.memory_space<semaphore_mem>>
        tpu.enqueue_indirect_dma source(%dma_start3A_406 : memref<100000x128xf32, #tpu.memory_space<hbm>>) target(%dma_start3A_401 : memref<96x128xf32, #tpu.memory_space<vmem>>) offsets(%dma_start3A_403 : memref<96xi32, #tpu.memory_space<vmem>>) semaphore(%dma_start3A_408 : memref<!tpu.dma_semaphore, #tpu.memory_space<semaphore_mem>>)
      } else {
      }
      %ge3A_248 = arith.constant 0 : i32
      %ge3A_249 = arith.cmpi sge, %add3A_215, %ge3A_248 : i32
      %lt3A_250 = arith.constant 128 : i32
      %lt3A_251 = arith.cmpi slt, %add3A_215, %lt3A_250 : i32
      %and3A_252 = arith.andi %ge3A_249, %lt3A_251 : i1
      %convert_element_type3A_253 = arith.extui %and3A_252 : i1 to i32
      %cond3A_254 = arith.constant 0 : i32
      %cond3A_255 = arith.cmpi ne, %convert_element_type3A_253, %cond3A_254 : i32
      scf.if %cond3A_255 {
        %dma_wait3A_384 = arith.constant 2 : i32
        %dma_wait3A_385 = arith.constant 2 : i32
        %dma_wait3A_386 = arith.constant 0 : i32
        %dma_wait3A_387 = arith.constant 0 : i32
        %dma_wait3A_388 = tpu.memref_slice %arg8[%dma_wait3A_384, %dma_wait3A_386, %dma_wait3A_387] : memref<4x200x128xf32, #tpu.memory_space<vmem>> -> memref<1x104x128xf32, #tpu.memory_space<vmem>>
        %dma_wait3A_389 = tpu.memref_squeeze %dma_wait3A_388 : memref<1x104x128xf32, #tpu.memory_space<vmem>> -> memref<104x128xf32, #tpu.memory_space<vmem>>
        %dma_wait3A_390 = arith.constant 0 : i32
        %dma_wait3A_391 = tpu.memref_slice %arg11[%dma_wait3A_390] : memref<200xi32, #tpu.memory_space<vmem>> -> memref<104xi32, #tpu.memory_space<vmem>>
        %dma_wait3A_392 = arith.constant 0 : i32
        %dma_wait3A_393 = arith.constant 0 : i32
        %dma_wait3A_394 = tpu.memref_slice %arg5[%dma_wait3A_392, %dma_wait3A_393] : memref<100000x128xf32, #tpu.memory_space<hbm>> -> memref<100000x128xf32, #tpu.memory_space<hbm>>
        %dma_wait3A_395 = tpu.memref_slice %arg24[%dma_wait3A_385] : memref<4x!tpu.dma_semaphore, #tpu.memory_space<semaphore_mem>> -> memref<1x!tpu.dma_semaphore, #tpu.memory_space<semaphore_mem>>
        %dma_wait3A_396 = tpu.memref_squeeze %dma_wait3A_395 : memref<1x!tpu.dma_semaphore, #tpu.memory_space<semaphore_mem>> -> memref<!tpu.dma_semaphore, #tpu.memory_space<semaphore_mem>>
        tpu.wait_indirect_dma semaphore(%dma_wait3A_396 : memref<!tpu.dma_semaphore, #tpu.memory_space<semaphore_mem>>) src(%dma_wait3A_394 : memref<100000x128xf32, #tpu.memory_space<hbm>>) dst(%dma_wait3A_389 : memref<104x128xf32, #tpu.memory_space<vmem>>)
        %dma_wait3A_397 = arith.constant 2 : i32
        %dma_wait3A_398 = arith.constant 2 : i32
        %dma_wait3A_399 = arith.constant 104 : i32
        %dma_wait3A_400 = arith.constant 0 : i32
        %dma_wait3A_401 = tpu.memref_slice %arg8[%dma_wait3A_397, %dma_wait3A_399, %dma_wait3A_400] : memref<4x200x128xf32, #tpu.memory_space<vmem>> -> memref<1x96x128xf32, #tpu.memory_space<vmem>>
        %dma_wait3A_402 = tpu.memref_squeeze %dma_wait3A_401 : memref<1x96x128xf32, #tpu.memory_space<vmem>> -> memref<96x128xf32, #tpu.memory_space<vmem>>
        %dma_wait3A_403 = arith.constant 104 : i32
        %dma_wait3A_404 = tpu.memref_slice %arg11[%dma_wait3A_403] : memref<200xi32, #tpu.memory_space<vmem>> -> memref<96xi32, #tpu.memory_space<vmem>>
        %dma_wait3A_405 = arith.constant 0 : i32
        %dma_wait3A_406 = arith.constant 0 : i32
        %dma_wait3A_407 = tpu.memref_slice %arg5[%dma_wait3A_405, %dma_wait3A_406] : memref<100000x128xf32, #tpu.memory_space<hbm>> -> memref<100000x128xf32, #tpu.memory_space<hbm>>
        %dma_wait3A_408 = tpu.memref_slice %arg24[%dma_wait3A_398] : memref<4x!tpu.dma_semaphore, #tpu.memory_space<semaphore_mem>> -> memref<1x!tpu.dma_semaphore, #tpu.memory_space<semaphore_mem>>
        %dma_wait3A_409 = tpu.memref_squeeze %dma_wait3A_408 : memref<1x!tpu.dma_semaphore, #tpu.memory_space<semaphore_mem>> -> memref<!tpu.dma_semaphore, #tpu.memory_space<semaphore_mem>>
        tpu.wait_indirect_dma semaphore(%dma_wait3A_409 : memref<!tpu.dma_semaphore, #tpu.memory_space<semaphore_mem>>) src(%dma_wait3A_407 : memref<100000x128xf32, #tpu.memory_space<hbm>>) dst(%dma_wait3A_402 : memref<96x128xf32, #tpu.memory_space<vmem>>)
        %dma_start3A = arith.constant 2 : i32
        %dma_start3A_410 = arith.constant 2 : i32
        %dma_start3A_411 = arith.constant 0 : i32
        %dma_start3A_412 = arith.constant 0 : i32
        %dma_start3A_413 = tpu.memref_slice %arg8[%dma_start3A, %dma_start3A_411, %dma_start3A_412] : memref<4x200x128xf32, #tpu.memory_space<vmem>> -> memref<1x104x128xf32, #tpu.memory_space<vmem>>
        %dma_start3A_414 = tpu.memref_squeeze %dma_start3A_413 : memref<1x104x128xf32, #tpu.memory_space<vmem>> -> memref<104x128xf32, #tpu.memory_space<vmem>>
        %dma_start3A_415 = arith.constant 0 : i32
        %dma_start3A_416 = tpu.memref_slice %arg19[%dma_start3A_415] : memref<200xi32, #tpu.memory_space<vmem>> -> memref<104xi32, #tpu.memory_space<vmem>>
        %dma_start3A_417 = arith.constant 0 : i32
        %dma_start3A_418 = arith.constant 0 : i32
        %dma_start3A_419 = tpu.memref_slice %arg22[%dma_start3A_417, %dma_start3A_418] : memref<400x128xf32, #tpu.memory_space<vmem_shared>> -> memref<400x128xf32, #tpu.memory_space<vmem_shared>>
        %dma_start3A_420 = tpu.memref_slice %arg25[%dma_start3A_410] : memref<4x!tpu.dma_semaphore, #tpu.memory_space<semaphore_mem>> -> memref<1x!tpu.dma_semaphore, #tpu.memory_space<semaphore_mem>>
        %dma_start3A_421 = tpu.memref_squeeze %dma_start3A_420 : memref<1x!tpu.dma_semaphore, #tpu.memory_space<semaphore_mem>> -> memref<!tpu.dma_semaphore, #tpu.memory_space<semaphore_mem>>
        tpu.enqueue_indirect_dma source(%dma_start3A_419 : memref<400x128xf32, #tpu.memory_space<vmem_shared>>) target(%dma_start3A_414 : memref<104x128xf32, #tpu.memory_space<vmem>>) offsets(%dma_start3A_416 : memref<104xi32, #tpu.memory_space<vmem>>) semaphore(%dma_start3A_421 : memref<!tpu.dma_semaphore, #tpu.memory_space<semaphore_mem>>) {add = true}
        %dma_start3A_422 = arith.constant 2 : i32
        %dma_start3A_423 = arith.constant 2 : i32
        %dma_start3A_424 = arith.constant 104 : i32
        %dma_start3A_425 = arith.constant 0 : i32
        %dma_start3A_426 = tpu.memref_slice %arg8[%dma_start3A_422, %dma_start3A_424, %dma_start3A_425] : memref<4x200x128xf32, #tpu.memory_space<vmem>> -> memref<1x96x128xf32, #tpu.memory_space<vmem>>
        %dma_start3A_427 = tpu.memref_squeeze %dma_start3A_426 : memref<1x96x128xf32, #tpu.memory_space<vmem>> -> memref<96x128xf32, #tpu.memory_space<vmem>>
        %dma_start3A_428 = arith.constant 104 : i32
        %dma_start3A_429 = tpu.memref_slice %arg19[%dma_start3A_428] : memref<200xi32, #tpu.memory_space<vmem>> -> memref<96xi32, #tpu.memory_space<vmem>>
        %dma_start3A_430 = arith.constant 0 : i32
        %dma_start3A_431 = arith.constant 0 : i32
        %dma_start3A_432 = tpu.memref_slice %arg22[%dma_start3A_430, %dma_start3A_431] : memref<400x128xf32, #tpu.memory_space<vmem_shared>> -> memref<400x128xf32, #tpu.memory_space<vmem_shared>>
        %dma_start3A_433 = tpu.memref_slice %arg25[%dma_start3A_423] : memref<4x!tpu.dma_semaphore, #tpu.memory_space<semaphore_mem>> -> memref<1x!tpu.dma_semaphore, #tpu.memory_space<semaphore_mem>>
        %dma_start3A_434 = tpu.memref_squeeze %dma_start3A_433 : memref<1x!tpu.dma_semaphore, #tpu.memory_space<semaphore_mem>> -> memref<!tpu.dma_semaphore, #tpu.memory_space<semaphore_mem>>
        tpu.enqueue_indirect_dma source(%dma_start3A_432 : memref<400x128xf32, #tpu.memory_space<vmem_shared>>) target(%dma_start3A_427 : memref<96x128xf32, #tpu.memory_space<vmem>>) offsets(%dma_start3A_429 : memref<96xi32, #tpu.memory_space<vmem>>) semaphore(%dma_start3A_434 : memref<!tpu.dma_semaphore, #tpu.memory_space<semaphore_mem>>) {add = true}
      } else {
      }
      %ge3A_256 = arith.constant 0 : i32
      %ge3A_257 = arith.cmpi sge, %sub3A_209, %ge3A_256 : i32
      %lt3A_258 = arith.constant 128 : i32
      %lt3A_259 = arith.cmpi slt, %sub3A_209, %lt3A_258 : i32
      %and3A_260 = arith.andi %ge3A_257, %lt3A_259 : i1
      %convert_element_type3A_261 = arith.extui %and3A_260 : i1 to i32
      %cond3A_262 = arith.constant 0 : i32
      %cond3A_263 = arith.cmpi ne, %convert_element_type3A_261, %cond3A_262 : i32
      scf.if %cond3A_263 {
        %dma_wait3A_384 = arith.constant 1 : i32
        %dma_wait3A_385 = arith.constant 1 : i32
        %dma_wait3A_386 = arith.constant 0 : i32
        %dma_wait3A_387 = arith.constant 0 : i32
        %dma_wait3A_388 = tpu.memref_slice %arg8[%dma_wait3A_384, %dma_wait3A_386, %dma_wait3A_387] : memref<4x200x128xf32, #tpu.memory_space<vmem>> -> memref<1x104x128xf32, #tpu.memory_space<vmem>>
        %dma_wait3A_389 = tpu.memref_squeeze %dma_wait3A_388 : memref<1x104x128xf32, #tpu.memory_space<vmem>> -> memref<104x128xf32, #tpu.memory_space<vmem>>
        %dma_wait3A_390 = arith.constant 0 : i32
        %dma_wait3A_391 = tpu.memref_slice %arg18[%dma_wait3A_390] : memref<200xi32, #tpu.memory_space<vmem>> -> memref<104xi32, #tpu.memory_space<vmem>>
        %dma_wait3A_392 = arith.constant 0 : i32
        %dma_wait3A_393 = arith.constant 0 : i32
        %dma_wait3A_394 = tpu.memref_slice %arg22[%dma_wait3A_392, %dma_wait3A_393] : memref<400x128xf32, #tpu.memory_space<vmem_shared>> -> memref<400x128xf32, #tpu.memory_space<vmem_shared>>
        %dma_wait3A_395 = tpu.memref_slice %arg25[%dma_wait3A_385] : memref<4x!tpu.dma_semaphore, #tpu.memory_space<semaphore_mem>> -> memref<1x!tpu.dma_semaphore, #tpu.memory_space<semaphore_mem>>
        %dma_wait3A_396 = tpu.memref_squeeze %dma_wait3A_395 : memref<1x!tpu.dma_semaphore, #tpu.memory_space<semaphore_mem>> -> memref<!tpu.dma_semaphore, #tpu.memory_space<semaphore_mem>>
        tpu.wait_indirect_dma semaphore(%dma_wait3A_396 : memref<!tpu.dma_semaphore, #tpu.memory_space<semaphore_mem>>) src(%dma_wait3A_394 : memref<400x128xf32, #tpu.memory_space<vmem_shared>>) dst(%dma_wait3A_389 : memref<104x128xf32, #tpu.memory_space<vmem>>)
        %dma_wait3A_397 = arith.constant 1 : i32
        %dma_wait3A_398 = arith.constant 1 : i32
        %dma_wait3A_399 = arith.constant 104 : i32
        %dma_wait3A_400 = arith.constant 0 : i32
        %dma_wait3A_401 = tpu.memref_slice %arg8[%dma_wait3A_397, %dma_wait3A_399, %dma_wait3A_400] : memref<4x200x128xf32, #tpu.memory_space<vmem>> -> memref<1x96x128xf32, #tpu.memory_space<vmem>>
        %dma_wait3A_402 = tpu.memref_squeeze %dma_wait3A_401 : memref<1x96x128xf32, #tpu.memory_space<vmem>> -> memref<96x128xf32, #tpu.memory_space<vmem>>
        %dma_wait3A_403 = arith.constant 104 : i32
        %dma_wait3A_404 = tpu.memref_slice %arg18[%dma_wait3A_403] : memref<200xi32, #tpu.memory_space<vmem>> -> memref<96xi32, #tpu.memory_space<vmem>>
        %dma_wait3A_405 = arith.constant 0 : i32
        %dma_wait3A_406 = arith.constant 0 : i32
        %dma_wait3A_407 = tpu.memref_slice %arg22[%dma_wait3A_405, %dma_wait3A_406] : memref<400x128xf32, #tpu.memory_space<vmem_shared>> -> memref<400x128xf32, #tpu.memory_space<vmem_shared>>
        %dma_wait3A_408 = tpu.memref_slice %arg25[%dma_wait3A_398] : memref<4x!tpu.dma_semaphore, #tpu.memory_space<semaphore_mem>> -> memref<1x!tpu.dma_semaphore, #tpu.memory_space<semaphore_mem>>
        %dma_wait3A_409 = tpu.memref_squeeze %dma_wait3A_408 : memref<1x!tpu.dma_semaphore, #tpu.memory_space<semaphore_mem>> -> memref<!tpu.dma_semaphore, #tpu.memory_space<semaphore_mem>>
        tpu.wait_indirect_dma semaphore(%dma_wait3A_409 : memref<!tpu.dma_semaphore, #tpu.memory_space<semaphore_mem>>) src(%dma_wait3A_407 : memref<400x128xf32, #tpu.memory_space<vmem_shared>>) dst(%dma_wait3A_402 : memref<96x128xf32, #tpu.memory_space<vmem>>)
        %parallel_loop3A = arith.constant 0 : i32
        %parallel_loop3A_410 = arith.constant 200 : i32
        %parallel_loop3A_411 = arith.constant 1 : i32
        scf.for %parallel_loop3A_430 = %parallel_loop3A to %parallel_loop3A_410 step %parallel_loop3A_411  : i32 {
          %parallel_loop3A_431 = arith.constant 1 : i32
          %parallel_loop3A_432 = arith.index_cast %parallel_loop3A_431 : i32 to index
          %parallel_loop3A_433 = arith.index_cast %parallel_loop3A_430 : i32 to index
          %parallel_loop3A_434 = arith.constant 0 : index
          %parallel_loop3A_435 = tpu.vector_load %arg8[%parallel_loop3A_432, %parallel_loop3A_433, %parallel_loop3A_434] {strides = array<i32>} : memref<4x200x128xf32, #tpu.memory_space<vmem>>, vector<16xf32>,
          %parallel_loop3A_436 = arith.constant 1 : i32
          %parallel_loop3A_437 = arith.index_cast %parallel_loop3A_436 : i32 to index
          %parallel_loop3A_438 = arith.index_cast %parallel_loop3A_430 : i32 to index
          %parallel_loop3A_439 = arith.constant 16 : index
          %parallel_loop3A_440 = tpu.vector_load %arg8[%parallel_loop3A_437, %parallel_loop3A_438, %parallel_loop3A_439] {strides = array<i32>} : memref<4x200x128xf32, #tpu.memory_space<vmem>>, vector<16xf32>,
          %parallel_loop3A_441 = arith.constant 1 : i32
          %parallel_loop3A_442 = arith.index_cast %parallel_loop3A_441 : i32 to index
          %parallel_loop3A_443 = arith.index_cast %parallel_loop3A_430 : i32 to index
          %parallel_loop3A_444 = arith.constant 32 : index
          %parallel_loop3A_445 = tpu.vector_load %arg8[%parallel_loop3A_442, %parallel_loop3A_443, %parallel_loop3A_444] {strides = array<i32>} : memref<4x200x128xf32, #tpu.memory_space<vmem>>, vector<16xf32>,
          %parallel_loop3A_446 = arith.constant 1 : i32
          %parallel_loop3A_447 = arith.index_cast %parallel_loop3A_446 : i32 to index
          %parallel_loop3A_448 = arith.index_cast %parallel_loop3A_430 : i32 to index
          %parallel_loop3A_449 = arith.constant 48 : index
          %parallel_loop3A_450 = tpu.vector_load %arg8[%parallel_loop3A_447, %parallel_loop3A_448, %parallel_loop3A_449] {strides = array<i32>} : memref<4x200x128xf32, #tpu.memory_space<vmem>>, vector<16xf32>,
          %parallel_loop3A_451 = arith.constant 1 : i32
          %parallel_loop3A_452 = arith.index_cast %parallel_loop3A_451 : i32 to index
          %parallel_loop3A_453 = arith.index_cast %parallel_loop3A_430 : i32 to index
          %parallel_loop3A_454 = arith.constant 64 : index
          %parallel_loop3A_455 = tpu.vector_load %arg8[%parallel_loop3A_452, %parallel_loop3A_453, %parallel_loop3A_454] {strides = array<i32>} : memref<4x200x128xf32, #tpu.memory_space<vmem>>, vector<16xf32>,
          %parallel_loop3A_456 = arith.constant 1 : i32
          %parallel_loop3A_457 = arith.index_cast %parallel_loop3A_456 : i32 to index
          %parallel_loop3A_458 = arith.index_cast %parallel_loop3A_430 : i32 to index
          %parallel_loop3A_459 = arith.constant 80 : index
          %parallel_loop3A_460 = tpu.vector_load %arg8[%parallel_loop3A_457, %parallel_loop3A_458, %parallel_loop3A_459] {strides = array<i32>} : memref<4x200x128xf32, #tpu.memory_space<vmem>>, vector<16xf32>,
          %parallel_loop3A_461 = arith.constant 1 : i32
          %parallel_loop3A_462 = arith.index_cast %parallel_loop3A_461 : i32 to index
          %parallel_loop3A_463 = arith.index_cast %parallel_loop3A_430 : i32 to index
          %parallel_loop3A_464 = arith.constant 96 : index
          %parallel_loop3A_465 = tpu.vector_load %arg8[%parallel_loop3A_462, %parallel_loop3A_463, %parallel_loop3A_464] {strides = array<i32>} : memref<4x200x128xf32, #tpu.memory_space<vmem>>, vector<16xf32>,
          %parallel_loop3A_466 = arith.constant 1 : i32
          %parallel_loop3A_467 = arith.index_cast %parallel_loop3A_466 : i32 to index
          %parallel_loop3A_468 = arith.index_cast %parallel_loop3A_430 : i32 to index
          %parallel_loop3A_469 = arith.constant 112 : index
          %parallel_loop3A_470 = tpu.vector_load %arg8[%parallel_loop3A_467, %parallel_loop3A_468, %parallel_loop3A_469] {strides = array<i32>} : memref<4x200x128xf32, #tpu.memory_space<vmem>>, vector<16xf32>,
          %parallel_loop3A_471 = arith.addf %parallel_loop3A_435, %parallel_loop3A_440 : vector<16xf32>
          %parallel_loop3A_472 = arith.addf %parallel_loop3A_445, %parallel_loop3A_450 : vector<16xf32>
          %parallel_loop3A_473 = arith.addf %parallel_loop3A_471, %parallel_loop3A_472 : vector<16xf32>
          %parallel_loop3A_474 = arith.addf %parallel_loop3A_455, %parallel_loop3A_460 : vector<16xf32>
          %parallel_loop3A_475 = arith.addf %parallel_loop3A_465, %parallel_loop3A_470 : vector<16xf32>
          %parallel_loop3A_476 = arith.addf %parallel_loop3A_474, %parallel_loop3A_475 : vector<16xf32>
          %parallel_loop3A_477 = arith.mulf %parallel_loop3A_435, %parallel_loop3A_435 : vector<16xf32>
          %parallel_loop3A_478 = arith.mulf %parallel_loop3A_440, %parallel_loop3A_440 : vector<16xf32>
          %parallel_loop3A_479 = arith.addf %parallel_loop3A_477, %parallel_loop3A_478 : vector<16xf32>
          %parallel_loop3A_480 = arith.mulf %parallel_loop3A_445, %parallel_loop3A_445 : vector<16xf32>
          %parallel_loop3A_481 = arith.mulf %parallel_loop3A_450, %parallel_loop3A_450 : vector<16xf32>
          %parallel_loop3A_482 = arith.addf %parallel_loop3A_480, %parallel_loop3A_481 : vector<16xf32>
          %parallel_loop3A_483 = arith.addf %parallel_loop3A_479, %parallel_loop3A_482 : vector<16xf32>
          %parallel_loop3A_484 = arith.mulf %parallel_loop3A_455, %parallel_loop3A_455 : vector<16xf32>
          %parallel_loop3A_485 = arith.mulf %parallel_loop3A_460, %parallel_loop3A_460 : vector<16xf32>
          %parallel_loop3A_486 = arith.addf %parallel_loop3A_484, %parallel_loop3A_485 : vector<16xf32>
          %parallel_loop3A_487 = arith.mulf %parallel_loop3A_465, %parallel_loop3A_465 : vector<16xf32>
          %parallel_loop3A_488 = arith.mulf %parallel_loop3A_470, %parallel_loop3A_470 : vector<16xf32>
          %parallel_loop3A_489 = arith.addf %parallel_loop3A_487, %parallel_loop3A_488 : vector<16xf32>
          %parallel_loop3A_490 = arith.addf %parallel_loop3A_486, %parallel_loop3A_489 : vector<16xf32>
          %parallel_loop3A_491 = arith.addf %parallel_loop3A_473, %parallel_loop3A_476 : vector<16xf32>
          %parallel_loop3A_492 = arith.constant true
          %parallel_loop3A_493 = vector.broadcast %parallel_loop3A_492 : i1 to vector<16xi1>
          %parallel_loop3A_494 = tpu.scan <sum>, %parallel_loop3A_491 masked %parallel_loop3A_493 : vector<16xf32>, vector<16xi1> -> vector<16xf32>
          %parallel_loop3A_495 = vector.extract %parallel_loop3A_494[15] : f32 from vector<16xf32>
          %parallel_loop3A_496 = arith.constant 7.812500e-03 : f32
          %parallel_loop3A_497 = arith.mulf %parallel_loop3A_495, %parallel_loop3A_496 : f32
          %parallel_loop3A_498 = arith.addf %parallel_loop3A_483, %parallel_loop3A_490 : vector<16xf32>
          %parallel_loop3A_499 = arith.constant true
          %parallel_loop3A_500 = vector.broadcast %parallel_loop3A_499 : i1 to vector<16xi1>
          %parallel_loop3A_501 = tpu.scan <sum>, %parallel_loop3A_498 masked %parallel_loop3A_500 : vector<16xf32>, vector<16xi1> -> vector<16xf32>
          %parallel_loop3A_502 = vector.extract %parallel_loop3A_501[15] : f32 from vector<16xf32>
          %parallel_loop3A_503 = arith.constant 7.812500e-03 : f32
          %parallel_loop3A_504 = arith.mulf %parallel_loop3A_502, %parallel_loop3A_503 : f32
          %parallel_loop3A_505 = arith.mulf %parallel_loop3A_497, %parallel_loop3A_497 : f32
          %parallel_loop3A_506 = arith.subf %parallel_loop3A_504, %parallel_loop3A_505 : f32
          %parallel_loop3A_507 = arith.constant 9.99999996E-13 : f32
          %parallel_loop3A_508 = arith.addf %parallel_loop3A_506, %parallel_loop3A_507 : f32
          %parallel_loop3A_509 = arith.bitcast %parallel_loop3A_508 : f32 to i32
          %parallel_loop3A_510 = arith.constant 1 : i32
          %parallel_loop3A_511 = arith.shrsi %parallel_loop3A_509, %parallel_loop3A_510 : i32
          %parallel_loop3A_512 = arith.constant 1597463007 : i32
          %parallel_loop3A_513 = arith.subi %parallel_loop3A_512, %parallel_loop3A_511 : i32
          %parallel_loop3A_514 = arith.bitcast %parallel_loop3A_513 : i32 to f32
          %parallel_loop3A_515 = arith.constant 5.000000e-01 : f32
          %parallel_loop3A_516 = arith.mulf %parallel_loop3A_515, %parallel_loop3A_508 : f32
          %parallel_loop3A_517 = arith.mulf %parallel_loop3A_516, %parallel_loop3A_514 : f32
          %parallel_loop3A_518 = arith.mulf %parallel_loop3A_517, %parallel_loop3A_514 : f32
          %parallel_loop3A_519 = arith.constant 1.500000e+00 : f32
          %parallel_loop3A_520 = arith.subf %parallel_loop3A_519, %parallel_loop3A_518 : f32
          %parallel_loop3A_521 = arith.mulf %parallel_loop3A_514, %parallel_loop3A_520 : f32
          %parallel_loop3A_522 = arith.constant 5.000000e-01 : f32
          %parallel_loop3A_523 = arith.mulf %parallel_loop3A_522, %parallel_loop3A_508 : f32
          %parallel_loop3A_524 = arith.mulf %parallel_loop3A_523, %parallel_loop3A_521 : f32
          %parallel_loop3A_525 = arith.mulf %parallel_loop3A_524, %parallel_loop3A_521 : f32
          %parallel_loop3A_526 = arith.constant 1.500000e+00 : f32
          %parallel_loop3A_527 = arith.subf %parallel_loop3A_526, %parallel_loop3A_525 : f32
          %parallel_loop3A_528 = arith.mulf %parallel_loop3A_521, %parallel_loop3A_527 : f32
          %parallel_loop3A_529 = arith.constant 5.000000e-01 : f32
          %parallel_loop3A_530 = arith.mulf %parallel_loop3A_529, %parallel_loop3A_508 : f32
          %parallel_loop3A_531 = arith.mulf %parallel_loop3A_530, %parallel_loop3A_528 : f32
          %parallel_loop3A_532 = arith.mulf %parallel_loop3A_531, %parallel_loop3A_528 : f32
          %parallel_loop3A_533 = arith.constant 1.500000e+00 : f32
          %parallel_loop3A_534 = arith.subf %parallel_loop3A_533, %parallel_loop3A_532 : f32
          %parallel_loop3A_535 = arith.mulf %parallel_loop3A_528, %parallel_loop3A_534 : f32
          %parallel_loop3A_536 = arith.mulf %parallel_loop3A_497, %parallel_loop3A_535 : f32
          %parallel_loop3A_537 = vector.broadcast %parallel_loop3A_535 : f32 to vector<16xf32>
          %parallel_loop3A_538 = arith.mulf %parallel_loop3A_435, %parallel_loop3A_537 : vector<16xf32>
          %parallel_loop3A_539 = vector.broadcast %parallel_loop3A_536 : f32 to vector<16xf32>
          %parallel_loop3A_540 = arith.subf %parallel_loop3A_538, %parallel_loop3A_539 : vector<16xf32>
          %parallel_loop3A_541 = arith.mulf %parallel_loop3A_540, %get3A_7 : vector<16xf32>
          %parallel_loop3A_542 = arith.addf %parallel_loop3A_541, %get3A_39 : vector<16xf32>
          %parallel_loop3A_543 = arith.constant 1 : i32
          %parallel_loop3A_544 = arith.index_cast %parallel_loop3A_543 : i32 to index
          %parallel_loop3A_545 = arith.index_cast %parallel_loop3A_430 : i32 to index
          %parallel_loop3A_546 = arith.constant 0 : index
          %parallel_loop3A_547 = tpu.vector_load %arg8[%parallel_loop3A_544, %parallel_loop3A_545, %parallel_loop3A_546] {strides = array<i32>} : memref<4x200x128xf32, #tpu.memory_space<vmem>>, vector<16xf32>,
          tpu.vector_store %arg8[%parallel_loop3A_544, %parallel_loop3A_545, %parallel_loop3A_546], %parallel_loop3A_542 {strides = array<i32>} : memref<4x200x128xf32, #tpu.memory_space<vmem>>, vector<16xf32>,
          %parallel_loop3A_548 = vector.broadcast %parallel_loop3A_535 : f32 to vector<16xf32>
          %parallel_loop3A_549 = arith.mulf %parallel_loop3A_440, %parallel_loop3A_548 : vector<16xf32>
          %parallel_loop3A_550 = vector.broadcast %parallel_loop3A_536 : f32 to vector<16xf32>
          %parallel_loop3A_551 = arith.subf %parallel_loop3A_549, %parallel_loop3A_550 : vector<16xf32>
          %parallel_loop3A_552 = arith.mulf %parallel_loop3A_551, %get3A_11 : vector<16xf32>
          %parallel_loop3A_553 = arith.addf %parallel_loop3A_552, %get3A_43 : vector<16xf32>
          %parallel_loop3A_554 = arith.constant 1 : i32
          %parallel_loop3A_555 = arith.index_cast %parallel_loop3A_554 : i32 to index
          %parallel_loop3A_556 = arith.index_cast %parallel_loop3A_430 : i32 to index
          %parallel_loop3A_557 = arith.constant 16 : index
          %parallel_loop3A_558 = tpu.vector_load %arg8[%parallel_loop3A_555, %parallel_loop3A_556, %parallel_loop3A_557] {strides = array<i32>} : memref<4x200x128xf32, #tpu.memory_space<vmem>>, vector<16xf32>,
          tpu.vector_store %arg8[%parallel_loop3A_555, %parallel_loop3A_556, %parallel_loop3A_557], %parallel_loop3A_553 {strides = array<i32>} : memref<4x200x128xf32, #tpu.memory_space<vmem>>, vector<16xf32>,
          %parallel_loop3A_559 = vector.broadcast %parallel_loop3A_535 : f32 to vector<16xf32>
          %parallel_loop3A_560 = arith.mulf %parallel_loop3A_445, %parallel_loop3A_559 : vector<16xf32>
          %parallel_loop3A_561 = vector.broadcast %parallel_loop3A_536 : f32 to vector<16xf32>
          %parallel_loop3A_562 = arith.subf %parallel_loop3A_560, %parallel_loop3A_561 : vector<16xf32>
          %parallel_loop3A_563 = arith.mulf %parallel_loop3A_562, %get3A_15 : vector<16xf32>
          %parallel_loop3A_564 = arith.addf %parallel_loop3A_563, %get3A_47 : vector<16xf32>
          %parallel_loop3A_565 = arith.constant 1 : i32
          %parallel_loop3A_566 = arith.index_cast %parallel_loop3A_565 : i32 to index
          %parallel_loop3A_567 = arith.index_cast %parallel_loop3A_430 : i32 to index
          %parallel_loop3A_568 = arith.constant 32 : index
          %parallel_loop3A_569 = tpu.vector_load %arg8[%parallel_loop3A_566, %parallel_loop3A_567, %parallel_loop3A_568] {strides = array<i32>} : memref<4x200x128xf32, #tpu.memory_space<vmem>>, vector<16xf32>,
          tpu.vector_store %arg8[%parallel_loop3A_566, %parallel_loop3A_567, %parallel_loop3A_568], %parallel_loop3A_564 {strides = array<i32>} : memref<4x200x128xf32, #tpu.memory_space<vmem>>, vector<16xf32>,
          %parallel_loop3A_570 = vector.broadcast %parallel_loop3A_535 : f32 to vector<16xf32>
          %parallel_loop3A_571 = arith.mulf %parallel_loop3A_450, %parallel_loop3A_570 : vector<16xf32>
          %parallel_loop3A_572 = vector.broadcast %parallel_loop3A_536 : f32 to vector<16xf32>
          %parallel_loop3A_573 = arith.subf %parallel_loop3A_571, %parallel_loop3A_572 : vector<16xf32>
          %parallel_loop3A_574 = arith.mulf %parallel_loop3A_573, %get3A_19 : vector<16xf32>
          %parallel_loop3A_575 = arith.addf %parallel_loop3A_574, %get3A_51 : vector<16xf32>
          %parallel_loop3A_576 = arith.constant 1 : i32
          %parallel_loop3A_577 = arith.index_cast %parallel_loop3A_576 : i32 to index
          %parallel_loop3A_578 = arith.index_cast %parallel_loop3A_430 : i32 to index
          %parallel_loop3A_579 = arith.constant 48 : index
          %parallel_loop3A_580 = tpu.vector_load %arg8[%parallel_loop3A_577, %parallel_loop3A_578, %parallel_loop3A_579] {strides = array<i32>} : memref<4x200x128xf32, #tpu.memory_space<vmem>>, vector<16xf32>,
          tpu.vector_store %arg8[%parallel_loop3A_577, %parallel_loop3A_578, %parallel_loop3A_579], %parallel_loop3A_575 {strides = array<i32>} : memref<4x200x128xf32, #tpu.memory_space<vmem>>, vector<16xf32>,
          %parallel_loop3A_581 = vector.broadcast %parallel_loop3A_535 : f32 to vector<16xf32>
          %parallel_loop3A_582 = arith.mulf %parallel_loop3A_455, %parallel_loop3A_581 : vector<16xf32>
          %parallel_loop3A_583 = vector.broadcast %parallel_loop3A_536 : f32 to vector<16xf32>
          %parallel_loop3A_584 = arith.subf %parallel_loop3A_582, %parallel_loop3A_583 : vector<16xf32>
          %parallel_loop3A_585 = arith.mulf %parallel_loop3A_584, %get3A_23 : vector<16xf32>
          %parallel_loop3A_586 = arith.addf %parallel_loop3A_585, %get3A_55 : vector<16xf32>
          %parallel_loop3A_587 = arith.constant 1 : i32
          %parallel_loop3A_588 = arith.index_cast %parallel_loop3A_587 : i32 to index
          %parallel_loop3A_589 = arith.index_cast %parallel_loop3A_430 : i32 to index
          %parallel_loop3A_590 = arith.constant 64 : index
          %parallel_loop3A_591 = tpu.vector_load %arg8[%parallel_loop3A_588, %parallel_loop3A_589, %parallel_loop3A_590] {strides = array<i32>} : memref<4x200x128xf32, #tpu.memory_space<vmem>>, vector<16xf32>,
          tpu.vector_store %arg8[%parallel_loop3A_588, %parallel_loop3A_589, %parallel_loop3A_590], %parallel_loop3A_586 {strides = array<i32>} : memref<4x200x128xf32, #tpu.memory_space<vmem>>, vector<16xf32>,
          %parallel_loop3A_592 = vector.broadcast %parallel_loop3A_535 : f32 to vector<16xf32>
          %parallel_loop3A_593 = arith.mulf %parallel_loop3A_460, %parallel_loop3A_592 : vector<16xf32>
          %parallel_loop3A_594 = vector.broadcast %parallel_loop3A_536 : f32 to vector<16xf32>
          %parallel_loop3A_595 = arith.subf %parallel_loop3A_593, %parallel_loop3A_594 : vector<16xf32>
          %parallel_loop3A_596 = arith.mulf %parallel_loop3A_595, %get3A_27 : vector<16xf32>
          %parallel_loop3A_597 = arith.addf %parallel_loop3A_596, %get3A_59 : vector<16xf32>
          %parallel_loop3A_598 = arith.constant 1 : i32
          %parallel_loop3A_599 = arith.index_cast %parallel_loop3A_598 : i32 to index
          %parallel_loop3A_600 = arith.index_cast %parallel_loop3A_430 : i32 to index
          %parallel_loop3A_601 = arith.constant 80 : index
          %parallel_loop3A_602 = tpu.vector_load %arg8[%parallel_loop3A_599, %parallel_loop3A_600, %parallel_loop3A_601] {strides = array<i32>} : memref<4x200x128xf32, #tpu.memory_space<vmem>>, vector<16xf32>,
          tpu.vector_store %arg8[%parallel_loop3A_599, %parallel_loop3A_600, %parallel_loop3A_601], %parallel_loop3A_597 {strides = array<i32>} : memref<4x200x128xf32, #tpu.memory_space<vmem>>, vector<16xf32>,
          %parallel_loop3A_603 = vector.broadcast %parallel_loop3A_535 : f32 to vector<16xf32>
          %parallel_loop3A_604 = arith.mulf %parallel_loop3A_465, %parallel_loop3A_603 : vector<16xf32>
          %parallel_loop3A_605 = vector.broadcast %parallel_loop3A_536 : f32 to vector<16xf32>
          %parallel_loop3A_606 = arith.subf %parallel_loop3A_604, %parallel_loop3A_605 : vector<16xf32>
          %parallel_loop3A_607 = arith.mulf %parallel_loop3A_606, %get3A_31 : vector<16xf32>
          %parallel_loop3A_608 = arith.addf %parallel_loop3A_607, %get3A_63 : vector<16xf32>
          %parallel_loop3A_609 = arith.constant 1 : i32
          %parallel_loop3A_610 = arith.index_cast %parallel_loop3A_609 : i32 to index
          %parallel_loop3A_611 = arith.index_cast %parallel_loop3A_430 : i32 to index
          %parallel_loop3A_612 = arith.constant 96 : index
          %parallel_loop3A_613 = tpu.vector_load %arg8[%parallel_loop3A_610, %parallel_loop3A_611, %parallel_loop3A_612] {strides = array<i32>} : memref<4x200x128xf32, #tpu.memory_space<vmem>>, vector<16xf32>,
          tpu.vector_store %arg8[%parallel_loop3A_610, %parallel_loop3A_611, %parallel_loop3A_612], %parallel_loop3A_608 {strides = array<i32>} : memref<4x200x128xf32, #tpu.memory_space<vmem>>, vector<16xf32>,
          %parallel_loop3A_614 = vector.broadcast %parallel_loop3A_535 : f32 to vector<16xf32>
          %parallel_loop3A_615 = arith.mulf %parallel_loop3A_470, %parallel_loop3A_614 : vector<16xf32>
          %parallel_loop3A_616 = vector.broadcast %parallel_loop3A_536 : f32 to vector<16xf32>
          %parallel_loop3A_617 = arith.subf %parallel_loop3A_615, %parallel_loop3A_616 : vector<16xf32>
          %parallel_loop3A_618 = arith.mulf %parallel_loop3A_617, %get3A_35 : vector<16xf32>
          %parallel_loop3A_619 = arith.addf %parallel_loop3A_618, %get3A_67 : vector<16xf32>
          %parallel_loop3A_620 = arith.constant 1 : i32
          %parallel_loop3A_621 = arith.index_cast %parallel_loop3A_620 : i32 to index
          %parallel_loop3A_622 = arith.index_cast %parallel_loop3A_430 : i32 to index
          %parallel_loop3A_623 = arith.constant 112 : index
          %parallel_loop3A_624 = tpu.vector_load %arg8[%parallel_loop3A_621, %parallel_loop3A_622, %parallel_loop3A_623] {strides = array<i32>} : memref<4x200x128xf32, #tpu.memory_space<vmem>>, vector<16xf32>,
          tpu.vector_store %arg8[%parallel_loop3A_621, %parallel_loop3A_622, %parallel_loop3A_623], %parallel_loop3A_619 {strides = array<i32>} : memref<4x200x128xf32, #tpu.memory_space<vmem>>, vector<16xf32>,
        } {sc.loop_unroll_factor = 4 : i64, sc.parallel_access}
        %mul3A_412 = arith.constant 200 : i32
        %mul3A_413 = arith.muli %sub3A_209, %mul3A_412 : i32
        %add3A_414 = arith.addi %mul3A_2, %mul3A_413 : i32
        %dma_start3A = arith.constant 1 : i32
        %dma_start3A_415 = arith.constant 1 : i32
        %dma_start3A_416 = arith.constant 0 : i32
        %dma_start3A_417 = arith.constant 0 : i32
        %dma_start3A_418 = tpu.memref_slice %arg8[%dma_start3A, %dma_start3A_416, %dma_start3A_417] : memref<4x200x128xf32, #tpu.memory_space<vmem>> -> memref<1x200x128xf32, #tpu.memory_space<vmem>>
        %dma_start3A_419 = tpu.memref_squeeze %dma_start3A_418 : memref<1x200x128xf32, #tpu.memory_space<vmem>> -> memref<200x128xf32, #tpu.memory_space<vmem>>
        %dma_start3A_420 = arith.constant 0 : i32
        %dma_start3A_421 = tpu.memref_slice %arg7[%add3A_414, %dma_start3A_420] : memref<819200x128xf32, #tpu.memory_space<hbm>> -> memref<200x128xf32, #tpu.memory_space<hbm>>
        %dma_start3A_422 = tpu.memref_slice %arg26[%dma_start3A_415] : memref<4x!tpu.dma_semaphore, #tpu.memory_space<semaphore_mem>> -> memref<1x!tpu.dma_semaphore, #tpu.memory_space<semaphore_mem>>
        %dma_start3A_423 = tpu.memref_squeeze %dma_start3A_422 : memref<1x!tpu.dma_semaphore, #tpu.memory_space<semaphore_mem>> -> memref<!tpu.dma_semaphore, #tpu.memory_space<semaphore_mem>>
        %dma_start3A_424 = arith.constant 0 : i32
        %dma_start3A_425 = tpu.memref_slice %arg7[%add3A_414, %dma_start3A_424] : memref<819200x128xf32, #tpu.memory_space<hbm>> -> memref<200x128xf32, #tpu.memory_space<hbm>>
        %dma_start3A_426 = arith.constant 0 : i32
        %dma_start3A_427 = arith.constant 0 : i32
        %dma_start3A_428 = tpu.memref_slice %arg8[%dma_start3A, %dma_start3A_426, %dma_start3A_427] : memref<4x200x128xf32, #tpu.memory_space<vmem>> -> memref<1x200x128xf32, #tpu.memory_space<vmem>>
        %dma_start3A_429 = tpu.memref_squeeze %dma_start3A_428 : memref<1x200x128xf32, #tpu.memory_space<vmem>> -> memref<200x128xf32, #tpu.memory_space<vmem>>
        tpu.enqueue_dma source(%dma_start3A_429 : memref<200x128xf32, #tpu.memory_space<vmem>>) target(%dma_start3A_425 : memref<200x128xf32, #tpu.memory_space<hbm>>) target_semaphore(%dma_start3A_423 : memref<!tpu.dma_semaphore, #tpu.memory_space<semaphore_mem>>)
      } else {
      }
      %mul3A_264 = arith.constant 4 : i32
      %mul3A_265 = arith.muli %mul3A_264, %scan3A_147 : i32
      %add3A_266 = arith.constant 2 : i32
      %add3A_267 = arith.addi %mul3A_265, %add3A_266 : i32
      %sub3A_268 = arith.constant 4 : i32
      %sub3A_269 = arith.subi %add3A_267, %sub3A_268 : i32
      %add3A_270 = arith.constant 3 : i32
      %add3A_271 = arith.addi %sub3A_269, %add3A_270 : i32
      %add3A_272 = arith.constant 2 : i32
      %add3A_273 = arith.addi %sub3A_269, %add3A_272 : i32
      %add3A_274 = arith.constant 1 : i32
      %add3A_275 = arith.addi %sub3A_269, %add3A_274 : i32
      %ge3A_276 = arith.constant 0 : i32
      %ge3A_277 = arith.cmpi sge, %add3A_271, %ge3A_276 : i32
      %lt3A_278 = arith.constant 128 : i32
      %lt3A_279 = arith.cmpi slt, %add3A_271, %lt3A_278 : i32
      %and3A_280 = arith.andi %ge3A_277, %lt3A_279 : i1
      %convert_element_type3A_281 = arith.extui %and3A_280 : i1 to i32
      %cond3A_282 = arith.constant 0 : i32
      %cond3A_283 = arith.cmpi ne, %convert_element_type3A_281, %cond3A_282 : i32
      scf.if %cond3A_283 {
        %mul3A_384 = arith.constant 200 : i32
        %mul3A_385 = arith.muli %add3A_271, %mul3A_384 : i32
        %add3A_386 = arith.addi %mul3A_2, %mul3A_385 : i32
        %dma_start3A = arith.constant 1 : i32
        %dma_start3A_387 = tpu.memref_slice %arg2[%add3A_386] : memref<819200xi32, #tpu.memory_space<hbm>> -> memref<200xi32, #tpu.memory_space<hbm>>
        %dma_start3A_388 = tpu.memref_slice %arg23[%dma_start3A] : memref<4x!tpu.dma_semaphore, #tpu.memory_space<semaphore_mem>> -> memref<1x!tpu.dma_semaphore, #tpu.memory_space<semaphore_mem>>
        %dma_start3A_389 = tpu.memref_squeeze %dma_start3A_388 : memref<1x!tpu.dma_semaphore, #tpu.memory_space<semaphore_mem>> -> memref<!tpu.dma_semaphore, #tpu.memory_space<semaphore_mem>>
        %dma_start3A_390 = tpu.memref_slice %arg2[%add3A_386] : memref<819200xi32, #tpu.memory_space<hbm>> -> memref<200xi32, #tpu.memory_space<hbm>>
        tpu.enqueue_dma source(%dma_start3A_390 : memref<200xi32, #tpu.memory_space<hbm>>) target(%arg10 : memref<200xi32, #tpu.memory_space<vmem>>) target_semaphore(%dma_start3A_389 : memref<!tpu.dma_semaphore, #tpu.memory_space<semaphore_mem>>)
        %dma_start3A_391 = arith.constant 1 : i32
        %dma_start3A_392 = tpu.memref_slice %arg3[%add3A_386] : memref<819200xi32, #tpu.memory_space<hbm>> -> memref<200xi32, #tpu.memory_space<hbm>>
        %dma_start3A_393 = tpu.memref_slice %arg23[%dma_start3A_391] : memref<4x!tpu.dma_semaphore, #tpu.memory_space<semaphore_mem>> -> memref<1x!tpu.dma_semaphore, #tpu.memory_space<semaphore_mem>>
        %dma_start3A_394 = tpu.memref_squeeze %dma_start3A_393 : memref<1x!tpu.dma_semaphore, #tpu.memory_space<semaphore_mem>> -> memref<!tpu.dma_semaphore, #tpu.memory_space<semaphore_mem>>
        %dma_start3A_395 = tpu.memref_slice %arg3[%add3A_386] : memref<819200xi32, #tpu.memory_space<hbm>> -> memref<200xi32, #tpu.memory_space<hbm>>
        tpu.enqueue_dma source(%dma_start3A_395 : memref<200xi32, #tpu.memory_space<hbm>>) target(%arg14 : memref<200xi32, #tpu.memory_space<vmem>>) target_semaphore(%dma_start3A_394 : memref<!tpu.dma_semaphore, #tpu.memory_space<semaphore_mem>>)
      } else {
      }
      %ge3A_284 = arith.constant 0 : i32
      %ge3A_285 = arith.cmpi sge, %add3A_273, %ge3A_284 : i32
      %lt3A_286 = arith.constant 128 : i32
      %lt3A_287 = arith.cmpi slt, %add3A_273, %lt3A_286 : i32
      %and3A_288 = arith.andi %ge3A_285, %lt3A_287 : i1
      %convert_element_type3A_289 = arith.extui %and3A_288 : i1 to i32
      %cond3A_290 = arith.constant 0 : i32
      %cond3A_291 = arith.cmpi ne, %convert_element_type3A_289, %cond3A_290 : i32
      scf.if %cond3A_291 {
        %mul3A_384 = arith.constant 200 : i32
        %mul3A_385 = arith.muli %add3A_273, %mul3A_384 : i32
        %add3A_386 = arith.addi %mul3A_2, %mul3A_385 : i32
        %dma_wait3A_387 = arith.constant 0 : i32
        %dma_wait3A_388 = tpu.memref_slice %arg2[%add3A_386] : memref<819200xi32, #tpu.memory_space<hbm>> -> memref<200xi32, #tpu.memory_space<hbm>>
        %dma_wait3A_389 = tpu.memref_slice %arg23[%dma_wait3A_387] : memref<4x!tpu.dma_semaphore, #tpu.memory_space<semaphore_mem>> -> memref<1x!tpu.dma_semaphore, #tpu.memory_space<semaphore_mem>>
        %dma_wait3A_390 = tpu.memref_squeeze %dma_wait3A_389 : memref<1x!tpu.dma_semaphore, #tpu.memory_space<semaphore_mem>> -> memref<!tpu.dma_semaphore, #tpu.memory_space<semaphore_mem>>
        %dma_wait3A_391 = tpu.memref_slice %arg2[%add3A_386] : memref<819200xi32, #tpu.memory_space<hbm>> -> memref<200xi32, #tpu.memory_space<hbm>>
        tpu.wait_dma2 semaphore(%dma_wait3A_390 : memref<!tpu.dma_semaphore, #tpu.memory_space<semaphore_mem>>) src(%dma_wait3A_391 : memref<200xi32, #tpu.memory_space<hbm>>) dst(%arg9 : memref<200xi32, #tpu.memory_space<vmem>>)
        %dma_wait3A_392 = arith.constant 0 : i32
        %dma_wait3A_393 = tpu.memref_slice %arg3[%add3A_386] : memref<819200xi32, #tpu.memory_space<hbm>> -> memref<200xi32, #tpu.memory_space<hbm>>
        %dma_wait3A_394 = tpu.memref_slice %arg23[%dma_wait3A_392] : memref<4x!tpu.dma_semaphore, #tpu.memory_space<semaphore_mem>> -> memref<1x!tpu.dma_semaphore, #tpu.memory_space<semaphore_mem>>
        %dma_wait3A_395 = tpu.memref_squeeze %dma_wait3A_394 : memref<1x!tpu.dma_semaphore, #tpu.memory_space<semaphore_mem>> -> memref<!tpu.dma_semaphore, #tpu.memory_space<semaphore_mem>>
        %dma_wait3A_396 = tpu.memref_slice %arg3[%add3A_386] : memref<819200xi32, #tpu.memory_space<hbm>> -> memref<200xi32, #tpu.memory_space<hbm>>
        tpu.wait_dma2 semaphore(%dma_wait3A_395 : memref<!tpu.dma_semaphore, #tpu.memory_space<semaphore_mem>>) src(%dma_wait3A_396 : memref<200xi32, #tpu.memory_space<hbm>>) dst(%arg13 : memref<200xi32, #tpu.memory_space<vmem>>)
        %get3A_397 = arith.constant 0 : index
        %get3A_398 = tpu.vector_load %arg13[%get3A_397] {strides = array<i32>} : memref<200xi32, #tpu.memory_space<vmem>>, vector<16xi32>,
        %add3A_399 = arith.constant 0 : i32
        %add3A_400 = vector.broadcast %add3A_399 : i32 to vector<16xi32>
        %add3A_401 = arith.addi %mul3A_70, %add3A_400 : vector<16xi32>
        %add3A_402 = arith.addi %get3A_398, %add3A_401 : vector<16xi32>
        %swap3A = arith.constant 0 : index
        %swap3A_403 = tpu.vector_load %arg17[%swap3A] {strides = array<i32>} : memref<200xi32, #tpu.memory_space<vmem>>, vector<16xi32>,
        tpu.vector_store %arg17[%swap3A], %add3A_402 {strides = array<i32>} : memref<200xi32, #tpu.memory_space<vmem>>, vector<16xi32>,
        %get3A_404 = arith.constant 16 : index
        %get3A_405 = tpu.vector_load %arg13[%get3A_404] {strides = array<i32>} : memref<200xi32, #tpu.memory_space<vmem>>, vector<16xi32>,
        %add3A_406 = arith.constant 32 : i32
        %add3A_407 = vector.broadcast %add3A_406 : i32 to vector<16xi32>
        %add3A_408 = arith.addi %mul3A_70, %add3A_407 : vector<16xi32>
        %add3A_409 = arith.addi %get3A_405, %add3A_408 : vector<16xi32>
        %swap3A_410 = arith.constant 16 : index
        %swap3A_411 = tpu.vector_load %arg17[%swap3A_410] {strides = array<i32>} : memref<200xi32, #tpu.memory_space<vmem>>, vector<16xi32>,
        tpu.vector_store %arg17[%swap3A_410], %add3A_409 {strides = array<i32>} : memref<200xi32, #tpu.memory_space<vmem>>, vector<16xi32>,
        %get3A_412 = arith.constant 32 : index
        %get3A_413 = tpu.vector_load %arg13[%get3A_412] {strides = array<i32>} : memref<200xi32, #tpu.memory_space<vmem>>, vector<16xi32>,
        %add3A_414 = arith.constant 64 : i32
        %add3A_415 = vector.broadcast %add3A_414 : i32 to vector<16xi32>
        %add3A_416 = arith.addi %mul3A_70, %add3A_415 : vector<16xi32>
        %add3A_417 = arith.addi %get3A_413, %add3A_416 : vector<16xi32>
        %swap3A_418 = arith.constant 32 : index
        %swap3A_419 = tpu.vector_load %arg17[%swap3A_418] {strides = array<i32>} : memref<200xi32, #tpu.memory_space<vmem>>, vector<16xi32>,
        tpu.vector_store %arg17[%swap3A_418], %add3A_417 {strides = array<i32>} : memref<200xi32, #tpu.memory_space<vmem>>, vector<16xi32>,
        %get3A_420 = arith.constant 48 : index
        %get3A_421 = tpu.vector_load %arg13[%get3A_420] {strides = array<i32>} : memref<200xi32, #tpu.memory_space<vmem>>, vector<16xi32>,
        %add3A_422 = arith.constant 96 : i32
        %add3A_423 = vector.broadcast %add3A_422 : i32 to vector<16xi32>
        %add3A_424 = arith.addi %mul3A_70, %add3A_423 : vector<16xi32>
        %add3A_425 = arith.addi %get3A_421, %add3A_424 : vector<16xi32>
        %swap3A_426 = arith.constant 48 : index
        %swap3A_427 = tpu.vector_load %arg17[%swap3A_426] {strides = array<i32>} : memref<200xi32, #tpu.memory_space<vmem>>, vector<16xi32>,
        tpu.vector_store %arg17[%swap3A_426], %add3A_425 {strides = array<i32>} : memref<200xi32, #tpu.memory_space<vmem>>, vector<16xi32>,
        %get3A_428 = arith.constant 64 : index
        %get3A_429 = tpu.vector_load %arg13[%get3A_428] {strides = array<i32>} : memref<200xi32, #tpu.memory_space<vmem>>, vector<16xi32>,
        %add3A_430 = arith.constant 128 : i32
        %add3A_431 = vector.broadcast %add3A_430 : i32 to vector<16xi32>
        %add3A_432 = arith.addi %mul3A_70, %add3A_431 : vector<16xi32>
        %add3A_433 = arith.addi %get3A_429, %add3A_432 : vector<16xi32>
        %swap3A_434 = arith.constant 64 : index
        %swap3A_435 = tpu.vector_load %arg17[%swap3A_434] {strides = array<i32>} : memref<200xi32, #tpu.memory_space<vmem>>, vector<16xi32>,
        tpu.vector_store %arg17[%swap3A_434], %add3A_433 {strides = array<i32>} : memref<200xi32, #tpu.memory_space<vmem>>, vector<16xi32>,
        %get3A_436 = arith.constant 80 : index
        %get3A_437 = tpu.vector_load %arg13[%get3A_436] {strides = array<i32>} : memref<200xi32, #tpu.memory_space<vmem>>, vector<16xi32>,
        %add3A_438 = arith.constant 160 : i32
        %add3A_439 = vector.broadcast %add3A_438 : i32 to vector<16xi32>
        %add3A_440 = arith.addi %mul3A_70, %add3A_439 : vector<16xi32>
        %add3A_441 = arith.addi %get3A_437, %add3A_440 : vector<16xi32>
        %swap3A_442 = arith.constant 80 : index
        %swap3A_443 = tpu.vector_load %arg17[%swap3A_442] {strides = array<i32>} : memref<200xi32, #tpu.memory_space<vmem>>, vector<16xi32>,
        tpu.vector_store %arg17[%swap3A_442], %add3A_441 {strides = array<i32>} : memref<200xi32, #tpu.memory_space<vmem>>, vector<16xi32>,
        %get3A_444 = arith.constant 96 : index
        %get3A_445 = tpu.vector_load %arg13[%get3A_444] {strides = array<i32>} : memref<200xi32, #tpu.memory_space<vmem>>, vector<16xi32>,
        %add3A_446 = arith.constant 192 : i32
        %add3A_447 = vector.broadcast %add3A_446 : i32 to vector<16xi32>
        %add3A_448 = arith.addi %mul3A_70, %add3A_447 : vector<16xi32>
        %add3A_449 = arith.addi %get3A_445, %add3A_448 : vector<16xi32>
        %swap3A_450 = arith.constant 96 : index
        %swap3A_451 = tpu.vector_load %arg17[%swap3A_450] {strides = array<i32>} : memref<200xi32, #tpu.memory_space<vmem>>, vector<16xi32>,
        tpu.vector_store %arg17[%swap3A_450], %add3A_449 {strides = array<i32>} : memref<200xi32, #tpu.memory_space<vmem>>, vector<16xi32>,
        %get3A_452 = arith.constant 112 : index
        %get3A_453 = tpu.vector_load %arg13[%get3A_452] {strides = array<i32>} : memref<200xi32, #tpu.memory_space<vmem>>, vector<16xi32>,
        %add3A_454 = arith.constant 224 : i32
        %add3A_455 = vector.broadcast %add3A_454 : i32 to vector<16xi32>
        %add3A_456 = arith.addi %mul3A_70, %add3A_455 : vector<16xi32>
        %add3A_457 = arith.addi %get3A_453, %add3A_456 : vector<16xi32>
        %swap3A_458 = arith.constant 112 : index
        %swap3A_459 = tpu.vector_load %arg17[%swap3A_458] {strides = array<i32>} : memref<200xi32, #tpu.memory_space<vmem>>, vector<16xi32>,
        tpu.vector_store %arg17[%swap3A_458], %add3A_457 {strides = array<i32>} : memref<200xi32, #tpu.memory_space<vmem>>, vector<16xi32>,
        %get3A_460 = arith.constant 128 : index
        %get3A_461 = tpu.vector_load %arg13[%get3A_460] {strides = array<i32>} : memref<200xi32, #tpu.memory_space<vmem>>, vector<16xi32>,
        %add3A_462 = arith.constant 256 : i32
        %add3A_463 = vector.broadcast %add3A_462 : i32 to vector<16xi32>
        %add3A_464 = arith.addi %mul3A_70, %add3A_463 : vector<16xi32>
        %add3A_465 = arith.addi %get3A_461, %add3A_464 : vector<16xi32>
        %swap3A_466 = arith.constant 128 : index
        %swap3A_467 = tpu.vector_load %arg17[%swap3A_466] {strides = array<i32>} : memref<200xi32, #tpu.memory_space<vmem>>, vector<16xi32>,
        tpu.vector_store %arg17[%swap3A_466], %add3A_465 {strides = array<i32>} : memref<200xi32, #tpu.memory_space<vmem>>, vector<16xi32>,
        %get3A_468 = arith.constant 144 : index
        %get3A_469 = tpu.vector_load %arg13[%get3A_468] {strides = array<i32>} : memref<200xi32, #tpu.memory_space<vmem>>, vector<16xi32>,
        %add3A_470 = arith.constant 288 : i32
        %add3A_471 = vector.broadcast %add3A_470 : i32 to vector<16xi32>
        %add3A_472 = arith.addi %mul3A_70, %add3A_471 : vector<16xi32>
        %add3A_473 = arith.addi %get3A_469, %add3A_472 : vector<16xi32>
        %swap3A_474 = arith.constant 144 : index
        %swap3A_475 = tpu.vector_load %arg17[%swap3A_474] {strides = array<i32>} : memref<200xi32, #tpu.memory_space<vmem>>, vector<16xi32>,
        tpu.vector_store %arg17[%swap3A_474], %add3A_473 {strides = array<i32>} : memref<200xi32, #tpu.memory_space<vmem>>, vector<16xi32>,
        %get3A_476 = arith.constant 160 : index
        %get3A_477 = tpu.vector_load %arg13[%get3A_476] {strides = array<i32>} : memref<200xi32, #tpu.memory_space<vmem>>, vector<16xi32>,
        %add3A_478 = arith.constant 320 : i32
        %add3A_479 = vector.broadcast %add3A_478 : i32 to vector<16xi32>
        %add3A_480 = arith.addi %mul3A_70, %add3A_479 : vector<16xi32>
        %add3A_481 = arith.addi %get3A_477, %add3A_480 : vector<16xi32>
        %swap3A_482 = arith.constant 160 : index
        %swap3A_483 = tpu.vector_load %arg17[%swap3A_482] {strides = array<i32>} : memref<200xi32, #tpu.memory_space<vmem>>, vector<16xi32>,
        tpu.vector_store %arg17[%swap3A_482], %add3A_481 {strides = array<i32>} : memref<200xi32, #tpu.memory_space<vmem>>, vector<16xi32>,
        %get3A_484 = arith.constant 176 : index
        %get3A_485 = tpu.vector_load %arg13[%get3A_484] {strides = array<i32>} : memref<200xi32, #tpu.memory_space<vmem>>, vector<16xi32>,
        %add3A_486 = arith.constant 352 : i32
        %add3A_487 = vector.broadcast %add3A_486 : i32 to vector<16xi32>
        %add3A_488 = arith.addi %mul3A_70, %add3A_487 : vector<16xi32>
        %add3A_489 = arith.addi %get3A_485, %add3A_488 : vector<16xi32>
        %swap3A_490 = arith.constant 176 : index
        %swap3A_491 = tpu.vector_load %arg17[%swap3A_490] {strides = array<i32>} : memref<200xi32, #tpu.memory_space<vmem>>, vector<16xi32>,
        tpu.vector_store %arg17[%swap3A_490], %add3A_489 {strides = array<i32>} : memref<200xi32, #tpu.memory_space<vmem>>, vector<16xi32>,
        %get3A_492 = arith.constant 184 : index
        %get3A_493 = tpu.vector_load %arg13[%get3A_492] {strides = array<i32>} : memref<200xi32, #tpu.memory_space<vmem>>, vector<16xi32>,
        %add3A_494 = arith.constant 368 : i32
        %add3A_495 = vector.broadcast %add3A_494 : i32 to vector<16xi32>
        %add3A_496 = arith.addi %mul3A_70, %add3A_495 : vector<16xi32>
        %add3A_497 = arith.addi %get3A_493, %add3A_496 : vector<16xi32>
        %swap3A_498 = arith.constant 184 : index
        %swap3A_499 = tpu.vector_load %arg17[%swap3A_498] {strides = array<i32>} : memref<200xi32, #tpu.memory_space<vmem>>, vector<16xi32>,
        tpu.vector_store %arg17[%swap3A_498], %add3A_497 {strides = array<i32>} : memref<200xi32, #tpu.memory_space<vmem>>, vector<16xi32>,
      } else {
      }
      %ge3A_292 = arith.constant 4 : i32
      %ge3A_293 = arith.cmpi sge, %add3A_273, %ge3A_292 : i32
      %lt3A_294 = arith.constant 128 : i32
      %lt3A_295 = arith.cmpi slt, %add3A_273, %lt3A_294 : i32
      %and3A_296 = arith.andi %ge3A_293, %lt3A_295 : i1
      %convert_element_type3A_297 = arith.extui %and3A_296 : i1 to i32
      %cond3A_298 = arith.constant 0 : i32
      %cond3A_299 = arith.cmpi ne, %convert_element_type3A_297, %cond3A_298 : i32
      scf.if %cond3A_299 {
        %sub3A_384 = arith.constant 4 : i32
        %sub3A_385 = arith.subi %add3A_273, %sub3A_384 : i32
        %mul3A_386 = arith.constant 200 : i32
        %mul3A_387 = arith.muli %sub3A_385, %mul3A_386 : i32
        %add3A_388 = arith.addi %mul3A_2, %mul3A_387 : i32
        %dma_wait3A_389 = arith.constant 0 : i32
        %dma_wait3A_390 = arith.constant 0 : i32
        %dma_wait3A_391 = arith.constant 0 : i32
        %dma_wait3A_392 = arith.constant 0 : i32
        %dma_wait3A_393 = tpu.memref_slice %arg8[%dma_wait3A_389, %dma_wait3A_391, %dma_wait3A_392] : memref<4x200x128xf32, #tpu.memory_space<vmem>> -> memref<1x200x128xf32, #tpu.memory_space<vmem>>
        %dma_wait3A_394 = tpu.memref_squeeze %dma_wait3A_393 : memref<1x200x128xf32, #tpu.memory_space<vmem>> -> memref<200x128xf32, #tpu.memory_space<vmem>>
        %dma_wait3A_395 = arith.constant 0 : i32
        %dma_wait3A_396 = tpu.memref_slice %arg7[%add3A_388, %dma_wait3A_395] : memref<819200x128xf32, #tpu.memory_space<hbm>> -> memref<200x128xf32, #tpu.memory_space<hbm>>
        %dma_wait3A_397 = tpu.memref_slice %arg26[%dma_wait3A_390] : memref<4x!tpu.dma_semaphore, #tpu.memory_space<semaphore_mem>> -> memref<1x!tpu.dma_semaphore, #tpu.memory_space<semaphore_mem>>
        %dma_wait3A_398 = tpu.memref_squeeze %dma_wait3A_397 : memref<1x!tpu.dma_semaphore, #tpu.memory_space<semaphore_mem>> -> memref<!tpu.dma_semaphore, #tpu.memory_space<semaphore_mem>>
        %dma_wait3A_399 = arith.constant 0 : i32
        %dma_wait3A_400 = tpu.memref_slice %arg7[%add3A_388, %dma_wait3A_399] : memref<819200x128xf32, #tpu.memory_space<hbm>> -> memref<200x128xf32, #tpu.memory_space<hbm>>
        %dma_wait3A_401 = arith.constant 0 : i32
        %dma_wait3A_402 = arith.constant 0 : i32
        %dma_wait3A_403 = tpu.memref_slice %arg8[%dma_wait3A_389, %dma_wait3A_401, %dma_wait3A_402] : memref<4x200x128xf32, #tpu.memory_space<vmem>> -> memref<1x200x128xf32, #tpu.memory_space<vmem>>
        %dma_wait3A_404 = tpu.memref_squeeze %dma_wait3A_403 : memref<1x200x128xf32, #tpu.memory_space<vmem>> -> memref<200x128xf32, #tpu.memory_space<vmem>>
        tpu.wait_dma2 semaphore(%dma_wait3A_398 : memref<!tpu.dma_semaphore, #tpu.memory_space<semaphore_mem>>) src(%dma_wait3A_404 : memref<200x128xf32, #tpu.memory_space<vmem>>) dst(%dma_wait3A_400 : memref<200x128xf32, #tpu.memory_space<hbm>>)
      } else {
      }
      %ge3A_300 = arith.constant 0 : i32
      %ge3A_301 = arith.cmpi sge, %add3A_273, %ge3A_300 : i32
      %lt3A_302 = arith.constant 128 : i32
      %lt3A_303 = arith.cmpi slt, %add3A_273, %lt3A_302 : i32
      %and3A_304 = arith.andi %ge3A_301, %lt3A_303 : i1
      %convert_element_type3A_305 = arith.extui %and3A_304 : i1 to i32
      %cond3A_306 = arith.constant 0 : i32
      %cond3A_307 = arith.cmpi ne, %convert_element_type3A_305, %cond3A_306 : i32
      scf.if %cond3A_307 {
        %dma_start3A = arith.constant 0 : i32
        %dma_start3A_384 = arith.constant 0 : i32
        %dma_start3A_385 = arith.constant 0 : i32
        %dma_start3A_386 = arith.constant 0 : i32
        %dma_start3A_387 = tpu.memref_slice %arg8[%dma_start3A, %dma_start3A_385, %dma_start3A_386] : memref<4x200x128xf32, #tpu.memory_space<vmem>> -> memref<1x104x128xf32, #tpu.memory_space<vmem>>
        %dma_start3A_388 = tpu.memref_squeeze %dma_start3A_387 : memref<1x104x128xf32, #tpu.memory_space<vmem>> -> memref<104x128xf32, #tpu.memory_space<vmem>>
        %dma_start3A_389 = arith.constant 0 : i32
        %dma_start3A_390 = tpu.memref_slice %arg9[%dma_start3A_389] : memref<200xi32, #tpu.memory_space<vmem>> -> memref<104xi32, #tpu.memory_space<vmem>>
        %dma_start3A_391 = arith.constant 0 : i32
        %dma_start3A_392 = arith.constant 0 : i32
        %dma_start3A_393 = tpu.memref_slice %arg5[%dma_start3A_391, %dma_start3A_392] : memref<100000x128xf32, #tpu.memory_space<hbm>> -> memref<100000x128xf32, #tpu.memory_space<hbm>>
        %dma_start3A_394 = tpu.memref_slice %arg24[%dma_start3A_384] : memref<4x!tpu.dma_semaphore, #tpu.memory_space<semaphore_mem>> -> memref<1x!tpu.dma_semaphore, #tpu.memory_space<semaphore_mem>>
        %dma_start3A_395 = tpu.memref_squeeze %dma_start3A_394 : memref<1x!tpu.dma_semaphore, #tpu.memory_space<semaphore_mem>> -> memref<!tpu.dma_semaphore, #tpu.memory_space<semaphore_mem>>
        tpu.enqueue_indirect_dma source(%dma_start3A_393 : memref<100000x128xf32, #tpu.memory_space<hbm>>) target(%dma_start3A_388 : memref<104x128xf32, #tpu.memory_space<vmem>>) offsets(%dma_start3A_390 : memref<104xi32, #tpu.memory_space<vmem>>) semaphore(%dma_start3A_395 : memref<!tpu.dma_semaphore, #tpu.memory_space<semaphore_mem>>)
        %dma_start3A_396 = arith.constant 0 : i32
        %dma_start3A_397 = arith.constant 0 : i32
        %dma_start3A_398 = arith.constant 104 : i32
        %dma_start3A_399 = arith.constant 0 : i32
        %dma_start3A_400 = tpu.memref_slice %arg8[%dma_start3A_396, %dma_start3A_398, %dma_start3A_399] : memref<4x200x128xf32, #tpu.memory_space<vmem>> -> memref<1x96x128xf32, #tpu.memory_space<vmem>>
        %dma_start3A_401 = tpu.memref_squeeze %dma_start3A_400 : memref<1x96x128xf32, #tpu.memory_space<vmem>> -> memref<96x128xf32, #tpu.memory_space<vmem>>
        %dma_start3A_402 = arith.constant 104 : i32
        %dma_start3A_403 = tpu.memref_slice %arg9[%dma_start3A_402] : memref<200xi32, #tpu.memory_space<vmem>> -> memref<96xi32, #tpu.memory_space<vmem>>
        %dma_start3A_404 = arith.constant 0 : i32
        %dma_start3A_405 = arith.constant 0 : i32
        %dma_start3A_406 = tpu.memref_slice %arg5[%dma_start3A_404, %dma_start3A_405] : memref<100000x128xf32, #tpu.memory_space<hbm>> -> memref<100000x128xf32, #tpu.memory_space<hbm>>
        %dma_start3A_407 = tpu.memref_slice %arg24[%dma_start3A_397] : memref<4x!tpu.dma_semaphore, #tpu.memory_space<semaphore_mem>> -> memref<1x!tpu.dma_semaphore, #tpu.memory_space<semaphore_mem>>
        %dma_start3A_408 = tpu.memref_squeeze %dma_start3A_407 : memref<1x!tpu.dma_semaphore, #tpu.memory_space<semaphore_mem>> -> memref<!tpu.dma_semaphore, #tpu.memory_space<semaphore_mem>>
        tpu.enqueue_indirect_dma source(%dma_start3A_406 : memref<100000x128xf32, #tpu.memory_space<hbm>>) target(%dma_start3A_401 : memref<96x128xf32, #tpu.memory_space<vmem>>) offsets(%dma_start3A_403 : memref<96xi32, #tpu.memory_space<vmem>>) semaphore(%dma_start3A_408 : memref<!tpu.dma_semaphore, #tpu.memory_space<semaphore_mem>>)
      } else {
      }
      %ge3A_308 = arith.constant 0 : i32
      %ge3A_309 = arith.cmpi sge, %add3A_275, %ge3A_308 : i32
      %lt3A_310 = arith.constant 128 : i32
      %lt3A_311 = arith.cmpi slt, %add3A_275, %lt3A_310 : i32
      %and3A_312 = arith.andi %ge3A_309, %lt3A_311 : i1
      %convert_element_type3A_313 = arith.extui %and3A_312 : i1 to i32
      %cond3A_314 = arith.constant 0 : i32
      %cond3A_315 = arith.cmpi ne, %convert_element_type3A_313, %cond3A_314 : i32
      scf.if %cond3A_315 {
        %dma_wait3A_384 = arith.constant 3 : i32
        %dma_wait3A_385 = arith.constant 3 : i32
        %dma_wait3A_386 = arith.constant 0 : i32
        %dma_wait3A_387 = arith.constant 0 : i32
        %dma_wait3A_388 = tpu.memref_slice %arg8[%dma_wait3A_384, %dma_wait3A_386, %dma_wait3A_387] : memref<4x200x128xf32, #tpu.memory_space<vmem>> -> memref<1x104x128xf32, #tpu.memory_space<vmem>>
        %dma_wait3A_389 = tpu.memref_squeeze %dma_wait3A_388 : memref<1x104x128xf32, #tpu.memory_space<vmem>> -> memref<104x128xf32, #tpu.memory_space<vmem>>
        %dma_wait3A_390 = arith.constant 0 : i32
        %dma_wait3A_391 = tpu.memref_slice %arg12[%dma_wait3A_390] : memref<200xi32, #tpu.memory_space<vmem>> -> memref<104xi32, #tpu.memory_space<vmem>>
        %dma_wait3A_392 = arith.constant 0 : i32
        %dma_wait3A_393 = arith.constant 0 : i32
        %dma_wait3A_394 = tpu.memref_slice %arg5[%dma_wait3A_392, %dma_wait3A_393] : memref<100000x128xf32, #tpu.memory_space<hbm>> -> memref<100000x128xf32, #tpu.memory_space<hbm>>
        %dma_wait3A_395 = tpu.memref_slice %arg24[%dma_wait3A_385] : memref<4x!tpu.dma_semaphore, #tpu.memory_space<semaphore_mem>> -> memref<1x!tpu.dma_semaphore, #tpu.memory_space<semaphore_mem>>
        %dma_wait3A_396 = tpu.memref_squeeze %dma_wait3A_395 : memref<1x!tpu.dma_semaphore, #tpu.memory_space<semaphore_mem>> -> memref<!tpu.dma_semaphore, #tpu.memory_space<semaphore_mem>>
        tpu.wait_indirect_dma semaphore(%dma_wait3A_396 : memref<!tpu.dma_semaphore, #tpu.memory_space<semaphore_mem>>) src(%dma_wait3A_394 : memref<100000x128xf32, #tpu.memory_space<hbm>>) dst(%dma_wait3A_389 : memref<104x128xf32, #tpu.memory_space<vmem>>)
        %dma_wait3A_397 = arith.constant 3 : i32
        %dma_wait3A_398 = arith.constant 3 : i32
        %dma_wait3A_399 = arith.constant 104 : i32
        %dma_wait3A_400 = arith.constant 0 : i32
        %dma_wait3A_401 = tpu.memref_slice %arg8[%dma_wait3A_397, %dma_wait3A_399, %dma_wait3A_400] : memref<4x200x128xf32, #tpu.memory_space<vmem>> -> memref<1x96x128xf32, #tpu.memory_space<vmem>>
        %dma_wait3A_402 = tpu.memref_squeeze %dma_wait3A_401 : memref<1x96x128xf32, #tpu.memory_space<vmem>> -> memref<96x128xf32, #tpu.memory_space<vmem>>
        %dma_wait3A_403 = arith.constant 104 : i32
        %dma_wait3A_404 = tpu.memref_slice %arg12[%dma_wait3A_403] : memref<200xi32, #tpu.memory_space<vmem>> -> memref<96xi32, #tpu.memory_space<vmem>>
        %dma_wait3A_405 = arith.constant 0 : i32
        %dma_wait3A_406 = arith.constant 0 : i32
        %dma_wait3A_407 = tpu.memref_slice %arg5[%dma_wait3A_405, %dma_wait3A_406] : memref<100000x128xf32, #tpu.memory_space<hbm>> -> memref<100000x128xf32, #tpu.memory_space<hbm>>
        %dma_wait3A_408 = tpu.memref_slice %arg24[%dma_wait3A_398] : memref<4x!tpu.dma_semaphore, #tpu.memory_space<semaphore_mem>> -> memref<1x!tpu.dma_semaphore, #tpu.memory_space<semaphore_mem>>
        %dma_wait3A_409 = tpu.memref_squeeze %dma_wait3A_408 : memref<1x!tpu.dma_semaphore, #tpu.memory_space<semaphore_mem>> -> memref<!tpu.dma_semaphore, #tpu.memory_space<semaphore_mem>>
        tpu.wait_indirect_dma semaphore(%dma_wait3A_409 : memref<!tpu.dma_semaphore, #tpu.memory_space<semaphore_mem>>) src(%dma_wait3A_407 : memref<100000x128xf32, #tpu.memory_space<hbm>>) dst(%dma_wait3A_402 : memref<96x128xf32, #tpu.memory_space<vmem>>)
        %dma_start3A = arith.constant 3 : i32
        %dma_start3A_410 = arith.constant 3 : i32
        %dma_start3A_411 = arith.constant 0 : i32
        %dma_start3A_412 = arith.constant 0 : i32
        %dma_start3A_413 = tpu.memref_slice %arg8[%dma_start3A, %dma_start3A_411, %dma_start3A_412] : memref<4x200x128xf32, #tpu.memory_space<vmem>> -> memref<1x104x128xf32, #tpu.memory_space<vmem>>
        %dma_start3A_414 = tpu.memref_squeeze %dma_start3A_413 : memref<1x104x128xf32, #tpu.memory_space<vmem>> -> memref<104x128xf32, #tpu.memory_space<vmem>>
        %dma_start3A_415 = arith.constant 0 : i32
        %dma_start3A_416 = tpu.memref_slice %arg20[%dma_start3A_415] : memref<200xi32, #tpu.memory_space<vmem>> -> memref<104xi32, #tpu.memory_space<vmem>>
        %dma_start3A_417 = arith.constant 0 : i32
        %dma_start3A_418 = arith.constant 0 : i32
        %dma_start3A_419 = tpu.memref_slice %arg22[%dma_start3A_417, %dma_start3A_418] : memref<400x128xf32, #tpu.memory_space<vmem_shared>> -> memref<400x128xf32, #tpu.memory_space<vmem_shared>>
        %dma_start3A_420 = tpu.memref_slice %arg25[%dma_start3A_410] : memref<4x!tpu.dma_semaphore, #tpu.memory_space<semaphore_mem>> -> memref<1x!tpu.dma_semaphore, #tpu.memory_space<semaphore_mem>>
        %dma_start3A_421 = tpu.memref_squeeze %dma_start3A_420 : memref<1x!tpu.dma_semaphore, #tpu.memory_space<semaphore_mem>> -> memref<!tpu.dma_semaphore, #tpu.memory_space<semaphore_mem>>
        tpu.enqueue_indirect_dma source(%dma_start3A_419 : memref<400x128xf32, #tpu.memory_space<vmem_shared>>) target(%dma_start3A_414 : memref<104x128xf32, #tpu.memory_space<vmem>>) offsets(%dma_start3A_416 : memref<104xi32, #tpu.memory_space<vmem>>) semaphore(%dma_start3A_421 : memref<!tpu.dma_semaphore, #tpu.memory_space<semaphore_mem>>) {add = true}
        %dma_start3A_422 = arith.constant 3 : i32
        %dma_start3A_423 = arith.constant 3 : i32
        %dma_start3A_424 = arith.constant 104 : i32
        %dma_start3A_425 = arith.constant 0 : i32
        %dma_start3A_426 = tpu.memref_slice %arg8[%dma_start3A_422, %dma_start3A_424, %dma_start3A_425] : memref<4x200x128xf32, #tpu.memory_space<vmem>> -> memref<1x96x128xf32, #tpu.memory_space<vmem>>
        %dma_start3A_427 = tpu.memref_squeeze %dma_start3A_426 : memref<1x96x128xf32, #tpu.memory_space<vmem>> -> memref<96x128xf32, #tpu.memory_space<vmem>>
        %dma_start3A_428 = arith.constant 104 : i32
        %dma_start3A_429 = tpu.memref_slice %arg20[%dma_start3A_428] : memref<200xi32, #tpu.memory_space<vmem>> -> memref<96xi32, #tpu.memory_space<vmem>>
        %dma_start3A_430 = arith.constant 0 : i32
        %dma_start3A_431 = arith.constant 0 : i32
        %dma_start3A_432 = tpu.memref_slice %arg22[%dma_start3A_430, %dma_start3A_431] : memref<400x128xf32, #tpu.memory_space<vmem_shared>> -> memref<400x128xf32, #tpu.memory_space<vmem_shared>>
        %dma_start3A_433 = tpu.memref_slice %arg25[%dma_start3A_423] : memref<4x!tpu.dma_semaphore, #tpu.memory_space<semaphore_mem>> -> memref<1x!tpu.dma_semaphore, #tpu.memory_space<semaphore_mem>>
        %dma_start3A_434 = tpu.memref_squeeze %dma_start3A_433 : memref<1x!tpu.dma_semaphore, #tpu.memory_space<semaphore_mem>> -> memref<!tpu.dma_semaphore, #tpu.memory_space<semaphore_mem>>
        tpu.enqueue_indirect_dma source(%dma_start3A_432 : memref<400x128xf32, #tpu.memory_space<vmem_shared>>) target(%dma_start3A_427 : memref<96x128xf32, #tpu.memory_space<vmem>>) offsets(%dma_start3A_429 : memref<96xi32, #tpu.memory_space<vmem>>) semaphore(%dma_start3A_434 : memref<!tpu.dma_semaphore, #tpu.memory_space<semaphore_mem>>) {add = true}
      } else {
      }
      %ge3A_316 = arith.constant 0 : i32
      %ge3A_317 = arith.cmpi sge, %sub3A_269, %ge3A_316 : i32
      %lt3A_318 = arith.constant 128 : i32
      %lt3A_319 = arith.cmpi slt, %sub3A_269, %lt3A_318 : i32
      %and3A_320 = arith.andi %ge3A_317, %lt3A_319 : i1
      %convert_element_type3A_321 = arith.extui %and3A_320 : i1 to i32
      %cond3A_322 = arith.constant 0 : i32
      %cond3A_323 = arith.cmpi ne, %convert_element_type3A_321, %cond3A_322 : i32
      scf.if %cond3A_323 {
        %dma_wait3A_384 = arith.constant 2 : i32
        %dma_wait3A_385 = arith.constant 2 : i32
        %dma_wait3A_386 = arith.constant 0 : i32
        %dma_wait3A_387 = arith.constant 0 : i32
        %dma_wait3A_388 = tpu.memref_slice %arg8[%dma_wait3A_384, %dma_wait3A_386, %dma_wait3A_387] : memref<4x200x128xf32, #tpu.memory_space<vmem>> -> memref<1x104x128xf32, #tpu.memory_space<vmem>>
        %dma_wait3A_389 = tpu.memref_squeeze %dma_wait3A_388 : memref<1x104x128xf32, #tpu.memory_space<vmem>> -> memref<104x128xf32, #tpu.memory_space<vmem>>
        %dma_wait3A_390 = arith.constant 0 : i32
        %dma_wait3A_391 = tpu.memref_slice %arg19[%dma_wait3A_390] : memref<200xi32, #tpu.memory_space<vmem>> -> memref<104xi32, #tpu.memory_space<vmem>>
        %dma_wait3A_392 = arith.constant 0 : i32
        %dma_wait3A_393 = arith.constant 0 : i32
        %dma_wait3A_394 = tpu.memref_slice %arg22[%dma_wait3A_392, %dma_wait3A_393] : memref<400x128xf32, #tpu.memory_space<vmem_shared>> -> memref<400x128xf32, #tpu.memory_space<vmem_shared>>
        %dma_wait3A_395 = tpu.memref_slice %arg25[%dma_wait3A_385] : memref<4x!tpu.dma_semaphore, #tpu.memory_space<semaphore_mem>> -> memref<1x!tpu.dma_semaphore, #tpu.memory_space<semaphore_mem>>
        %dma_wait3A_396 = tpu.memref_squeeze %dma_wait3A_395 : memref<1x!tpu.dma_semaphore, #tpu.memory_space<semaphore_mem>> -> memref<!tpu.dma_semaphore, #tpu.memory_space<semaphore_mem>>
        tpu.wait_indirect_dma semaphore(%dma_wait3A_396 : memref<!tpu.dma_semaphore, #tpu.memory_space<semaphore_mem>>) src(%dma_wait3A_394 : memref<400x128xf32, #tpu.memory_space<vmem_shared>>) dst(%dma_wait3A_389 : memref<104x128xf32, #tpu.memory_space<vmem>>)
        %dma_wait3A_397 = arith.constant 2 : i32
        %dma_wait3A_398 = arith.constant 2 : i32
        %dma_wait3A_399 = arith.constant 104 : i32
        %dma_wait3A_400 = arith.constant 0 : i32
        %dma_wait3A_401 = tpu.memref_slice %arg8[%dma_wait3A_397, %dma_wait3A_399, %dma_wait3A_400] : memref<4x200x128xf32, #tpu.memory_space<vmem>> -> memref<1x96x128xf32, #tpu.memory_space<vmem>>
        %dma_wait3A_402 = tpu.memref_squeeze %dma_wait3A_401 : memref<1x96x128xf32, #tpu.memory_space<vmem>> -> memref<96x128xf32, #tpu.memory_space<vmem>>
        %dma_wait3A_403 = arith.constant 104 : i32
        %dma_wait3A_404 = tpu.memref_slice %arg19[%dma_wait3A_403] : memref<200xi32, #tpu.memory_space<vmem>> -> memref<96xi32, #tpu.memory_space<vmem>>
        %dma_wait3A_405 = arith.constant 0 : i32
        %dma_wait3A_406 = arith.constant 0 : i32
        %dma_wait3A_407 = tpu.memref_slice %arg22[%dma_wait3A_405, %dma_wait3A_406] : memref<400x128xf32, #tpu.memory_space<vmem_shared>> -> memref<400x128xf32, #tpu.memory_space<vmem_shared>>
        %dma_wait3A_408 = tpu.memref_slice %arg25[%dma_wait3A_398] : memref<4x!tpu.dma_semaphore, #tpu.memory_space<semaphore_mem>> -> memref<1x!tpu.dma_semaphore, #tpu.memory_space<semaphore_mem>>
        %dma_wait3A_409 = tpu.memref_squeeze %dma_wait3A_408 : memref<1x!tpu.dma_semaphore, #tpu.memory_space<semaphore_mem>> -> memref<!tpu.dma_semaphore, #tpu.memory_space<semaphore_mem>>
        tpu.wait_indirect_dma semaphore(%dma_wait3A_409 : memref<!tpu.dma_semaphore, #tpu.memory_space<semaphore_mem>>) src(%dma_wait3A_407 : memref<400x128xf32, #tpu.memory_space<vmem_shared>>) dst(%dma_wait3A_402 : memref<96x128xf32, #tpu.memory_space<vmem>>)
        %parallel_loop3A = arith.constant 0 : i32
        %parallel_loop3A_410 = arith.constant 200 : i32
        %parallel_loop3A_411 = arith.constant 1 : i32
        scf.for %parallel_loop3A_430 = %parallel_loop3A to %parallel_loop3A_410 step %parallel_loop3A_411  : i32 {
          %parallel_loop3A_431 = arith.constant 2 : i32
          %parallel_loop3A_432 = arith.index_cast %parallel_loop3A_431 : i32 to index
          %parallel_loop3A_433 = arith.index_cast %parallel_loop3A_430 : i32 to index
          %parallel_loop3A_434 = arith.constant 0 : index
          %parallel_loop3A_435 = tpu.vector_load %arg8[%parallel_loop3A_432, %parallel_loop3A_433, %parallel_loop3A_434] {strides = array<i32>} : memref<4x200x128xf32, #tpu.memory_space<vmem>>, vector<16xf32>,
          %parallel_loop3A_436 = arith.constant 2 : i32
          %parallel_loop3A_437 = arith.index_cast %parallel_loop3A_436 : i32 to index
          %parallel_loop3A_438 = arith.index_cast %parallel_loop3A_430 : i32 to index
          %parallel_loop3A_439 = arith.constant 16 : index
          %parallel_loop3A_440 = tpu.vector_load %arg8[%parallel_loop3A_437, %parallel_loop3A_438, %parallel_loop3A_439] {strides = array<i32>} : memref<4x200x128xf32, #tpu.memory_space<vmem>>, vector<16xf32>,
          %parallel_loop3A_441 = arith.constant 2 : i32
          %parallel_loop3A_442 = arith.index_cast %parallel_loop3A_441 : i32 to index
          %parallel_loop3A_443 = arith.index_cast %parallel_loop3A_430 : i32 to index
          %parallel_loop3A_444 = arith.constant 32 : index
          %parallel_loop3A_445 = tpu.vector_load %arg8[%parallel_loop3A_442, %parallel_loop3A_443, %parallel_loop3A_444] {strides = array<i32>} : memref<4x200x128xf32, #tpu.memory_space<vmem>>, vector<16xf32>,
          %parallel_loop3A_446 = arith.constant 2 : i32
          %parallel_loop3A_447 = arith.index_cast %parallel_loop3A_446 : i32 to index
          %parallel_loop3A_448 = arith.index_cast %parallel_loop3A_430 : i32 to index
          %parallel_loop3A_449 = arith.constant 48 : index
          %parallel_loop3A_450 = tpu.vector_load %arg8[%parallel_loop3A_447, %parallel_loop3A_448, %parallel_loop3A_449] {strides = array<i32>} : memref<4x200x128xf32, #tpu.memory_space<vmem>>, vector<16xf32>,
          %parallel_loop3A_451 = arith.constant 2 : i32
          %parallel_loop3A_452 = arith.index_cast %parallel_loop3A_451 : i32 to index
          %parallel_loop3A_453 = arith.index_cast %parallel_loop3A_430 : i32 to index
          %parallel_loop3A_454 = arith.constant 64 : index
          %parallel_loop3A_455 = tpu.vector_load %arg8[%parallel_loop3A_452, %parallel_loop3A_453, %parallel_loop3A_454] {strides = array<i32>} : memref<4x200x128xf32, #tpu.memory_space<vmem>>, vector<16xf32>,
          %parallel_loop3A_456 = arith.constant 2 : i32
          %parallel_loop3A_457 = arith.index_cast %parallel_loop3A_456 : i32 to index
          %parallel_loop3A_458 = arith.index_cast %parallel_loop3A_430 : i32 to index
          %parallel_loop3A_459 = arith.constant 80 : index
          %parallel_loop3A_460 = tpu.vector_load %arg8[%parallel_loop3A_457, %parallel_loop3A_458, %parallel_loop3A_459] {strides = array<i32>} : memref<4x200x128xf32, #tpu.memory_space<vmem>>, vector<16xf32>,
          %parallel_loop3A_461 = arith.constant 2 : i32
          %parallel_loop3A_462 = arith.index_cast %parallel_loop3A_461 : i32 to index
          %parallel_loop3A_463 = arith.index_cast %parallel_loop3A_430 : i32 to index
          %parallel_loop3A_464 = arith.constant 96 : index
          %parallel_loop3A_465 = tpu.vector_load %arg8[%parallel_loop3A_462, %parallel_loop3A_463, %parallel_loop3A_464] {strides = array<i32>} : memref<4x200x128xf32, #tpu.memory_space<vmem>>, vector<16xf32>,
          %parallel_loop3A_466 = arith.constant 2 : i32
          %parallel_loop3A_467 = arith.index_cast %parallel_loop3A_466 : i32 to index
          %parallel_loop3A_468 = arith.index_cast %parallel_loop3A_430 : i32 to index
          %parallel_loop3A_469 = arith.constant 112 : index
          %parallel_loop3A_470 = tpu.vector_load %arg8[%parallel_loop3A_467, %parallel_loop3A_468, %parallel_loop3A_469] {strides = array<i32>} : memref<4x200x128xf32, #tpu.memory_space<vmem>>, vector<16xf32>,
          %parallel_loop3A_471 = arith.addf %parallel_loop3A_435, %parallel_loop3A_440 : vector<16xf32>
          %parallel_loop3A_472 = arith.addf %parallel_loop3A_445, %parallel_loop3A_450 : vector<16xf32>
          %parallel_loop3A_473 = arith.addf %parallel_loop3A_471, %parallel_loop3A_472 : vector<16xf32>
          %parallel_loop3A_474 = arith.addf %parallel_loop3A_455, %parallel_loop3A_460 : vector<16xf32>
          %parallel_loop3A_475 = arith.addf %parallel_loop3A_465, %parallel_loop3A_470 : vector<16xf32>
          %parallel_loop3A_476 = arith.addf %parallel_loop3A_474, %parallel_loop3A_475 : vector<16xf32>
          %parallel_loop3A_477 = arith.mulf %parallel_loop3A_435, %parallel_loop3A_435 : vector<16xf32>
          %parallel_loop3A_478 = arith.mulf %parallel_loop3A_440, %parallel_loop3A_440 : vector<16xf32>
          %parallel_loop3A_479 = arith.addf %parallel_loop3A_477, %parallel_loop3A_478 : vector<16xf32>
          %parallel_loop3A_480 = arith.mulf %parallel_loop3A_445, %parallel_loop3A_445 : vector<16xf32>
          %parallel_loop3A_481 = arith.mulf %parallel_loop3A_450, %parallel_loop3A_450 : vector<16xf32>
          %parallel_loop3A_482 = arith.addf %parallel_loop3A_480, %parallel_loop3A_481 : vector<16xf32>
          %parallel_loop3A_483 = arith.addf %parallel_loop3A_479, %parallel_loop3A_482 : vector<16xf32>
          %parallel_loop3A_484 = arith.mulf %parallel_loop3A_455, %parallel_loop3A_455 : vector<16xf32>
          %parallel_loop3A_485 = arith.mulf %parallel_loop3A_460, %parallel_loop3A_460 : vector<16xf32>
          %parallel_loop3A_486 = arith.addf %parallel_loop3A_484, %parallel_loop3A_485 : vector<16xf32>
          %parallel_loop3A_487 = arith.mulf %parallel_loop3A_465, %parallel_loop3A_465 : vector<16xf32>
          %parallel_loop3A_488 = arith.mulf %parallel_loop3A_470, %parallel_loop3A_470 : vector<16xf32>
          %parallel_loop3A_489 = arith.addf %parallel_loop3A_487, %parallel_loop3A_488 : vector<16xf32>
          %parallel_loop3A_490 = arith.addf %parallel_loop3A_486, %parallel_loop3A_489 : vector<16xf32>
          %parallel_loop3A_491 = arith.addf %parallel_loop3A_473, %parallel_loop3A_476 : vector<16xf32>
          %parallel_loop3A_492 = arith.constant true
          %parallel_loop3A_493 = vector.broadcast %parallel_loop3A_492 : i1 to vector<16xi1>
          %parallel_loop3A_494 = tpu.scan <sum>, %parallel_loop3A_491 masked %parallel_loop3A_493 : vector<16xf32>, vector<16xi1> -> vector<16xf32>
          %parallel_loop3A_495 = vector.extract %parallel_loop3A_494[15] : f32 from vector<16xf32>
          %parallel_loop3A_496 = arith.constant 7.812500e-03 : f32
          %parallel_loop3A_497 = arith.mulf %parallel_loop3A_495, %parallel_loop3A_496 : f32
          %parallel_loop3A_498 = arith.addf %parallel_loop3A_483, %parallel_loop3A_490 : vector<16xf32>
          %parallel_loop3A_499 = arith.constant true
          %parallel_loop3A_500 = vector.broadcast %parallel_loop3A_499 : i1 to vector<16xi1>
          %parallel_loop3A_501 = tpu.scan <sum>, %parallel_loop3A_498 masked %parallel_loop3A_500 : vector<16xf32>, vector<16xi1> -> vector<16xf32>
          %parallel_loop3A_502 = vector.extract %parallel_loop3A_501[15] : f32 from vector<16xf32>
          %parallel_loop3A_503 = arith.constant 7.812500e-03 : f32
          %parallel_loop3A_504 = arith.mulf %parallel_loop3A_502, %parallel_loop3A_503 : f32
          %parallel_loop3A_505 = arith.mulf %parallel_loop3A_497, %parallel_loop3A_497 : f32
          %parallel_loop3A_506 = arith.subf %parallel_loop3A_504, %parallel_loop3A_505 : f32
          %parallel_loop3A_507 = arith.constant 9.99999996E-13 : f32
          %parallel_loop3A_508 = arith.addf %parallel_loop3A_506, %parallel_loop3A_507 : f32
          %parallel_loop3A_509 = arith.bitcast %parallel_loop3A_508 : f32 to i32
          %parallel_loop3A_510 = arith.constant 1 : i32
          %parallel_loop3A_511 = arith.shrsi %parallel_loop3A_509, %parallel_loop3A_510 : i32
          %parallel_loop3A_512 = arith.constant 1597463007 : i32
          %parallel_loop3A_513 = arith.subi %parallel_loop3A_512, %parallel_loop3A_511 : i32
          %parallel_loop3A_514 = arith.bitcast %parallel_loop3A_513 : i32 to f32
          %parallel_loop3A_515 = arith.constant 5.000000e-01 : f32
          %parallel_loop3A_516 = arith.mulf %parallel_loop3A_515, %parallel_loop3A_508 : f32
          %parallel_loop3A_517 = arith.mulf %parallel_loop3A_516, %parallel_loop3A_514 : f32
          %parallel_loop3A_518 = arith.mulf %parallel_loop3A_517, %parallel_loop3A_514 : f32
          %parallel_loop3A_519 = arith.constant 1.500000e+00 : f32
          %parallel_loop3A_520 = arith.subf %parallel_loop3A_519, %parallel_loop3A_518 : f32
          %parallel_loop3A_521 = arith.mulf %parallel_loop3A_514, %parallel_loop3A_520 : f32
          %parallel_loop3A_522 = arith.constant 5.000000e-01 : f32
          %parallel_loop3A_523 = arith.mulf %parallel_loop3A_522, %parallel_loop3A_508 : f32
          %parallel_loop3A_524 = arith.mulf %parallel_loop3A_523, %parallel_loop3A_521 : f32
          %parallel_loop3A_525 = arith.mulf %parallel_loop3A_524, %parallel_loop3A_521 : f32
          %parallel_loop3A_526 = arith.constant 1.500000e+00 : f32
          %parallel_loop3A_527 = arith.subf %parallel_loop3A_526, %parallel_loop3A_525 : f32
          %parallel_loop3A_528 = arith.mulf %parallel_loop3A_521, %parallel_loop3A_527 : f32
          %parallel_loop3A_529 = arith.constant 5.000000e-01 : f32
          %parallel_loop3A_530 = arith.mulf %parallel_loop3A_529, %parallel_loop3A_508 : f32
          %parallel_loop3A_531 = arith.mulf %parallel_loop3A_530, %parallel_loop3A_528 : f32
          %parallel_loop3A_532 = arith.mulf %parallel_loop3A_531, %parallel_loop3A_528 : f32
          %parallel_loop3A_533 = arith.constant 1.500000e+00 : f32
          %parallel_loop3A_534 = arith.subf %parallel_loop3A_533, %parallel_loop3A_532 : f32
          %parallel_loop3A_535 = arith.mulf %parallel_loop3A_528, %parallel_loop3A_534 : f32
          %parallel_loop3A_536 = arith.mulf %parallel_loop3A_497, %parallel_loop3A_535 : f32
          %parallel_loop3A_537 = vector.broadcast %parallel_loop3A_535 : f32 to vector<16xf32>
          %parallel_loop3A_538 = arith.mulf %parallel_loop3A_435, %parallel_loop3A_537 : vector<16xf32>
          %parallel_loop3A_539 = vector.broadcast %parallel_loop3A_536 : f32 to vector<16xf32>
          %parallel_loop3A_540 = arith.subf %parallel_loop3A_538, %parallel_loop3A_539 : vector<16xf32>
          %parallel_loop3A_541 = arith.mulf %parallel_loop3A_540, %get3A_7 : vector<16xf32>
          %parallel_loop3A_542 = arith.addf %parallel_loop3A_541, %get3A_39 : vector<16xf32>
          %parallel_loop3A_543 = arith.constant 2 : i32
          %parallel_loop3A_544 = arith.index_cast %parallel_loop3A_543 : i32 to index
          %parallel_loop3A_545 = arith.index_cast %parallel_loop3A_430 : i32 to index
          %parallel_loop3A_546 = arith.constant 0 : index
          %parallel_loop3A_547 = tpu.vector_load %arg8[%parallel_loop3A_544, %parallel_loop3A_545, %parallel_loop3A_546] {strides = array<i32>} : memref<4x200x128xf32, #tpu.memory_space<vmem>>, vector<16xf32>,
          tpu.vector_store %arg8[%parallel_loop3A_544, %parallel_loop3A_545, %parallel_loop3A_546], %parallel_loop3A_542 {strides = array<i32>} : memref<4x200x128xf32, #tpu.memory_space<vmem>>, vector<16xf32>,
          %parallel_loop3A_548 = vector.broadcast %parallel_loop3A_535 : f32 to vector<16xf32>
          %parallel_loop3A_549 = arith.mulf %parallel_loop3A_440, %parallel_loop3A_548 : vector<16xf32>
          %parallel_loop3A_550 = vector.broadcast %parallel_loop3A_536 : f32 to vector<16xf32>
          %parallel_loop3A_551 = arith.subf %parallel_loop3A_549, %parallel_loop3A_550 : vector<16xf32>
          %parallel_loop3A_552 = arith.mulf %parallel_loop3A_551, %get3A_11 : vector<16xf32>
          %parallel_loop3A_553 = arith.addf %parallel_loop3A_552, %get3A_43 : vector<16xf32>
          %parallel_loop3A_554 = arith.constant 2 : i32
          %parallel_loop3A_555 = arith.index_cast %parallel_loop3A_554 : i32 to index
          %parallel_loop3A_556 = arith.index_cast %parallel_loop3A_430 : i32 to index
          %parallel_loop3A_557 = arith.constant 16 : index
          %parallel_loop3A_558 = tpu.vector_load %arg8[%parallel_loop3A_555, %parallel_loop3A_556, %parallel_loop3A_557] {strides = array<i32>} : memref<4x200x128xf32, #tpu.memory_space<vmem>>, vector<16xf32>,
          tpu.vector_store %arg8[%parallel_loop3A_555, %parallel_loop3A_556, %parallel_loop3A_557], %parallel_loop3A_553 {strides = array<i32>} : memref<4x200x128xf32, #tpu.memory_space<vmem>>, vector<16xf32>,
          %parallel_loop3A_559 = vector.broadcast %parallel_loop3A_535 : f32 to vector<16xf32>
          %parallel_loop3A_560 = arith.mulf %parallel_loop3A_445, %parallel_loop3A_559 : vector<16xf32>
          %parallel_loop3A_561 = vector.broadcast %parallel_loop3A_536 : f32 to vector<16xf32>
          %parallel_loop3A_562 = arith.subf %parallel_loop3A_560, %parallel_loop3A_561 : vector<16xf32>
          %parallel_loop3A_563 = arith.mulf %parallel_loop3A_562, %get3A_15 : vector<16xf32>
          %parallel_loop3A_564 = arith.addf %parallel_loop3A_563, %get3A_47 : vector<16xf32>
          %parallel_loop3A_565 = arith.constant 2 : i32
          %parallel_loop3A_566 = arith.index_cast %parallel_loop3A_565 : i32 to index
          %parallel_loop3A_567 = arith.index_cast %parallel_loop3A_430 : i32 to index
          %parallel_loop3A_568 = arith.constant 32 : index
          %parallel_loop3A_569 = tpu.vector_load %arg8[%parallel_loop3A_566, %parallel_loop3A_567, %parallel_loop3A_568] {strides = array<i32>} : memref<4x200x128xf32, #tpu.memory_space<vmem>>, vector<16xf32>,
          tpu.vector_store %arg8[%parallel_loop3A_566, %parallel_loop3A_567, %parallel_loop3A_568], %parallel_loop3A_564 {strides = array<i32>} : memref<4x200x128xf32, #tpu.memory_space<vmem>>, vector<16xf32>,
          %parallel_loop3A_570 = vector.broadcast %parallel_loop3A_535 : f32 to vector<16xf32>
          %parallel_loop3A_571 = arith.mulf %parallel_loop3A_450, %parallel_loop3A_570 : vector<16xf32>
          %parallel_loop3A_572 = vector.broadcast %parallel_loop3A_536 : f32 to vector<16xf32>
          %parallel_loop3A_573 = arith.subf %parallel_loop3A_571, %parallel_loop3A_572 : vector<16xf32>
          %parallel_loop3A_574 = arith.mulf %parallel_loop3A_573, %get3A_19 : vector<16xf32>
          %parallel_loop3A_575 = arith.addf %parallel_loop3A_574, %get3A_51 : vector<16xf32>
          %parallel_loop3A_576 = arith.constant 2 : i32
          %parallel_loop3A_577 = arith.index_cast %parallel_loop3A_576 : i32 to index
          %parallel_loop3A_578 = arith.index_cast %parallel_loop3A_430 : i32 to index
          %parallel_loop3A_579 = arith.constant 48 : index
          %parallel_loop3A_580 = tpu.vector_load %arg8[%parallel_loop3A_577, %parallel_loop3A_578, %parallel_loop3A_579] {strides = array<i32>} : memref<4x200x128xf32, #tpu.memory_space<vmem>>, vector<16xf32>,
          tpu.vector_store %arg8[%parallel_loop3A_577, %parallel_loop3A_578, %parallel_loop3A_579], %parallel_loop3A_575 {strides = array<i32>} : memref<4x200x128xf32, #tpu.memory_space<vmem>>, vector<16xf32>,
          %parallel_loop3A_581 = vector.broadcast %parallel_loop3A_535 : f32 to vector<16xf32>
          %parallel_loop3A_582 = arith.mulf %parallel_loop3A_455, %parallel_loop3A_581 : vector<16xf32>
          %parallel_loop3A_583 = vector.broadcast %parallel_loop3A_536 : f32 to vector<16xf32>
          %parallel_loop3A_584 = arith.subf %parallel_loop3A_582, %parallel_loop3A_583 : vector<16xf32>
          %parallel_loop3A_585 = arith.mulf %parallel_loop3A_584, %get3A_23 : vector<16xf32>
          %parallel_loop3A_586 = arith.addf %parallel_loop3A_585, %get3A_55 : vector<16xf32>
          %parallel_loop3A_587 = arith.constant 2 : i32
          %parallel_loop3A_588 = arith.index_cast %parallel_loop3A_587 : i32 to index
          %parallel_loop3A_589 = arith.index_cast %parallel_loop3A_430 : i32 to index
          %parallel_loop3A_590 = arith.constant 64 : index
          %parallel_loop3A_591 = tpu.vector_load %arg8[%parallel_loop3A_588, %parallel_loop3A_589, %parallel_loop3A_590] {strides = array<i32>} : memref<4x200x128xf32, #tpu.memory_space<vmem>>, vector<16xf32>,
          tpu.vector_store %arg8[%parallel_loop3A_588, %parallel_loop3A_589, %parallel_loop3A_590], %parallel_loop3A_586 {strides = array<i32>} : memref<4x200x128xf32, #tpu.memory_space<vmem>>, vector<16xf32>,
          %parallel_loop3A_592 = vector.broadcast %parallel_loop3A_535 : f32 to vector<16xf32>
          %parallel_loop3A_593 = arith.mulf %parallel_loop3A_460, %parallel_loop3A_592 : vector<16xf32>
          %parallel_loop3A_594 = vector.broadcast %parallel_loop3A_536 : f32 to vector<16xf32>
          %parallel_loop3A_595 = arith.subf %parallel_loop3A_593, %parallel_loop3A_594 : vector<16xf32>
          %parallel_loop3A_596 = arith.mulf %parallel_loop3A_595, %get3A_27 : vector<16xf32>
          %parallel_loop3A_597 = arith.addf %parallel_loop3A_596, %get3A_59 : vector<16xf32>
          %parallel_loop3A_598 = arith.constant 2 : i32
          %parallel_loop3A_599 = arith.index_cast %parallel_loop3A_598 : i32 to index
          %parallel_loop3A_600 = arith.index_cast %parallel_loop3A_430 : i32 to index
          %parallel_loop3A_601 = arith.constant 80 : index
          %parallel_loop3A_602 = tpu.vector_load %arg8[%parallel_loop3A_599, %parallel_loop3A_600, %parallel_loop3A_601] {strides = array<i32>} : memref<4x200x128xf32, #tpu.memory_space<vmem>>, vector<16xf32>,
          tpu.vector_store %arg8[%parallel_loop3A_599, %parallel_loop3A_600, %parallel_loop3A_601], %parallel_loop3A_597 {strides = array<i32>} : memref<4x200x128xf32, #tpu.memory_space<vmem>>, vector<16xf32>,
          %parallel_loop3A_603 = vector.broadcast %parallel_loop3A_535 : f32 to vector<16xf32>
          %parallel_loop3A_604 = arith.mulf %parallel_loop3A_465, %parallel_loop3A_603 : vector<16xf32>
          %parallel_loop3A_605 = vector.broadcast %parallel_loop3A_536 : f32 to vector<16xf32>
          %parallel_loop3A_606 = arith.subf %parallel_loop3A_604, %parallel_loop3A_605 : vector<16xf32>
          %parallel_loop3A_607 = arith.mulf %parallel_loop3A_606, %get3A_31 : vector<16xf32>
          %parallel_loop3A_608 = arith.addf %parallel_loop3A_607, %get3A_63 : vector<16xf32>
          %parallel_loop3A_609 = arith.constant 2 : i32
          %parallel_loop3A_610 = arith.index_cast %parallel_loop3A_609 : i32 to index
          %parallel_loop3A_611 = arith.index_cast %parallel_loop3A_430 : i32 to index
          %parallel_loop3A_612 = arith.constant 96 : index
          %parallel_loop3A_613 = tpu.vector_load %arg8[%parallel_loop3A_610, %parallel_loop3A_611, %parallel_loop3A_612] {strides = array<i32>} : memref<4x200x128xf32, #tpu.memory_space<vmem>>, vector<16xf32>,
          tpu.vector_store %arg8[%parallel_loop3A_610, %parallel_loop3A_611, %parallel_loop3A_612], %parallel_loop3A_608 {strides = array<i32>} : memref<4x200x128xf32, #tpu.memory_space<vmem>>, vector<16xf32>,
          %parallel_loop3A_614 = vector.broadcast %parallel_loop3A_535 : f32 to vector<16xf32>
          %parallel_loop3A_615 = arith.mulf %parallel_loop3A_470, %parallel_loop3A_614 : vector<16xf32>
          %parallel_loop3A_616 = vector.broadcast %parallel_loop3A_536 : f32 to vector<16xf32>
          %parallel_loop3A_617 = arith.subf %parallel_loop3A_615, %parallel_loop3A_616 : vector<16xf32>
          %parallel_loop3A_618 = arith.mulf %parallel_loop3A_617, %get3A_35 : vector<16xf32>
          %parallel_loop3A_619 = arith.addf %parallel_loop3A_618, %get3A_67 : vector<16xf32>
          %parallel_loop3A_620 = arith.constant 2 : i32
          %parallel_loop3A_621 = arith.index_cast %parallel_loop3A_620 : i32 to index
          %parallel_loop3A_622 = arith.index_cast %parallel_loop3A_430 : i32 to index
          %parallel_loop3A_623 = arith.constant 112 : index
          %parallel_loop3A_624 = tpu.vector_load %arg8[%parallel_loop3A_621, %parallel_loop3A_622, %parallel_loop3A_623] {strides = array<i32>} : memref<4x200x128xf32, #tpu.memory_space<vmem>>, vector<16xf32>,
          tpu.vector_store %arg8[%parallel_loop3A_621, %parallel_loop3A_622, %parallel_loop3A_623], %parallel_loop3A_619 {strides = array<i32>} : memref<4x200x128xf32, #tpu.memory_space<vmem>>, vector<16xf32>,
        } {sc.loop_unroll_factor = 4 : i64, sc.parallel_access}
        %mul3A_412 = arith.constant 200 : i32
        %mul3A_413 = arith.muli %sub3A_269, %mul3A_412 : i32
        %add3A_414 = arith.addi %mul3A_2, %mul3A_413 : i32
        %dma_start3A = arith.constant 2 : i32
        %dma_start3A_415 = arith.constant 2 : i32
        %dma_start3A_416 = arith.constant 0 : i32
        %dma_start3A_417 = arith.constant 0 : i32
        %dma_start3A_418 = tpu.memref_slice %arg8[%dma_start3A, %dma_start3A_416, %dma_start3A_417] : memref<4x200x128xf32, #tpu.memory_space<vmem>> -> memref<1x200x128xf32, #tpu.memory_space<vmem>>
        %dma_start3A_419 = tpu.memref_squeeze %dma_start3A_418 : memref<1x200x128xf32, #tpu.memory_space<vmem>> -> memref<200x128xf32, #tpu.memory_space<vmem>>
        %dma_start3A_420 = arith.constant 0 : i32
        %dma_start3A_421 = tpu.memref_slice %arg7[%add3A_414, %dma_start3A_420] : memref<819200x128xf32, #tpu.memory_space<hbm>> -> memref<200x128xf32, #tpu.memory_space<hbm>>
        %dma_start3A_422 = tpu.memref_slice %arg26[%dma_start3A_415] : memref<4x!tpu.dma_semaphore, #tpu.memory_space<semaphore_mem>> -> memref<1x!tpu.dma_semaphore, #tpu.memory_space<semaphore_mem>>
        %dma_start3A_423 = tpu.memref_squeeze %dma_start3A_422 : memref<1x!tpu.dma_semaphore, #tpu.memory_space<semaphore_mem>> -> memref<!tpu.dma_semaphore, #tpu.memory_space<semaphore_mem>>
        %dma_start3A_424 = arith.constant 0 : i32
        %dma_start3A_425 = tpu.memref_slice %arg7[%add3A_414, %dma_start3A_424] : memref<819200x128xf32, #tpu.memory_space<hbm>> -> memref<200x128xf32, #tpu.memory_space<hbm>>
        %dma_start3A_426 = arith.constant 0 : i32
        %dma_start3A_427 = arith.constant 0 : i32
        %dma_start3A_428 = tpu.memref_slice %arg8[%dma_start3A, %dma_start3A_426, %dma_start3A_427] : memref<4x200x128xf32, #tpu.memory_space<vmem>> -> memref<1x200x128xf32, #tpu.memory_space<vmem>>
        %dma_start3A_429 = tpu.memref_squeeze %dma_start3A_428 : memref<1x200x128xf32, #tpu.memory_space<vmem>> -> memref<200x128xf32, #tpu.memory_space<vmem>>
        tpu.enqueue_dma source(%dma_start3A_429 : memref<200x128xf32, #tpu.memory_space<vmem>>) target(%dma_start3A_425 : memref<200x128xf32, #tpu.memory_space<hbm>>) target_semaphore(%dma_start3A_423 : memref<!tpu.dma_semaphore, #tpu.memory_space<semaphore_mem>>)
      } else {
      }
      %mul3A_324 = arith.constant 4 : i32
      %mul3A_325 = arith.muli %mul3A_324, %scan3A_147 : i32
      %add3A_326 = arith.constant 3 : i32
      %add3A_327 = arith.addi %mul3A_325, %add3A_326 : i32
      %sub3A_328 = arith.constant 4 : i32
      %sub3A_329 = arith.subi %add3A_327, %sub3A_328 : i32
      %add3A_330 = arith.constant 3 : i32
      %add3A_331 = arith.addi %sub3A_329, %add3A_330 : i32
      %add3A_332 = arith.constant 2 : i32
      %add3A_333 = arith.addi %sub3A_329, %add3A_332 : i32
      %add3A_334 = arith.constant 1 : i32
      %add3A_335 = arith.addi %sub3A_329, %add3A_334 : i32
      %ge3A_336 = arith.constant 0 : i32
      %ge3A_337 = arith.cmpi sge, %add3A_331, %ge3A_336 : i32
      %lt3A_338 = arith.constant 128 : i32
      %lt3A_339 = arith.cmpi slt, %add3A_331, %lt3A_338 : i32
      %and3A_340 = arith.andi %ge3A_337, %lt3A_339 : i1
      %convert_element_type3A_341 = arith.extui %and3A_340 : i1 to i32
      %cond3A_342 = arith.constant 0 : i32
      %cond3A_343 = arith.cmpi ne, %convert_element_type3A_341, %cond3A_342 : i32
      scf.if %cond3A_343 {
        %mul3A_384 = arith.constant 200 : i32
        %mul3A_385 = arith.muli %add3A_331, %mul3A_384 : i32
        %add3A_386 = arith.addi %mul3A_2, %mul3A_385 : i32
        %dma_start3A = arith.constant 2 : i32
        %dma_start3A_387 = tpu.memref_slice %arg2[%add3A_386] : memref<819200xi32, #tpu.memory_space<hbm>> -> memref<200xi32, #tpu.memory_space<hbm>>
        %dma_start3A_388 = tpu.memref_slice %arg23[%dma_start3A] : memref<4x!tpu.dma_semaphore, #tpu.memory_space<semaphore_mem>> -> memref<1x!tpu.dma_semaphore, #tpu.memory_space<semaphore_mem>>
        %dma_start3A_389 = tpu.memref_squeeze %dma_start3A_388 : memref<1x!tpu.dma_semaphore, #tpu.memory_space<semaphore_mem>> -> memref<!tpu.dma_semaphore, #tpu.memory_space<semaphore_mem>>
        %dma_start3A_390 = tpu.memref_slice %arg2[%add3A_386] : memref<819200xi32, #tpu.memory_space<hbm>> -> memref<200xi32, #tpu.memory_space<hbm>>
        tpu.enqueue_dma source(%dma_start3A_390 : memref<200xi32, #tpu.memory_space<hbm>>) target(%arg11 : memref<200xi32, #tpu.memory_space<vmem>>) target_semaphore(%dma_start3A_389 : memref<!tpu.dma_semaphore, #tpu.memory_space<semaphore_mem>>)
        %dma_start3A_391 = arith.constant 2 : i32
        %dma_start3A_392 = tpu.memref_slice %arg3[%add3A_386] : memref<819200xi32, #tpu.memory_space<hbm>> -> memref<200xi32, #tpu.memory_space<hbm>>
        %dma_start3A_393 = tpu.memref_slice %arg23[%dma_start3A_391] : memref<4x!tpu.dma_semaphore, #tpu.memory_space<semaphore_mem>> -> memref<1x!tpu.dma_semaphore, #tpu.memory_space<semaphore_mem>>
        %dma_start3A_394 = tpu.memref_squeeze %dma_start3A_393 : memref<1x!tpu.dma_semaphore, #tpu.memory_space<semaphore_mem>> -> memref<!tpu.dma_semaphore, #tpu.memory_space<semaphore_mem>>
        %dma_start3A_395 = tpu.memref_slice %arg3[%add3A_386] : memref<819200xi32, #tpu.memory_space<hbm>> -> memref<200xi32, #tpu.memory_space<hbm>>
        tpu.enqueue_dma source(%dma_start3A_395 : memref<200xi32, #tpu.memory_space<hbm>>) target(%arg15 : memref<200xi32, #tpu.memory_space<vmem>>) target_semaphore(%dma_start3A_394 : memref<!tpu.dma_semaphore, #tpu.memory_space<semaphore_mem>>)
      } else {
      }
      %ge3A_344 = arith.constant 0 : i32
      %ge3A_345 = arith.cmpi sge, %add3A_333, %ge3A_344 : i32
      %lt3A_346 = arith.constant 128 : i32
      %lt3A_347 = arith.cmpi slt, %add3A_333, %lt3A_346 : i32
      %and3A_348 = arith.andi %ge3A_345, %lt3A_347 : i1
      %convert_element_type3A_349 = arith.extui %and3A_348 : i1 to i32
      %cond3A_350 = arith.constant 0 : i32
      %cond3A_351 = arith.cmpi ne, %convert_element_type3A_349, %cond3A_350 : i32
      scf.if %cond3A_351 {
        %mul3A_384 = arith.constant 200 : i32
        %mul3A_385 = arith.muli %add3A_333, %mul3A_384 : i32
        %add3A_386 = arith.addi %mul3A_2, %mul3A_385 : i32
        %dma_wait3A_387 = arith.constant 1 : i32
        %dma_wait3A_388 = tpu.memref_slice %arg2[%add3A_386] : memref<819200xi32, #tpu.memory_space<hbm>> -> memref<200xi32, #tpu.memory_space<hbm>>
        %dma_wait3A_389 = tpu.memref_slice %arg23[%dma_wait3A_387] : memref<4x!tpu.dma_semaphore, #tpu.memory_space<semaphore_mem>> -> memref<1x!tpu.dma_semaphore, #tpu.memory_space<semaphore_mem>>
        %dma_wait3A_390 = tpu.memref_squeeze %dma_wait3A_389 : memref<1x!tpu.dma_semaphore, #tpu.memory_space<semaphore_mem>> -> memref<!tpu.dma_semaphore, #tpu.memory_space<semaphore_mem>>
        %dma_wait3A_391 = tpu.memref_slice %arg2[%add3A_386] : memref<819200xi32, #tpu.memory_space<hbm>> -> memref<200xi32, #tpu.memory_space<hbm>>
        tpu.wait_dma2 semaphore(%dma_wait3A_390 : memref<!tpu.dma_semaphore, #tpu.memory_space<semaphore_mem>>) src(%dma_wait3A_391 : memref<200xi32, #tpu.memory_space<hbm>>) dst(%arg10 : memref<200xi32, #tpu.memory_space<vmem>>)
        %dma_wait3A_392 = arith.constant 1 : i32
        %dma_wait3A_393 = tpu.memref_slice %arg3[%add3A_386] : memref<819200xi32, #tpu.memory_space<hbm>> -> memref<200xi32, #tpu.memory_space<hbm>>
        %dma_wait3A_394 = tpu.memref_slice %arg23[%dma_wait3A_392] : memref<4x!tpu.dma_semaphore, #tpu.memory_space<semaphore_mem>> -> memref<1x!tpu.dma_semaphore, #tpu.memory_space<semaphore_mem>>
        %dma_wait3A_395 = tpu.memref_squeeze %dma_wait3A_394 : memref<1x!tpu.dma_semaphore, #tpu.memory_space<semaphore_mem>> -> memref<!tpu.dma_semaphore, #tpu.memory_space<semaphore_mem>>
        %dma_wait3A_396 = tpu.memref_slice %arg3[%add3A_386] : memref<819200xi32, #tpu.memory_space<hbm>> -> memref<200xi32, #tpu.memory_space<hbm>>
        tpu.wait_dma2 semaphore(%dma_wait3A_395 : memref<!tpu.dma_semaphore, #tpu.memory_space<semaphore_mem>>) src(%dma_wait3A_396 : memref<200xi32, #tpu.memory_space<hbm>>) dst(%arg14 : memref<200xi32, #tpu.memory_space<vmem>>)
        %get3A_397 = arith.constant 0 : index
        %get3A_398 = tpu.vector_load %arg14[%get3A_397] {strides = array<i32>} : memref<200xi32, #tpu.memory_space<vmem>>, vector<16xi32>,
        %add3A_399 = arith.constant 0 : i32
        %add3A_400 = vector.broadcast %add3A_399 : i32 to vector<16xi32>
        %add3A_401 = arith.addi %mul3A_70, %add3A_400 : vector<16xi32>
        %add3A_402 = arith.addi %get3A_398, %add3A_401 : vector<16xi32>
        %swap3A = arith.constant 0 : index
        %swap3A_403 = tpu.vector_load %arg18[%swap3A] {strides = array<i32>} : memref<200xi32, #tpu.memory_space<vmem>>, vector<16xi32>,
        tpu.vector_store %arg18[%swap3A], %add3A_402 {strides = array<i32>} : memref<200xi32, #tpu.memory_space<vmem>>, vector<16xi32>,
        %get3A_404 = arith.constant 16 : index
        %get3A_405 = tpu.vector_load %arg14[%get3A_404] {strides = array<i32>} : memref<200xi32, #tpu.memory_space<vmem>>, vector<16xi32>,
        %add3A_406 = arith.constant 32 : i32
        %add3A_407 = vector.broadcast %add3A_406 : i32 to vector<16xi32>
        %add3A_408 = arith.addi %mul3A_70, %add3A_407 : vector<16xi32>
        %add3A_409 = arith.addi %get3A_405, %add3A_408 : vector<16xi32>
        %swap3A_410 = arith.constant 16 : index
        %swap3A_411 = tpu.vector_load %arg18[%swap3A_410] {strides = array<i32>} : memref<200xi32, #tpu.memory_space<vmem>>, vector<16xi32>,
        tpu.vector_store %arg18[%swap3A_410], %add3A_409 {strides = array<i32>} : memref<200xi32, #tpu.memory_space<vmem>>, vector<16xi32>,
        %get3A_412 = arith.constant 32 : index
        %get3A_413 = tpu.vector_load %arg14[%get3A_412] {strides = array<i32>} : memref<200xi32, #tpu.memory_space<vmem>>, vector<16xi32>,
        %add3A_414 = arith.constant 64 : i32
        %add3A_415 = vector.broadcast %add3A_414 : i32 to vector<16xi32>
        %add3A_416 = arith.addi %mul3A_70, %add3A_415 : vector<16xi32>
        %add3A_417 = arith.addi %get3A_413, %add3A_416 : vector<16xi32>
        %swap3A_418 = arith.constant 32 : index
        %swap3A_419 = tpu.vector_load %arg18[%swap3A_418] {strides = array<i32>} : memref<200xi32, #tpu.memory_space<vmem>>, vector<16xi32>,
        tpu.vector_store %arg18[%swap3A_418], %add3A_417 {strides = array<i32>} : memref<200xi32, #tpu.memory_space<vmem>>, vector<16xi32>,
        %get3A_420 = arith.constant 48 : index
        %get3A_421 = tpu.vector_load %arg14[%get3A_420] {strides = array<i32>} : memref<200xi32, #tpu.memory_space<vmem>>, vector<16xi32>,
        %add3A_422 = arith.constant 96 : i32
        %add3A_423 = vector.broadcast %add3A_422 : i32 to vector<16xi32>
        %add3A_424 = arith.addi %mul3A_70, %add3A_423 : vector<16xi32>
        %add3A_425 = arith.addi %get3A_421, %add3A_424 : vector<16xi32>
        %swap3A_426 = arith.constant 48 : index
        %swap3A_427 = tpu.vector_load %arg18[%swap3A_426] {strides = array<i32>} : memref<200xi32, #tpu.memory_space<vmem>>, vector<16xi32>,
        tpu.vector_store %arg18[%swap3A_426], %add3A_425 {strides = array<i32>} : memref<200xi32, #tpu.memory_space<vmem>>, vector<16xi32>,
        %get3A_428 = arith.constant 64 : index
        %get3A_429 = tpu.vector_load %arg14[%get3A_428] {strides = array<i32>} : memref<200xi32, #tpu.memory_space<vmem>>, vector<16xi32>,
        %add3A_430 = arith.constant 128 : i32
        %add3A_431 = vector.broadcast %add3A_430 : i32 to vector<16xi32>
        %add3A_432 = arith.addi %mul3A_70, %add3A_431 : vector<16xi32>
        %add3A_433 = arith.addi %get3A_429, %add3A_432 : vector<16xi32>
        %swap3A_434 = arith.constant 64 : index
        %swap3A_435 = tpu.vector_load %arg18[%swap3A_434] {strides = array<i32>} : memref<200xi32, #tpu.memory_space<vmem>>, vector<16xi32>,
        tpu.vector_store %arg18[%swap3A_434], %add3A_433 {strides = array<i32>} : memref<200xi32, #tpu.memory_space<vmem>>, vector<16xi32>,
        %get3A_436 = arith.constant 80 : index
        %get3A_437 = tpu.vector_load %arg14[%get3A_436] {strides = array<i32>} : memref<200xi32, #tpu.memory_space<vmem>>, vector<16xi32>,
        %add3A_438 = arith.constant 160 : i32
        %add3A_439 = vector.broadcast %add3A_438 : i32 to vector<16xi32>
        %add3A_440 = arith.addi %mul3A_70, %add3A_439 : vector<16xi32>
        %add3A_441 = arith.addi %get3A_437, %add3A_440 : vector<16xi32>
        %swap3A_442 = arith.constant 80 : index
        %swap3A_443 = tpu.vector_load %arg18[%swap3A_442] {strides = array<i32>} : memref<200xi32, #tpu.memory_space<vmem>>, vector<16xi32>,
        tpu.vector_store %arg18[%swap3A_442], %add3A_441 {strides = array<i32>} : memref<200xi32, #tpu.memory_space<vmem>>, vector<16xi32>,
        %get3A_444 = arith.constant 96 : index
        %get3A_445 = tpu.vector_load %arg14[%get3A_444] {strides = array<i32>} : memref<200xi32, #tpu.memory_space<vmem>>, vector<16xi32>,
        %add3A_446 = arith.constant 192 : i32
        %add3A_447 = vector.broadcast %add3A_446 : i32 to vector<16xi32>
        %add3A_448 = arith.addi %mul3A_70, %add3A_447 : vector<16xi32>
        %add3A_449 = arith.addi %get3A_445, %add3A_448 : vector<16xi32>
        %swap3A_450 = arith.constant 96 : index
        %swap3A_451 = tpu.vector_load %arg18[%swap3A_450] {strides = array<i32>} : memref<200xi32, #tpu.memory_space<vmem>>, vector<16xi32>,
        tpu.vector_store %arg18[%swap3A_450], %add3A_449 {strides = array<i32>} : memref<200xi32, #tpu.memory_space<vmem>>, vector<16xi32>,
        %get3A_452 = arith.constant 112 : index
        %get3A_453 = tpu.vector_load %arg14[%get3A_452] {strides = array<i32>} : memref<200xi32, #tpu.memory_space<vmem>>, vector<16xi32>,
        %add3A_454 = arith.constant 224 : i32
        %add3A_455 = vector.broadcast %add3A_454 : i32 to vector<16xi32>
        %add3A_456 = arith.addi %mul3A_70, %add3A_455 : vector<16xi32>
        %add3A_457 = arith.addi %get3A_453, %add3A_456 : vector<16xi32>
        %swap3A_458 = arith.constant 112 : index
        %swap3A_459 = tpu.vector_load %arg18[%swap3A_458] {strides = array<i32>} : memref<200xi32, #tpu.memory_space<vmem>>, vector<16xi32>,
        tpu.vector_store %arg18[%swap3A_458], %add3A_457 {strides = array<i32>} : memref<200xi32, #tpu.memory_space<vmem>>, vector<16xi32>,
        %get3A_460 = arith.constant 128 : index
        %get3A_461 = tpu.vector_load %arg14[%get3A_460] {strides = array<i32>} : memref<200xi32, #tpu.memory_space<vmem>>, vector<16xi32>,
        %add3A_462 = arith.constant 256 : i32
        %add3A_463 = vector.broadcast %add3A_462 : i32 to vector<16xi32>
        %add3A_464 = arith.addi %mul3A_70, %add3A_463 : vector<16xi32>
        %add3A_465 = arith.addi %get3A_461, %add3A_464 : vector<16xi32>
        %swap3A_466 = arith.constant 128 : index
        %swap3A_467 = tpu.vector_load %arg18[%swap3A_466] {strides = array<i32>} : memref<200xi32, #tpu.memory_space<vmem>>, vector<16xi32>,
        tpu.vector_store %arg18[%swap3A_466], %add3A_465 {strides = array<i32>} : memref<200xi32, #tpu.memory_space<vmem>>, vector<16xi32>,
        %get3A_468 = arith.constant 144 : index
        %get3A_469 = tpu.vector_load %arg14[%get3A_468] {strides = array<i32>} : memref<200xi32, #tpu.memory_space<vmem>>, vector<16xi32>,
        %add3A_470 = arith.constant 288 : i32
        %add3A_471 = vector.broadcast %add3A_470 : i32 to vector<16xi32>
        %add3A_472 = arith.addi %mul3A_70, %add3A_471 : vector<16xi32>
        %add3A_473 = arith.addi %get3A_469, %add3A_472 : vector<16xi32>
        %swap3A_474 = arith.constant 144 : index
        %swap3A_475 = tpu.vector_load %arg18[%swap3A_474] {strides = array<i32>} : memref<200xi32, #tpu.memory_space<vmem>>, vector<16xi32>,
        tpu.vector_store %arg18[%swap3A_474], %add3A_473 {strides = array<i32>} : memref<200xi32, #tpu.memory_space<vmem>>, vector<16xi32>,
        %get3A_476 = arith.constant 160 : index
        %get3A_477 = tpu.vector_load %arg14[%get3A_476] {strides = array<i32>} : memref<200xi32, #tpu.memory_space<vmem>>, vector<16xi32>,
        %add3A_478 = arith.constant 320 : i32
        %add3A_479 = vector.broadcast %add3A_478 : i32 to vector<16xi32>
        %add3A_480 = arith.addi %mul3A_70, %add3A_479 : vector<16xi32>
        %add3A_481 = arith.addi %get3A_477, %add3A_480 : vector<16xi32>
        %swap3A_482 = arith.constant 160 : index
        %swap3A_483 = tpu.vector_load %arg18[%swap3A_482] {strides = array<i32>} : memref<200xi32, #tpu.memory_space<vmem>>, vector<16xi32>,
        tpu.vector_store %arg18[%swap3A_482], %add3A_481 {strides = array<i32>} : memref<200xi32, #tpu.memory_space<vmem>>, vector<16xi32>,
        %get3A_484 = arith.constant 176 : index
        %get3A_485 = tpu.vector_load %arg14[%get3A_484] {strides = array<i32>} : memref<200xi32, #tpu.memory_space<vmem>>, vector<16xi32>,
        %add3A_486 = arith.constant 352 : i32
        %add3A_487 = vector.broadcast %add3A_486 : i32 to vector<16xi32>
        %add3A_488 = arith.addi %mul3A_70, %add3A_487 : vector<16xi32>
        %add3A_489 = arith.addi %get3A_485, %add3A_488 : vector<16xi32>
        %swap3A_490 = arith.constant 176 : index
        %swap3A_491 = tpu.vector_load %arg18[%swap3A_490] {strides = array<i32>} : memref<200xi32, #tpu.memory_space<vmem>>, vector<16xi32>,
        tpu.vector_store %arg18[%swap3A_490], %add3A_489 {strides = array<i32>} : memref<200xi32, #tpu.memory_space<vmem>>, vector<16xi32>,
        %get3A_492 = arith.constant 184 : index
        %get3A_493 = tpu.vector_load %arg14[%get3A_492] {strides = array<i32>} : memref<200xi32, #tpu.memory_space<vmem>>, vector<16xi32>,
        %add3A_494 = arith.constant 368 : i32
        %add3A_495 = vector.broadcast %add3A_494 : i32 to vector<16xi32>
        %add3A_496 = arith.addi %mul3A_70, %add3A_495 : vector<16xi32>
        %add3A_497 = arith.addi %get3A_493, %add3A_496 : vector<16xi32>
        %swap3A_498 = arith.constant 184 : index
        %swap3A_499 = tpu.vector_load %arg18[%swap3A_498] {strides = array<i32>} : memref<200xi32, #tpu.memory_space<vmem>>, vector<16xi32>,
        tpu.vector_store %arg18[%swap3A_498], %add3A_497 {strides = array<i32>} : memref<200xi32, #tpu.memory_space<vmem>>, vector<16xi32>,
      } else {
      }
      %ge3A_352 = arith.constant 4 : i32
      %ge3A_353 = arith.cmpi sge, %add3A_333, %ge3A_352 : i32
      %lt3A_354 = arith.constant 128 : i32
      %lt3A_355 = arith.cmpi slt, %add3A_333, %lt3A_354 : i32
      %and3A_356 = arith.andi %ge3A_353, %lt3A_355 : i1
      %convert_element_type3A_357 = arith.extui %and3A_356 : i1 to i32
      %cond3A_358 = arith.constant 0 : i32
      %cond3A_359 = arith.cmpi ne, %convert_element_type3A_357, %cond3A_358 : i32
      scf.if %cond3A_359 {
        %sub3A_384 = arith.constant 4 : i32
        %sub3A_385 = arith.subi %add3A_333, %sub3A_384 : i32
        %mul3A_386 = arith.constant 200 : i32
        %mul3A_387 = arith.muli %sub3A_385, %mul3A_386 : i32
        %add3A_388 = arith.addi %mul3A_2, %mul3A_387 : i32
        %dma_wait3A_389 = arith.constant 1 : i32
        %dma_wait3A_390 = arith.constant 1 : i32
        %dma_wait3A_391 = arith.constant 0 : i32
        %dma_wait3A_392 = arith.constant 0 : i32
        %dma_wait3A_393 = tpu.memref_slice %arg8[%dma_wait3A_389, %dma_wait3A_391, %dma_wait3A_392] : memref<4x200x128xf32, #tpu.memory_space<vmem>> -> memref<1x200x128xf32, #tpu.memory_space<vmem>>
        %dma_wait3A_394 = tpu.memref_squeeze %dma_wait3A_393 : memref<1x200x128xf32, #tpu.memory_space<vmem>> -> memref<200x128xf32, #tpu.memory_space<vmem>>
        %dma_wait3A_395 = arith.constant 0 : i32
        %dma_wait3A_396 = tpu.memref_slice %arg7[%add3A_388, %dma_wait3A_395] : memref<819200x128xf32, #tpu.memory_space<hbm>> -> memref<200x128xf32, #tpu.memory_space<hbm>>
        %dma_wait3A_397 = tpu.memref_slice %arg26[%dma_wait3A_390] : memref<4x!tpu.dma_semaphore, #tpu.memory_space<semaphore_mem>> -> memref<1x!tpu.dma_semaphore, #tpu.memory_space<semaphore_mem>>
        %dma_wait3A_398 = tpu.memref_squeeze %dma_wait3A_397 : memref<1x!tpu.dma_semaphore, #tpu.memory_space<semaphore_mem>> -> memref<!tpu.dma_semaphore, #tpu.memory_space<semaphore_mem>>
        %dma_wait3A_399 = arith.constant 0 : i32
        %dma_wait3A_400 = tpu.memref_slice %arg7[%add3A_388, %dma_wait3A_399] : memref<819200x128xf32, #tpu.memory_space<hbm>> -> memref<200x128xf32, #tpu.memory_space<hbm>>
        %dma_wait3A_401 = arith.constant 0 : i32
        %dma_wait3A_402 = arith.constant 0 : i32
        %dma_wait3A_403 = tpu.memref_slice %arg8[%dma_wait3A_389, %dma_wait3A_401, %dma_wait3A_402] : memref<4x200x128xf32, #tpu.memory_space<vmem>> -> memref<1x200x128xf32, #tpu.memory_space<vmem>>
        %dma_wait3A_404 = tpu.memref_squeeze %dma_wait3A_403 : memref<1x200x128xf32, #tpu.memory_space<vmem>> -> memref<200x128xf32, #tpu.memory_space<vmem>>
        tpu.wait_dma2 semaphore(%dma_wait3A_398 : memref<!tpu.dma_semaphore, #tpu.memory_space<semaphore_mem>>) src(%dma_wait3A_404 : memref<200x128xf32, #tpu.memory_space<vmem>>) dst(%dma_wait3A_400 : memref<200x128xf32, #tpu.memory_space<hbm>>)
      } else {
      }
      %ge3A_360 = arith.constant 0 : i32
      %ge3A_361 = arith.cmpi sge, %add3A_333, %ge3A_360 : i32
      %lt3A_362 = arith.constant 128 : i32
      %lt3A_363 = arith.cmpi slt, %add3A_333, %lt3A_362 : i32
      %and3A_364 = arith.andi %ge3A_361, %lt3A_363 : i1
      %convert_element_type3A_365 = arith.extui %and3A_364 : i1 to i32
      %cond3A_366 = arith.constant 0 : i32
      %cond3A_367 = arith.cmpi ne, %convert_element_type3A_365, %cond3A_366 : i32
      scf.if %cond3A_367 {
        %dma_start3A = arith.constant 1 : i32
        %dma_start3A_384 = arith.constant 1 : i32
        %dma_start3A_385 = arith.constant 0 : i32
        %dma_start3A_386 = arith.constant 0 : i32
        %dma_start3A_387 = tpu.memref_slice %arg8[%dma_start3A, %dma_start3A_385, %dma_start3A_386] : memref<4x200x128xf32, #tpu.memory_space<vmem>> -> memref<1x104x128xf32, #tpu.memory_space<vmem>>
        %dma_start3A_388 = tpu.memref_squeeze %dma_start3A_387 : memref<1x104x128xf32, #tpu.memory_space<vmem>> -> memref<104x128xf32, #tpu.memory_space<vmem>>
        %dma_start3A_389 = arith.constant 0 : i32
        %dma_start3A_390 = tpu.memref_slice %arg10[%dma_start3A_389] : memref<200xi32, #tpu.memory_space<vmem>> -> memref<104xi32, #tpu.memory_space<vmem>>
        %dma_start3A_391 = arith.constant 0 : i32
        %dma_start3A_392 = arith.constant 0 : i32
        %dma_start3A_393 = tpu.memref_slice %arg5[%dma_start3A_391, %dma_start3A_392] : memref<100000x128xf32, #tpu.memory_space<hbm>> -> memref<100000x128xf32, #tpu.memory_space<hbm>>
        %dma_start3A_394 = tpu.memref_slice %arg24[%dma_start3A_384] : memref<4x!tpu.dma_semaphore, #tpu.memory_space<semaphore_mem>> -> memref<1x!tpu.dma_semaphore, #tpu.memory_space<semaphore_mem>>
        %dma_start3A_395 = tpu.memref_squeeze %dma_start3A_394 : memref<1x!tpu.dma_semaphore, #tpu.memory_space<semaphore_mem>> -> memref<!tpu.dma_semaphore, #tpu.memory_space<semaphore_mem>>
        tpu.enqueue_indirect_dma source(%dma_start3A_393 : memref<100000x128xf32, #tpu.memory_space<hbm>>) target(%dma_start3A_388 : memref<104x128xf32, #tpu.memory_space<vmem>>) offsets(%dma_start3A_390 : memref<104xi32, #tpu.memory_space<vmem>>) semaphore(%dma_start3A_395 : memref<!tpu.dma_semaphore, #tpu.memory_space<semaphore_mem>>)
        %dma_start3A_396 = arith.constant 1 : i32
        %dma_start3A_397 = arith.constant 1 : i32
        %dma_start3A_398 = arith.constant 104 : i32
        %dma_start3A_399 = arith.constant 0 : i32
        %dma_start3A_400 = tpu.memref_slice %arg8[%dma_start3A_396, %dma_start3A_398, %dma_start3A_399] : memref<4x200x128xf32, #tpu.memory_space<vmem>> -> memref<1x96x128xf32, #tpu.memory_space<vmem>>
        %dma_start3A_401 = tpu.memref_squeeze %dma_start3A_400 : memref<1x96x128xf32, #tpu.memory_space<vmem>> -> memref<96x128xf32, #tpu.memory_space<vmem>>
        %dma_start3A_402 = arith.constant 104 : i32
        %dma_start3A_403 = tpu.memref_slice %arg10[%dma_start3A_402] : memref<200xi32, #tpu.memory_space<vmem>> -> memref<96xi32, #tpu.memory_space<vmem>>
        %dma_start3A_404 = arith.constant 0 : i32
        %dma_start3A_405 = arith.constant 0 : i32
        %dma_start3A_406 = tpu.memref_slice %arg5[%dma_start3A_404, %dma_start3A_405] : memref<100000x128xf32, #tpu.memory_space<hbm>> -> memref<100000x128xf32, #tpu.memory_space<hbm>>
        %dma_start3A_407 = tpu.memref_slice %arg24[%dma_start3A_397] : memref<4x!tpu.dma_semaphore, #tpu.memory_space<semaphore_mem>> -> memref<1x!tpu.dma_semaphore, #tpu.memory_space<semaphore_mem>>
        %dma_start3A_408 = tpu.memref_squeeze %dma_start3A_407 : memref<1x!tpu.dma_semaphore, #tpu.memory_space<semaphore_mem>> -> memref<!tpu.dma_semaphore, #tpu.memory_space<semaphore_mem>>
        tpu.enqueue_indirect_dma source(%dma_start3A_406 : memref<100000x128xf32, #tpu.memory_space<hbm>>) target(%dma_start3A_401 : memref<96x128xf32, #tpu.memory_space<vmem>>) offsets(%dma_start3A_403 : memref<96xi32, #tpu.memory_space<vmem>>) semaphore(%dma_start3A_408 : memref<!tpu.dma_semaphore, #tpu.memory_space<semaphore_mem>>)
      } else {
      }
      %ge3A_368 = arith.constant 0 : i32
      %ge3A_369 = arith.cmpi sge, %add3A_335, %ge3A_368 : i32
      %lt3A_370 = arith.constant 128 : i32
      %lt3A_371 = arith.cmpi slt, %add3A_335, %lt3A_370 : i32
      %and3A_372 = arith.andi %ge3A_369, %lt3A_371 : i1
      %convert_element_type3A_373 = arith.extui %and3A_372 : i1 to i32
      %cond3A_374 = arith.constant 0 : i32
      %cond3A_375 = arith.cmpi ne, %convert_element_type3A_373, %cond3A_374 : i32
      scf.if %cond3A_375 {
        %dma_wait3A_384 = arith.constant 0 : i32
        %dma_wait3A_385 = arith.constant 0 : i32
        %dma_wait3A_386 = arith.constant 0 : i32
        %dma_wait3A_387 = arith.constant 0 : i32
        %dma_wait3A_388 = tpu.memref_slice %arg8[%dma_wait3A_384, %dma_wait3A_386, %dma_wait3A_387] : memref<4x200x128xf32, #tpu.memory_space<vmem>> -> memref<1x104x128xf32, #tpu.memory_space<vmem>>
        %dma_wait3A_389 = tpu.memref_squeeze %dma_wait3A_388 : memref<1x104x128xf32, #tpu.memory_space<vmem>> -> memref<104x128xf32, #tpu.memory_space<vmem>>
        %dma_wait3A_390 = arith.constant 0 : i32
        %dma_wait3A_391 = tpu.memref_slice %arg9[%dma_wait3A_390] : memref<200xi32, #tpu.memory_space<vmem>> -> memref<104xi32, #tpu.memory_space<vmem>>
        %dma_wait3A_392 = arith.constant 0 : i32
        %dma_wait3A_393 = arith.constant 0 : i32
        %dma_wait3A_394 = tpu.memref_slice %arg5[%dma_wait3A_392, %dma_wait3A_393] : memref<100000x128xf32, #tpu.memory_space<hbm>> -> memref<100000x128xf32, #tpu.memory_space<hbm>>
        %dma_wait3A_395 = tpu.memref_slice %arg24[%dma_wait3A_385] : memref<4x!tpu.dma_semaphore, #tpu.memory_space<semaphore_mem>> -> memref<1x!tpu.dma_semaphore, #tpu.memory_space<semaphore_mem>>
        %dma_wait3A_396 = tpu.memref_squeeze %dma_wait3A_395 : memref<1x!tpu.dma_semaphore, #tpu.memory_space<semaphore_mem>> -> memref<!tpu.dma_semaphore, #tpu.memory_space<semaphore_mem>>
        tpu.wait_indirect_dma semaphore(%dma_wait3A_396 : memref<!tpu.dma_semaphore, #tpu.memory_space<semaphore_mem>>) src(%dma_wait3A_394 : memref<100000x128xf32, #tpu.memory_space<hbm>>) dst(%dma_wait3A_389 : memref<104x128xf32, #tpu.memory_space<vmem>>)
        %dma_wait3A_397 = arith.constant 0 : i32
        %dma_wait3A_398 = arith.constant 0 : i32
        %dma_wait3A_399 = arith.constant 104 : i32
        %dma_wait3A_400 = arith.constant 0 : i32
        %dma_wait3A_401 = tpu.memref_slice %arg8[%dma_wait3A_397, %dma_wait3A_399, %dma_wait3A_400] : memref<4x200x128xf32, #tpu.memory_space<vmem>> -> memref<1x96x128xf32, #tpu.memory_space<vmem>>
        %dma_wait3A_402 = tpu.memref_squeeze %dma_wait3A_401 : memref<1x96x128xf32, #tpu.memory_space<vmem>> -> memref<96x128xf32, #tpu.memory_space<vmem>>
        %dma_wait3A_403 = arith.constant 104 : i32
        %dma_wait3A_404 = tpu.memref_slice %arg9[%dma_wait3A_403] : memref<200xi32, #tpu.memory_space<vmem>> -> memref<96xi32, #tpu.memory_space<vmem>>
        %dma_wait3A_405 = arith.constant 0 : i32
        %dma_wait3A_406 = arith.constant 0 : i32
        %dma_wait3A_407 = tpu.memref_slice %arg5[%dma_wait3A_405, %dma_wait3A_406] : memref<100000x128xf32, #tpu.memory_space<hbm>> -> memref<100000x128xf32, #tpu.memory_space<hbm>>
        %dma_wait3A_408 = tpu.memref_slice %arg24[%dma_wait3A_398] : memref<4x!tpu.dma_semaphore, #tpu.memory_space<semaphore_mem>> -> memref<1x!tpu.dma_semaphore, #tpu.memory_space<semaphore_mem>>
        %dma_wait3A_409 = tpu.memref_squeeze %dma_wait3A_408 : memref<1x!tpu.dma_semaphore, #tpu.memory_space<semaphore_mem>> -> memref<!tpu.dma_semaphore, #tpu.memory_space<semaphore_mem>>
        tpu.wait_indirect_dma semaphore(%dma_wait3A_409 : memref<!tpu.dma_semaphore, #tpu.memory_space<semaphore_mem>>) src(%dma_wait3A_407 : memref<100000x128xf32, #tpu.memory_space<hbm>>) dst(%dma_wait3A_402 : memref<96x128xf32, #tpu.memory_space<vmem>>)
        %dma_start3A = arith.constant 0 : i32
        %dma_start3A_410 = arith.constant 0 : i32
        %dma_start3A_411 = arith.constant 0 : i32
        %dma_start3A_412 = arith.constant 0 : i32
        %dma_start3A_413 = tpu.memref_slice %arg8[%dma_start3A, %dma_start3A_411, %dma_start3A_412] : memref<4x200x128xf32, #tpu.memory_space<vmem>> -> memref<1x104x128xf32, #tpu.memory_space<vmem>>
        %dma_start3A_414 = tpu.memref_squeeze %dma_start3A_413 : memref<1x104x128xf32, #tpu.memory_space<vmem>> -> memref<104x128xf32, #tpu.memory_space<vmem>>
        %dma_start3A_415 = arith.constant 0 : i32
        %dma_start3A_416 = tpu.memref_slice %arg17[%dma_start3A_415] : memref<200xi32, #tpu.memory_space<vmem>> -> memref<104xi32, #tpu.memory_space<vmem>>
        %dma_start3A_417 = arith.constant 0 : i32
        %dma_start3A_418 = arith.constant 0 : i32
        %dma_start3A_419 = tpu.memref_slice %arg22[%dma_start3A_417, %dma_start3A_418] : memref<400x128xf32, #tpu.memory_space<vmem_shared>> -> memref<400x128xf32, #tpu.memory_space<vmem_shared>>
        %dma_start3A_420 = tpu.memref_slice %arg25[%dma_start3A_410] : memref<4x!tpu.dma_semaphore, #tpu.memory_space<semaphore_mem>> -> memref<1x!tpu.dma_semaphore, #tpu.memory_space<semaphore_mem>>
        %dma_start3A_421 = tpu.memref_squeeze %dma_start3A_420 : memref<1x!tpu.dma_semaphore, #tpu.memory_space<semaphore_mem>> -> memref<!tpu.dma_semaphore, #tpu.memory_space<semaphore_mem>>
        tpu.enqueue_indirect_dma source(%dma_start3A_419 : memref<400x128xf32, #tpu.memory_space<vmem_shared>>) target(%dma_start3A_414 : memref<104x128xf32, #tpu.memory_space<vmem>>) offsets(%dma_start3A_416 : memref<104xi32, #tpu.memory_space<vmem>>) semaphore(%dma_start3A_421 : memref<!tpu.dma_semaphore, #tpu.memory_space<semaphore_mem>>) {add = true}
        %dma_start3A_422 = arith.constant 0 : i32
        %dma_start3A_423 = arith.constant 0 : i32
        %dma_start3A_424 = arith.constant 104 : i32
        %dma_start3A_425 = arith.constant 0 : i32
        %dma_start3A_426 = tpu.memref_slice %arg8[%dma_start3A_422, %dma_start3A_424, %dma_start3A_425] : memref<4x200x128xf32, #tpu.memory_space<vmem>> -> memref<1x96x128xf32, #tpu.memory_space<vmem>>
        %dma_start3A_427 = tpu.memref_squeeze %dma_start3A_426 : memref<1x96x128xf32, #tpu.memory_space<vmem>> -> memref<96x128xf32, #tpu.memory_space<vmem>>
        %dma_start3A_428 = arith.constant 104 : i32
        %dma_start3A_429 = tpu.memref_slice %arg17[%dma_start3A_428] : memref<200xi32, #tpu.memory_space<vmem>> -> memref<96xi32, #tpu.memory_space<vmem>>
        %dma_start3A_430 = arith.constant 0 : i32
        %dma_start3A_431 = arith.constant 0 : i32
        %dma_start3A_432 = tpu.memref_slice %arg22[%dma_start3A_430, %dma_start3A_431] : memref<400x128xf32, #tpu.memory_space<vmem_shared>> -> memref<400x128xf32, #tpu.memory_space<vmem_shared>>
        %dma_start3A_433 = tpu.memref_slice %arg25[%dma_start3A_423] : memref<4x!tpu.dma_semaphore, #tpu.memory_space<semaphore_mem>> -> memref<1x!tpu.dma_semaphore, #tpu.memory_space<semaphore_mem>>
        %dma_start3A_434 = tpu.memref_squeeze %dma_start3A_433 : memref<1x!tpu.dma_semaphore, #tpu.memory_space<semaphore_mem>> -> memref<!tpu.dma_semaphore, #tpu.memory_space<semaphore_mem>>
        tpu.enqueue_indirect_dma source(%dma_start3A_432 : memref<400x128xf32, #tpu.memory_space<vmem_shared>>) target(%dma_start3A_427 : memref<96x128xf32, #tpu.memory_space<vmem>>) offsets(%dma_start3A_429 : memref<96xi32, #tpu.memory_space<vmem>>) semaphore(%dma_start3A_434 : memref<!tpu.dma_semaphore, #tpu.memory_space<semaphore_mem>>) {add = true}
      } else {
      }
      %ge3A_376 = arith.constant 0 : i32
      %ge3A_377 = arith.cmpi sge, %sub3A_329, %ge3A_376 : i32
      %lt3A_378 = arith.constant 128 : i32
      %lt3A_379 = arith.cmpi slt, %sub3A_329, %lt3A_378 : i32
      %and3A_380 = arith.andi %ge3A_377, %lt3A_379 : i1
      %convert_element_type3A_381 = arith.extui %and3A_380 : i1 to i32
      %cond3A_382 = arith.constant 0 : i32
      %cond3A_383 = arith.cmpi ne, %convert_element_type3A_381, %cond3A_382 : i32
      scf.if %cond3A_383 {
        %dma_wait3A_384 = arith.constant 3 : i32
        %dma_wait3A_385 = arith.constant 3 : i32
        %dma_wait3A_386 = arith.constant 0 : i32
        %dma_wait3A_387 = arith.constant 0 : i32
        %dma_wait3A_388 = tpu.memref_slice %arg8[%dma_wait3A_384, %dma_wait3A_386, %dma_wait3A_387] : memref<4x200x128xf32, #tpu.memory_space<vmem>> -> memref<1x104x128xf32, #tpu.memory_space<vmem>>
        %dma_wait3A_389 = tpu.memref_squeeze %dma_wait3A_388 : memref<1x104x128xf32, #tpu.memory_space<vmem>> -> memref<104x128xf32, #tpu.memory_space<vmem>>
        %dma_wait3A_390 = arith.constant 0 : i32
        %dma_wait3A_391 = tpu.memref_slice %arg20[%dma_wait3A_390] : memref<200xi32, #tpu.memory_space<vmem>> -> memref<104xi32, #tpu.memory_space<vmem>>
        %dma_wait3A_392 = arith.constant 0 : i32
        %dma_wait3A_393 = arith.constant 0 : i32
        %dma_wait3A_394 = tpu.memref_slice %arg22[%dma_wait3A_392, %dma_wait3A_393] : memref<400x128xf32, #tpu.memory_space<vmem_shared>> -> memref<400x128xf32, #tpu.memory_space<vmem_shared>>
        %dma_wait3A_395 = tpu.memref_slice %arg25[%dma_wait3A_385] : memref<4x!tpu.dma_semaphore, #tpu.memory_space<semaphore_mem>> -> memref<1x!tpu.dma_semaphore, #tpu.memory_space<semaphore_mem>>
        %dma_wait3A_396 = tpu.memref_squeeze %dma_wait3A_395 : memref<1x!tpu.dma_semaphore, #tpu.memory_space<semaphore_mem>> -> memref<!tpu.dma_semaphore, #tpu.memory_space<semaphore_mem>>
        tpu.wait_indirect_dma semaphore(%dma_wait3A_396 : memref<!tpu.dma_semaphore, #tpu.memory_space<semaphore_mem>>) src(%dma_wait3A_394 : memref<400x128xf32, #tpu.memory_space<vmem_shared>>) dst(%dma_wait3A_389 : memref<104x128xf32, #tpu.memory_space<vmem>>)
        %dma_wait3A_397 = arith.constant 3 : i32
        %dma_wait3A_398 = arith.constant 3 : i32
        %dma_wait3A_399 = arith.constant 104 : i32
        %dma_wait3A_400 = arith.constant 0 : i32
        %dma_wait3A_401 = tpu.memref_slice %arg8[%dma_wait3A_397, %dma_wait3A_399, %dma_wait3A_400] : memref<4x200x128xf32, #tpu.memory_space<vmem>> -> memref<1x96x128xf32, #tpu.memory_space<vmem>>
        %dma_wait3A_402 = tpu.memref_squeeze %dma_wait3A_401 : memref<1x96x128xf32, #tpu.memory_space<vmem>> -> memref<96x128xf32, #tpu.memory_space<vmem>>
        %dma_wait3A_403 = arith.constant 104 : i32
        %dma_wait3A_404 = tpu.memref_slice %arg20[%dma_wait3A_403] : memref<200xi32, #tpu.memory_space<vmem>> -> memref<96xi32, #tpu.memory_space<vmem>>
        %dma_wait3A_405 = arith.constant 0 : i32
        %dma_wait3A_406 = arith.constant 0 : i32
        %dma_wait3A_407 = tpu.memref_slice %arg22[%dma_wait3A_405, %dma_wait3A_406] : memref<400x128xf32, #tpu.memory_space<vmem_shared>> -> memref<400x128xf32, #tpu.memory_space<vmem_shared>>
        %dma_wait3A_408 = tpu.memref_slice %arg25[%dma_wait3A_398] : memref<4x!tpu.dma_semaphore, #tpu.memory_space<semaphore_mem>> -> memref<1x!tpu.dma_semaphore, #tpu.memory_space<semaphore_mem>>
        %dma_wait3A_409 = tpu.memref_squeeze %dma_wait3A_408 : memref<1x!tpu.dma_semaphore, #tpu.memory_space<semaphore_mem>> -> memref<!tpu.dma_semaphore, #tpu.memory_space<semaphore_mem>>
        tpu.wait_indirect_dma semaphore(%dma_wait3A_409 : memref<!tpu.dma_semaphore, #tpu.memory_space<semaphore_mem>>) src(%dma_wait3A_407 : memref<400x128xf32, #tpu.memory_space<vmem_shared>>) dst(%dma_wait3A_402 : memref<96x128xf32, #tpu.memory_space<vmem>>)
        %parallel_loop3A = arith.constant 0 : i32
        %parallel_loop3A_410 = arith.constant 200 : i32
        %parallel_loop3A_411 = arith.constant 1 : i32
        scf.for %parallel_loop3A_430 = %parallel_loop3A to %parallel_loop3A_410 step %parallel_loop3A_411  : i32 {
          %parallel_loop3A_431 = arith.constant 3 : i32
          %parallel_loop3A_432 = arith.index_cast %parallel_loop3A_431 : i32 to index
          %parallel_loop3A_433 = arith.index_cast %parallel_loop3A_430 : i32 to index
          %parallel_loop3A_434 = arith.constant 0 : index
          %parallel_loop3A_435 = tpu.vector_load %arg8[%parallel_loop3A_432, %parallel_loop3A_433, %parallel_loop3A_434] {strides = array<i32>} : memref<4x200x128xf32, #tpu.memory_space<vmem>>, vector<16xf32>,
          %parallel_loop3A_436 = arith.constant 3 : i32
          %parallel_loop3A_437 = arith.index_cast %parallel_loop3A_436 : i32 to index
          %parallel_loop3A_438 = arith.index_cast %parallel_loop3A_430 : i32 to index
          %parallel_loop3A_439 = arith.constant 16 : index
          %parallel_loop3A_440 = tpu.vector_load %arg8[%parallel_loop3A_437, %parallel_loop3A_438, %parallel_loop3A_439] {strides = array<i32>} : memref<4x200x128xf32, #tpu.memory_space<vmem>>, vector<16xf32>,
          %parallel_loop3A_441 = arith.constant 3 : i32
          %parallel_loop3A_442 = arith.index_cast %parallel_loop3A_441 : i32 to index
          %parallel_loop3A_443 = arith.index_cast %parallel_loop3A_430 : i32 to index
          %parallel_loop3A_444 = arith.constant 32 : index
          %parallel_loop3A_445 = tpu.vector_load %arg8[%parallel_loop3A_442, %parallel_loop3A_443, %parallel_loop3A_444] {strides = array<i32>} : memref<4x200x128xf32, #tpu.memory_space<vmem>>, vector<16xf32>,
          %parallel_loop3A_446 = arith.constant 3 : i32
          %parallel_loop3A_447 = arith.index_cast %parallel_loop3A_446 : i32 to index
          %parallel_loop3A_448 = arith.index_cast %parallel_loop3A_430 : i32 to index
          %parallel_loop3A_449 = arith.constant 48 : index
          %parallel_loop3A_450 = tpu.vector_load %arg8[%parallel_loop3A_447, %parallel_loop3A_448, %parallel_loop3A_449] {strides = array<i32>} : memref<4x200x128xf32, #tpu.memory_space<vmem>>, vector<16xf32>,
          %parallel_loop3A_451 = arith.constant 3 : i32
          %parallel_loop3A_452 = arith.index_cast %parallel_loop3A_451 : i32 to index
          %parallel_loop3A_453 = arith.index_cast %parallel_loop3A_430 : i32 to index
          %parallel_loop3A_454 = arith.constant 64 : index
          %parallel_loop3A_455 = tpu.vector_load %arg8[%parallel_loop3A_452, %parallel_loop3A_453, %parallel_loop3A_454] {strides = array<i32>} : memref<4x200x128xf32, #tpu.memory_space<vmem>>, vector<16xf32>,
          %parallel_loop3A_456 = arith.constant 3 : i32
          %parallel_loop3A_457 = arith.index_cast %parallel_loop3A_456 : i32 to index
          %parallel_loop3A_458 = arith.index_cast %parallel_loop3A_430 : i32 to index
          %parallel_loop3A_459 = arith.constant 80 : index
          %parallel_loop3A_460 = tpu.vector_load %arg8[%parallel_loop3A_457, %parallel_loop3A_458, %parallel_loop3A_459] {strides = array<i32>} : memref<4x200x128xf32, #tpu.memory_space<vmem>>, vector<16xf32>,
          %parallel_loop3A_461 = arith.constant 3 : i32
          %parallel_loop3A_462 = arith.index_cast %parallel_loop3A_461 : i32 to index
          %parallel_loop3A_463 = arith.index_cast %parallel_loop3A_430 : i32 to index
          %parallel_loop3A_464 = arith.constant 96 : index
          %parallel_loop3A_465 = tpu.vector_load %arg8[%parallel_loop3A_462, %parallel_loop3A_463, %parallel_loop3A_464] {strides = array<i32>} : memref<4x200x128xf32, #tpu.memory_space<vmem>>, vector<16xf32>,
          %parallel_loop3A_466 = arith.constant 3 : i32
          %parallel_loop3A_467 = arith.index_cast %parallel_loop3A_466 : i32 to index
          %parallel_loop3A_468 = arith.index_cast %parallel_loop3A_430 : i32 to index
          %parallel_loop3A_469 = arith.constant 112 : index
          %parallel_loop3A_470 = tpu.vector_load %arg8[%parallel_loop3A_467, %parallel_loop3A_468, %parallel_loop3A_469] {strides = array<i32>} : memref<4x200x128xf32, #tpu.memory_space<vmem>>, vector<16xf32>,
          %parallel_loop3A_471 = arith.addf %parallel_loop3A_435, %parallel_loop3A_440 : vector<16xf32>
          %parallel_loop3A_472 = arith.addf %parallel_loop3A_445, %parallel_loop3A_450 : vector<16xf32>
          %parallel_loop3A_473 = arith.addf %parallel_loop3A_471, %parallel_loop3A_472 : vector<16xf32>
          %parallel_loop3A_474 = arith.addf %parallel_loop3A_455, %parallel_loop3A_460 : vector<16xf32>
          %parallel_loop3A_475 = arith.addf %parallel_loop3A_465, %parallel_loop3A_470 : vector<16xf32>
          %parallel_loop3A_476 = arith.addf %parallel_loop3A_474, %parallel_loop3A_475 : vector<16xf32>
          %parallel_loop3A_477 = arith.mulf %parallel_loop3A_435, %parallel_loop3A_435 : vector<16xf32>
          %parallel_loop3A_478 = arith.mulf %parallel_loop3A_440, %parallel_loop3A_440 : vector<16xf32>
          %parallel_loop3A_479 = arith.addf %parallel_loop3A_477, %parallel_loop3A_478 : vector<16xf32>
          %parallel_loop3A_480 = arith.mulf %parallel_loop3A_445, %parallel_loop3A_445 : vector<16xf32>
          %parallel_loop3A_481 = arith.mulf %parallel_loop3A_450, %parallel_loop3A_450 : vector<16xf32>
          %parallel_loop3A_482 = arith.addf %parallel_loop3A_480, %parallel_loop3A_481 : vector<16xf32>
          %parallel_loop3A_483 = arith.addf %parallel_loop3A_479, %parallel_loop3A_482 : vector<16xf32>
          %parallel_loop3A_484 = arith.mulf %parallel_loop3A_455, %parallel_loop3A_455 : vector<16xf32>
          %parallel_loop3A_485 = arith.mulf %parallel_loop3A_460, %parallel_loop3A_460 : vector<16xf32>
          %parallel_loop3A_486 = arith.addf %parallel_loop3A_484, %parallel_loop3A_485 : vector<16xf32>
          %parallel_loop3A_487 = arith.mulf %parallel_loop3A_465, %parallel_loop3A_465 : vector<16xf32>
          %parallel_loop3A_488 = arith.mulf %parallel_loop3A_470, %parallel_loop3A_470 : vector<16xf32>
          %parallel_loop3A_489 = arith.addf %parallel_loop3A_487, %parallel_loop3A_488 : vector<16xf32>
          %parallel_loop3A_490 = arith.addf %parallel_loop3A_486, %parallel_loop3A_489 : vector<16xf32>
          %parallel_loop3A_491 = arith.addf %parallel_loop3A_473, %parallel_loop3A_476 : vector<16xf32>
          %parallel_loop3A_492 = arith.constant true
          %parallel_loop3A_493 = vector.broadcast %parallel_loop3A_492 : i1 to vector<16xi1>
          %parallel_loop3A_494 = tpu.scan <sum>, %parallel_loop3A_491 masked %parallel_loop3A_493 : vector<16xf32>, vector<16xi1> -> vector<16xf32>
          %parallel_loop3A_495 = vector.extract %parallel_loop3A_494[15] : f32 from vector<16xf32>
          %parallel_loop3A_496 = arith.constant 7.812500e-03 : f32
          %parallel_loop3A_497 = arith.mulf %parallel_loop3A_495, %parallel_loop3A_496 : f32
          %parallel_loop3A_498 = arith.addf %parallel_loop3A_483, %parallel_loop3A_490 : vector<16xf32>
          %parallel_loop3A_499 = arith.constant true
          %parallel_loop3A_500 = vector.broadcast %parallel_loop3A_499 : i1 to vector<16xi1>
          %parallel_loop3A_501 = tpu.scan <sum>, %parallel_loop3A_498 masked %parallel_loop3A_500 : vector<16xf32>, vector<16xi1> -> vector<16xf32>
          %parallel_loop3A_502 = vector.extract %parallel_loop3A_501[15] : f32 from vector<16xf32>
          %parallel_loop3A_503 = arith.constant 7.812500e-03 : f32
          %parallel_loop3A_504 = arith.mulf %parallel_loop3A_502, %parallel_loop3A_503 : f32
          %parallel_loop3A_505 = arith.mulf %parallel_loop3A_497, %parallel_loop3A_497 : f32
          %parallel_loop3A_506 = arith.subf %parallel_loop3A_504, %parallel_loop3A_505 : f32
          %parallel_loop3A_507 = arith.constant 9.99999996E-13 : f32
          %parallel_loop3A_508 = arith.addf %parallel_loop3A_506, %parallel_loop3A_507 : f32
          %parallel_loop3A_509 = arith.bitcast %parallel_loop3A_508 : f32 to i32
          %parallel_loop3A_510 = arith.constant 1 : i32
          %parallel_loop3A_511 = arith.shrsi %parallel_loop3A_509, %parallel_loop3A_510 : i32
          %parallel_loop3A_512 = arith.constant 1597463007 : i32
          %parallel_loop3A_513 = arith.subi %parallel_loop3A_512, %parallel_loop3A_511 : i32
          %parallel_loop3A_514 = arith.bitcast %parallel_loop3A_513 : i32 to f32
          %parallel_loop3A_515 = arith.constant 5.000000e-01 : f32
          %parallel_loop3A_516 = arith.mulf %parallel_loop3A_515, %parallel_loop3A_508 : f32
          %parallel_loop3A_517 = arith.mulf %parallel_loop3A_516, %parallel_loop3A_514 : f32
          %parallel_loop3A_518 = arith.mulf %parallel_loop3A_517, %parallel_loop3A_514 : f32
          %parallel_loop3A_519 = arith.constant 1.500000e+00 : f32
          %parallel_loop3A_520 = arith.subf %parallel_loop3A_519, %parallel_loop3A_518 : f32
          %parallel_loop3A_521 = arith.mulf %parallel_loop3A_514, %parallel_loop3A_520 : f32
          %parallel_loop3A_522 = arith.constant 5.000000e-01 : f32
          %parallel_loop3A_523 = arith.mulf %parallel_loop3A_522, %parallel_loop3A_508 : f32
          %parallel_loop3A_524 = arith.mulf %parallel_loop3A_523, %parallel_loop3A_521 : f32
          %parallel_loop3A_525 = arith.mulf %parallel_loop3A_524, %parallel_loop3A_521 : f32
          %parallel_loop3A_526 = arith.constant 1.500000e+00 : f32
          %parallel_loop3A_527 = arith.subf %parallel_loop3A_526, %parallel_loop3A_525 : f32
          %parallel_loop3A_528 = arith.mulf %parallel_loop3A_521, %parallel_loop3A_527 : f32
          %parallel_loop3A_529 = arith.constant 5.000000e-01 : f32
          %parallel_loop3A_530 = arith.mulf %parallel_loop3A_529, %parallel_loop3A_508 : f32
          %parallel_loop3A_531 = arith.mulf %parallel_loop3A_530, %parallel_loop3A_528 : f32
          %parallel_loop3A_532 = arith.mulf %parallel_loop3A_531, %parallel_loop3A_528 : f32
          %parallel_loop3A_533 = arith.constant 1.500000e+00 : f32
          %parallel_loop3A_534 = arith.subf %parallel_loop3A_533, %parallel_loop3A_532 : f32
          %parallel_loop3A_535 = arith.mulf %parallel_loop3A_528, %parallel_loop3A_534 : f32
          %parallel_loop3A_536 = arith.mulf %parallel_loop3A_497, %parallel_loop3A_535 : f32
          %parallel_loop3A_537 = vector.broadcast %parallel_loop3A_535 : f32 to vector<16xf32>
          %parallel_loop3A_538 = arith.mulf %parallel_loop3A_435, %parallel_loop3A_537 : vector<16xf32>
          %parallel_loop3A_539 = vector.broadcast %parallel_loop3A_536 : f32 to vector<16xf32>
          %parallel_loop3A_540 = arith.subf %parallel_loop3A_538, %parallel_loop3A_539 : vector<16xf32>
          %parallel_loop3A_541 = arith.mulf %parallel_loop3A_540, %get3A_7 : vector<16xf32>
          %parallel_loop3A_542 = arith.addf %parallel_loop3A_541, %get3A_39 : vector<16xf32>
          %parallel_loop3A_543 = arith.constant 3 : i32
          %parallel_loop3A_544 = arith.index_cast %parallel_loop3A_543 : i32 to index
          %parallel_loop3A_545 = arith.index_cast %parallel_loop3A_430 : i32 to index
          %parallel_loop3A_546 = arith.constant 0 : index
          %parallel_loop3A_547 = tpu.vector_load %arg8[%parallel_loop3A_544, %parallel_loop3A_545, %parallel_loop3A_546] {strides = array<i32>} : memref<4x200x128xf32, #tpu.memory_space<vmem>>, vector<16xf32>,
          tpu.vector_store %arg8[%parallel_loop3A_544, %parallel_loop3A_545, %parallel_loop3A_546], %parallel_loop3A_542 {strides = array<i32>} : memref<4x200x128xf32, #tpu.memory_space<vmem>>, vector<16xf32>,
          %parallel_loop3A_548 = vector.broadcast %parallel_loop3A_535 : f32 to vector<16xf32>
          %parallel_loop3A_549 = arith.mulf %parallel_loop3A_440, %parallel_loop3A_548 : vector<16xf32>
          %parallel_loop3A_550 = vector.broadcast %parallel_loop3A_536 : f32 to vector<16xf32>
          %parallel_loop3A_551 = arith.subf %parallel_loop3A_549, %parallel_loop3A_550 : vector<16xf32>
          %parallel_loop3A_552 = arith.mulf %parallel_loop3A_551, %get3A_11 : vector<16xf32>
          %parallel_loop3A_553 = arith.addf %parallel_loop3A_552, %get3A_43 : vector<16xf32>
          %parallel_loop3A_554 = arith.constant 3 : i32
          %parallel_loop3A_555 = arith.index_cast %parallel_loop3A_554 : i32 to index
          %parallel_loop3A_556 = arith.index_cast %parallel_loop3A_430 : i32 to index
          %parallel_loop3A_557 = arith.constant 16 : index
          %parallel_loop3A_558 = tpu.vector_load %arg8[%parallel_loop3A_555, %parallel_loop3A_556, %parallel_loop3A_557] {strides = array<i32>} : memref<4x200x128xf32, #tpu.memory_space<vmem>>, vector<16xf32>,
          tpu.vector_store %arg8[%parallel_loop3A_555, %parallel_loop3A_556, %parallel_loop3A_557], %parallel_loop3A_553 {strides = array<i32>} : memref<4x200x128xf32, #tpu.memory_space<vmem>>, vector<16xf32>,
          %parallel_loop3A_559 = vector.broadcast %parallel_loop3A_535 : f32 to vector<16xf32>
          %parallel_loop3A_560 = arith.mulf %parallel_loop3A_445, %parallel_loop3A_559 : vector<16xf32>
          %parallel_loop3A_561 = vector.broadcast %parallel_loop3A_536 : f32 to vector<16xf32>
          %parallel_loop3A_562 = arith.subf %parallel_loop3A_560, %parallel_loop3A_561 : vector<16xf32>
          %parallel_loop3A_563 = arith.mulf %parallel_loop3A_562, %get3A_15 : vector<16xf32>
          %parallel_loop3A_564 = arith.addf %parallel_loop3A_563, %get3A_47 : vector<16xf32>
          %parallel_loop3A_565 = arith.constant 3 : i32
          %parallel_loop3A_566 = arith.index_cast %parallel_loop3A_565 : i32 to index
          %parallel_loop3A_567 = arith.index_cast %parallel_loop3A_430 : i32 to index
          %parallel_loop3A_568 = arith.constant 32 : index
          %parallel_loop3A_569 = tpu.vector_load %arg8[%parallel_loop3A_566, %parallel_loop3A_567, %parallel_loop3A_568] {strides = array<i32>} : memref<4x200x128xf32, #tpu.memory_space<vmem>>, vector<16xf32>,
          tpu.vector_store %arg8[%parallel_loop3A_566, %parallel_loop3A_567, %parallel_loop3A_568], %parallel_loop3A_564 {strides = array<i32>} : memref<4x200x128xf32, #tpu.memory_space<vmem>>, vector<16xf32>,
          %parallel_loop3A_570 = vector.broadcast %parallel_loop3A_535 : f32 to vector<16xf32>
          %parallel_loop3A_571 = arith.mulf %parallel_loop3A_450, %parallel_loop3A_570 : vector<16xf32>
          %parallel_loop3A_572 = vector.broadcast %parallel_loop3A_536 : f32 to vector<16xf32>
          %parallel_loop3A_573 = arith.subf %parallel_loop3A_571, %parallel_loop3A_572 : vector<16xf32>
          %parallel_loop3A_574 = arith.mulf %parallel_loop3A_573, %get3A_19 : vector<16xf32>
          %parallel_loop3A_575 = arith.addf %parallel_loop3A_574, %get3A_51 : vector<16xf32>
          %parallel_loop3A_576 = arith.constant 3 : i32
          %parallel_loop3A_577 = arith.index_cast %parallel_loop3A_576 : i32 to index
          %parallel_loop3A_578 = arith.index_cast %parallel_loop3A_430 : i32 to index
          %parallel_loop3A_579 = arith.constant 48 : index
          %parallel_loop3A_580 = tpu.vector_load %arg8[%parallel_loop3A_577, %parallel_loop3A_578, %parallel_loop3A_579] {strides = array<i32>} : memref<4x200x128xf32, #tpu.memory_space<vmem>>, vector<16xf32>,
          tpu.vector_store %arg8[%parallel_loop3A_577, %parallel_loop3A_578, %parallel_loop3A_579], %parallel_loop3A_575 {strides = array<i32>} : memref<4x200x128xf32, #tpu.memory_space<vmem>>, vector<16xf32>,
          %parallel_loop3A_581 = vector.broadcast %parallel_loop3A_535 : f32 to vector<16xf32>
          %parallel_loop3A_582 = arith.mulf %parallel_loop3A_455, %parallel_loop3A_581 : vector<16xf32>
          %parallel_loop3A_583 = vector.broadcast %parallel_loop3A_536 : f32 to vector<16xf32>
          %parallel_loop3A_584 = arith.subf %parallel_loop3A_582, %parallel_loop3A_583 : vector<16xf32>
          %parallel_loop3A_585 = arith.mulf %parallel_loop3A_584, %get3A_23 : vector<16xf32>
          %parallel_loop3A_586 = arith.addf %parallel_loop3A_585, %get3A_55 : vector<16xf32>
          %parallel_loop3A_587 = arith.constant 3 : i32
          %parallel_loop3A_588 = arith.index_cast %parallel_loop3A_587 : i32 to index
          %parallel_loop3A_589 = arith.index_cast %parallel_loop3A_430 : i32 to index
          %parallel_loop3A_590 = arith.constant 64 : index
          %parallel_loop3A_591 = tpu.vector_load %arg8[%parallel_loop3A_588, %parallel_loop3A_589, %parallel_loop3A_590] {strides = array<i32>} : memref<4x200x128xf32, #tpu.memory_space<vmem>>, vector<16xf32>,
          tpu.vector_store %arg8[%parallel_loop3A_588, %parallel_loop3A_589, %parallel_loop3A_590], %parallel_loop3A_586 {strides = array<i32>} : memref<4x200x128xf32, #tpu.memory_space<vmem>>, vector<16xf32>,
          %parallel_loop3A_592 = vector.broadcast %parallel_loop3A_535 : f32 to vector<16xf32>
          %parallel_loop3A_593 = arith.mulf %parallel_loop3A_460, %parallel_loop3A_592 : vector<16xf32>
          %parallel_loop3A_594 = vector.broadcast %parallel_loop3A_536 : f32 to vector<16xf32>
          %parallel_loop3A_595 = arith.subf %parallel_loop3A_593, %parallel_loop3A_594 : vector<16xf32>
          %parallel_loop3A_596 = arith.mulf %parallel_loop3A_595, %get3A_27 : vector<16xf32>
          %parallel_loop3A_597 = arith.addf %parallel_loop3A_596, %get3A_59 : vector<16xf32>
          %parallel_loop3A_598 = arith.constant 3 : i32
          %parallel_loop3A_599 = arith.index_cast %parallel_loop3A_598 : i32 to index
          %parallel_loop3A_600 = arith.index_cast %parallel_loop3A_430 : i32 to index
          %parallel_loop3A_601 = arith.constant 80 : index
          %parallel_loop3A_602 = tpu.vector_load %arg8[%parallel_loop3A_599, %parallel_loop3A_600, %parallel_loop3A_601] {strides = array<i32>} : memref<4x200x128xf32, #tpu.memory_space<vmem>>, vector<16xf32>,
          tpu.vector_store %arg8[%parallel_loop3A_599, %parallel_loop3A_600, %parallel_loop3A_601], %parallel_loop3A_597 {strides = array<i32>} : memref<4x200x128xf32, #tpu.memory_space<vmem>>, vector<16xf32>,
          %parallel_loop3A_603 = vector.broadcast %parallel_loop3A_535 : f32 to vector<16xf32>
          %parallel_loop3A_604 = arith.mulf %parallel_loop3A_465, %parallel_loop3A_603 : vector<16xf32>
          %parallel_loop3A_605 = vector.broadcast %parallel_loop3A_536 : f32 to vector<16xf32>
          %parallel_loop3A_606 = arith.subf %parallel_loop3A_604, %parallel_loop3A_605 : vector<16xf32>
          %parallel_loop3A_607 = arith.mulf %parallel_loop3A_606, %get3A_31 : vector<16xf32>
          %parallel_loop3A_608 = arith.addf %parallel_loop3A_607, %get3A_63 : vector<16xf32>
          %parallel_loop3A_609 = arith.constant 3 : i32
          %parallel_loop3A_610 = arith.index_cast %parallel_loop3A_609 : i32 to index
          %parallel_loop3A_611 = arith.index_cast %parallel_loop3A_430 : i32 to index
          %parallel_loop3A_612 = arith.constant 96 : index
          %parallel_loop3A_613 = tpu.vector_load %arg8[%parallel_loop3A_610, %parallel_loop3A_611, %parallel_loop3A_612] {strides = array<i32>} : memref<4x200x128xf32, #tpu.memory_space<vmem>>, vector<16xf32>,
          tpu.vector_store %arg8[%parallel_loop3A_610, %parallel_loop3A_611, %parallel_loop3A_612], %parallel_loop3A_608 {strides = array<i32>} : memref<4x200x128xf32, #tpu.memory_space<vmem>>, vector<16xf32>,
          %parallel_loop3A_614 = vector.broadcast %parallel_loop3A_535 : f32 to vector<16xf32>
          %parallel_loop3A_615 = arith.mulf %parallel_loop3A_470, %parallel_loop3A_614 : vector<16xf32>
          %parallel_loop3A_616 = vector.broadcast %parallel_loop3A_536 : f32 to vector<16xf32>
          %parallel_loop3A_617 = arith.subf %parallel_loop3A_615, %parallel_loop3A_616 : vector<16xf32>
          %parallel_loop3A_618 = arith.mulf %parallel_loop3A_617, %get3A_35 : vector<16xf32>
          %parallel_loop3A_619 = arith.addf %parallel_loop3A_618, %get3A_67 : vector<16xf32>
          %parallel_loop3A_620 = arith.constant 3 : i32
          %parallel_loop3A_621 = arith.index_cast %parallel_loop3A_620 : i32 to index
          %parallel_loop3A_622 = arith.index_cast %parallel_loop3A_430 : i32 to index
          %parallel_loop3A_623 = arith.constant 112 : index
          %parallel_loop3A_624 = tpu.vector_load %arg8[%parallel_loop3A_621, %parallel_loop3A_622, %parallel_loop3A_623] {strides = array<i32>} : memref<4x200x128xf32, #tpu.memory_space<vmem>>, vector<16xf32>,
          tpu.vector_store %arg8[%parallel_loop3A_621, %parallel_loop3A_622, %parallel_loop3A_623], %parallel_loop3A_619 {strides = array<i32>} : memref<4x200x128xf32, #tpu.memory_space<vmem>>, vector<16xf32>,
        } {sc.loop_unroll_factor = 4 : i64, sc.parallel_access}
        %mul3A_412 = arith.constant 200 : i32
        %mul3A_413 = arith.muli %sub3A_329, %mul3A_412 : i32
        %add3A_414 = arith.addi %mul3A_2, %mul3A_413 : i32
        %dma_start3A = arith.constant 3 : i32
        %dma_start3A_415 = arith.constant 3 : i32
        %dma_start3A_416 = arith.constant 0 : i32
        %dma_start3A_417 = arith.constant 0 : i32
        %dma_start3A_418 = tpu.memref_slice %arg8[%dma_start3A, %dma_start3A_416, %dma_start3A_417] : memref<4x200x128xf32, #tpu.memory_space<vmem>> -> memref<1x200x128xf32, #tpu.memory_space<vmem>>
        %dma_start3A_419 = tpu.memref_squeeze %dma_start3A_418 : memref<1x200x128xf32, #tpu.memory_space<vmem>> -> memref<200x128xf32, #tpu.memory_space<vmem>>
        %dma_start3A_420 = arith.constant 0 : i32
        %dma_start3A_421 = tpu.memref_slice %arg7[%add3A_414, %dma_start3A_420] : memref<819200x128xf32, #tpu.memory_space<hbm>> -> memref<200x128xf32, #tpu.memory_space<hbm>>
        %dma_start3A_422 = tpu.memref_slice %arg26[%dma_start3A_415] : memref<4x!tpu.dma_semaphore, #tpu.memory_space<semaphore_mem>> -> memref<1x!tpu.dma_semaphore, #tpu.memory_space<semaphore_mem>>
        %dma_start3A_423 = tpu.memref_squeeze %dma_start3A_422 : memref<1x!tpu.dma_semaphore, #tpu.memory_space<semaphore_mem>> -> memref<!tpu.dma_semaphore, #tpu.memory_space<semaphore_mem>>
        %dma_start3A_424 = arith.constant 0 : i32
        %dma_start3A_425 = tpu.memref_slice %arg7[%add3A_414, %dma_start3A_424] : memref<819200x128xf32, #tpu.memory_space<hbm>> -> memref<200x128xf32, #tpu.memory_space<hbm>>
        %dma_start3A_426 = arith.constant 0 : i32
        %dma_start3A_427 = arith.constant 0 : i32
        %dma_start3A_428 = tpu.memref_slice %arg8[%dma_start3A, %dma_start3A_426, %dma_start3A_427] : memref<4x200x128xf32, #tpu.memory_space<vmem>> -> memref<1x200x128xf32, #tpu.memory_space<vmem>>
        %dma_start3A_429 = tpu.memref_squeeze %dma_start3A_428 : memref<1x200x128xf32, #tpu.memory_space<vmem>> -> memref<200x128xf32, #tpu.memory_space<vmem>>
        tpu.enqueue_dma source(%dma_start3A_429 : memref<200x128xf32, #tpu.memory_space<vmem>>) target(%dma_start3A_425 : memref<200x128xf32, #tpu.memory_space<hbm>>) target_semaphore(%dma_start3A_423 : memref<!tpu.dma_semaphore, #tpu.memory_space<semaphore_mem>>)
      } else {
      }
    }
    %scan3A_75 = arith.constant 33 : i32
    %add3A_76 = arith.constant 24800 : i32
    %add3A_77 = arith.addi %mul3A_2, %add3A_76 : i32
    %dma_wait3A = arith.constant 0 : i32
    %dma_wait3A_78 = arith.constant 0 : i32
    %dma_wait3A_79 = arith.constant 0 : i32
    %dma_wait3A_80 = arith.constant 0 : i32
    %dma_wait3A_81 = tpu.memref_slice %arg8[%dma_wait3A, %dma_wait3A_79, %dma_wait3A_80] : memref<4x200x128xf32, #tpu.memory_space<vmem>> -> memref<1x200x128xf32, #tpu.memory_space<vmem>>
    %dma_wait3A_82 = tpu.memref_squeeze %dma_wait3A_81 : memref<1x200x128xf32, #tpu.memory_space<vmem>> -> memref<200x128xf32, #tpu.memory_space<vmem>>
    %dma_wait3A_83 = arith.constant 0 : i32
    %dma_wait3A_84 = tpu.memref_slice %arg7[%add3A_77, %dma_wait3A_83] : memref<819200x128xf32, #tpu.memory_space<hbm>> -> memref<200x128xf32, #tpu.memory_space<hbm>>
    %dma_wait3A_85 = tpu.memref_slice %arg26[%dma_wait3A_78] : memref<4x!tpu.dma_semaphore, #tpu.memory_space<semaphore_mem>> -> memref<1x!tpu.dma_semaphore, #tpu.memory_space<semaphore_mem>>
    %dma_wait3A_86 = tpu.memref_squeeze %dma_wait3A_85 : memref<1x!tpu.dma_semaphore, #tpu.memory_space<semaphore_mem>> -> memref<!tpu.dma_semaphore, #tpu.memory_space<semaphore_mem>>
    %dma_wait3A_87 = arith.constant 0 : i32
    %dma_wait3A_88 = tpu.memref_slice %arg7[%add3A_77, %dma_wait3A_87] : memref<819200x128xf32, #tpu.memory_space<hbm>> -> memref<200x128xf32, #tpu.memory_space<hbm>>
    %dma_wait3A_89 = arith.constant 0 : i32
    %dma_wait3A_90 = arith.constant 0 : i32
    %dma_wait3A_91 = tpu.memref_slice %arg8[%dma_wait3A, %dma_wait3A_89, %dma_wait3A_90] : memref<4x200x128xf32, #tpu.memory_space<vmem>> -> memref<1x200x128xf32, #tpu.memory_space<vmem>>
    %dma_wait3A_92 = tpu.memref_squeeze %dma_wait3A_91 : memref<1x200x128xf32, #tpu.memory_space<vmem>> -> memref<200x128xf32, #tpu.memory_space<vmem>>
    tpu.wait_dma2 semaphore(%dma_wait3A_86 : memref<!tpu.dma_semaphore, #tpu.memory_space<semaphore_mem>>) src(%dma_wait3A_92 : memref<200x128xf32, #tpu.memory_space<vmem>>) dst(%dma_wait3A_88 : memref<200x128xf32, #tpu.memory_space<hbm>>)
    %add3A_93 = arith.constant 25000 : i32
    %add3A_94 = arith.addi %mul3A_2, %add3A_93 : i32
    %dma_wait3A_95 = arith.constant 1 : i32
    %dma_wait3A_96 = arith.constant 1 : i32
    %dma_wait3A_97 = arith.constant 0 : i32
    %dma_wait3A_98 = arith.constant 0 : i32
    %dma_wait3A_99 = tpu.memref_slice %arg8[%dma_wait3A_95, %dma_wait3A_97, %dma_wait3A_98] : memref<4x200x128xf32, #tpu.memory_space<vmem>> -> memref<1x200x128xf32, #tpu.memory_space<vmem>>
    %dma_wait3A_100 = tpu.memref_squeeze %dma_wait3A_99 : memref<1x200x128xf32, #tpu.memory_space<vmem>> -> memref<200x128xf32, #tpu.memory_space<vmem>>
    %dma_wait3A_101 = arith.constant 0 : i32
    %dma_wait3A_102 = tpu.memref_slice %arg7[%add3A_94, %dma_wait3A_101] : memref<819200x128xf32, #tpu.memory_space<hbm>> -> memref<200x128xf32, #tpu.memory_space<hbm>>
    %dma_wait3A_103 = tpu.memref_slice %arg26[%dma_wait3A_96] : memref<4x!tpu.dma_semaphore, #tpu.memory_space<semaphore_mem>> -> memref<1x!tpu.dma_semaphore, #tpu.memory_space<semaphore_mem>>
    %dma_wait3A_104 = tpu.memref_squeeze %dma_wait3A_103 : memref<1x!tpu.dma_semaphore, #tpu.memory_space<semaphore_mem>> -> memref<!tpu.dma_semaphore, #tpu.memory_space<semaphore_mem>>
    %dma_wait3A_105 = arith.constant 0 : i32
    %dma_wait3A_106 = tpu.memref_slice %arg7[%add3A_94, %dma_wait3A_105] : memref<819200x128xf32, #tpu.memory_space<hbm>> -> memref<200x128xf32, #tpu.memory_space<hbm>>
    %dma_wait3A_107 = arith.constant 0 : i32
    %dma_wait3A_108 = arith.constant 0 : i32
    %dma_wait3A_109 = tpu.memref_slice %arg8[%dma_wait3A_95, %dma_wait3A_107, %dma_wait3A_108] : memref<4x200x128xf32, #tpu.memory_space<vmem>> -> memref<1x200x128xf32, #tpu.memory_space<vmem>>
    %dma_wait3A_110 = tpu.memref_squeeze %dma_wait3A_109 : memref<1x200x128xf32, #tpu.memory_space<vmem>> -> memref<200x128xf32, #tpu.memory_space<vmem>>
    tpu.wait_dma2 semaphore(%dma_wait3A_104 : memref<!tpu.dma_semaphore, #tpu.memory_space<semaphore_mem>>) src(%dma_wait3A_110 : memref<200x128xf32, #tpu.memory_space<vmem>>) dst(%dma_wait3A_106 : memref<200x128xf32, #tpu.memory_space<hbm>>)
    %add3A_111 = arith.constant 25200 : i32
    %add3A_112 = arith.addi %mul3A_2, %add3A_111 : i32
    %dma_wait3A_113 = arith.constant 2 : i32
    %dma_wait3A_114 = arith.constant 2 : i32
    %dma_wait3A_115 = arith.constant 0 : i32
    %dma_wait3A_116 = arith.constant 0 : i32
    %dma_wait3A_117 = tpu.memref_slice %arg8[%dma_wait3A_113, %dma_wait3A_115, %dma_wait3A_116] : memref<4x200x128xf32, #tpu.memory_space<vmem>> -> memref<1x200x128xf32, #tpu.memory_space<vmem>>
    %dma_wait3A_118 = tpu.memref_squeeze %dma_wait3A_117 : memref<1x200x128xf32, #tpu.memory_space<vmem>> -> memref<200x128xf32, #tpu.memory_space<vmem>>
    %dma_wait3A_119 = arith.constant 0 : i32
    %dma_wait3A_120 = tpu.memref_slice %arg7[%add3A_112, %dma_wait3A_119] : memref<819200x128xf32, #tpu.memory_space<hbm>> -> memref<200x128xf32, #tpu.memory_space<hbm>>
    %dma_wait3A_121 = tpu.memref_slice %arg26[%dma_wait3A_114] : memref<4x!tpu.dma_semaphore, #tpu.memory_space<semaphore_mem>> -> memref<1x!tpu.dma_semaphore, #tpu.memory_space<semaphore_mem>>
    %dma_wait3A_122 = tpu.memref_squeeze %dma_wait3A_121 : memref<1x!tpu.dma_semaphore, #tpu.memory_space<semaphore_mem>> -> memref<!tpu.dma_semaphore, #tpu.memory_space<semaphore_mem>>
    %dma_wait3A_123 = arith.constant 0 : i32
    %dma_wait3A_124 = tpu.memref_slice %arg7[%add3A_112, %dma_wait3A_123] : memref<819200x128xf32, #tpu.memory_space<hbm>> -> memref<200x128xf32, #tpu.memory_space<hbm>>
    %dma_wait3A_125 = arith.constant 0 : i32
    %dma_wait3A_126 = arith.constant 0 : i32
    %dma_wait3A_127 = tpu.memref_slice %arg8[%dma_wait3A_113, %dma_wait3A_125, %dma_wait3A_126] : memref<4x200x128xf32, #tpu.memory_space<vmem>> -> memref<1x200x128xf32, #tpu.memory_space<vmem>>
    %dma_wait3A_128 = tpu.memref_squeeze %dma_wait3A_127 : memref<1x200x128xf32, #tpu.memory_space<vmem>> -> memref<200x128xf32, #tpu.memory_space<vmem>>
    tpu.wait_dma2 semaphore(%dma_wait3A_122 : memref<!tpu.dma_semaphore, #tpu.memory_space<semaphore_mem>>) src(%dma_wait3A_128 : memref<200x128xf32, #tpu.memory_space<vmem>>) dst(%dma_wait3A_124 : memref<200x128xf32, #tpu.memory_space<hbm>>)
    %add3A_129 = arith.constant 25400 : i32
    %add3A_130 = arith.addi %mul3A_2, %add3A_129 : i32
    %dma_wait3A_131 = arith.constant 3 : i32
    %dma_wait3A_132 = arith.constant 3 : i32
    %dma_wait3A_133 = arith.constant 0 : i32
    %dma_wait3A_134 = arith.constant 0 : i32
    %dma_wait3A_135 = tpu.memref_slice %arg8[%dma_wait3A_131, %dma_wait3A_133, %dma_wait3A_134] : memref<4x200x128xf32, #tpu.memory_space<vmem>> -> memref<1x200x128xf32, #tpu.memory_space<vmem>>
    %dma_wait3A_136 = tpu.memref_squeeze %dma_wait3A_135 : memref<1x200x128xf32, #tpu.memory_space<vmem>> -> memref<200x128xf32, #tpu.memory_space<vmem>>
    %dma_wait3A_137 = arith.constant 0 : i32
    %dma_wait3A_138 = tpu.memref_slice %arg7[%add3A_130, %dma_wait3A_137] : memref<819200x128xf32, #tpu.memory_space<hbm>> -> memref<200x128xf32, #tpu.memory_space<hbm>>
    %dma_wait3A_139 = tpu.memref_slice %arg26[%dma_wait3A_132] : memref<4x!tpu.dma_semaphore, #tpu.memory_space<semaphore_mem>> -> memref<1x!tpu.dma_semaphore, #tpu.memory_space<semaphore_mem>>
    %dma_wait3A_140 = tpu.memref_squeeze %dma_wait3A_139 : memref<1x!tpu.dma_semaphore, #tpu.memory_space<semaphore_mem>> -> memref<!tpu.dma_semaphore, #tpu.memory_space<semaphore_mem>>
    %dma_wait3A_141 = arith.constant 0 : i32
    %dma_wait3A_142 = tpu.memref_slice %arg7[%add3A_130, %dma_wait3A_141] : memref<819200x128xf32, #tpu.memory_space<hbm>> -> memref<200x128xf32, #tpu.memory_space<hbm>>
    %dma_wait3A_143 = arith.constant 0 : i32
    %dma_wait3A_144 = arith.constant 0 : i32
    %dma_wait3A_145 = tpu.memref_slice %arg8[%dma_wait3A_131, %dma_wait3A_143, %dma_wait3A_144] : memref<4x200x128xf32, #tpu.memory_space<vmem>> -> memref<1x200x128xf32, #tpu.memory_space<vmem>>
    %dma_wait3A_146 = tpu.memref_squeeze %dma_wait3A_145 : memref<1x200x128xf32, #tpu.memory_space<vmem>> -> memref<200x128xf32, #tpu.memory_space<vmem>>
    tpu.wait_dma2 semaphore(%dma_wait3A_140 : memref<!tpu.dma_semaphore, #tpu.memory_space<semaphore_mem>>) src(%dma_wait3A_146 : memref<200x128xf32, #tpu.memory_space<vmem>>) dst(%dma_wait3A_142 : memref<200x128xf32, #tpu.memory_space<hbm>>)
    return
  }
}

</mosaic_0001>

<sc_bundles>
// kernel: kernel.3.cloned.1.call-start
scs
__scs_entry_jumppad:
0x0: {  	(pc) =	sbr.rel $0x88, $3  }
0x1: {  	(tag) =	ssettag $0x0;
	lr =	simm.s32 $0x1  }
0x2: {  	[smem:$0x3F9A] =	sst lr;
	_ =	strace $0xD0000000  }
0x3: {  	_ = 	snop  }
0x4: {  	_ = 	snop  }
0x5: {  	_ = 	snop  }
0x6: {  	_ = 	snop  }
0x7: {  	_ = 	snop  }
__scs_overlays_trampoline_lowered:
0x8: {  	[smem:$0x3FA9] =	sst s0  }
0x9: {  	[smem:$0x3FAA] =	sst s1  }
0xa: {  	[smem:$0x3FAB] =	sst s2  }
0xb: {  	[smem:$0x3FAC] =	sst s3  }
0xc: {  	[smem:$0x3FAD] =	sst s4  }
0xd: {  	[smem:$0x3FAE] =	sst s5  }
0xe: {  	[smem:$0x3FAF] =	sst s6  }
0xf: {  	[smem:$0x3FB0] =	sst s7  }
0x10: {  	[smem:$0x3FB1] =	sst s8  }
0x11: {  	[smem:$0x3FB2] =	sst s9;
	s0 =	simm.s32 @!p0 $0x0  }
0x12: {  	s1 =	sld [smem:$0x3F98];
	s0 =	simm.s32 @p0 $0x1  }
0x13: {  	[smem:$0x3FB3] =	sst s0;
	s0 =	simm.s32 @!p1 $0x0  }
0x14: {  	s2 =	sld [smem:$0x3F97];
	s0 =	simm.s32 @p1 $0x1  }
0x15: {  	[smem:$0x3FB4] =	sst s0;
	s0 =	simm.s32 @!p2 $0x0  }
0x16: {  	s3 =	sld [smem:$0x3FDB];
	s0 =	simm.s32 @p2 $0x1  }
0x17: {  	s4 =	simm.s32 $0x1BF5;
	[smem:$0x3FB6] =	sst s0  }
0x18: {  	s0 =	sld [smem:$0x3F99];
	_ =	swait.ge [sflag:s4], $0x0  }
0x19: {  	s7 =	sld [smem:$0x3F9A]  }
0x1a: {  	s8 =	sadd.s32 $0xFFFFE003, lr  }
0x1b: {  	s9 =	sadd.s32 $0xFFFFFEF7, lr;
	s5 =	simm.s32 $0xFFFFFFFF;
	p2 =	slt.u32 s8, $0xFFFFF086  }
0x1c: {  	p1 =	slt.u32 s9, $0xF7A;
	s5 =	simm.s32 @!p2 $0x0  }
0x1d: {  	s5 =	simm.s32 @p1 $0x1;
	p0 =	seq.s32 s7, s2  }
0x1e: {  	s7 =	smul.u32 @!p0 $0xF7A, s2;
	p2 =	seq.s32 @!p0 s5, $0x0  }
0x1f: {  	s9 =	smul.u32 $0xF7A, s1;
	s8 =	simm.s32 @!p0 $0x1BF5;
	p2 =	por !p2, p0  }
0x20: {  	[sflag:s8] =	ssyncset.s32 @!p0 $0xFFFFF086;
	s6 =	sadd.s32 @!p0 s3, s7;
	s7 =	simm.s32 @!p0 $0x108  }
0x21: {  	s3 =	sadd.s32 s3, s9;
	s6 =	sadd.s32 @!p0 $0x88, s6;
	s7 =	simm.s32 @p2 $0x1082  }
0x22: {  	[simem:s7], [sflag:s8] =	dma.local @!p0 [hbm:s6], $0xF7A  }
0x23: {  	s9 =	sor.u32 $0xD0000000, s2;
	s6 =	simm.s32 $0x108;
	_ =	swait.ge @!p0 [sflag:s8], $0x0  }
0x24: {  	s3 =	sadd.s32 $0x88, s3;
	s6 =	simm.s32 @!p1 $0x1082;
	[sflag:s4] =	ssyncset.s32 $0xFFFFF086  }
0x25: {  	[simem:s6], [sflag:s4] =	dma.local [hbm:s3], $0xF7A  }
0x26: {  	[smem:$0x3F9A] =	sst s1;
	(tag) =	ssettag s2;
	_ =	strace s9  }
0x27: {  	s1 =	sld [smem:$0x3FAA]  }
0x28: {  	s2 =	sld [smem:$0x3FAB]  }
0x29: {  	s4 =	sld [smem:$0x3FAD]  }
0x2a: {  	p0 =	seq.s32 s5, $0x0;
	s5 =	sld [smem:$0x3FAE]  }
0x2b: {  	s6 =	sld [smem:$0x3FAF]  }
0x2c: {  	s7 =	sld [smem:$0x3FB0]  }
0x2d: {  	s3 =	simm.s32 $0x108;
	s8 =	sld [smem:$0x3FB1]  }
0x2e: {  	s3 =	simm.s32 @!p0 $0x1082;
	s9 =	sld [smem:$0x3FB2]  }
0x2f: {  	lr =	sadd.s32 s0, s3;
	s0 =	sld [smem:$0x3FA9]  }
0x30: {  	s3 =	sld [smem:$0x3FAC]  }
0x31: {  	[smem:$0x3FB5] =	sst s10  }
0x32: {  	s10 =	sld [smem:$0x3FB3];
	_ =	sdelay $0x3  }
0x33: {  	p0 =	seq.s32 s10, $0x1;
	s10 =	sld [smem:$0x3FB5];
	_ =	sdelay $0x3  }
0x34: {  	[smem:$0x3FB5] =	sst s10  }
0x35: {  	s10 =	sld [smem:$0x3FB4];
	_ =	sdelay $0x3  }
0x36: {  	p1 =	seq.s32 s10, $0x1;
	s10 =	sld [smem:$0x3FB5];
	_ =	sdelay $0x3  }
0x37: {  	[smem:$0x3FB5] =	sst s10  }
0x38: {  	s10 =	sld [smem:$0x3FB6]  }
0x39: {  	_ = 	snop;
	(pc) =	sbr.ind lr, $3  }
0x3a: {  	_ = 	snop  }
0x3b: {  	_ = 	snop  }
0x3c: {  	p2 =	seq.s32 s10, $0x1;
	s10 =	sld [smem:$0x3FB5]  }
0x3d: {  	_ =	shalt  }
0x3e: {  	_ =	shalt  }
0x3f: {  	_ =	shalt  }
0x40: {  	_ =	shalt  }
0x41: {  	_ =	shalt  }
0x42: {  	_ =	shalt  }
0x43: {  	_ =	shalt  }
0x44: {  	_ =	shalt  }
0x45: {  	_ =	shalt  }
0x46: {  	_ =	shalt  }
0x47: {  	_ =	shalt  }
0x48: {  	_ =	shalt  }
0x49: {  	_ =	shalt  }
0x4a: {  	_ =	shalt  }
0x4b: {  	_ =	shalt  }
0x4c: {  	_ =	shalt  }
0x4d: {  	_ =	shalt  }
0x4e: {  	_ =	shalt  }
0x4f: {  	_ =	shalt  }
0x50: {  	_ =	shalt  }
0x51: {  	_ =	shalt  }
0x52: {  	_ =	shalt  }
0x53: {  	_ =	shalt  }
0x54: {  	_ =	shalt  }
0x55: {  	_ =	shalt  }
0x56: {  	_ =	shalt  }
0x57: {  	_ =	shalt  }
0x58: {  	_ =	shalt  }
0x59: {  	_ =	shalt  }
0x5a: {  	_ =	shalt  }
0x5b: {  	_ =	shalt  }
0x5c: {  	_ =	shalt  }
0x5d: {  	_ =	shalt  }
0x5e: {  	_ =	shalt  }
0x5f: {  	_ =	shalt  }
0x60: {  	_ =	shalt  }
0x61: {  	_ =	shalt  }
0x62: {  	_ =	shalt  }
0x63: {  	_ =	shalt  }
0x64: {  	_ =	shalt  }
0x65: {  	_ =	shalt  }
0x66: {  	_ =	shalt  }
0x67: {  	_ =	shalt  }
0x68: {  	_ =	shalt  }
0x69: {  	_ =	shalt  }
0x6a: {  	_ =	shalt  }
0x6b: {  	_ =	shalt  }
0x6c: {  	_ =	shalt  }
0x6d: {  	_ =	shalt  }
0x6e: {  	_ =	shalt  }
0x6f: {  	_ =	shalt  }
0x70: {  	_ =	shalt  }
0x71: {  	_ =	shalt  }
0x72: {  	_ =	shalt  }
0x73: {  	_ =	shalt  }
0x74: {  	_ =	shalt  }
0x75: {  	_ =	shalt  }
0x76: {  	_ =	shalt  }
0x77: {  	_ =	shalt  }
0x78: {  	_ =	shalt  }
0x79: {  	_ =	shalt  }
0x7a: {  	_ =	shalt  }
0x7b: {  	_ =	shalt  }
0x7c: {  	_ =	shalt  }
0x7d: {  	_ =	shalt  }
0x7e: {  	_ =	shalt  }
0x7f: {  	_ =	shalt  }
0x80: {  	_ =	shalt  }
0x81: {  	_ =	shalt  }
0x82: {  	_ =	shalt  }
0x83: {  	_ =	shalt  }
0x84: {  	_ =	shalt  }
0x85: {  	_ =	shalt  }
0x86: {  	_ =	shalt  }
0x87: {  	_ =	shalt  }
.Lfunc_end0:
.L_simem_size_0:
called_computation_lowered:
.L_overlay_start_0:
0x88: {  	s2 =	sld [smem:$0x3FD9]  }
0x89: {  	s3 =	sld [smem:$0x3FFE];
	_ =	sdelay $0x1  }
0x8a: {  	s1 =	srdreg.scid  }
0x8b: {  	s0 =	sand.u32 $0x1, s1  }
0x8c: {  	s17 =	sshll.u32 s0, $0xA;
	s2 =	sadd.s32 s3, s2  }
0x8d: {  	s2 =	sadd.s32 s2, s17  }
0x8e: {  	[smem:$0x3FC1] =	sst s2  }
0x8f: {  	_ = 	snop  }
0x90: {  	s2 =	sld [smem:$0x3FC7]  }
0x91: {  	s18 =	sld [smem:$0x3FD0];
	(tm) =	ssettm $0x1  }
0x92: {  	s4 =	sld [smem:$0x3FFB];
	_ =	sdelay $0x3  }
0x93: {  	_ =	strace s4  }
0x94: {  	s4 =	sld [smem:$0x3FFC];
	_ =	sdelay $0x3  }
0x95: {  	_ =	strace s4  }
0x96: {  	s4 =	sld [smem:$0x3FFD];
	_ =	sdelay $0x3  }
0x97: {  	_ =	strace s4  }
0x98: {  	_ =	strace $0x8FFFFFFF  }
0x99: {  	s19 =	sld [smem:$0x3FDB];
	_ =	sdelay $0x1  }
0x9a: {  	s5 =	simm.s32 $_scs_section_size  }
0x9b: {  	s6 =	simm.s32 $_size__tile_overlayer_lowered;
	s7 =	simm.s32 $_tile_overlayer_lowered  }
0x9c: {  	s22 =	simm.s32 $0x1BFF;
	s21 =	sshll.u32 s7, $0x1;
	s4 =	sadd.s32 s5, s19  }
0x9d: {  	s8 =	simm.s32 $0x0;
	s20 =	sshll.u32 s6, $0x1;
	s6 =	sadd.s32 s21, s4  }
0x9e: {  	[timem:s8], [sflag:s22] =	dma.local [hbm:s6], s20  }
0x9f: {  	_ =	swait.ge [sflag:s22], s20  }
0xa0: {  	s5 =	ssub.s32 $0x0, s20;
	[sflag:s22] =	ssyncset.done $0x0  }
0xa1: {  	[sflag:s22] =	ssyncadd.s32 s5;
	_ =	sdelay $0x1  }
0xa2: {  	s23 =	simm.s32 $0x1B8B  }
0xa3: {  	_ =	swait.ge [sflag:s23], $0x1  }
0xa4: {  	[sflag:s23] =	ssyncset.done $0x0  }
0xa5: {  	s25 =	simm.s32 $0x1B8E;
	s24 =	sld [smem:$0x3FFE];
	[sflag:s23] =	ssyncadd.s32 $0xFFFFFFFF  }
0xa6: {  	s26 =	simm.s32 $execute0_lowered;
	[smem:$0x3FD2] =	sst s25  }
0xa7: {  	s6 =	sshll.u32 s26, $0x1;
	_ =	strace $0x80000046;
	[dreg:$0x1] =	wrdreg $0xFFFFFFFF  }
0xa8: {  	s28 =	simm.s32 $_size_execute0_lowered;
	s4 =	sadd.s32 s4, s6;
	[dreg:$0x0] =	wrdreg $0x0  }
0xa9: {  	s6 =	sshll.u32 s28, $0x1;
	[dreg:$0x2] =	wrdreg s4  }
0xaa: {  	[dreg:$0x3] =	wrdreg s6  }
0xab: {  	[dreg:$0x4] =	wrdreg $0xC0  }
0xac: {  	_ =	task [dreg:s8], $0x5FFFF  }
0xad: {  	[dreg:$0x1] =	wrdreg $0xFFFFFFFF  }
0xae: {  	[dreg:$0x0] =	wrdreg $0x60  }
0xaf: {  	[dreg:$0x2] =	wrdreg s24  }
0xb0: {  	[dreg:$0x3] =	wrdreg s2  }
0xb1: {  	[dreg:$0x4] =	wrdreg s18  }
0xb2: {  	[dreg:$0x5] =	wrdreg $0x19D000  }
0xb3: {  	[dreg:$0x6] =	wrdreg $0x9  }
0xb4: {  	_ =	task.clear_ibuf [dreg:s8], $0x7FFFF;
	_ =	strace $0x90000046  }
0xb5: {  	s29 =	simm.s32 $0x9;
	_ =	strace $0x80000048  }
0xb6: {  	_ =	swait.ge [sflag:s29], $0x1  }
0xb7: {  	[sflag:s29] =	ssyncadd.s32 $0xFFFFFFFF  }
0xb8: {  	_ =	strace $0x90000048  }
0xb9: {  	_ =	sfence  }
0xba: {  	s30 =	sld [smem:$0x0];
	_ =	sdelay $0x2  }
0xbb: {  	s31 =	sshll.u32 s1, $0xD;
	s1 =	sshrl.u32 s1, $0x2  }
0xbc: {  	s3 =	sand.u32 $0x4000, s31;
	s1 =	sadd.s32 s1, s30  }
0xbd: {  	s0 =	sor.u32 s3, s0;
	s1 =	sshll.u32 s1, $0x11  }
0xbe: {  	s0 =	sor.u32 s1, s0  }
0xbf: {  	s0 =	sadd.s32 $0x8F2B, s0  }
0xc0: {  	[sflag:s0] =	ssyncadd.remote.s32 $0x1  }
0xc1: {  	_ =	sfence.sel $0xFFFF  }
0xc2: {  	[dreg:$0x0] =	wrdreg $0xFFFFFFFF;
	(pc) =	sbr.abs _section_cstart, $3  }
0xc3: {  	[dreg:$0x1] =	wrdreg $0xFFFFFFFF  }
0xc4: {  	_ =	task.clear_ibuf [dreg:s8], $0x2FFFF;
	_ =	strace $0x9FFFFFFF  }
0xc5: {  	(tm) =	ssettm $0x7FFFFFFF  }
tec
execute0_lowered:
.L_overlay_start_1:
0x0: {  	(tag) =	ssettag $0x1  }
0x1: {  	s0 =	rddreg [dreg:$0x0]  }
0x2: {  	s1 =	rddreg [dreg:$0x1];
	v0 =	vlaneseq.u32  }
0x3: {  	s26 =	rddreg [dreg:$0x2];
	s4 =	simm.s32 $0x0;
	v0 =	vmul.u32 $0x2, v0  }
0x4: {  	[smem:$0x7FF] =	sst s4  }
0x5: {  	s3 =	rddreg [dreg:$0x3];
	_ =	strace $0x80000047;
	v1 =	vor.u32 $0x20, v0;
	[tilespmem:$0x1FFE0] =	vst v0  }
0x6: {  	v54 =	vor.u32 $0x40, v0;
	[tilespmem:$0x1FF30] =	vst v1  }
0x7: {  	v55 =	vor.u32 $0x60, v0;
	[tilespmem:$0x1FF40] =	vst v54  }
0x8: {  	s2 =	srdreg.scid;
	s8 =	stileid.u32;
	s28 =	simm.s32 $0xC;
	v56 =	vor.u32 $0x80, v0;
	[tilespmem:$0x1FF50] =	vst v55  }
0x9: {  	s30 =	simm.s32 $0x5;
	s2 =	sand.u32 $0x1, s2;
	s6 =	sshll.u32 s8, $0x1;
	v57 =	vor.u32 $0xA0, v0;
	[tilespmem:$0x1FF60] =	vst v56  }
0xa: {  	s5 =	sadd.s32 $0x1000, s0;
	s9 =	ssub.s32 $0x2, s2;
	s2 =	sor.u32 s2, s6;
	v58 =	vor.u32 $0xC0, v0;
	[tilespmem:$0x1FF70] =	vst v57  }
0xb: {  	s24 =	sadd.s32 $0x33200, s0;
	s6 =	sadd.s32 $0x1A000, s0;
	s7 =	smul.u32 $0x6400, s2;
	v59 =	vor.u32 $0xE0, v0;
	[tilespmem:$0x1FF80] =	vst v58  }
0xc: {  	[dreg:$0x5] =	wrdreg s24;
	s0 =	sadd.s32 $0x33000, s0;
	s10 =	sshrl.u32 s9, $0x1;
	v60 =	vor.u32 $0x100, v0;
	[tilespmem:$0x1FF90] =	vst v59  }
.Ltmp0:
0xd: {  	[dreg:$0x6] =	wrdreg s0;
	v61 =	vor.u32 $0x120, v0;
	[tilespmem:$0x1FFA0] =	vst v60;
	s29 =	sor.u32 $0xC8, s7;
	(pc) =	sbr.rel .LBB2_1-.Ltmp0, $4  }
0xe: {  	v62 =	vor.u32 $0x140, v0;
	s25 =	ssub.s32 s9, s10;
	[tilespmem:$0x1FFB0] =	vst v61;
	s31 =	sor.u32 $0x190, s7;
	[dreg:$0x7] =	wrdreg s29  }
0xf: {  	p0 =	sne.s32 s8, $0x0;
	v63 =	vor.u32 $0x160, v0;
	[tilespmem:$0x1FFC0] =	vst v62;
	s0 =	smax.u32 s25, $0x1;
	[dreg:$0x8] =	wrdreg s31  }
0x10: {  	s22 =	simm.s32 $0x1;
	v0 =	vadd.s32 $0x170, v0;
	[tilespmem:$0x1FFD0] =	vst v63;
	[dreg:$0x9] =	wrdreg s0;
	s0 =	sshrl.u32 @!p0 s3, $0x3  }
0x11: {  	s8 =	simm.s32 $0x0;
	s9 =	simm.s32 $0x2;
	[tilespmem:$0x1FFF0] =	vst v0;
	[dreg:$0xa] =	wrdreg s0  }
.LBB2_25:
0x12: {  	s0 =	simm.s32 $0xD  }
0x13: {  	_ =	swait.ge [sflag:s0], $0x6400  }
0x14: {  	[sflag:s0] =	ssyncset.done $0x0  }
0x15: {  	s25 =	simm.s32 $0xE;
	[sflag:s0] =	ssyncadd.s32 $0xFFFF9C00  }
0x16: {  	_ =	swait.ge [sflag:s25], $0x6400  }
0x17: {  	[sflag:s25] =	ssyncset.done $0x0  }
0x18: {  	s29 =	simm.s32 $0xF;
	[sflag:s25] =	ssyncadd.s32 $0xFFFF9C00  }
0x19: {  	_ =	swait.ge [sflag:s29], $0x6400  }
0x1a: {  	[sflag:s29] =	ssyncset.done $0x0  }
0x1b: {  	s2 =	simm.s32 $0x10;
	[sflag:s29] =	ssyncadd.s32 $0xFFFF9C00  }
0x1c: {  	_ =	swait.ge [sflag:s2], $0x6400  }
0x1d: {  	s8 =	rddreg [dreg:$0xb]  }
0x1e: {  	s31 =	rddreg [dreg:$0x9];
	s8 =	sadd.s32 $0x1, s8  }
0x1f: {  	p1 =	sne.s32 s8, s31  }
.Ltmp1:
0x20: {  	_ = 	snop;
	(pc) =	sbr.rel @!p1 .LBB2_26-.Ltmp1, $3  }
0x21: {  	_ =	sdelay $0x1  }
0x22: {  	[sflag:s2] =	ssyncset.done $0x0  }
0x23: {  	[sflag:s2] =	ssyncadd.s32 $0xFFFF9C00  }
.LBB2_1:
0x24: {  	[dreg:$0xb] =	wrdreg s8  }
0x25: {  	s0 =	rddreg [dreg:$0x6];
	s2 =	simm.s32 $0x19C00;
	s31 =	simm.s32 $0x11  }
0x26: {  	[tilespmem:s2], [sflag:$0x11] =	stream.linear.gather [hbm4b:s0+s4], $0x100, $0x38;
	[tilespmem:$0x1A980] =	vst v63  }
0x27: {  	_ =	swait.ge [sflag:s31], $0x100  }
0x28: {  	[sflag:s31] =	ssyncset.done $0x0;
	s2 =	rddreg [dreg:$0x5]  }
0x29: {  	s0 =	simm.s32 @!p0 $0x1C11;
	s8 =	rddreg [dreg:$0xa];
	[sflag:s31] =	ssyncadd.s32 $0xFFFFFF00  }
0x2a: {  	[spmem:s8], [sflag:s0] =	dma.local @!p0 [hbm:s2], $0x1900  }
0x2b: {  	s0 =	simm.s32 @!p0 $0x11  }
0x2c: {  	_ =	swait.ge @!p0 [sflag:s0], $0x1900  }
0x2d: {  	[sflag:s0] =	ssyncset.done @!p0 $0x0  }
0x2e: {  	[sflag:s0] =	ssyncadd.s32 @!p0 $0xFFFFE700  }
0x2f: {  	[bflag:$0x0] =	sbarrier.arrive $0xFFFF  }
0x30: {  	v0 =	vld [tilespmem:$0x19CE0]  }
0x31: {  	v63 =	vld [tilespmem:$0x19CF0]  }
0x32: {  	v38 =	vld [tilespmem:$0x19C00]  }
0x33: {  	v39 =	vld [tilespmem:$0x19C10]  }
0x34: {  	v44 =	vld [tilespmem:$0x19C20]  }
0x35: {  	v46 =	vld [tilespmem:$0x19C30];
	[tilespmem:$0x1FE30] =	vst v0  }
0x36: {  	v42 =	vld [tilespmem:$0x19C40];
	[tilespmem:$0x1FE40] =	vst v63  }
0x37: {  	v43 =	vld [tilespmem:$0x19C50];
	[tilespmem:$0x1FE50] =	vst v38  }
0x38: {  	v45 =	vld [tilespmem:$0x19C60];
	[tilespmem:$0x1FE60] =	vst v39  }
0x39: {  	v40 =	vld [tilespmem:$0x19C70];
	[tilespmem:$0x1FE70] =	vst v44  }
0x3a: {  	v47 =	vld [tilespmem:$0x19C80];
	[tilespmem:$0x1FE80] =	vst v46  }
0x3b: {  	v48 =	vld [tilespmem:$0x19C90];
	[tilespmem:$0x1FE90] =	vst v42  }
0x3c: {  	v49 =	vld [tilespmem:$0x19CA0];
	[tilespmem:$0x1FEA0] =	vst v43  }
0x3d: {  	v50 =	vld [tilespmem:$0x19CB0];
	[tilespmem:$0x1FEB0] =	vst v45  }
0x3e: {  	v34 =	vld [tilespmem:$0x19CC0];
	[tilespmem:$0x1FEC0] =	vst v40  }
0x3f: {  	v28 =	vld [tilespmem:$0x19CD0];
	[tilespmem:$0x1FED0] =	vst v47  }
.Ltmp2:
0x40: {  	[tilespmem:$0x1FEE0] =	vst v48;
	(pc) =	sbr.rel .LBB2_2-.Ltmp2, $4  }
0x41: {  	[tilespmem:$0x1FEF0] =	vst v49  }
0x42: {  	[tilespmem:$0x1FF00] =	vst v50  }
0x43: {  	[tilespmem:$0x1FF10] =	vst v34  }
0x44: {  	s29 =	simm.s32 $0x0;
	[tilespmem:$0x1FF20] =	vst v28  }
.LBB2_24:
0x45: {  	s29 =	sadd.s32 $0x1, s29  }
0x46: {  	p1 =	sne.s32 s29, $0x21  }
.Ltmp3:
0x47: {  	_ = 	snop;
	(pc) =	sbr.rel @!p1 .LBB2_25-.Ltmp3, $1  }
0x48: {  	_ =	sdelay $0x3  }
.LBB2_2:
0x49: {  	s0 =	sshll.u32 s29, $0x2  }
0x4a: {  	s8 =	sadd.s32 $0xFFFFFFFF, s0  }
0x4b: {  	p1 =	sgt.u32 s8, $0x7F  }
0x4c: {  	s2 =	smul.u32 @!p1 $0xC8, s8  }
0x4d: {  	s15 =	sadd.s32 $0xFFFFFFFE, s0  }
0x4e: {  	p2 =	sgt.u32 s15, $0x7F;
	s2 =	sadd.s32 @!p1 s7, s2  }
.Ltmp4:
0x4f: {  	s2 =	sshrl.u32 @!p1 s2, $0x3;
	(pc) =	sbr.rel @p2 .LBB2_4-.Ltmp4, $4  }
0x50: {  	s11 =	simm.s32 @!p1 $0x0;
	s12 =	simm.s32 @!p1 $0x19300;
	s10 =	sadd.s32 @!p1 s5, s2  }
0x51: {  	[tilespmem:s12], [sflag:$0x4] =	stream.linear.gather @!p1 [hbm4b:s10+s11], $0xC8, $0x38;
	[tilespmem:$0x1A980] =	vst v63  }
0x52: {  	p5 =	por $0x0, $0x0;
	s2 =	sadd.s32 @!p1 s6, s2;
	s10 =	simm.s32 @!p1 $0x19700  }
0x53: {  	[tilespmem:s10], [sflag:$0x4] =	stream.linear.gather @!p1 [hbm4b:s2+s11], $0xC8, $0x38;
	[tilespmem:$0x1A980] =	vst v63  }
0x54: {  	s2 =	simm.s32 $0x3  }
0x55: {  	_ =	swait.ge [sflag:s2], $0xC8  }
0x56: {  	[sflag:s2] =	ssyncset.done $0x0  }
0x57: {  	[sflag:s2] =	ssyncadd.s32 $0xFFFFFF38  }
0x58: {  	_ =	swait.ge [sflag:s2], $0xC8  }
0x59: {  	v5 =	vld [tilespmem:$0x1FFE0]  }
0x5a: {  	v32 =	vld [tilespmem:$0x1FF30]  }
0x5b: {  	v35 =	vld [tilespmem:$0x1FF40]  }
0x5c: {  	v37 =	vld [tilespmem:$0x1FF50]  }
0x5d: {  	v51 =	vld [tilespmem:$0x1FF60]  }
0x5e: {  	v53 =	vld [tilespmem:$0x1FF70]  }
0x5f: {  	v55 =	vld [tilespmem:$0x1FF80]  }
0x60: {  	v57 =	vld [tilespmem:$0x1FF90]  }
0x61: {  	v59 =	vld [tilespmem:$0x1FFA0]  }
0x62: {  	v60 =	vld [tilespmem:$0x1FFB0]  }
0x63: {  	v61 =	vld [tilespmem:$0x1FFC0]  }
0x64: {  	[sflag:s2] =	ssyncset.done $0x0;
	v62 =	vld [tilespmem:$0x1FFD0]  }
0x65: {  	v63 =	vld [tilespmem:$0x1FFF0];
	[sflag:s2] =	ssyncadd.s32 $0xFFFFFF38  }
0x66: {  	v0 =	vld [tilespmem:$0x19600]  }
0x67: {  	v1 =	vld [tilespmem:$0x19610]  }
0x68: {  	v2 =	vld [tilespmem:$0x19620]  }
0x69: {  	v3 =	vld [tilespmem:$0x19630]  }
0x6a: {  	v4 =	vld [tilespmem:$0x19640]  }
0x6b: {  	v26 =	vld [tilespmem:$0x19650];
	v0 =	vadd.s32 v5, v0  }
0x6c: {  	v33 =	vld [tilespmem:$0x19660];
	[tilespmem:$0x19A00] =	vst v0;
	v0 =	vadd.s32 v32, v1  }
0x6d: {  	v36 =	vld [tilespmem:$0x19670];
	[tilespmem:$0x19A10] =	vst v0;
	v0 =	vadd.s32 v35, v2  }
0x6e: {  	v41 =	vld [tilespmem:$0x19680];
	[tilespmem:$0x19A20] =	vst v0;
	v0 =	vadd.s32 v37, v3  }
0x6f: {  	v52 =	vld [tilespmem:$0x19690];
	[tilespmem:$0x19A30] =	vst v0;
	v0 =	vadd.s32 v51, v4  }
0x70: {  	v54 =	vld [tilespmem:$0x196A0];
	[tilespmem:$0x19A40] =	vst v0;
	v0 =	vadd.s32 v53, v26  }
0x71: {  	v56 =	vld [tilespmem:$0x196B0];
	[tilespmem:$0x19A50] =	vst v0;
	v0 =	vadd.s32 v55, v33  }
0x72: {  	v58 =	vld [tilespmem:$0x196B8];
	[tilespmem:$0x19A60] =	vst v0;
	v0 =	vadd.s32 v57, v36  }
0x73: {  	[tilespmem:$0x19A70] =	vst v0;
	v0 =	vadd.s32 v59, v41  }
0x74: {  	[tilespmem:$0x19A80] =	vst v0;
	v0 =	vadd.s32 v60, v52  }
0x75: {  	[tilespmem:$0x19A90] =	vst v0;
	v0 =	vadd.s32 v61, v54  }
0x76: {  	s21 =	sadd.s32 $0xFFFFFFF8, s0;
	[tilespmem:$0x19AA0] =	vst v0;
	v0 =	vadd.s32 v62, v56  }
0x77: {  	p3 =	sgt.u32 s21, $0x7B;
	[tilespmem:$0x19AB0] =	vst v0;
	v0 =	vadd.s32 v63, v58  }
0x78: {  	s10 =	simm.s32 @!p3 $0xF;
	[tilespmem:$0x19AB8] =	vst v0  }
0x79: {  	_ =	swait.ge @!p3 [sflag:s10], $0x6400  }
0x7a: {  	s23 =	simm.s32 $0x68;
	s11 =	simm.s32 $0x19200;
	[sflag:s10] =	ssyncset.done @!p3 $0x0  }
0x7b: {  	s12 =	simm.s32 $0xC800;
	s24 =	simm.s32 $0x60;
	[sflag:s10] =	ssyncadd.s32 @!p3 $0xFFFF9C00  }
0x7c: {  	[tilespmem:s12], [sflag:$0x7] =	stream.indirect.gather [hbm4b:s1+s23], $0x80, s11, s23, $0xb8;
	[tilespmem:$0x1A980] =	vst v63  }
0x7d: {  	s25 =	simm.s32 $0x19268;
	s31 =	simm.s32 $0xFC00;
	p5 =	slt.u32 s21, $0x7C  }
0x7e: {  	[tilespmem:s31], [sflag:$0x7] =	stream.indirect.gather [hbm4b:s1+s24], $0x80, s25, s24, $0xb8;
	[tilespmem:$0x1A980] =	vst v63  }
.LBB2_4:
0x7f: {  	s31 =	sadd.s32 $0xFFFFFFFD, s0  }
0x80: {  	p4 =	sgt.u32 s31, $0x7F  }
0x81: {  	s2 =	simm.s32 @!p4 $0x6  }
0x82: {  	_ =	swait.ge @!p4 [sflag:s2], $0x3400  }
0x83: {  	[sflag:s2] =	ssyncset.done @!p4 $0x0  }
0x84: {  	s14 =	sadd.s32 $0xFFFFFFFC, s0;
	[sflag:s2] =	ssyncadd.s32 @!p4 $0xFFFFCC00  }
0x85: {  	p3 =	sgt.u32 s14, $0x7F;
	_ =	swait.ge @!p4 [sflag:s2], $0x3000  }
.Ltmp5:
0x86: {  	s0 =	simm.s32 @!p4 $0x68;
	[sflag:s2] =	ssyncset.done @!p4 $0x0;
	(pc) =	sbr.rel @p3 .LBB2_8-.Ltmp5, $4  }
0x87: {  	s10 =	simm.s32 @!p4 $0x6400;
	[sflag:s2] =	ssyncadd.s32 @!p4 $0xFFFFD000;
	s2 =	simm.s32 @!p4 $0x19900  }
0x88: {  	[tilespmem:s10], [sflag:$0xA] =	stream.indirect.gather.add.f32 @!p4 [spmem:s3], $0x80, s2, s0, $0xb8;
	[tilespmem:$0x1A980] =	vst v63  }
0x89: {  	s0 =	simm.s32 @!p4 $0x60;
	s2 =	simm.s32 @!p4 $0x19968;
	s10 =	simm.s32 @!p4 $0x9800  }
0x8a: {  	[tilespmem:s10], [sflag:$0xA] =	stream.indirect.gather.add.f32 @!p4 [spmem:s3], $0x80, s2, s0, $0xb8;
	[tilespmem:$0x1A980] =	vst v63  }
0x8b: {  	s0 =	simm.s32 $0x9  }
0x8c: {  	_ =	swait.ge [sflag:s0], $0x3400  }
0x8d: {  	[sflag:s0] =	ssyncset.done $0x0  }
0x8e: {  	[sflag:s0] =	ssyncadd.s32 $0xFFFFCC00  }
0x8f: {  	_ =	swait.ge [sflag:s0], $0x3000  }
0x90: {  	[sflag:s0] =	ssyncset.done $0x0  }
0x91: {  	[sflag:s0] =	ssyncadd.s32 $0xFFFFD000;
	s0 =	simm.s32 $0x100  }
0x92: {  	v29 =	vld [tilespmem:s0+$0x80]  }
0x93: {  	v13 =	vld [tilespmem:s0+$0x90]  }
0x94: {  	v30 =	vld [tilespmem:s0+$0xA0]  }
0x95: {  	v31 =	vld [tilespmem:s0+$0xB0]  }
0x96: {  	v37 =	vld [tilespmem:s0+$0xC0]  }
0x97: {  	v35 =	vld [tilespmem:s0+$0xD0]  }
0x98: {  	v36 =	vld [tilespmem:s0+$0xE0]  }
0x99: {  	v14 =	vld [tilespmem:s0+$0xF0];
	_ =	sdelay $0x1  }
0x9a: {  	v0 =	vadd.f32 v13, v29;
	v1 =	vmul.f32 v29, v29;
	v2 =	vmul.f32 v13, v13  }
0x9b: {  	v3 =	vadd.f32 v31, v30;
	v4 =	vmul.f32 v30, v30;
	v5 =	vmul.f32 v31, v31  }
0x9c: {  	v6 =	vadd.f32 v35, v37;
	v7 =	vmul.f32 v37, v37;
	v8 =	vmul.f32 v35, v35  }
0x9d: {  	v9 =	vadd.f32 v14, v36;
	v10 =	vmul.f32 v36, v36;
	v11 =	vmul.f32 v14, v14  }
0x9e: {  	v1 =	vadd.f32 v2, v1;
	v2 =	vadd.f32 v5, v4  }
0x9f: {  	v4 =	vadd.f32 v8, v7;
	v5 =	vadd.f32 v11, v10  }
0xa0: {  	v0 =	vadd.f32 v3, v0;
	v3 =	vadd.f32 v9, v6  }
0xa1: {  	v1 =	vadd.f32 v2, v1;
	v2 =	vadd.f32 v5, v4  }
0xa2: {  	v0 =	vadd.f32 v3, v0  }
0xa3: {  	v1 =	vadd.f32 v2, v1  }
0xa4: {  	(xrf2) =	vadd.scan.msk.f32 $0xffff, v0  }
0xa5: {  	(xrf2) =	vadd.scan.msk.f32 $0xffff, v1;
	_ =	sdelay $0x8  }
0xa6: {  	v0, _, _ =	vpop (xrf2)  }
0xa7: {  	(v2sf) =	vpush v0, $0xF;
	v0, _, _ =	vpop (xrf2)  }
0xa8: {  	(v2sf) =	vpush v0, $0xF;
	_ =	sdelay $0x1  }
0xa9: {  	v61 =	vld [tilespmem:s0+$0xFFFFFF80]  }
0xaa: {  	v24 =	vld [tilespmem:s0+$0xFFFFFFA0]  }
0xab: {  	v6 =	vld [tilespmem:s0+$0xFFFFFF40]  }
0xac: {  	v7 =	vld [tilespmem:s0+$0xFFFFFF60]  }
0xad: {  	v9 =	vld [tilespmem:s0+$0xFFFFFF70]  }
0xae: {  	v10 =	vld [tilespmem:s0+$0xFFFFFF90]  }
0xaf: {  	v4 =	vld [tilespmem:s0+$0xFFFFFF20]  }
0xb0: {  	v3 =	vld [tilespmem:s0+$0xFFFFFF30]  }
0xb1: {  	v5 =	vld [tilespmem:s0+$0xFFFFFF50]  }
0xb2: {  	v2 =	vld [tilespmem:s0+$0xFFFFFF10];
	[tilespmem:$0x1FD30] =	vst v24  }
0xb3: {  	v25 =	vld [tilespmem:s0+$0xFFFFFFB0]  }
0xb4: {  	v63 =	vld [tilespmem:s0+$0xFFFFFFD0]  }
0xb5: {  	v21 =	vmul.f32 v61, v61;
	v1 =	vld [tilespmem:s0+$0xFFFFFFC0];
	s2 =	spop (v2sf)  }
0xb6: {  	v11 =	vmul.f32 v6, v6;
	v62 =	vld [tilespmem:s0+$0xFFFFFFE0];
	v17 =	vadd.f32 v9, v7;
	v18 =	vmul.f32 v7, v7;
	s10 =	smul.f32 $7.812500000e-03, s2;
	s21 =	spop (v2sf)  }
0xb7: {  	v19 =	vmul.f32 v9, v9;
	v26 =	vld [tilespmem:s0+$0xFFFFFFF0];
	v20 =	vadd.f32 v10, v61;
	v22 =	vmul.f32 v10, v10;
	s2 =	smul.f32 $7.812500000e-03, s21  }
0xb8: {  	v58 =	vld [tilespmem:s0+$0x0];
	v8 =	vmul.f32 v3, v3;
	v12 =	vadd.f32 v5, v6;
	v0 =	vmul.f32 v4, v4;
	s11 =	smul.f32 s10, s10  }
0xb9: {  	v27 =	vld [tilespmem:s0+$0x10];
	v16 =	vmul.f32 v5, v5;
	v56 =	vadd.f32 v19, v18;
	v57 =	vadd.f32 v22, v21;
	[tilespmem:$0x1FD40] =	vst v25  }
0xba: {  	v17 =	vadd.f32 v17, v12;
	v32 =	vld [tilespmem:s0+$0x20];
	[tilespmem:$0x1FD50] =	vst v1;
	v23 =	vadd.f32 v8, v0;
	s2 =	ssub.f32 s2, s11  }
0xbb: {  	v12 =	vmul.f32 v25, v25;
	v34 =	vld [tilespmem:s0+$0x30];
	v8 =	vadd.f32 v16, v11;
	v11 =	vadd.f32 v25, v24  }
0xbc: {  	v33 =	vmul.f32 v62, v62;
	v60 =	vadd.f32 v63, v1;
	v0 =	vmul.f32 v24, v24;
	s2 =	sadd.f32 $9.999999960e-13, s2  }
0xbd: {  	v59 =	vmul.f32 v1, v1;
	v1 =	vld [tilespmem:s0+$0xFFFFFF00];
	v24 =	vadd.f32 v26, v62;
	v20 =	vadd.f32 v11, v20  }
0xbe: {  	v25 =	vmul.f32 v26, v26;
	v16 =	vadd.f32 v56, v8;
	v8 =	vadd.f32 v12, v0;
	s23 =	sshra.s32 s2, $0x1;
	s2 =	smul.f32 $5.000000000e-01, s2  }
0xbf: {  	v41 =	vld [tilespmem:s0+$0x40];
	[tilespmem:$0x1FD60] =	vst v26;
	v11 =	vmul.f32 v63, v63;
	v21 =	vadd.f32 v24, v60;
	v24 =	vadd.f32 v27, v58;
	s11 =	ssub.s32 $0x5F3759DF, s23  }
0xc0: {  	v51 =	vmul.f32 v2, v2;
	v12 =	vld [tilespmem:s0+$0x60];
	v22 =	vadd.f32 v25, v33;
	v25 =	vadd.f32 v34, v32;
	s12 =	smul.f32 s11, s2  }
0xc1: {  	v26 =	vmul.f32 v58, v58;
	v19 =	vadd.f32 v11, v59;
	v11 =	vld [tilespmem:s0+$0x50];
	[tilespmem:$0x1FD90] =	vst v27;
	v27 =	vmul.f32 v27, v27  }
0xc2: {  	v18 =	vadd.f32 v8, v57;
	v24 =	vadd.f32 v25, v24;
	v25 =	vmul.f32 v1, v1;
	v8 =	vld [tilespmem:s0+$0x70];
	s12 =	smul.f32 s11, s12  }
0xc3: {  	v15 =	vadd.f32 v3, v4;
	v26 =	vadd.f32 v27, v26  }
0xc4: {  	v54 =	vmul.f32 v41, v41;
	v0 =	vmovc v32;
	v27 =	vadd.f32 v2, v1;
	v25 =	vadd.f32 v51, v25;
	s12 =	ssub.f32 $1.500000000e+00, s12  }
0xc5: {  	v20 =	vadd.f32 v21, v20;
	v33 =	vmul.f32 v0, v0;
	v19 =	vadd.f32 v22, v19  }
0xc6: {  	v56 =	vmul.f32 v12, v12;
	v15 =	vadd.f32 v15, v27;
	v23 =	vadd.f32 v23, v25;
	s11 =	smul.f32 s11, s12  }
0xc7: {  	v27 =	vmul.f32 v34, v34;
	v52 =	vadd.f32 v11, v41;
	v53 =	vadd.f32 v8, v12  }
0xc8: {  	v55 =	vmul.f32 v11, v11;
	v15 =	vadd.f32 v17, v15;
	v57 =	vmul.f32 v8, v8;
	s12 =	smul.f32 s11, s2  }
0xc9: {  	(xrf2) =	vadd.scan.msk.f32 $0xffff, v20;
	v27 =	vadd.f32 v27, v33;
	v22 =	vadd.f32 v53, v52  }
0xca: {  	(xrf2) =	vadd.scan.msk.f32 $0xffff, v15;
	v15 =	vadd.f32 v55, v54;
	v20 =	vadd.f32 v57, v56;
	s12 =	smul.f32 s12, s11  }
0xcb: {  	v16 =	vadd.f32 v16, v23;
	v59 =	vadd.f32 v22, v24  }
0xcc: {  	v60 =	vadd.f32 v27, v26;
	v15 =	vadd.f32 v20, v15;
	s12 =	ssub.f32 $1.500000000e+00, s12  }
0xcd: {  	v20 =	vadd.f32 v19, v18;
	(xrf2) =	vadd.scan.msk.f32 $0xffff, v59  }
0xce: {  	v15 =	vadd.f32 v15, v60;
	(xrf2) =	vadd.scan.msk.f32 $0xffff, v16;
	s11 =	smul.f32 s12, s11  }
0xcf: {  	(xrf2) =	vadd.scan.msk.f32 $0xffff, v20  }
0xd0: {  	(xrf2) =	vadd.scan.msk.f32 $0xffff, v15;
	s2 =	smul.f32 s11, s2;
	_ =	sdelay $0x1  }
0xd1: {  	s2 =	smul.f32 s2, s11;
	_ =	sdelay $0x1  }
0xd2: {  	s2 =	ssub.f32 $1.500000000e+00, s2  }
0xd3: {  	[tilespmem:$0x1FDA0] =	vst v32;
	v15, _, _ =	vpop (xrf2)  }
0xd4: {  	[tilespmem:$0x1FDB0] =	vst v34;
	(v2sf) =	vpush v15, $0xF;
	v22, _, _ =	vpop (xrf2);
	s2 =	smul.f32 s2, s11  }
0xd5: {  	s13 =	simm.s32 $0x300;
	[tilespmem:$0x1FDC0] =	vst v41;
	(v2sf) =	vpush v22, $0xF;
	v15, _, _ =	vpop (xrf2)  }
0xd6: {  	v32 =	vld [tilespmem:s13+$0x90];
	(v2sf) =	vpush v15, $0xF;
	v15, _, _ =	vpop (xrf2);
	s10 =	smul.f32 s2, s10  }
0xd7: {  	v51 =	vld [tilespmem:s13+$0xA0];
	(v2sf) =	vpush v15, $0xF;
	v15, _, _ =	vpop (xrf2);
	v14 =	vmul.f32 s2, v14  }
0xd8: {  	v41 =	vld [tilespmem:s13+$0x80];
	(v2sf) =	vpush v15, $0xF;
	v15, _, _ =	vpop (xrf2);
	v17 =	vmov s10  }
0xd9: {  	v33 =	vld [tilespmem:s13+$0xB0];
	(v2sf) =	vpush v15, $0xF;
	v15 =	vmul.f32 s2, v29;
	v0 =	vsub.f32 v14, v17  }
0xda: {  	v29 =	vld [tilespmem:s13+$0xC0]  }
0xdb: {  	v13 =	vmul.f32 s2, v13;
	v23 =	vmul.f32 s2, v30;
	v30 =	vld [tilespmem:s13+$0xD0];
	[tilespmem:$0x1FD70] =	vst v0;
	v0 =	vsub.f32 v15, v17;
	_ =	sdelay $0x1  }
0xdc: {  	v56 =	vmul.f32 s2, v31;
	v31 =	vld [tilespmem:s13+$0xE0];
	[tilespmem:$0x1FD80] =	vst v0;
	v0 =	vsub.f32 v13, v17;
	_ =	sdelay $0x1  }
0xdd: {  	[tilespmem:$0x1FDD0] =	vst v0;
	v0 =	vsub.f32 v23, v17;
	_ =	sdelay $0x1  }
0xde: {  	v57 =	vmul.f32 s2, v37;
	v53 =	vld [tilespmem:s13+$0xF0];
	[tilespmem:$0x1FDE0] =	vst v0;
	v0 =	vsub.f32 v56, v17;
	_ =	sdelay $0x1  }
0xdf: {  	v14 =	vmul.f32 s2, v35;
	[tilespmem:$0x1FDF0] =	vst v0;
	v0 =	vsub.f32 v57, v17  }
0xe0: {  	s24 =	spop (v2sf)  }
0xe1: {  	s25 =	spop (v2sf);
	v26 =	vld [tilespmem:s13+$0xFFFFFF10];
	[tilespmem:$0x1FE00] =	vst v0;
	v0 =	vsub.f32 v14, v17  }
0xe2: {  	s18 =	smul.f32 $7.812500000e-03, s25  }
0xe3: {  	s11 =	smul.f32 $7.812500000e-03, s24;
	v13 =	vmul.f32 s2, v36;
	[tilespmem:$0x1FE10] =	vst v0  }
0xe4: {  	s16 =	smul.f32 s18, s18;
	s19 =	spop (v2sf);
	v25 =	vld [tilespmem:s13+$0xFFFFFF20]  }
0xe5: {  	s20 =	spop (v2sf);
	s26 =	smul.f32 s11, s11;
	v0 =	vsub.f32 v13, v17;
	v35 =	vld [tilespmem:s13+$0xFFFFFF30]  }
0xe6: {  	s10 =	smul.f32 $7.812500000e-03, s19;
	s19 =	spop (v2sf);
	v36 =	vld [tilespmem:s13+$0xFFFFFF40]  }
0xe7: {  	s19 =	smul.f32 $7.812500000e-03, s19;
	v52 =	vld [tilespmem:s13+$0xFFFFFF50];
	[tilespmem:$0x1FE20] =	vst v0  }
0xe8: {  	v19 =	vmul.f32 v32, v32;
	v60 =	vmul.f32 v33, v33;
	v15 =	vadd.f32 v33, v51;
	s2 =	smul.f32 $7.812500000e-03, s20;
	v54 =	vld [tilespmem:s13+$0xFFFFFF60]  }
0xe9: {  	v16 =	vmul.f32 v41, v41;
	v18 =	vadd.f32 v30, v29;
	s12 =	ssub.f32 s19, s26;
	v14 =	vadd.f32 v32, v41;
	v55 =	vld [tilespmem:s13+$0xFFFFFF70]  }
0xea: {  	v37 =	vmul.f32 v29, v29;
	s2 =	ssub.f32 s2, s16;
	v59 =	vadd.f32 v53, v31;
	v13 =	vmul.f32 v30, v30;
	v24 =	vld [tilespmem:s13+$0xFFFFFF80]  }
0xeb: {  	v20 =	vmul.f32 v51, v51;
	s21 =	spop (v2sf);
	s12 =	sadd.f32 $9.999999960e-13, s12;
	v57 =	vmul.f32 v31, v31;
	v14 =	vadd.f32 v15, v14;
	v27 =	vld [tilespmem:s13+$0xFFFFFF90]  }
0xec: {  	s17 =	smul.f32 s10, s10;
	s2 =	sadd.f32 $9.999999960e-13, s2;
	v15 =	vadd.f32 v59, v18;
	v59 =	vmul.f32 v53, v53;
	v13 =	vadd.f32 v13, v37;
	v37 =	vld [tilespmem:s13+$0xFFFFFFA0]  }
0xed: {  	v16 =	vadd.f32 v19, v16;
	s16 =	smul.f32 $7.812500000e-03, s21;
	v56 =	vld [tilespmem:s13+$0xFFFFFFB0];
	[tilespmem:$0x1FC20] =	vst v36  }
0xee: {  	v60 =	vadd.f32 v60, v20;
	s21 =	sshra.s32 s12, $0x1;
	s23 =	sshra.s32 s2, $0x1;
	s19 =	smul.f32 $5.000000000e-01, s2;
	v17 =	vadd.f32 v59, v57;
	[tilespmem:$0x1FC30] =	vst v52  }
0xef: {  	s16 =	ssub.f32 s16, s17;
	s17 =	smul.f32 $5.000000000e-01, s12;
	s24 =	ssub.s32 $0x5F3759DF, s23;
	v14 =	vadd.f32 v15, v14;
	v15 =	vmul.f32 v36, v36;
	v59 =	vadd.f32 v52, v36;
	v36 =	vld [tilespmem:s13+$0xFFFFFFC0];
	[tilespmem:$0x1FC40] =	vst v54  }
0xf0: {  	v16 =	vadd.f32 v60, v16;
	s21 =	ssub.s32 $0x5F3759DF, s21;
	s20 =	smul.f32 s24, s19;
	v13 =	vadd.f32 v17, v13;
	[tilespmem:$0x1FC50] =	vst v55  }
0xf1: {  	s16 =	sadd.f32 $9.999999960e-13, s16;
	s23 =	smul.f32 s21, s17;
	v18 =	vmul.f32 v25, v25;
	v60 =	vadd.f32 v55, v54;
	v22 =	vmul.f32 v54, v54;
	v54 =	vld [tilespmem:s13+$0xFFFFFFD0]  }
0xf2: {  	s20 =	smul.f32 s24, s20;
	v20 =	vmul.f32 v35, v35;
	v21 =	vmul.f32 v52, v52;
	v52 =	vld [tilespmem:s13+$0xFFFFFFE0];
	[tilespmem:$0x1FC60] =	vst v24  }
0xf3: {  	s12 =	smul.f32 $5.000000000e-01, s16;
	s16 =	sshra.s32 s16, $0x1;
	v13 =	vadd.f32 v13, v16;
	v23 =	vmul.f32 v55, v55;
	v57 =	vadd.f32 v27, v24;
	[tilespmem:$0x1FC70] =	vst v27  }
0xf4: {  	s16 =	ssub.s32 $0x5F3759DF, s16;
	s23 =	smul.f32 s21, s23;
	s20 =	ssub.f32 $1.500000000e+00, s20;
	(xrf2) =	vadd.scan.msk.f32 $0xffff, v14;
	v14 =	vadd.f32 v20, v18;
	v16 =	vadd.f32 v60, v59;
	v59 =	vmul.f32 v24, v24;
	v24 =	vld [tilespmem:s13+$0xFFFFFFF0]  }
0xf5: {  	s25 =	smul.f32 s16, s12;
	v15 =	vadd.f32 v21, v15;
	(xrf2) =	vadd.scan.msk.f32 $0xffff, v13;
	v60 =	vmul.f32 v27, v27;
	v27 =	vld [tilespmem:s13+$0x0];
	[tilespmem:$0x1FC80] =	vst v37  }
0xf6: {  	s2 =	smul.f32 s24, s20;
	v13 =	vadd.f32 v56, v37;
	v19 =	vmul.f32 v37, v37;
	[tilespmem:$0x1FC90] =	vst v56;
	v55 =	vmul.f32 v36, v36  }
0xf7: {  	s23 =	ssub.f32 $1.500000000e+00, s23;
	s25 =	smul.f32 s16, s25;
	v20 =	vadd.f32 v23, v22;
	v37 =	vmul.f32 v56, v56;
	v18 =	vadd.f32 v60, v59;
	v60 =	vld [tilespmem:s13+$0xFFFFFF00]  }
0xf8: {  	s26 =	smul.f32 s2, s19;
	v59 =	vld [tilespmem:s13+$0x10];
	v56 =	vmul.f32 v54, v54  }
0xf9: {  	s21 =	smul.f32 s21, s23;
	v15 =	vadd.f32 v20, v15;
	v19 =	vadd.f32 v37, v19;
	v37 =	vld [tilespmem:s13+$0x20]  }
0xfa: {  	s20 =	ssub.f32 $1.500000000e+00, s25;
	s25 =	smul.f32 s26, s2;
	v20 =	vadd.f32 v35, v25;
	v17 =	vadd.f32 v56, v55;
	v55 =	vmov v35;
	v35 =	vld [tilespmem:s13+$0x30];
	[tilespmem:$0x1FCA0] =	vst v36  }
0xfb: {  	s23 =	smul.f32 s21, s17;
	[tilespmem:$0x1FCB0] =	vst v54  }
0xfc: {  	s24 =	ssub.f32 $1.500000000e+00, s25;
	v21 =	vadd.f32 v54, v36;
	v36 =	vld [tilespmem:s13+$0x40];
	[tilespmem:$0x1FCC0] =	vst v52  }
0xfd: {  	s23 =	smul.f32 s23, s21;
	v13 =	vadd.f32 v13, v57;
	v57 =	vmul.f32 v52, v52;
	v22 =	vadd.f32 v24, v52;
	[tilespmem:$0x1FCD0] =	vst v24  }
0xfe: {  	s2 =	smul.f32 s24, s2;
	v18 =	vadd.f32 v19, v18;
	v24 =	vmul.f32 v24, v24;
	v52 =	vld [tilespmem:s13+$0x50]  }
0xff: {  	s16 =	smul.f32 s16, s20;
	s23 =	ssub.f32 $1.500000000e+00, s23;
	v54 =	vadd.f32 v22, v21;
	v56 =	vmov v25;
	v25 =	vadd.f32 v26, v60;
	v0 =	vld [tilespmem:s13+$0x60]  }
0x100: {  	s19 =	smul.f32 s2, s19;
	v19 =	vmul.f32 v27, v27;
	v22 =	vmul.f32 v59, v59;
	v21 =	vadd.f32 v24, v57;
	v24 =	vld [tilespmem:s13+$0x70]  }
0x101: {  	s21 =	smul.f32 s23, s21;
	v13 =	vadd.f32 v54, v13;
	v57, _, _ =	vpop (xrf2);
	v20 =	vadd.f32 v20, v25  }
0x102: {  	s19 =	smul.f32 s19, s2;
	v19 =	vadd.f32 v22, v19;
	v22 =	vmul.f32 v37, v37;
	(v2sf) =	vpush v57, $0xF  }
0x103: {  	s17 =	smul.f32 s21, s17;
	v57 =	vadd.f32 v59, v27;
	v54, _, _ =	vpop (xrf2);
	(xrf2) =	vadd.scan.msk.f32 $0xffff, v13;
	v13 =	vmul.f32 v26, v26;
	v16 =	vadd.f32 v16, v20  }
0x104: {  	s25 =	smul.f32 s16, s12;
	s19 =	ssub.f32 $1.500000000e+00, s19;
	[tilespmem:$0x1FCF0] =	vst v59;
	v59 =	vadd.f32 v35, v37;
	(v2sf) =	vpush v54, $0xF;
	v54 =	vmovc v26;
	v26 =	vmul.f32 v60, v60  }
0x105: {  	s17 =	smul.f32 s17, s21;
	[tilespmem:$0x1FD00] =	vst v37;
	v23 =	vadd.f32 v52, v36;
	(xrf2) =	vadd.scan.msk.f32 $0xffff, v16;
	v37 =	vmovc v24;
	v24 =	vadd.f32 v24, v0  }
0x106: {  	s2 =	smul.f32 s19, s2;
	[tilespmem:$0x1FD10] =	vst v36;
	v25 =	vmul.f32 v36, v36;
	v36 =	vmul.f32 v0, v0;
	v16 =	vadd.f32 v59, v57  }
0x107: {  	s20 =	smul.f32 s25, s16;
	v57 =	vmovc v35;
	v35 =	vmul.f32 v35, v35;
	v13 =	vadd.f32 v13, v26;
	v23 =	vadd.f32 v24, v23  }
0x108: {  	s17 =	ssub.f32 $1.500000000e+00, s17;
	[tilespmem:$0x1FCE0] =	vst v27;
	v59 =	vmov v0;
	v27 =	vmul.f32 v37, v37;
	v0 =	vmul.f32 s2, v1  }
0x109: {  	s26 =	ssub.f32 $1.500000000e+00, s20;
	v1 =	vmul.f32 s2, v2;
	v13 =	vadd.f32 v14, v13;
	v16 =	vadd.f32 v23, v16  }
0x10a: {  	s17 =	smul.f32 s17, s21;
	v17 =	vadd.f32 v21, v17;
	v2 =	vmul.f32 s2, v4;
	v24 =	vmul.f32 v52, v52  }
0x10b: {  	s16 =	smul.f32 s26, s16;
	v4 =	vmul.f32 s2, v5;
	v20 =	vadd.f32 v35, v22;
	v13 =	vadd.f32 v15, v13;
	(xrf2) =	vadd.scan.msk.f32 $0xffff, v16  }
0x10c: {  	s11 =	smul.f32 s17, s11;
	[tilespmem:$0x1FD20] =	vst v52;
	v5 =	vmul.f32 s2, v7;
	v22 =	vadd.f32 v27, v36;
	v52 =	vadd.f32 v24, v25  }
0x10d: {  	s12 =	smul.f32 s16, s12;
	v17 =	vadd.f32 v17, v18;
	v7 =	vmul.f32 s2, v9;
	v9 =	vmul.f32 s17, v61;
	v15, _, _ =	vpop (xrf2);
	(xrf2) =	vadd.scan.msk.f32 $0xffff, v13  }
0x10e: {  	s18 =	smul.f32 s2, s18;
	v14 =	vadd.f32 v20, v19;
	v23 =	vmov s11;
	v20 =	vadd.f32 v22, v52  }
0x10f: {  	s19 =	smul.f32 s12, s16;
	v3 =	vmul.f32 s2, v3;
	v9 =	vsub.f32 v9, v23;
	(v2sf) =	vpush v15, $0xF;
	v15, _, _ =	vpop (xrf2)  }
0x110: {  	v26 =	vld [tilespmem:$0x1FDC0];
	v14 =	vadd.f32 v20, v14;
	(v2sf) =	vpush v15, $0xF;
	v15 =	vmov s18  }
0x111: {  	v21 =	vld [tilespmem:$0x1FD50];
	v6 =	vmul.f32 s2, v6;
	s2 =	ssub.f32 $1.500000000e+00, s19;
	v0 =	vsub.f32 v0, v15;
	v1 =	vsub.f32 v1, v15  }
0x112: {  	v2 =	vsub.f32 v2, v15;
	v3 =	vsub.f32 v3, v15  }
0x113: {  	v10 =	vmul.f32 s17, v10;
	s2 =	smul.f32 s2, s16;
	v24 =	vld [tilespmem:$0x1FDB0];
	v6 =	vsub.f32 v6, v15;
	v4 =	vsub.f32 v4, v15  }
0x114: {  	v35 =	vmul.f32 s17, v62;
	(xrf2) =	vadd.scan.msk.f32 $0xffff, v17;
	v5 =	vsub.f32 v5, v15;
	v7 =	vsub.f32 v7, v15;
	v15 =	vld [tilespmem:$0x1FD40]  }
0x115: {  	v10 =	vsub.f32 v10, v23;
	v26 =	vmul.f32 s2, v26;
	v11 =	vmul.f32 s2, v11;
	v13, _, _ =	vpop (xrf2);
	(xrf2) =	vadd.scan.msk.f32 $0xffff, v14;
	v14 =	vld [tilespmem:$0x1FD60]  }
0x116: {  	s10 =	smul.f32 s2, s10;
	v12 =	vmul.f32 s2, v12;
	v16 =	vmul.f32 s17, v21;
	s20 =	spop (v2sf);
	(v2sf) =	vpush v13, $0xF;
	v13 =	vld [tilespmem:$0x1FD30]  }
0x117: {  	v19 =	vsub.f32 v35, v23;
	v35 =	vld [tilespmem:$0x1FD90];
	v22 =	vmul.f32 s17, v63;
	v63 =	vmul.f32 s2, v58;
	v36, _, _ =	vpop (xrf2)  }
0x118: {  	v25 =	vmov s10;
	v16 =	vsub.f32 v16, v23;
	s21 =	spop (v2sf);
	(v2sf) =	vpush v36, $0xF;
	v36 =	vld [tilespmem:$0x1FDA0]  }
0x119: {  	v8 =	vmul.f32 s2, v8;
	v21 =	vsub.f32 v63, v25;
	v26 =	vsub.f32 v26, v25  }
0x11a: {  	v11 =	vsub.f32 v11, v25;
	v24 =	vmul.f32 s2, v24;
	v15 =	vmul.f32 s17, v15  }
0x11b: {  	v12 =	vsub.f32 v12, v25;
	v14 =	vmul.f32 s17, v14;
	v13 =	vmul.f32 s17, v13  }
0x11c: {  	v17 =	vsub.f32 v22, v23;
	v22 =	vmul.f32 s2, v35;
	v15 =	vsub.f32 v15, v23  }
0x11d: {  	v14 =	vsub.f32 v14, v23;
	v13 =	vsub.f32 v13, v23;
	v23 =	vmul.f32 s2, v36  }
0x11e: {  	v8 =	vsub.f32 v8, v25;
	v24 =	vsub.f32 v24, v25  }
0x11f: {  	v22 =	vsub.f32 v22, v25;
	v23 =	vsub.f32 v23, v25;
	v25 =	vld [tilespmem:$0x1FDE0];
	_ =	sdelay $0x1  }
0x120: {  	v52 =	vld [tilespmem:$0x1FD70]  }
0x121: {  	v61 =	vld [tilespmem:$0x1FD80]  }
0x122: {  	v27 =	vld [tilespmem:$0x1FE40];
	v62, _, _ =	vpop (xrf2)  }
0x123: {  	(v2sf) =	vpush v62, $0xF;
	v62 =	vmul.f32 v25, v44;
	v25 =	vld [tilespmem:$0x1FDF0];
	_ =	sdelay $0x1  }
0x124: {  	v18 =	vmul.f32 v52, v40  }
0x125: {  	v20 =	vmul.f32 v61, v38  }
0x126: {  	v34 =	vld [tilespmem:$0x1FF10];
	s25 =	smul.f32 $7.812500000e-03, s20;
	v18 =	vadd.f32 v18, v27;
	v0 =	vmul.f32 v0, v38  }
0x127: {  	v20 =	vadd.f32 v20, v47;
	v52 =	vld [tilespmem:$0x1FDD0];
	s12 =	smul.f32 $7.812500000e-03, s21;
	v1 =	vmul.f32 v1, v39;
	v63 =	vmul.f32 v25, v46;
	v25, _, _ =	vpop (xrf2)  }
0x128: {  	s23 =	smul.f32 s25, s25;
	v2 =	vmul.f32 v2, v44;
	v0 =	vadd.f32 v0, v47;
	(v2sf) =	vpush v25, $0xF;
	v25 =	vld [tilespmem:$0x1FE30];
	[tilespmem:s0+$0xF0] =	vst v18  }
0x129: {  	v3 =	vmul.f32 v3, v46;
	v1 =	vadd.f32 v1, v48;
	[tilespmem:s0+$0x80] =	vst v20  }
0x12a: {  	v6 =	vmul.f32 v6, v42;
	s11 =	ssub.f32 s12, s23;
	v2 =	vadd.f32 v2, v49;
	[tilespmem:s0+$0xFFFFFF00] =	vst v0  }
0x12b: {  	v4 =	vmul.f32 v4, v43;
	v3 =	vadd.f32 v3, v50;
	[tilespmem:s0+$0xFFFFFF10] =	vst v1  }
0x12c: {  	v7 =	vmul.f32 v7, v40;
	v6 =	vadd.f32 v6, v34;
	s11 =	sadd.f32 $9.999999960e-13, s11;
	[tilespmem:s0+$0xFFFFFF20] =	vst v2  }
0x12d: {  	v9 =	vmul.f32 v9, v38;
	v4 =	vadd.f32 v4, v28;
	[tilespmem:s0+$0xFFFFFF30] =	vst v3  }
0x12e: {  	v10 =	vmul.f32 v10, v39;
	v7 =	vadd.f32 v7, v27;
	s24 =	sshra.s32 s11, $0x1;
	s11 =	smul.f32 $5.000000000e-01, s11;
	[tilespmem:s0+$0xFFFFFF40] =	vst v6  }
0x12f: {  	v9 =	vadd.f32 v9, v47;
	s26 =	ssub.s32 $0x5F3759DF, s24;
	v0 =	vmul.f32 v13, v44;
	[tilespmem:s0+$0xFFFFFF50] =	vst v4  }
0x130: {  	v10 =	vadd.f32 v10, v48;
	v5 =	vmul.f32 v5, v45;
	s12 =	smul.f32 s26, s11;
	[tilespmem:s0+$0xFFFFFF70] =	vst v7  }
0x131: {  	[tilespmem:s0+$0xFFFFFF80] =	vst v9;
	v0 =	vadd.f32 v0, v49  }
0x132: {  	s12 =	smul.f32 s26, s12;
	[tilespmem:s0+$0xFFFFFF90] =	vst v10;
	v5 =	vadd.f32 v5, v25  }
0x133: {  	[tilespmem:s0+$0xFFFFFFA0] =	vst v0  }
0x134: {  	s2 =	ssub.f32 $1.500000000e+00, s12;
	[tilespmem:s0+$0xFFFFFF60] =	vst v5  }
0x135: {  	v13 =	vmul.f32 v15, v46;
	v0 =	vld [tilespmem:$0x1FE00]  }
0x136: {  	s2 =	smul.f32 s26, s2  }
0x137: {  	v35 =	vadd.f32 v13, v50  }
0x138: {  	s16 =	spop (v2sf);
	s17 =	smul.f32 s2, s11;
	v2 =	vmul.f32 v19, v45  }
0x139: {  	s10 =	smul.f32 $7.812500000e-03, s16;
	[tilespmem:s0+$0xFFFFFFB0] =	vst v35  }
0x13a: {  	s20 =	spop (v2sf);
	s18 =	smul.f32 s17, s2;
	v1 =	vmul.f32 v16, v42;
	v13 =	vadd.f32 v2, v25;
	v2 =	vmul.f32 v0, v42;
	v0 =	vld [tilespmem:$0x1FE10]  }
0x13b: {  	v61 =	vmul.f32 v52, v39;
	s19 =	smul.f32 $7.812500000e-03, s20  }
0x13c: {  	v36 =	vmul.f32 v11, v43;
	v58 =	vmul.f32 v14, v40;
	s12 =	smul.f32 s10, s10;
	s16 =	ssub.f32 $1.500000000e+00, s18;
	v52 =	vadd.f32 v1, v34  }
0x13d: {  	s23 =	smul.f32 s19, s19;
	v15 =	vmul.f32 v17, v43;
	v3 =	vmul.f32 v21, v38  }
0x13e: {  	s21 =	spop (v2sf);
	s17 =	smul.f32 s16, s2;
	v17 =	vmul.f32 v22, v39;
	v6 =	vmul.f32 v23, v44;
	[tilespmem:s0+$0xFFFFFFC0] =	vst v52  }
0x13f: {  	s18 =	smul.f32 $7.812500000e-03, s21;
	v4 =	vmul.f32 v24, v46;
	v1 =	vmul.f32 v0, v43;
	v0 =	vld [tilespmem:$0x1FE20]  }
0x140: {  	s24 =	spop (v2sf);
	s2 =	smul.f32 s17, s11;
	v14 =	vadd.f32 v15, v28;
	v15 =	vmul.f32 v12, v45;
	v12 =	vadd.f32 v58, v27  }
0x141: {  	s11 =	smul.f32 $7.812500000e-03, s24;
	v58 =	vmul.f32 v8, v40;
	v11 =	vadd.f32 v3, v47;
	v10 =	vadd.f32 v17, v48  }
0x142: {  	s26 =	spop (v2sf);
	v9 =	vadd.f32 v6, v49;
	v8 =	vadd.f32 v4, v50;
	s16 =	smul.f32 s2, s17;
	v5 =	vmul.f32 v26, v42  }
0x143: {  	s21 =	simm.s32 $0x4;
	s20 =	smul.f32 $7.812500000e-03, s26;
	v4 =	vadd.f32 v36, v28;
	s23 =	ssub.f32 s11, s23;
	v6 =	vadd.f32 v58, v27  }
0x144: {  	s2 =	smul.f32 s18, s18;
	s11 =	simm.s32 $0x500;
	s16 =	ssub.f32 $1.500000000e+00, s16;
	v7 =	vadd.f32 v5, v34;
	v5 =	vadd.f32 v15, v25;
	v0 =	vmul.f32 v0, v45  }
.LBB2_6:
0x145: {  	_ =	sdelay $0x1  }
0x146: {  	s16 =	smul.f32 s16, s17  }
0x147: {  	v20 =	vld [tilespmem:s11+$0x90];
	[tilespmem:s0+$0x30] =	vst v8  }
0x148: {  	[tilespmem:s0+$0xFFFFFFD0] =	vst v14;
	v24 =	vmul.f32 s16, v29;
	v29 =	vld [tilespmem:s11+$0xC0]  }
0x149: {  	v17 =	vadd.f32 v61, v48;
	v18 =	vadd.f32 v62, v49;
	[tilespmem:s0+$0x10] =	vst v10;
	v10 =	vmul.f32 s16, v30;
	v30 =	vld [tilespmem:s11+$0xD0];
	s26 =	spop (v2sf)  }
0x14a: {  	v16 =	vld [tilespmem:s11+$0x80];
	v23 =	vadd.f32 v0, v25;
	[tilespmem:s0+$0xFFFFFFE0] =	vst v13;
	v13 =	vadd.f32 v63, v50;
	s17 =	smul.f32 $7.812500000e-03, s26  }
0x14b: {  	v19 =	vld [tilespmem:s11+$0xB0];
	v21 =	vadd.f32 v2, v34;
	[tilespmem:s0+$0xFFFFFFF0] =	vst v12;
	v2 =	vmul.f32 s16, v41;
	v3 =	vmul.f32 s16, v32;
	s26 =	smul.f32 s16, s25  }
0x14c: {  	v22 =	vadd.f32 v1, v28;
	[tilespmem:s0+$0x0] =	vst v11;
	v12 =	vmul.f32 s16, v53;
	v25 =	vmul.f32 s16, v31;
	v31 =	vld [tilespmem:s11+$0xE0]  }
0x14d: {  	v14 =	vld [tilespmem:s11+$0xA0];
	[tilespmem:s0+$0x20] =	vst v9;
	v1 =	vmul.f32 s16, v51;
	v0 =	vmul.f32 s16, v33;
	v32 =	vmovc v20;
	v11 =	vmov s26  }
0x14e: {  	s12 =	ssub.f32 s20, s12;
	[tilespmem:s0+$0x50] =	vst v4;
	v4 =	vld [tilespmem:s11+$0xFFFFFF20];
	v20 =	vmul.f32 v20, v32;
	v51 =	vadd.f32 v30, v29;
	v12 =	vsub.f32 v12, v11  }
0x14f: {  	s23 =	sadd.f32 $9.999999960e-13, s23;
	[tilespmem:s0+$0x60] =	vst v5;
	v53 =	vld [tilespmem:s11+$0xF0];
	v52 =	vmul.f32 v29, v29;
	v2 =	vsub.f32 v2, v11;
	v3 =	vsub.f32 v3, v11  }
0x150: {  	v5 =	vld [tilespmem:s11+$0xFFFFFF30];
	s12 =	sadd.f32 $9.999999960e-13, s12;
	v41 =	vmovc v16;
	v58 =	vmul.f32 v30, v30;
	v15 =	vsub.f32 v1, v11;
	v63 =	vsub.f32 v0, v11  }
0x151: {  	[tilespmem:s0+$0x70] =	vst v6;
	v6 =	vld [tilespmem:s11+$0xFFFFFF40];
	s24 =	sshra.s32 s23, $0x1;
	s2 =	ssub.f32 s17, s2;
	v36 =	vmul.f32 v31, v31;
	v1 =	vsub.f32 v10, v11;
	v10 =	vadd.f32 v32, v41  }
0x152: {  	[tilespmem:s0+$0xB0] =	vst v13;
	v13 =	vld [tilespmem:s11+$0xFFFFFFB0];
	s20 =	ssub.s32 $0x5F3759DF, s24;
	s25 =	smul.f32 $5.000000000e-01, s23;
	v8 =	vmul.f32 v12, v40;
	v9 =	vmul.f32 v2, v38;
	v2 =	vsub.f32 v24, v11  }
0x153: {  	s23 =	sshra.s32 s12, $0x1;
	s12 =	smul.f32 $5.000000000e-01, s12;
	v0 =	vld [tilespmem:s11+$0xFFFFFF10];
	s26 =	sadd.f32 $9.999999960e-13, s2;
	v61 =	vmul.f32 v3, v39;
	v3 =	vsub.f32 v25, v11;
	v11 =	vadd.f32 v19, v14  }
0x154: {  	[tilespmem:s0+$0x40] =	vst v7;
	s2 =	ssub.s32 $0x5F3759DF, s23;
	s23 =	smul.f32 s20, s25;
	v12 =	vmul.f32 v16, v41;
	v25 =	vadd.f32 v53, v31;
	v7 =	vadd.f32 v8, v27;
	v8 =	vld [tilespmem:s11+$0xFFFFFF60]  }
0x155: {  	v24 =	vmul.f32 v14, v14;
	s24 =	sshra.s32 s26, $0x1;
	s17 =	smul.f32 $5.000000000e-01, s26;
	v27 =	vmul.f32 v19, v19;
	v38 =	vadd.f32 v9, v47;
	v9 =	vld [tilespmem:s11+$0xFFFFFF70]  }
0x156: {  	s23 =	smul.f32 s20, s23;
	s16 =	ssub.s32 $0x5F3759DF, s24;
	v39 =	vadd.f32 v11, v10;
	v16 =	vadd.f32 v25, v51;
	v25 =	vmul.f32 v53, v53;
	v10 =	vld [tilespmem:s11+$0xFFFFFF80]  }
0x157: {  	[tilespmem:s0+$0x90] =	vst v17;
	v62 =	vmul.f32 v4, v4;
	v17 =	vadd.f32 v58, v52;
	v20 =	vadd.f32 v20, v12;
	v12 =	vld [tilespmem:s11+$0xFFFFFFA0];
	s26 =	smul.f32 s16, s17  }
0x158: {  	[tilespmem:s0+$0xA0] =	vst v18;
	v40 =	vmul.f32 v5, v5;
	s24 =	smul.f32 s2, s12;
	v11 =	vld [tilespmem:s11+$0xFFFFFF90];
	v24 =	vadd.f32 v27, v24;
	v25 =	vadd.f32 v25, v36  }
0x159: {  	v42 =	vmul.f32 v6, v6;
	[tilespmem:s13+$0xF0] =	vst v7;
	v7 =	vld [tilespmem:s11+$0xFFFFFF50];
	v27 =	vadd.f32 v5, v4;
	v18 =	vadd.f32 v16, v39;
	s26 =	smul.f32 s16, s26  }
0x15a: {  	v52 =	vmov v14;
	v14 =	vld [tilespmem:s11+$0xFFFFFFF0];
	s23 =	ssub.f32 $1.500000000e+00, s23;
	[tilespmem:s13+$0x80] =	vst v38;
	v38 =	vadd.f32 v40, v62;
	v20 =	vadd.f32 v24, v20  }
0x15b: {  	v63 =	vmul.f32 v63, v46;
	v58 =	vmovc v37;
	s24 =	smul.f32 s2, s24;
	v16 =	vld [tilespmem:s11+$0xFFFFFFC0];
	v24 =	vadd.f32 v25, v17;
	s26 =	ssub.f32 $1.500000000e+00, s26;
	v25 =	vadd.f32 v9, v8  }
0x15c: {  	s20 =	smul.f32 s20, s23;
	[tilespmem:s0+$0xC0] =	vst v21;
	v17 =	vld [tilespmem:s11+$0xFFFFFFD0];
	v45 =	vmul.f32 v8, v8;
	v35 =	vmul.f32 v10, v10;
	v49 =	vadd.f32 v13, v12  }
0x15d: {  	(xrf2) =	vadd.scan.msk.f32 $0xffff, v18;
	v18 =	vld [tilespmem:s11+$0xFFFFFFE0];
	v36 =	vmul.f32 v11, v11;
	v20 =	vadd.f32 v24, v20;
	v24 =	vadd.f32 v11, v10;
	s16 =	smul.f32 s16, s26  }
0x15e: {  	[tilespmem:s0+$0xD0] =	vst v22;
	v21 =	vld [tilespmem:s11+$0x10];
	s23 =	smul.f32 s20, s25;
	v47 =	vmul.f32 v9, v9;
	v43 =	vadd.f32 v7, v6;
	v28 =	vmul.f32 v7, v7  }
0x15f: {  	[tilespmem:s0+$0xE0] =	vst v23;
	v23 =	vld [tilespmem:s11+$0x50];
	v48 =	vmul.f32 v12, v12;
	v50 =	vadd.f32 v36, v35;
	v35 =	vadd.f32 v49, v24;
	s26 =	smul.f32 s16, s17  }
0x160: {  	s23 =	smul.f32 s23, s20;
	(xrf2) =	vadd.scan.msk.f32 $0xffff, v20;
	v20 =	vld [tilespmem:s11+$0x0];
	v37 =	vadd.f32 v25, v43;
	v22 =	vadd.f32 v28, v42;
	v25 =	vmul.f32 v13, v13  }
0x161: {  	s24 =	ssub.f32 $1.500000000e+00, s24;
	v62 =	vmul.f32 v16, v16;
	v24 =	vld [tilespmem:s11+$0x20];
	v28 =	vadd.f32 v47, v45;
	v45 =	vadd.f32 v17, v16;
	s26 =	smul.f32 s26, s16  }
0x162: {  	v51 =	vmovc v19;
	s23 =	ssub.f32 $1.500000000e+00, s23;
	v47 =	vmul.f32 v17, v17;
	v49 =	vadd.f32 v14, v18;
	v19 =	vadd.f32 v25, v48;
	v25 =	vld [tilespmem:s11+$0x30]  }
0x163: {  	s2 =	smul.f32 s2, s24;
	v42 =	vmul.f32 v14, v14;
	v28 =	vadd.f32 v28, v22;
	v48 =	vmul.f32 v18, v18;
	v22 =	vld [tilespmem:s11+$0x40];
	s26 =	ssub.f32 $1.500000000e+00, s26  }
0x164: {  	v46 =	vld [tilespmem:s11+$0xFFFFFF00];
	s20 =	smul.f32 s23, s20;
	v34 =	vadd.f32 v47, v62;
	v62 =	vmul.f32 v15, v44;
	v36 =	vadd.f32 v49, v45  }
0x165: {  	v15 =	vld [tilespmem:s11+$0x60];
	v33 =	vadd.f32 v19, v50;
	v43 =	vmul.f32 v20, v20;
	v50 =	vmul.f32 v21, v21;
	s16 =	smul.f32 s26, s16  }
0x166: {  	v40 =	vadd.f32 v21, v20;
	v39 =	vadd.f32 v42, v48;
	v19 =	vld [tilespmem:s11+$0x70];
	s26 =	smul.f32 s20, s25  }
0x167: {  	s24 =	smul.f32 s2, s12;
	v49 =	vmul.f32 v23, v23;
	v45, _, _ =	vpop (xrf2);
	v43 =	vadd.f32 v50, v43;
	v47 =	vadd.f32 v25, v24  }
0x168: {  	v34 =	vadd.f32 v39, v34;
	(v2sf) =	vpush v45, $0xF;
	v39 =	vmul.f32 v22, v22;
	s23 =	smul.f32 s26, s20  }
0x169: {  	v26 =	vmul.f32 v0, v0;
	v48 =	vadd.f32 v23, v22;
	v40 =	vadd.f32 v47, v40  }
0x16a: {  	s24 =	smul.f32 s24, s2;
	v42 =	vmul.f32 v24, v24;
	v45, _, _ =	vpop (xrf2);
	v39 =	vadd.f32 v49, v39;
	v49 =	vadd.f32 v0, v46;
	s23 =	ssub.f32 $1.500000000e+00, s23  }
0x16b: {  	v50 =	vmul.f32 v46, v46;
	(v2sf) =	vpush v45, $0xF;
	v45 =	vadd.f32 v19, v15  }
0x16c: {  	s24 =	ssub.f32 $1.500000000e+00, s24;
	v35 =	vadd.f32 v36, v35;
	v44 =	vmul.f32 v25, v25;
	v27 =	vadd.f32 v27, v49;
	s20 =	smul.f32 s23, s20  }
0x16d: {  	v26 =	vadd.f32 v26, v50;
	v36 =	vadd.f32 v45, v48  }
0x16e: {  	s2 =	smul.f32 s24, s2;
	v42 =	vadd.f32 v44, v42;
	(xrf2) =	vadd.scan.msk.f32 $0xffff, v35;
	v37 =	vadd.f32 v37, v27;
	v35 =	vmul.f32 s20, v54  }
0x16f: {  	v27 =	vmul.f32 s20, v55;
	v55 =	vmovc v5;
	v5 =	vadd.f32 v34, v33;
	v33 =	vadd.f32 v36, v40;
	v40 =	vmovc v6  }
0x170: {  	s12 =	smul.f32 s2, s12;
	v54 =	vmovc v0;
	v0 =	vadd.f32 v42, v43;
	v42 =	vmul.f32 s20, v56;
	v56 =	vmovc v4;
	v4 =	vadd.f32 v38, v26;
	v38 =	vld [tilespmem:$0x1FC20]  }
0x171: {  	v6 =	vld [tilespmem:$0x1FC30];
	v26 =	vmov v7;
	[tilespmem:$0x1FC20] =	vst v40  }
0x172: {  	s12 =	smul.f32 s12, s2;
	[tilespmem:$0x1FC30] =	vst v26;
	v26 =	vld [tilespmem:$0x1FC40];
	v40 =	vmov v8  }
0x173: {  	[tilespmem:$0x1FC40] =	vst v40;
	v40 =	vld [tilespmem:$0x1FC70]  }
0x174: {  	s12 =	ssub.f32 $1.500000000e+00, s12;
	_ =	sdelay $0x1  }
0x175: {  	s2 =	smul.f32 s12, s2;
	_ =	sdelay $0x1  }
0x176: {  	v8 =	vmov v9;
	v36 =	vmul.f32 s2, v40;
	v40 =	vmov v10  }
0x177: {  	v4 =	vadd.f32 v28, v4;
	v28 =	vld [tilespmem:$0x1FC50];
	[tilespmem:$0x1FC50] =	vst v8  }
0x178: {  	v8 =	vld [tilespmem:$0x1FC60];
	v10 =	vmov v11;
	[tilespmem:$0x1FC60] =	vst v40  }
0x179: {  	[tilespmem:$0x1FC70] =	vst v10;
	v10 =	vld [tilespmem:$0x1FC80];
	v40 =	vmov v12  }
0x17a: {  	[tilespmem:$0x1FC80] =	vst v40;
	v40 =	vld [tilespmem:$0x1FCA0];
	_ =	sdelay $0x4  }
0x17b: {  	(xrf2) =	vadd.scan.msk.f32 $0xffff, v37;
	v37 =	vmul.f32 s2, v40;
	v40 =	vld [tilespmem:$0x1FCB0];
	_ =	sdelay $0x1  }
0x17c: {  	v44 =	vmul.f32 v15, v15;
	v47 =	vmul.f32 v19, v19;
	_ =	sdelay $0x1  }
0x17d: {  	v44 =	vadd.f32 v47, v44  }
0x17e: {  	v34 =	vmul.f32 s20, v38;
	v11 =	vld [tilespmem:$0x1FC90];
	v38 =	vmul.f32 s2, v40;
	v40 =	vmov v13  }
0x17f: {  	v39 =	vadd.f32 v44, v39;
	[tilespmem:$0x1FC90] =	vst v40;
	v40 =	vld [tilespmem:$0x1FCD0]  }
0x180: {  	s17 =	smul.f32 s16, s17  }
0x181: {  	s25 =	smul.f32 s20, s19;
	v0 =	vadd.f32 v39, v0;
	v39 =	vld [tilespmem:$0x1FCC0]  }
0x182: {  	s17 =	smul.f32 s17, s16  }
0x183: {  	v7 =	vmov s25;
	v13 =	vmov v16  }
0x184: {  	s17 =	ssub.f32 $1.500000000e+00, s17;
	[tilespmem:$0x1FCA0] =	vst v13;
	v13 =	vsub.f32 v35, v7;
	v35 =	vmul.f32 s2, v40;
	v40 =	vld [tilespmem:$0x1FCE0];
	_ =	sdelay $0x1  }
0x185: {  	s24 =	smul.f32 s17, s16;
	v16 =	vmul.f32 s2, v39;
	v39 =	vmov v17  }
0x186: {  	s10 =	smul.f32 s2, s10;
	s26 =	spop (v2sf)  }
0x187: {  	s25 =	smul.f32 $7.812500000e-03, s26  }
0x188: {  	v43 =	vld [tilespmem:$0x1FEA0];
	[tilespmem:$0x1FCB0] =	vst v39;
	v39 =	vmovc v18;
	v18 =	vmul.f32 s24, v40;
	v40 =	vmul.f32 s24, v57;
	v57 =	vmov v14  }
0x189: {  	(xrf2) =	vadd.scan.msk.f32 $0xffff, v33;
	v9 =	vmov s10;
	v8 =	vmul.f32 s2, v8;
	s10 =	smul.f32 s25, s25;
	s16 =	spop (v2sf);
	[tilespmem:$0x1FCD0] =	vst v57;
	v57 =	vld [tilespmem:$0x1FD10]  }
0x18a: {  	(xrf2) =	vadd.scan.msk.f32 $0xffff, v4;
	v4, _, _ =	vpop (xrf2);
	v11 =	vmul.f32 s2, v11;
	v10 =	vmul.f32 s2, v10;
	s2 =	smul.f32 $7.812500000e-03, s16  }
0x18b: {  	s17 =	smul.f32 s24, s18;
	(v2sf) =	vpush v4, $0xF;
	v4 =	vld [tilespmem:$0x1FD00]  }
0x18c: {  	v45 =	vmul.f32 s20, v60;
	v6 =	vmul.f32 s20, v6;
	s2 =	ssub.f32 s2, s10  }
0x18d: {  	v60 =	vmovc v46;
	v46 =	vld [tilespmem:$0x1FE80];
	v33 =	vmov s17;
	v1 =	vmul.f32 v1, v43;
	v26 =	vmul.f32 s20, v26  }
0x18e: {  	v44 =	vld [tilespmem:$0x1FE70];
	(xrf2) =	vadd.scan.msk.f32 $0xffff, v5;
	v5 =	vsub.f32 v34, v7;
	s2 =	sadd.f32 $9.999999960e-13, s2;
	v14 =	vmovc v20;
	v20 =	vmul.f32 s24, v57;
	v57 =	vmov v21  }
0x18f: {  	v28 =	vmul.f32 s20, v28;
	v34 =	vld [tilespmem:$0x1FF10];
	v6 =	vsub.f32 v6, v7;
	v26 =	vsub.f32 v26, v7  }
0x190: {  	v12 =	vsub.f32 v45, v7;
	v45 =	vld [tilespmem:$0x1FEB0];
	v4 =	vmul.f32 s24, v4;
	v11 =	vsub.f32 v11, v9;
	[tilespmem:$0x1FCC0] =	vst v39;
	s17 =	sshra.s32 s2, $0x1;
	s20 =	smul.f32 $5.000000000e-01, s2  }
0x191: {  	v6 =	vmul.f32 v6, v43;
	v10 =	vsub.f32 v10, v9;
	v39 =	vld [tilespmem:$0x1FCF0];
	s18 =	ssub.s32 $0x5F3759DF, s17;
	[tilespmem:$0x1FCF0] =	vst v57;
	v57 =	vmov v24  }
0x192: {  	v4 =	vsub.f32 v4, v33;
	v11 =	vmul.f32 v11, v46;
	v17 =	vsub.f32 v42, v7;
	v42 =	vld [tilespmem:$0x1FE90];
	s10 =	smul.f32 s18, s20  }
0x193: {  	v10 =	vmul.f32 v10, v44;
	v16 =	vsub.f32 v16, v9;
	[tilespmem:$0x1FCE0] =	vst v14;
	v21 =	vmul.f32 s24, v59;
	v59 =	vld [tilespmem:$0x1FE50]  }
0x194: {  	v14 =	vsub.f32 v27, v7;
	v27 =	vld [tilespmem:$0x1FD20];
	v7 =	vsub.f32 v28, v7;
	s10 =	smul.f32 s18, s10;
	[tilespmem:$0x1FD00] =	vst v57;
	v57 =	vmov v25;
	v25, _, _ =	vpop (xrf2)  }
0x195: {  	v28 =	vld [tilespmem:$0x1FF20];
	(xrf2) =	vadd.scan.msk.f32 $0xffff, v0;
	v0 =	vmul.f32 v17, v44;
	v17 =	vsub.f32 v36, v9;
	(v2sf) =	vpush v25, $0xF;
	v36, _, _ =	vpop (xrf2)  }
0x196: {  	v50 =	vld [tilespmem:$0x1FF00];
	v4 =	vmul.f32 v4, v44;
	v16 =	vmul.f32 v16, v45;
	s10 =	ssub.f32 $1.500000000e+00, s10;
	(v2sf) =	vpush v36, $0xF  }
0x197: {  	v23 =	vmovc v23;
	v49 =	vld [tilespmem:$0x1FEF0];
	v8 =	vsub.f32 v8, v9;
	v5 =	vmul.f32 v5, v42;
	v24 =	vmul.f32 s24, v58  }
0x198: {  	s2 =	smul.f32 s18, s10;
	v12 =	vmul.f32 v12, v59;
	v59 =	vmov v15;
	v15 =	vsub.f32 v38, v9;
	v38 =	vld [tilespmem:$0x1FE50];
	v58, _, _ =	vpop (xrf2)  }
0x199: {  	v47 =	vld [tilespmem:$0x1FED0];
	v5 =	vadd.f32 v5, v34;
	[tilespmem:$0x1FD20] =	vst v23;
	v23 =	vmul.f32 v26, v45;
	(v2sf) =	vpush v58, $0xF  }
0x19a: {  	v18 =	vsub.f32 v18, v33;
	v27 =	vmul.f32 s24, v27;
	v6 =	vadd.f32 v6, v28;
	s23 =	smul.f32 s2, s20;
	v25 =	vld [tilespmem:$0x1FE60];
	v26, _, _ =	vpop (xrf2)  }
0x19b: {  	s0 =	smov.u32 s13;
	v48 =	vld [tilespmem:$0x1FEE0];
	v39 =	vmul.f32 s24, v39;
	v20 =	vsub.f32 v20, v33;
	(v2sf) =	vpush v26, $0xF  }
0x19c: {  	[tilespmem:s0+$0xFFFFFF40] =	vst v5;
	v14 =	vmul.f32 v14, v46;
	v27 =	vsub.f32 v27, v33;
	s16 =	smul.f32 s23, s2;
	v36 =	vld [tilespmem:$0x1FEC0];
	v0 =	vadd.f32 v0, v49  }
0x19d: {  	v21 =	vsub.f32 v21, v33;
	[tilespmem:s0+$0xFFFFFF50] =	vst v6;
	v58 =	vsub.f32 v39, v33;
	v39 =	vld [tilespmem:$0x1FE60];
	v8 =	vmul.f32 v8, v38  }
0x19e: {  	v20 =	vmul.f32 v20, v42;
	v24 =	vsub.f32 v24, v33;
	s16 =	ssub.f32 $1.500000000e+00, s16;
	[tilespmem:s0+$0xFFFFFF20] =	vst v0;
	v0 =	vmul.f32 v3, v45;
	v3 =	vld [tilespmem:$0x1FE30]  }
0x19f: {  	v12 =	vadd.f32 v12, v47;
	v13 =	vmul.f32 v13, v25;
	v25 =	vmovc v22;
	v6 =	vadd.f32 v8, v47  }
0x1a0: {  	s19 =	spop (v2sf);
	v15 =	vmul.f32 v15, v43;
	v18 =	vmul.f32 v18, v38;
	s17 =	smul.f32 s16, s2;
	[tilespmem:$0x1FD10] =	vst v25;
	v25 =	vsub.f32 v40, v33;
	v40 =	vld [tilespmem:$0x1FEC0]  }
0x1a1: {  	s10 =	smul.f32 $7.812500000e-03, s19;
	v22 =	vsub.f32 v37, v9;
	v9 =	vsub.f32 v35, v9;
	v7 =	vmul.f32 v7, v36;
	[tilespmem:s0+$0xFFFFFF80] =	vst v6;
	v6 =	vld [tilespmem:$0x1FE30];
	v26, _, _ =	vpop (xrf2)  }
0x1a2: {  	[tilespmem:s0+$0xFFFFFF00] =	vst v12;
	s2 =	smul.f32 s17, s20;
	v12 =	vadd.f32 v13, v48;
	(v2sf) =	vpush v26, $0xF;
	v26 =	vmul.f32 v27, v43;
	v27 =	vld [tilespmem:$0x1FE40]  }
0x1a3: {  	s12 =	smul.f32 s10, s10;
	v37 =	vmovc v19;
	v19 =	vmul.f32 v58, v39;
	v58 =	vadd.f32 v11, v50;
	v3 =	vadd.f32 v23, v3  }
0x1a4: {  	v11 =	vadd.f32 v18, v47;
	v25 =	vmul.f32 v25, v46;
	s16 =	smul.f32 s2, s17;
	[tilespmem:s0+$0xFFFFFF10] =	vst v12;
	v12 =	vadd.f32 v14, v50;
	s24 =	spop (v2sf)  }
0x1a5: {  	s21 =	sadd.s32 $0x4, s21;
	v17 =	vmul.f32 v17, v39;
	v14 =	vadd.f32 v15, v28;
	[tilespmem:s0+$0xFFFFFF60] =	vst v3;
	v3 =	vadd.f32 v10, v49;
	s19 =	smul.f32 $7.812500000e-03, s24;
	s26 =	spop (v2sf)  }
0x1a6: {  	p3 =	slt.u32 s21, $0xC4;
	[tilespmem:s0+$0xFFFFFFB0] =	vst v58;
	v10 =	vadd.f32 v19, v48;
	v8 =	vadd.f32 v25, v50;
	v25 =	vld [tilespmem:$0x1FE30];
	v9 =	vmul.f32 v9, v40;
	s18 =	smul.f32 $7.812500000e-03, s26  }
.Ltmp6:
0x1a7: {  	v22 =	vmul.f32 v22, v42;
	[tilespmem:s0+$0xFFFFFF30] =	vst v12;
	v13 =	vadd.f32 v16, v6;
	v5 =	vadd.f32 v7, v27;
	(pc) =	sbr.rel @p3 .LBB2_6-.Ltmp6, $4  }
0x1a8: {  	v24 =	vmul.f32 v24, v40;
	[tilespmem:s0+$0xFFFFFFA0] =	vst v3;
	v7 =	vadd.f32 v17, v48;
	v12 =	vadd.f32 v9, v27;
	s24 =	spop (v2sf);
	s23 =	smul.f32 s19, s19  }
0x1a9: {  	v21 =	vmul.f32 v21, v45;
	s16 =	ssub.f32 $1.500000000e+00, s16;
	v9 =	vadd.f32 v4, v49;
	[tilespmem:s0+$0xFFFFFF70] =	vst v5;
	v5 =	vadd.f32 v22, v34;
	s24 =	smul.f32 $7.812500000e-03, s24  }
0x1aa: {  	s13 =	smov.u32 s11;
	v2 =	vmul.f32 v2, v42;
	v4 =	vadd.f32 v26, v28;
	v6 =	vadd.f32 v24, v27;
	[tilespmem:s0+$0xFFFFFF90] =	vst v7;
	s26 =	spop (v2sf);
	s2 =	smul.f32 s18, s18  }
0x1ab: {  	s11 =	sadd.s32 $0x200, s11;
	v33 =	vmovc v51;
	v51 =	vmov v52;
	v7 =	vadd.f32 v20, v34;
	s20 =	smul.f32 $7.812500000e-03, s26;
	[tilespmem:s0+$0xFFFFFFC0] =	vst v5;
	v5 =	vadd.f32 v21, v25;
	s23 =	ssub.f32 s24, s23  }
0x1ac: {  	_ = 	snop  }
0x1ad: {  	s21 =	sadd.f32 $9.999999960e-13, s23;
	_ =	sdelay $0x1  }
0x1ae: {  	s23 =	sshra.s32 s21, $0x1;
	s21 =	smul.f32 $5.000000000e-01, s21  }
0x1af: {  	s12 =	ssub.f32 s20, s12;
	s20 =	ssub.s32 $0x5F3759DF, s23  }
0x1b0: {  	s11 =	spop (v2sf);
	s23 =	smul.f32 s20, s21  }
0x1b1: {  	s12 =	sadd.f32 $9.999999960e-13, s12;
	s11 =	smul.f32 $7.812500000e-03, s11  }
0x1b2: {  	s26 =	smul.f32 s20, s23  }
0x1b3: {  	s24 =	sshra.s32 s12, $0x1;
	s12 =	smul.f32 $5.000000000e-01, s12;
	s2 =	ssub.f32 s11, s2  }
0x1b4: {  	s23 =	ssub.s32 $0x5F3759DF, s24;
	s11 =	smul.f32 s16, s17;
	s17 =	ssub.f32 $1.500000000e+00, s26  }
0x1b5: {  	s24 =	smul.f32 s23, s12  }
0x1b6: {  	s16 =	sadd.f32 $9.999999960e-13, s2;
	s17 =	smul.f32 s20, s17  }
0x1b7: {  	s20 =	smul.f32 s23, s24  }
0x1b8: {  	s2 =	smul.f32 $5.000000000e-01, s16;
	s16 =	sshra.s32 s16, $0x1  }
0x1b9: {  	s16 =	ssub.s32 $0x5F3759DF, s16;
	s24 =	smul.f32 s17, s21  }
0x1ba: {  	s20 =	ssub.f32 $1.500000000e+00, s20;
	s26 =	smul.f32 s16, s2  }
0x1bb: {  	s24 =	smul.f32 s24, s17  }
0x1bc: {  	s20 =	smul.f32 s23, s20  }
0x1bd: {  	s23 =	smul.f32 s16, s26;
	s24 =	ssub.f32 $1.500000000e+00, s24  }
0x1be: {  	[tilespmem:s0+$0xFFFFFFD0] =	vst v14;
	s26 =	smul.f32 s20, s12  }
0x1bf: {  	[tilespmem:s0+$0xFFFFFFE0] =	vst v13;
	s17 =	smul.f32 s24, s17  }
0x1c0: {  	v13 =	vld [tilespmem:$0x1FC20];
	s26 =	smul.f32 s26, s20  }
0x1c1: {  	v21 =	vld [tilespmem:$0x1FC30];
	[tilespmem:s0+$0xFFFFFFF0] =	vst v12;
	s21 =	smul.f32 s17, s21  }
0x1c2: {  	v12 =	vld [tilespmem:$0x1FC40];
	[tilespmem:s0+$0x0] =	vst v11;
	s25 =	smul.f32 s11, s25;
	s24 =	ssub.f32 $1.500000000e+00, s26  }
0x1c3: {  	v11 =	vld [tilespmem:$0x1FC50];
	[tilespmem:s0+$0x10] =	vst v10;
	v16 =	vmul.f32 s11, v41;
	s23 =	ssub.f32 $1.500000000e+00, s23;
	s21 =	smul.f32 s21, s17  }
0x1c4: {  	[tilespmem:s0+$0x20] =	vst v9;
	v15 =	vmul.f32 s11, v53;
	v3 =	vmov s25;
	s20 =	smul.f32 s24, s20  }
0x1c5: {  	[tilespmem:s0+$0x30] =	vst v8;
	v16 =	vsub.f32 v16, v3;
	s16 =	smul.f32 s16, s23;
	s21 =	ssub.f32 $1.500000000e+00, s21  }
0x1c6: {  	[tilespmem:s0+$0x40] =	vst v7;
	v15 =	vsub.f32 v15, v3;
	s12 =	smul.f32 s20, s12  }
0x1c7: {  	v2 =	vadd.f32 v2, v34;
	v35 =	vld [tilespmem:$0x1FC60];
	v16 =	vmul.f32 v16, v38;
	s17 =	smul.f32 s21, s17  }
0x1c8: {  	v1 =	vadd.f32 v1, v28;
	v0 =	vadd.f32 v0, v25;
	v36 =	vld [tilespmem:$0x1FC70];
	[tilespmem:s0+$0x50] =	vst v4;
	v15 =	vmul.f32 v15, v40;
	s26 =	smul.f32 s16, s2  }
0x1c9: {  	v22 =	vld [tilespmem:$0x1FC80];
	v53 =	vadd.f32 v16, v47;
	s12 =	smul.f32 s12, s20;
	v17 =	vmul.f32 s17, v60;
	v18 =	vmul.f32 s17, v54  }
0x1ca: {  	v23 =	vld [tilespmem:$0x1FC90];
	[tilespmem:s0+$0x60] =	vst v5;
	s19 =	smul.f32 s17, s19;
	v58 =	vmul.f32 s17, v56;
	v60 =	vadd.f32 v61, v48;
	v61 =	vadd.f32 v62, v49  }
0x1cb: {  	v5 =	vld [tilespmem:$0x1FCA0];
	s23 =	smul.f32 s26, s16;
	v19 =	vmul.f32 s17, v55;
	s12 =	ssub.f32 $1.500000000e+00, s12;
	v62 =	vadd.f32 v63, v50;
	v63 =	vadd.f32 v15, v27  }
0x1cc: {  	v24 =	vld [tilespmem:$0x1FCB0];
	[tilespmem:s0+$0x70] =	vst v6;
	v13 =	vmul.f32 s17, v13;
	v21 =	vmul.f32 s17, v21;
	v20 =	vmov s19  }
0x1cd: {  	v6 =	vld [tilespmem:$0x1FCC0];
	s24 =	ssub.f32 $1.500000000e+00, s23;
	v12 =	vmul.f32 s17, v12;
	v11 =	vmul.f32 s17, v11;
	s12 =	smul.f32 s12, s20;
	[tilespmem:s13+$0xF0] =	vst v63;
	v17 =	vsub.f32 v17, v20  }
0x1ce: {  	v18 =	vsub.f32 v18, v20;
	v14 =	vsub.f32 v58, v20;
	v7 =	vld [tilespmem:$0x1FCD0];
	[tilespmem:s13+$0x80] =	vst v53;
	v53 =	vmul.f32 s11, v31  }
0x1cf: {  	s16 =	smul.f32 s24, s16;
	v10 =	vsub.f32 v21, v20;
	v15 =	vmul.f32 s12, v35;
	v21 =	vmul.f32 s12, v36  }
0x1d0: {  	v19 =	vsub.f32 v19, v20;
	v22 =	vmul.f32 s12, v22;
	v23 =	vmul.f32 s12, v23  }
0x1d1: {  	s2 =	smul.f32 s16, s2;
	v13 =	vsub.f32 v13, v20;
	v5 =	vmul.f32 s12, v5;
	v24 =	vmul.f32 s12, v24  }
0x1d2: {  	v12 =	vsub.f32 v12, v20;
	s10 =	smul.f32 s12, s10;
	v6 =	vmul.f32 s12, v6;
	v36 =	vmul.f32 s11, v32  }
0x1d3: {  	v9 =	vsub.f32 v11, v20;
	v54 =	vmul.f32 v17, v38;
	v58 =	vmul.f32 v18, v39  }
0x1d4: {  	s2 =	smul.f32 s2, s16;
	[tilespmem:s0+$0xA0] =	vst v61;
	v14 =	vmul.f32 v14, v44;
	v61 =	vmul.f32 v19, v46;
	v41 =	vmov s10  }
0x1d5: {  	[tilespmem:s0+$0x90] =	vst v60;
	v15 =	vsub.f32 v15, v41;
	v21 =	vsub.f32 v21, v41;
	v7 =	vmul.f32 s12, v7  }
0x1d6: {  	[tilespmem:s0+$0xB0] =	vst v62;
	s2 =	ssub.f32 $1.500000000e+00, s2;
	v13 =	vmul.f32 v13, v42;
	v22 =	vsub.f32 v22, v41;
	v23 =	vsub.f32 v23, v41  }
0x1d7: {  	v10 =	vmul.f32 v10, v43;
	v5 =	vsub.f32 v5, v41;
	v4 =	vsub.f32 v7, v41;
	v7 =	vld [tilespmem:$0x1FCE0];
	[tilespmem:s0+$0xC0] =	vst v2  }
0x1d8: {  	v12 =	vmul.f32 v12, v45;
	s2 =	smul.f32 s2, s16;
	v52 =	vsub.f32 v24, v41;
	v8 =	vadd.f32 v54, v47;
	v56 =	vld [tilespmem:$0x1FCF0];
	[tilespmem:s0+$0xD0] =	vst v1  }
0x1d9: {  	v9 =	vmul.f32 v9, v40;
	v6 =	vsub.f32 v6, v41;
	v17 =	vadd.f32 v58, v48;
	v1 =	vld [tilespmem:$0x1FD00];
	[tilespmem:s0+$0xE0] =	vst v0  }
0x1da: {  	v14 =	vadd.f32 v14, v49;
	v18 =	vadd.f32 v61, v50;
	v60 =	vmul.f32 s2, v57;
	[tilespmem:s13+$0xFFFFFF00] =	vst v8  }
0x1db: {  	v13 =	vadd.f32 v13, v34;
	v62 =	vmul.f32 s2, v59;
	v63 =	vmul.f32 s2, v37;
	v8 =	vld [tilespmem:$0x1FD10];
	[tilespmem:s13+$0xFFFFFF10] =	vst v17  }
0x1dc: {  	v10 =	vadd.f32 v10, v28;
	v19 =	vmul.f32 v15, v38;
	v21 =	vmul.f32 v21, v39;
	v17 =	vld [tilespmem:$0x1FD20];
	[tilespmem:s13+$0xFFFFFF20] =	vst v14  }
0x1dd: {  	v12 =	vadd.f32 v12, v25;
	v22 =	vmul.f32 v22, v44;
	v23 =	vmul.f32 v23, v46;
	[tilespmem:s13+$0xFFFFFF30] =	vst v18  }
0x1de: {  	v9 =	vadd.f32 v9, v27;
	v5 =	vmul.f32 v5, v42;
	v11 =	vmul.f32 v52, v43;
	[tilespmem:s13+$0xFFFFFF40] =	vst v13  }
0x1df: {  	s25 =	smul.f32 s2, s18;
	v6 =	vmul.f32 v6, v45;
	v37 =	vmul.f32 s11, v51;
	v15 =	vadd.f32 v21, v48;
	[tilespmem:s13+$0xFFFFFF50] =	vst v10  }
0x1e0: {  	v52 =	vmul.f32 s11, v30;
	v5 =	vadd.f32 v5, v34;
	v35 =	vadd.f32 v11, v28;
	[tilespmem:s13+$0xFFFFFF60] =	vst v12  }
0x1e1: {  	v55 =	vmov s25;
	v6 =	vadd.f32 v6, v25;
	v57 =	vsub.f32 v37, v3;
	[tilespmem:s13+$0xFFFFFF70] =	vst v9  }
0x1e2: {  	v51 =	vmul.f32 s11, v29;
	v59 =	vsub.f32 v52, v3;
	v0 =	vsub.f32 v60, v55;
	[tilespmem:s13+$0xFFFFFF90] =	vst v15  }
0x1e3: {  	v26 =	vsub.f32 v62, v55;
	v2 =	vsub.f32 v63, v55;
	v4 =	vmul.f32 v4, v40;
	[tilespmem:s13+$0xFFFFFFC0] =	vst v5  }
0x1e4: {  	v41 =	vmul.f32 s11, v33;
	v13 =	vadd.f32 v19, v47;
	v12 =	vadd.f32 v22, v49;
	[tilespmem:s13+$0xFFFFFFD0] =	vst v35  }
0x1e5: {  	v9 =	vadd.f32 v23, v50;
	v4 =	vadd.f32 v4, v27;
	[tilespmem:s13+$0xFFFFFFE0] =	vst v6;
	v0 =	vmul.f32 v0, v46  }
0x1e6: {  	v2 =	vmul.f32 v2, v40;
	v6 =	vsub.f32 v41, v3;
	v7 =	vmul.f32 s2, v7;
	[tilespmem:s13+$0xFFFFFF80] =	vst v13  }
0x1e7: {  	v16 =	vmul.f32 s2, v56;
	[tilespmem:s13+$0xFFFFFFA0] =	vst v12;
	v0 =	vadd.f32 v0, v50;
	v56 =	vmul.f32 v26, v45  }
0x1e8: {  	[tilespmem:s13+$0xFFFFFFF0] =	vst v4;
	v4 =	vsub.f32 v51, v3;
	v2 =	vadd.f32 v2, v27;
	v6 =	vmul.f32 v6, v46  }
0x1e9: {  	[tilespmem:s13+$0xFFFFFFB0] =	vst v9;
	v1 =	vmul.f32 s2, v1;
	v7 =	vsub.f32 v7, v55;
	v8 =	vmul.f32 s2, v8  }
0x1ea: {  	v20 =	vsub.f32 v16, v55;
	[tilespmem:s13+$0x30] =	vst v0;
	v5 =	vadd.f32 v56, v25;
	v0 =	vmul.f32 v57, v44  }
0x1eb: {  	[tilespmem:s13+$0x70] =	vst v2;
	v60 =	vmul.f32 v4, v42;
	v62 =	vadd.f32 v6, v50;
	v1 =	vsub.f32 v1, v55  }
0x1ec: {  	v17 =	vmul.f32 s2, v17;
	v7 =	vmul.f32 v7, v38;
	[tilespmem:s13+$0x60] =	vst v5;
	v0 =	vadd.f32 v0, v49  }
0x1ed: {  	v8 =	vsub.f32 v8, v55;
	v2 =	vadd.f32 v60, v34;
	[tilespmem:s13+$0xB0] =	vst v62;
	v1 =	vmul.f32 v1, v44  }
0x1ee: {  	v10 =	vmul.f32 v20, v39;
	v24 =	vsub.f32 v17, v55;
	v7 =	vadd.f32 v7, v47;
	[tilespmem:s13+$0xA0] =	vst v0  }
0x1ef: {  	v55 =	vsub.f32 v36, v3;
	v8 =	vmul.f32 v8, v42;
	[tilespmem:s13+$0xC0] =	vst v2;
	v1 =	vadd.f32 v1, v49  }
0x1f0: {  	v3 =	vsub.f32 v53, v3;
	v10 =	vadd.f32 v10, v48;
	[tilespmem:s13+$0x0] =	vst v7;
	v54 =	vmul.f32 v24, v43  }
0x1f1: {  	v8 =	vadd.f32 v8, v34;
	[tilespmem:s13+$0x20] =	vst v1;
	v1 =	vmul.f32 v55, v39  }
0x1f2: {  	v63 =	vmul.f32 v3, v45;
	[tilespmem:s13+$0x10] =	vst v10;
	v58 =	vadd.f32 v54, v28  }
0x1f3: {  	s26 =	smul.u32 $0xC8, s14;
	v61 =	vmul.f32 v59, v43;
	[tilespmem:s13+$0x40] =	vst v8;
	v1 =	vadd.f32 v1, v48  }
0x1f4: {  	v0 =	vadd.f32 v63, v25;
	[tilespmem:s13+$0x50] =	vst v58  }
0x1f5: {  	s0 =	sadd.s32 s7, s26;
	[tilespmem:s13+$0x90] =	vst v1;
	v1 =	vadd.f32 v61, v28  }
0x1f6: {  	s26 =	rddreg [dreg:$0x2];
	s0 =	sshll.u32 s0, $0x4;
	[tilespmem:s13+$0xE0] =	vst v0  }
0x1f7: {  	s0 =	sadd.s32 s26, s0;
	[tilespmem:s13+$0xD0] =	vst v1  }
0x1f8: {  	[hbm4b:s0+s4] =	stream.linear.scatter [tilespmem:s4], [sflag:$0xD], $0x6400, $0x38;
	[tilespmem:$0x1A980] =	vst v63  }
.LBB2_8:
0x1f9: {  	p3 =	seq.s32 s29, $0x20  }
0x1fa: {  	s0 =	smul.u32 @!p3 $0x320, s29;
	_ =	sdelay $0x1  }
0x1fb: {  	s0 =	sadd.s32 @!p3 s7, s0  }
0x1fc: {  	s0 =	sshrl.u32 @!p3 s0, $0x3  }
0x1fd: {  	s10 =	simm.s32 @!p3 $0x0;
	s11 =	simm.s32 @!p3 $0x19000;
	s2 =	sadd.s32 @!p3 s5, s0  }
0x1fe: {  	[tilespmem:s11], [sflag:$0x1] =	stream.linear.gather @!p3 [hbm4b:s2+s10], $0xC8, $0x38;
	[tilespmem:$0x1A980] =	vst v63  }
0x1ff: {  	s0 =	sadd.s32 @!p3 s6, s0;
	s2 =	simm.s32 @!p3 $0x19400  }
0x200: {  	[tilespmem:s2], [sflag:$0x1] =	stream.linear.gather @!p3 [hbm4b:s0+s10], $0xC8, $0x38;
	[tilespmem:$0x1A980] =	vst v63  }
0x201: {  	s0 =	simm.s32 @!p1 $0x4  }
0x202: {  	_ =	swait.ge @!p1 [sflag:s0], $0xC8  }
0x203: {  	[sflag:s0] =	ssyncset.done @!p1 $0x0  }
0x204: {  	[sflag:s0] =	ssyncadd.s32 @!p1 $0xFFFFFF38  }
0x205: {  	_ =	swait.ge @!p1 [sflag:s0], $0xC8  }
0x206: {  	[sflag:s0] =	ssyncset.done @!p1 $0x0  }
0x207: {  	[sflag:s0] =	ssyncadd.s32 @!p1 $0xFFFFFF38  }
0x208: {  	v0 =	vld @!p1 [tilespmem:$0x19700]  }
0x209: {  	v1 =	vld @!p1 [tilespmem:$0x19710]  }
0x20a: {  	v2 =	vlaneseq.u32 @!p1;
	v3 =	vld @!p1 [tilespmem:$0x19720]  }
0x20b: {  	v2 =	vmul.u32 @!p1 $0x2, v2;
	v4 =	vld @!p1 [tilespmem:$0x19730]  }
0x20c: {  	v5 =	vld @!p1 [tilespmem:$0x19740]  }
0x20d: {  	v6 =	vor.u32 @!p1 $0x20, v2;
	v7 =	vld @!p1 [tilespmem:$0x19750];
	v0 =	vadd.s32 @!p1 v2, v0  }
0x20e: {  	[tilespmem:$0x19B00] =	vst @!p1 v0;
	v0 =	vadd.s32 @!p1 v6, v1;
	v1 =	vor.u32 @!p1 $0x40, v2;
	v6 =	vld @!p1 [tilespmem:$0x19760]  }
0x20f: {  	[tilespmem:$0x19B10] =	vst @!p1 v0;
	v0 =	vadd.s32 @!p1 v1, v3;
	v1 =	vor.u32 @!p1 $0x60, v2;
	v3 =	vld @!p1 [tilespmem:$0x19770]  }
0x210: {  	[tilespmem:$0x19B20] =	vst @!p1 v0;
	v0 =	vadd.s32 @!p1 v1, v4;
	v1 =	vor.u32 @!p1 $0x80, v2;
	v4 =	vld @!p1 [tilespmem:$0x19780]  }
0x211: {  	[tilespmem:$0x19B30] =	vst @!p1 v0;
	v0 =	vadd.s32 @!p1 v1, v5;
	v1 =	vor.u32 @!p1 $0xA0, v2;
	v5 =	vld @!p1 [tilespmem:$0x19790]  }
0x212: {  	[tilespmem:$0x19B40] =	vst @!p1 v0;
	v0 =	vadd.s32 @!p1 v1, v7;
	v1 =	vor.u32 @!p1 $0xC0, v2;
	v7 =	vld @!p1 [tilespmem:$0x197A0]  }
0x213: {  	[tilespmem:$0x19B50] =	vst @!p1 v0;
	v0 =	vadd.s32 @!p1 v1, v6;
	v1 =	vor.u32 @!p1 $0xE0, v2;
	v6 =	vld @!p1 [tilespmem:$0x197B0]  }
0x214: {  	[tilespmem:$0x19B60] =	vst @!p1 v0;
	v0 =	vadd.s32 @!p1 v1, v3;
	v1 =	vor.u32 @!p1 $0x100, v2;
	v3 =	vld @!p1 [tilespmem:$0x197B8]  }
0x215: {  	[tilespmem:$0x19B70] =	vst @!p1 v0;
	v0 =	vadd.s32 @!p1 v1, v4;
	v1 =	vor.u32 @!p1 $0x120, v2  }
0x216: {  	[tilespmem:$0x19B80] =	vst @!p1 v0;
	v0 =	vadd.s32 @!p1 v1, v5;
	v1 =	vor.u32 @!p1 $0x140, v2  }
0x217: {  	[tilespmem:$0x19B90] =	vst @!p1 v0;
	v0 =	vadd.s32 @!p1 v1, v7;
	v1 =	vor.u32 @!p1 $0x160, v2  }
0x218: {  	[tilespmem:$0x19BA0] =	vst @!p1 v0;
	v0 =	vadd.s32 @!p1 v1, v6;
	v1 =	vadd.s32 @!p1 $0x170, v2  }
0x219: {  	[tilespmem:$0x19BB0] =	vst @!p1 v0;
	v0 =	vadd.s32 @!p1 v1, v3  }
0x21a: {  	s0 =	simm.s32 @p5 $0x10;
	[tilespmem:$0x19BB8] =	vst @!p1 v0  }
0x21b: {  	_ =	swait.ge @p5 [sflag:s0], $0x6400  }
0x21c: {  	s2 =	simm.s32 @!p1 $0x19300;
	[sflag:s0] =	ssyncset.done @p5 $0x0  }
0x21d: {  	s10 =	simm.s32 @!p1 $0x12C00;
	[sflag:s0] =	ssyncadd.s32 @p5 $0xFFFF9C00;
	s0 =	simm.s32 @!p1 $0x68  }
0x21e: {  	[tilespmem:s10], [sflag:$0x8] =	stream.indirect.gather @!p1 [hbm4b:s1+s0], $0x80, s2, s0, $0xb8;
	[tilespmem:$0x1A980] =	vst v63  }
0x21f: {  	s0 =	simm.s32 @!p1 $0x60;
	s2 =	simm.s32 @!p1 $0x19368;
	s10 =	simm.s32 @!p1 $0x16000  }
0x220: {  	[tilespmem:s10], [sflag:$0x8] =	stream.indirect.gather @!p1 [hbm4b:s1+s0], $0x80, s2, s0, $0xb8;
	[tilespmem:$0x1A980] =	vst v63  }
0x221: {  	s0 =	simm.s32 @!p2 $0x7  }
0x222: {  	_ =	swait.ge @!p2 [sflag:s0], $0x3400  }
0x223: {  	[sflag:s0] =	ssyncset.done @!p2 $0x0  }
0x224: {  	[sflag:s0] =	ssyncadd.s32 @!p2 $0xFFFFCC00  }
0x225: {  	_ =	swait.ge @!p2 [sflag:s0], $0x3000  }
.Ltmp7:
0x226: {  	s2 =	simm.s32 @!p2 $0x19A00;
	[sflag:s0] =	ssyncset.done @!p2 $0x0;
	(pc) =	sbr.rel @p4 .LBB2_12-.Ltmp7, $4  }
0x227: {  	s10 =	simm.s32 @!p2 $0xC800;
	[sflag:s0] =	ssyncadd.s32 @!p2 $0xFFFFD000;
	s0 =	simm.s32 @!p2 $0x68  }
0x228: {  	[tilespmem:s10], [sflag:$0xB] =	stream.indirect.gather.add.f32 @!p2 [spmem:s3], $0x80, s2, s0, $0xb8;
	[tilespmem:$0x1A980] =	vst v63  }
0x229: {  	s0 =	simm.s32 @!p2 $0x60;
	s2 =	simm.s32 @!p2 $0x19A68;
	s10 =	simm.s32 @!p2 $0xFC00  }
0x22a: {  	[tilespmem:s10], [sflag:$0xB] =	stream.indirect.gather.add.f32 @!p2 [spmem:s3], $0x80, s2, s0, $0xb8;
	[tilespmem:$0x1A980] =	vst v63  }
0x22b: {  	s0 =	simm.s32 $0xA  }
0x22c: {  	_ =	swait.ge [sflag:s0], $0x3400  }
0x22d: {  	[sflag:s0] =	ssyncset.done $0x0  }
0x22e: {  	[sflag:s0] =	ssyncadd.s32 $0xFFFFCC00  }
0x22f: {  	_ =	swait.ge [sflag:s0], $0x3000  }
0x230: {  	[sflag:s0] =	ssyncset.done $0x0  }
0x231: {  	[sflag:s0] =	ssyncadd.s32 $0xFFFFD000;
	s0 =	simm.s32 $0x6400  }
0x232: {  	v29 =	vld [tilespmem:s0+$0x180]  }
0x233: {  	v13 =	vld [tilespmem:s0+$0x190]  }
0x234: {  	v30 =	vld [tilespmem:s0+$0x1A0]  }
0x235: {  	v31 =	vld [tilespmem:s0+$0x1B0]  }
0x236: {  	v37 =	vld [tilespmem:s0+$0x1C0]  }
0x237: {  	v35 =	vld [tilespmem:s0+$0x1D0]  }
0x238: {  	v36 =	vld [tilespmem:s0+$0x1E0]  }
0x239: {  	v14 =	vld [tilespmem:s0+$0x1F0];
	_ =	sdelay $0x1  }
0x23a: {  	v0 =	vadd.f32 v13, v29;
	v1 =	vmul.f32 v29, v29;
	v2 =	vmul.f32 v13, v13  }
0x23b: {  	v3 =	vadd.f32 v31, v30;
	v4 =	vmul.f32 v30, v30;
	v5 =	vmul.f32 v31, v31  }
0x23c: {  	v6 =	vadd.f32 v35, v37;
	v7 =	vmul.f32 v37, v37;
	v8 =	vmul.f32 v35, v35  }
0x23d: {  	v9 =	vadd.f32 v14, v36;
	v10 =	vmul.f32 v36, v36;
	v11 =	vmul.f32 v14, v14  }
0x23e: {  	v1 =	vadd.f32 v2, v1;
	v2 =	vadd.f32 v5, v4  }
0x23f: {  	v4 =	vadd.f32 v8, v7;
	v5 =	vadd.f32 v11, v10  }
0x240: {  	v0 =	vadd.f32 v3, v0;
	v3 =	vadd.f32 v9, v6  }
0x241: {  	v1 =	vadd.f32 v2, v1;
	v2 =	vadd.f32 v5, v4  }
0x242: {  	v0 =	vadd.f32 v3, v0  }
0x243: {  	v1 =	vadd.f32 v2, v1  }
0x244: {  	(xrf2) =	vadd.scan.msk.f32 $0xffff, v0  }
0x245: {  	(xrf2) =	vadd.scan.msk.f32 $0xffff, v1;
	_ =	sdelay $0x8  }
0x246: {  	v0, _, _ =	vpop (xrf2)  }
0x247: {  	(v2sf) =	vpush v0, $0xF;
	v0, _, _ =	vpop (xrf2)  }
0x248: {  	(v2sf) =	vpush v0, $0xF;
	_ =	sdelay $0x1  }
0x249: {  	v61 =	vld [tilespmem:s0+$0x80]  }
0x24a: {  	v24 =	vld [tilespmem:s0+$0xA0]  }
0x24b: {  	v6 =	vld [tilespmem:s0+$0x40]  }
0x24c: {  	v7 =	vld [tilespmem:s0+$0x60]  }
0x24d: {  	v9 =	vld [tilespmem:s0+$0x70]  }
0x24e: {  	v10 =	vld [tilespmem:s0+$0x90]  }
0x24f: {  	v4 =	vld [tilespmem:s0+$0x20]  }
0x250: {  	v3 =	vld [tilespmem:s0+$0x30]  }
0x251: {  	v5 =	vld [tilespmem:s0+$0x50]  }
0x252: {  	v2 =	vld [tilespmem:s0+$0x10];
	[tilespmem:$0x1FB20] =	vst v24  }
0x253: {  	v25 =	vld [tilespmem:s0+$0xB0]  }
0x254: {  	v63 =	vld [tilespmem:s0+$0xD0]  }
0x255: {  	v21 =	vmul.f32 v61, v61;
	v1 =	vld [tilespmem:s0+$0xC0];
	s2 =	spop (v2sf)  }
0x256: {  	v11 =	vmul.f32 v6, v6;
	v62 =	vld [tilespmem:s0+$0xE0];
	v17 =	vadd.f32 v9, v7;
	v18 =	vmul.f32 v7, v7;
	s10 =	smul.f32 $7.812500000e-03, s2;
	s16 =	spop (v2sf)  }
0x257: {  	v19 =	vmul.f32 v9, v9;
	v26 =	vld [tilespmem:s0+$0xF0];
	v20 =	vadd.f32 v10, v61;
	v22 =	vmul.f32 v10, v10;
	s2 =	smul.f32 $7.812500000e-03, s16  }
0x258: {  	v58 =	vld [tilespmem:s0+$0x100];
	v8 =	vmul.f32 v3, v3;
	v12 =	vadd.f32 v5, v6;
	v0 =	vmul.f32 v4, v4;
	s11 =	smul.f32 s10, s10  }
0x259: {  	v27 =	vld [tilespmem:s0+$0x110];
	v16 =	vmul.f32 v5, v5;
	v57 =	vadd.f32 v19, v18;
	v59 =	vadd.f32 v22, v21;
	[tilespmem:$0x1FB30] =	vst v25  }
0x25a: {  	v17 =	vadd.f32 v17, v12;
	v28 =	vld [tilespmem:s0+$0x120];
	[tilespmem:$0x1FB40] =	vst v1;
	v23 =	vadd.f32 v8, v0;
	s2 =	ssub.f32 s2, s11  }
0x25b: {  	v12 =	vmul.f32 v25, v25;
	v33 =	vld [tilespmem:s0+$0x130];
	v8 =	vadd.f32 v16, v11;
	v11 =	vadd.f32 v25, v24  }
0x25c: {  	v52 =	vmul.f32 v62, v62;
	v51 =	vadd.f32 v63, v1;
	v0 =	vmul.f32 v24, v24;
	s2 =	sadd.f32 $9.999999960e-13, s2  }
0x25d: {  	v60 =	vmul.f32 v1, v1;
	v24 =	vadd.f32 v26, v62;
	v20 =	vadd.f32 v11, v20  }
0x25e: {  	v1 =	vld [tilespmem:s0+$0x0];
	v25 =	vmul.f32 v26, v26;
	v16 =	vadd.f32 v57, v8;
	v8 =	vadd.f32 v12, v0;
	s17 =	sshra.s32 s2, $0x1;
	s2 =	smul.f32 $5.000000000e-01, s2  }
0x25f: {  	v41 =	vld [tilespmem:s0+$0x140];
	[tilespmem:$0x1FB50] =	vst v26;
	v11 =	vmul.f32 v63, v63;
	v21 =	vadd.f32 v24, v51;
	v24 =	vadd.f32 v27, v58;
	s11 =	ssub.s32 $0x5F3759DF, s17  }
0x260: {  	v12 =	vld [tilespmem:s0+$0x160];
	v22 =	vadd.f32 v25, v52;
	v25 =	vadd.f32 v33, v28;
	s12 =	smul.f32 s11, s2  }
0x261: {  	v15 =	vadd.f32 v3, v4;
	v26 =	vmul.f32 v58, v58;
	v19 =	vadd.f32 v11, v60;
	v11 =	vld [tilespmem:s0+$0x150];
	[tilespmem:$0x1FB80] =	vst v27  }
0x262: {  	v18 =	vadd.f32 v8, v59;
	v27 =	vmul.f32 v27, v27;
	v0 =	vmovc v28;
	v24 =	vadd.f32 v25, v24;
	v8 =	vld [tilespmem:s0+$0x170];
	s12 =	smul.f32 s11, s12  }
0x263: {  	v25 =	vmul.f32 v1, v1;
	v20 =	vadd.f32 v21, v20;
	[tilespmem:$0x1FB90] =	vst v28;
	v28 =	vmul.f32 v2, v2  }
0x264: {  	v55 =	vmul.f32 v41, v41;
	v26 =	vadd.f32 v27, v26;
	v27 =	vadd.f32 v2, v1;
	s12 =	ssub.f32 $1.500000000e+00, s12  }
0x265: {  	v32 =	vmul.f32 v0, v0;
	v19 =	vadd.f32 v22, v19;
	v25 =	vadd.f32 v28, v25  }
0x266: {  	v57 =	vmul.f32 v12, v12;
	v15 =	vadd.f32 v15, v27;
	v27 =	vmul.f32 v33, v33;
	s11 =	smul.f32 s11, s12  }
0x267: {  	v53 =	vadd.f32 v11, v41;
	v56 =	vmul.f32 v11, v11;
	v54 =	vadd.f32 v8, v12  }
0x268: {  	v23 =	vadd.f32 v23, v25;
	v15 =	vadd.f32 v17, v15;
	v28 =	vmul.f32 v8, v8;
	s12 =	smul.f32 s11, s2  }
0x269: {  	(xrf2) =	vadd.scan.msk.f32 $0xffff, v20;
	v27 =	vadd.f32 v27, v32;
	v22 =	vadd.f32 v54, v53  }
0x26a: {  	(xrf2) =	vadd.scan.msk.f32 $0xffff, v15;
	v15 =	vadd.f32 v56, v55;
	v20 =	vadd.f32 v28, v57;
	s12 =	smul.f32 s12, s11  }
0x26b: {  	v16 =	vadd.f32 v16, v23;
	v59 =	vadd.f32 v22, v24  }
0x26c: {  	v60 =	vadd.f32 v27, v26;
	v15 =	vadd.f32 v20, v15;
	s12 =	ssub.f32 $1.500000000e+00, s12  }
0x26d: {  	v20 =	vadd.f32 v19, v18;
	(xrf2) =	vadd.scan.msk.f32 $0xffff, v59  }
0x26e: {  	v15 =	vadd.f32 v15, v60;
	(xrf2) =	vadd.scan.msk.f32 $0xffff, v16;
	s11 =	smul.f32 s12, s11  }
0x26f: {  	(xrf2) =	vadd.scan.msk.f32 $0xffff, v20  }
0x270: {  	(xrf2) =	vadd.scan.msk.f32 $0xffff, v15;
	s2 =	smul.f32 s11, s2;
	_ =	sdelay $0x1  }
0x271: {  	s2 =	smul.f32 s2, s11;
	_ =	sdelay $0x1  }
0x272: {  	s2 =	ssub.f32 $1.500000000e+00, s2  }
0x273: {  	v15, _, _ =	vpop (xrf2)  }
0x274: {  	[tilespmem:$0x1FBA0] =	vst v33;
	(v2sf) =	vpush v15, $0xF;
	v22, _, _ =	vpop (xrf2);
	s2 =	smul.f32 s2, s11  }
0x275: {  	s13 =	simm.s32 $0x6600;
	[tilespmem:$0x1FBB0] =	vst v41;
	(v2sf) =	vpush v22, $0xF;
	v15, _, _ =	vpop (xrf2)  }
0x276: {  	v51 =	vld [tilespmem:s13+$0x1A0];
	(v2sf) =	vpush v15, $0xF;
	v15, _, _ =	vpop (xrf2);
	s10 =	smul.f32 s2, s10  }
0x277: {  	v33 =	vld [tilespmem:s13+$0x1B0];
	(v2sf) =	vpush v15, $0xF;
	v15, _, _ =	vpop (xrf2);
	v14 =	vmul.f32 s2, v14  }
0x278: {  	v41 =	vld [tilespmem:s13+$0x180];
	(v2sf) =	vpush v15, $0xF;
	v15, _, _ =	vpop (xrf2);
	v17 =	vmov s10  }
0x279: {  	v32 =	vld [tilespmem:s13+$0x190];
	(v2sf) =	vpush v15, $0xF;
	v15 =	vmul.f32 s2, v29;
	v0 =	vsub.f32 v14, v17  }
0x27a: {  	v29 =	vld [tilespmem:s13+$0x1C0]  }
0x27b: {  	v13 =	vmul.f32 s2, v13;
	v23 =	vmul.f32 s2, v30;
	v30 =	vld [tilespmem:s13+$0x1D0];
	[tilespmem:$0x1FB60] =	vst v0;
	v0 =	vsub.f32 v15, v17;
	_ =	sdelay $0x1  }
0x27c: {  	v56 =	vmul.f32 s2, v31;
	v31 =	vld [tilespmem:s13+$0x1E0];
	[tilespmem:$0x1FB70] =	vst v0;
	v0 =	vsub.f32 v13, v17;
	_ =	sdelay $0x1  }
0x27d: {  	[tilespmem:$0x1FBC0] =	vst v0;
	v0 =	vsub.f32 v23, v17;
	_ =	sdelay $0x1  }
0x27e: {  	v57 =	vmul.f32 s2, v37;
	v53 =	vld [tilespmem:s13+$0x1F0];
	[tilespmem:$0x1FBD0] =	vst v0;
	v0 =	vsub.f32 v56, v17;
	_ =	sdelay $0x1  }
0x27f: {  	v14 =	vmul.f32 s2, v35;
	[tilespmem:$0x1FBE0] =	vst v0;
	v0 =	vsub.f32 v57, v17  }
0x280: {  	s18 =	spop (v2sf)  }
0x281: {  	s19 =	spop (v2sf);
	v26 =	vld [tilespmem:s13+$0x10];
	[tilespmem:$0x1FBF0] =	vst v0;
	v0 =	vsub.f32 v14, v17  }
0x282: {  	s21 =	spop (v2sf)  }
0x283: {  	s23 =	spop (v2sf);
	s11 =	smul.f32 $7.812500000e-03, s18;
	v13 =	vmul.f32 s2, v36;
	[tilespmem:$0x1FC00] =	vst v0  }
0x284: {  	s18 =	smul.f32 $7.812500000e-03, s19;
	s19 =	spop (v2sf);
	v25 =	vld [tilespmem:s13+$0x20]  }
0x285: {  	s19 =	smul.f32 $7.812500000e-03, s19;
	v0 =	vsub.f32 v13, v17;
	v35 =	vld [tilespmem:s13+$0x30]  }
0x286: {  	s20 =	smul.f32 s11, s11;
	v36 =	vld [tilespmem:s13+$0x40]  }
0x287: {  	s16 =	smul.f32 s18, s18;
	v52 =	vld [tilespmem:s13+$0x50];
	[tilespmem:$0x1FC10] =	vst v0  }
0x288: {  	v19 =	vmul.f32 v32, v32;
	v60 =	vmul.f32 v33, v33;
	v15 =	vadd.f32 v33, v51;
	s2 =	smul.f32 $7.812500000e-03, s23;
	v54 =	vld [tilespmem:s13+$0x60]  }
0x289: {  	v16 =	vmul.f32 v41, v41;
	s12 =	ssub.f32 s19, s20;
	v18 =	vadd.f32 v30, v29;
	v14 =	vadd.f32 v32, v41;
	v55 =	vld [tilespmem:s13+$0x70]  }
0x28a: {  	s10 =	smul.f32 $7.812500000e-03, s21;
	v37 =	vmul.f32 v29, v29;
	s2 =	ssub.f32 s2, s16;
	v59 =	vadd.f32 v53, v31;
	v13 =	vmul.f32 v30, v30;
	v24 =	vld [tilespmem:s13+$0x80]  }
0x28b: {  	v20 =	vmul.f32 v51, v51;
	s24 =	spop (v2sf);
	s12 =	sadd.f32 $9.999999960e-13, s12;
	v57 =	vmul.f32 v31, v31;
	v14 =	vadd.f32 v15, v14;
	v27 =	vld [tilespmem:s13+$0x90]  }
0x28c: {  	s17 =	smul.f32 s10, s10;
	s2 =	sadd.f32 $9.999999960e-13, s2;
	v15 =	vadd.f32 v59, v18;
	v59 =	vmul.f32 v53, v53;
	v13 =	vadd.f32 v13, v37;
	v37 =	vld [tilespmem:s13+$0xA0]  }
0x28d: {  	v16 =	vadd.f32 v19, v16;
	s16 =	smul.f32 $7.812500000e-03, s24;
	v56 =	vld [tilespmem:s13+$0xB0];
	[tilespmem:$0x1FA10] =	vst v36  }
0x28e: {  	v60 =	vadd.f32 v60, v20;
	s21 =	sshra.s32 s12, $0x1;
	s25 =	sshra.s32 s2, $0x1;
	s19 =	smul.f32 $5.000000000e-01, s2;
	v17 =	vadd.f32 v59, v57;
	[tilespmem:$0x1FA20] =	vst v52  }
0x28f: {  	s16 =	ssub.f32 s16, s17;
	s17 =	smul.f32 $5.000000000e-01, s12;
	s26 =	ssub.s32 $0x5F3759DF, s25;
	v14 =	vadd.f32 v15, v14;
	v15 =	vmul.f32 v36, v36;
	v59 =	vadd.f32 v52, v36;
	v36 =	vld [tilespmem:s13+$0xC0];
	[tilespmem:$0x1FA30] =	vst v54  }
0x290: {  	v16 =	vadd.f32 v60, v16;
	s21 =	ssub.s32 $0x5F3759DF, s21;
	s20 =	smul.f32 s26, s19;
	v13 =	vadd.f32 v17, v13;
	[tilespmem:$0x1FA40] =	vst v55  }
0x291: {  	s16 =	sadd.f32 $9.999999960e-13, s16;
	s23 =	smul.f32 s21, s17;
	v18 =	vmul.f32 v25, v25;
	v60 =	vadd.f32 v55, v54;
	v22 =	vmul.f32 v54, v54;
	v54 =	vld [tilespmem:s13+$0xD0]  }
0x292: {  	s20 =	smul.f32 s26, s20;
	v20 =	vmul.f32 v35, v35;
	v21 =	vmul.f32 v52, v52;
	v52 =	vld [tilespmem:s13+$0xE0];
	[tilespmem:$0x1FA50] =	vst v24  }
0x293: {  	s12 =	smul.f32 $5.000000000e-01, s16;
	s16 =	sshra.s32 s16, $0x1;
	v13 =	vadd.f32 v13, v16;
	v23 =	vmul.f32 v55, v55;
	v57 =	vadd.f32 v27, v24;
	[tilespmem:$0x1FA60] =	vst v27  }
0x294: {  	s23 =	smul.f32 s21, s23;
	s16 =	ssub.s32 $0x5F3759DF, s16;
	s20 =	ssub.f32 $1.500000000e+00, s20;
	(xrf2) =	vadd.scan.msk.f32 $0xffff, v14;
	v14 =	vadd.f32 v20, v18;
	v16 =	vadd.f32 v60, v59;
	v59 =	vmul.f32 v24, v24;
	v24 =	vld [tilespmem:s13+$0xF0]  }
0x295: {  	s24 =	smul.f32 s16, s12;
	v15 =	vadd.f32 v21, v15;
	(xrf2) =	vadd.scan.msk.f32 $0xffff, v13;
	v60 =	vmul.f32 v27, v27;
	v27 =	vld [tilespmem:s13+$0x100];
	[tilespmem:$0x1FA70] =	vst v37  }
0x296: {  	s2 =	smul.f32 s26, s20;
	v13 =	vadd.f32 v56, v37;
	v19 =	vmul.f32 v37, v37;
	[tilespmem:$0x1FA80] =	vst v56;
	v55 =	vmul.f32 v36, v36  }
0x297: {  	s23 =	ssub.f32 $1.500000000e+00, s23;
	s25 =	smul.f32 s16, s24;
	v20 =	vadd.f32 v23, v22;
	v37 =	vmul.f32 v56, v56;
	v18 =	vadd.f32 v60, v59;
	v60 =	vld [tilespmem:s13+$0x0]  }
0x298: {  	s26 =	smul.f32 s2, s19;
	v59 =	vld [tilespmem:s13+$0x110];
	v56 =	vmul.f32 v54, v54  }
0x299: {  	s21 =	smul.f32 s21, s23;
	v15 =	vadd.f32 v20, v15;
	v19 =	vadd.f32 v37, v19;
	v37 =	vld [tilespmem:s13+$0x120]  }
0x29a: {  	s24 =	smul.f32 s26, s2;
	v20 =	vadd.f32 v35, v25;
	v17 =	vadd.f32 v56, v55;
	v55 =	vmov v35;
	v35 =	vld [tilespmem:s13+$0x130];
	[tilespmem:$0x1FA90] =	vst v36  }
0x29b: {  	s23 =	smul.f32 s21, s17;
	[tilespmem:$0x1FAA0] =	vst v54  }
0x29c: {  	s24 =	ssub.f32 $1.500000000e+00, s24;
	v21 =	vadd.f32 v54, v36;
	v36 =	vld [tilespmem:s13+$0x140];
	[tilespmem:$0x1FAB0] =	vst v52  }
0x29d: {  	s20 =	ssub.f32 $1.500000000e+00, s25;
	s23 =	smul.f32 s23, s21;
	v13 =	vadd.f32 v13, v57;
	v57 =	vmul.f32 v52, v52;
	v22 =	vadd.f32 v24, v52;
	[tilespmem:$0x1FAC0] =	vst v24  }
0x29e: {  	s2 =	smul.f32 s24, s2;
	v18 =	vadd.f32 v19, v18;
	v24 =	vmul.f32 v24, v24;
	v52 =	vld [tilespmem:s13+$0x150]  }
0x29f: {  	s16 =	smul.f32 s16, s20;
	s23 =	ssub.f32 $1.500000000e+00, s23;
	v54 =	vadd.f32 v22, v21;
	v56 =	vmov v25;
	v25 =	vadd.f32 v26, v60;
	v0 =	vld [tilespmem:s13+$0x160]  }
0x2a0: {  	s19 =	smul.f32 s2, s19;
	v19 =	vmul.f32 v27, v27;
	v22 =	vmul.f32 v59, v59;
	v21 =	vadd.f32 v24, v57;
	v24 =	vld [tilespmem:s13+$0x170]  }
0x2a1: {  	s21 =	smul.f32 s23, s21;
	v13 =	vadd.f32 v54, v13;
	v57, _, _ =	vpop (xrf2);
	v20 =	vadd.f32 v20, v25  }
0x2a2: {  	s19 =	smul.f32 s19, s2;
	v19 =	vadd.f32 v22, v19;
	v22 =	vmul.f32 v37, v37;
	(v2sf) =	vpush v57, $0xF  }
0x2a3: {  	s17 =	smul.f32 s21, s17;
	v57 =	vadd.f32 v59, v27;
	v54, _, _ =	vpop (xrf2);
	(xrf2) =	vadd.scan.msk.f32 $0xffff, v13;
	v13 =	vmul.f32 v26, v26;
	v16 =	vadd.f32 v16, v20  }
0x2a4: {  	s25 =	smul.f32 s16, s12;
	s19 =	ssub.f32 $1.500000000e+00, s19;
	[tilespmem:$0x1FAE0] =	vst v59;
	v59 =	vadd.f32 v35, v37;
	(v2sf) =	vpush v54, $0xF;
	v54 =	vmovc v26;
	v26 =	vmul.f32 v60, v60  }
0x2a5: {  	s17 =	smul.f32 s17, s21;
	[tilespmem:$0x1FAF0] =	vst v37;
	v23 =	vadd.f32 v52, v36;
	(xrf2) =	vadd.scan.msk.f32 $0xffff, v16;
	v37 =	vmovc v24;
	v24 =	vadd.f32 v24, v0  }
0x2a6: {  	s2 =	smul.f32 s19, s2;
	[tilespmem:$0x1FB00] =	vst v36;
	v25 =	vmul.f32 v36, v36;
	v36 =	vmul.f32 v0, v0;
	v16 =	vadd.f32 v59, v57  }
0x2a7: {  	s20 =	smul.f32 s25, s16;
	v57 =	vmovc v35;
	v35 =	vmul.f32 v35, v35;
	v13 =	vadd.f32 v13, v26;
	v23 =	vadd.f32 v24, v23  }
0x2a8: {  	s17 =	ssub.f32 $1.500000000e+00, s17;
	[tilespmem:$0x1FAD0] =	vst v27;
	v59 =	vmov v0;
	v27 =	vmul.f32 v37, v37;
	v0 =	vmul.f32 s2, v1  }
0x2a9: {  	s26 =	ssub.f32 $1.500000000e+00, s20;
	v1 =	vmul.f32 s2, v2;
	v13 =	vadd.f32 v14, v13;
	v16 =	vadd.f32 v23, v16  }
0x2aa: {  	s17 =	smul.f32 s17, s21;
	v17 =	vadd.f32 v21, v17;
	v2 =	vmul.f32 s2, v4;
	v24 =	vmul.f32 v52, v52  }
0x2ab: {  	s16 =	smul.f32 s26, s16;
	v4 =	vmul.f32 s2, v5;
	v20 =	vadd.f32 v35, v22;
	v13 =	vadd.f32 v15, v13;
	(xrf2) =	vadd.scan.msk.f32 $0xffff, v16  }
0x2ac: {  	s11 =	smul.f32 s17, s11;
	[tilespmem:$0x1FB10] =	vst v52;
	v5 =	vmul.f32 s2, v7;
	v22 =	vadd.f32 v27, v36;
	v52 =	vadd.f32 v24, v25  }
0x2ad: {  	s12 =	smul.f32 s16, s12;
	v17 =	vadd.f32 v17, v18;
	v7 =	vmul.f32 s2, v9;
	v9 =	vmul.f32 s17, v61;
	v15, _, _ =	vpop (xrf2);
	(xrf2) =	vadd.scan.msk.f32 $0xffff, v13  }
0x2ae: {  	s18 =	smul.f32 s2, s18;
	v14 =	vadd.f32 v20, v19;
	v23 =	vmov s11;
	v20 =	vadd.f32 v22, v52  }
0x2af: {  	s19 =	smul.f32 s12, s16;
	v3 =	vmul.f32 s2, v3;
	v9 =	vsub.f32 v9, v23;
	(v2sf) =	vpush v15, $0xF;
	v15, _, _ =	vpop (xrf2)  }
0x2b0: {  	v26 =	vld [tilespmem:$0x1FBB0];
	v14 =	vadd.f32 v20, v14;
	(v2sf) =	vpush v15, $0xF;
	v15 =	vmov s18  }
0x2b1: {  	v21 =	vld [tilespmem:$0x1FB40];
	v6 =	vmul.f32 s2, v6;
	s2 =	ssub.f32 $1.500000000e+00, s19;
	v0 =	vsub.f32 v0, v15;
	v1 =	vsub.f32 v1, v15  }
0x2b2: {  	v2 =	vsub.f32 v2, v15;
	v3 =	vsub.f32 v3, v15  }
0x2b3: {  	v10 =	vmul.f32 s17, v10;
	s2 =	smul.f32 s2, s16;
	v24 =	vld [tilespmem:$0x1FBA0];
	v6 =	vsub.f32 v6, v15;
	v4 =	vsub.f32 v4, v15  }
0x2b4: {  	v35 =	vmul.f32 s17, v62;
	(xrf2) =	vadd.scan.msk.f32 $0xffff, v17;
	v5 =	vsub.f32 v5, v15;
	v7 =	vsub.f32 v7, v15;
	v15 =	vld [tilespmem:$0x1FB30]  }
0x2b5: {  	v10 =	vsub.f32 v10, v23;
	v26 =	vmul.f32 s2, v26;
	v11 =	vmul.f32 s2, v11;
	v13, _, _ =	vpop (xrf2);
	(xrf2) =	vadd.scan.msk.f32 $0xffff, v14;
	v14 =	vld [tilespmem:$0x1FB50]  }
0x2b6: {  	s10 =	smul.f32 s2, s10;
	v12 =	vmul.f32 s2, v12;
	v16 =	vmul.f32 s17, v21;
	s20 =	spop (v2sf);
	(v2sf) =	vpush v13, $0xF;
	v13 =	vld [tilespmem:$0x1FB20]  }
0x2b7: {  	v19 =	vsub.f32 v35, v23;
	v35 =	vld [tilespmem:$0x1FB80];
	v22 =	vmul.f32 s17, v63;
	v63 =	vmul.f32 s2, v58;
	v36, _, _ =	vpop (xrf2)  }
0x2b8: {  	v25 =	vmov s10;
	v16 =	vsub.f32 v16, v23;
	s21 =	spop (v2sf);
	(v2sf) =	vpush v36, $0xF;
	v36 =	vld [tilespmem:$0x1FB90]  }
0x2b9: {  	v8 =	vmul.f32 s2, v8;
	v21 =	vsub.f32 v63, v25;
	v26 =	vsub.f32 v26, v25  }
0x2ba: {  	v11 =	vsub.f32 v11, v25;
	v24 =	vmul.f32 s2, v24;
	v15 =	vmul.f32 s17, v15  }
0x2bb: {  	v12 =	vsub.f32 v12, v25;
	v14 =	vmul.f32 s17, v14;
	v13 =	vmul.f32 s17, v13  }
0x2bc: {  	v17 =	vsub.f32 v22, v23;
	v22 =	vmul.f32 s2, v35;
	v15 =	vsub.f32 v15, v23  }
0x2bd: {  	v14 =	vsub.f32 v14, v23;
	v13 =	vsub.f32 v13, v23;
	v23 =	vmul.f32 s2, v36  }
0x2be: {  	v8 =	vsub.f32 v8, v25;
	v24 =	vsub.f32 v24, v25  }
0x2bf: {  	v22 =	vsub.f32 v22, v25;
	v23 =	vsub.f32 v23, v25;
	v25 =	vld [tilespmem:$0x1FBD0];
	_ =	sdelay $0x1  }
0x2c0: {  	v52 =	vld [tilespmem:$0x1FB60]  }
0x2c1: {  	v61 =	vld [tilespmem:$0x1FB70]  }
0x2c2: {  	v27 =	vld [tilespmem:$0x1FE40];
	v62, _, _ =	vpop (xrf2)  }
0x2c3: {  	(v2sf) =	vpush v62, $0xF;
	v62 =	vmul.f32 v25, v44;
	v25 =	vld [tilespmem:$0x1FBE0];
	_ =	sdelay $0x1  }
0x2c4: {  	v18 =	vmul.f32 v52, v40  }
0x2c5: {  	v20 =	vmul.f32 v61, v38  }
0x2c6: {  	v28 =	vld [tilespmem:$0x1FF20];
	s25 =	smul.f32 $7.812500000e-03, s20;
	v18 =	vadd.f32 v18, v27;
	v0 =	vmul.f32 v0, v38  }
0x2c7: {  	v20 =	vadd.f32 v20, v47;
	v52 =	vld [tilespmem:$0x1FBC0];
	s12 =	smul.f32 $7.812500000e-03, s21;
	v1 =	vmul.f32 v1, v39;
	v63 =	vmul.f32 v25, v46;
	v25, _, _ =	vpop (xrf2)  }
0x2c8: {  	s23 =	smul.f32 s25, s25;
	v2 =	vmul.f32 v2, v44;
	v0 =	vadd.f32 v0, v47;
	(v2sf) =	vpush v25, $0xF;
	v25 =	vld [tilespmem:$0x1FE30];
	[tilespmem:s0+$0x1F0] =	vst v18  }
0x2c9: {  	v3 =	vmul.f32 v3, v46;
	v1 =	vadd.f32 v1, v48;
	[tilespmem:s0+$0x180] =	vst v20  }
0x2ca: {  	v6 =	vmul.f32 v6, v42;
	s11 =	ssub.f32 s12, s23;
	v2 =	vadd.f32 v2, v49;
	[tilespmem:s0+$0x0] =	vst v0  }
0x2cb: {  	v4 =	vmul.f32 v4, v43;
	v3 =	vadd.f32 v3, v50;
	[tilespmem:s0+$0x10] =	vst v1  }
0x2cc: {  	v7 =	vmul.f32 v7, v40;
	v6 =	vadd.f32 v6, v34;
	s11 =	sadd.f32 $9.999999960e-13, s11;
	[tilespmem:s0+$0x20] =	vst v2  }
0x2cd: {  	v9 =	vmul.f32 v9, v38;
	v4 =	vadd.f32 v4, v28;
	[tilespmem:s0+$0x30] =	vst v3  }
0x2ce: {  	v10 =	vmul.f32 v10, v39;
	v7 =	vadd.f32 v7, v27;
	s24 =	sshra.s32 s11, $0x1;
	s11 =	smul.f32 $5.000000000e-01, s11;
	[tilespmem:s0+$0x40] =	vst v6  }
0x2cf: {  	v9 =	vadd.f32 v9, v47;
	s26 =	ssub.s32 $0x5F3759DF, s24;
	v0 =	vmul.f32 v13, v44;
	[tilespmem:s0+$0x50] =	vst v4  }
0x2d0: {  	v10 =	vadd.f32 v10, v48;
	v5 =	vmul.f32 v5, v45;
	s12 =	smul.f32 s26, s11;
	[tilespmem:s0+$0x70] =	vst v7  }
0x2d1: {  	[tilespmem:s0+$0x80] =	vst v9;
	v0 =	vadd.f32 v0, v49  }
0x2d2: {  	s12 =	smul.f32 s26, s12;
	[tilespmem:s0+$0x90] =	vst v10;
	v5 =	vadd.f32 v5, v25  }
0x2d3: {  	[tilespmem:s0+$0xA0] =	vst v0  }
0x2d4: {  	s2 =	ssub.f32 $1.500000000e+00, s12;
	[tilespmem:s0+$0x60] =	vst v5  }
0x2d5: {  	v13 =	vmul.f32 v15, v46;
	v0 =	vld [tilespmem:$0x1FBF0]  }
0x2d6: {  	s2 =	smul.f32 s26, s2  }
0x2d7: {  	v35 =	vadd.f32 v13, v50  }
0x2d8: {  	s16 =	spop (v2sf);
	s17 =	smul.f32 s2, s11;
	v2 =	vmul.f32 v19, v45  }
0x2d9: {  	s10 =	smul.f32 $7.812500000e-03, s16;
	[tilespmem:s0+$0xB0] =	vst v35  }
0x2da: {  	s20 =	spop (v2sf);
	s18 =	smul.f32 s17, s2;
	v1 =	vmul.f32 v16, v42;
	v13 =	vadd.f32 v2, v25;
	v2 =	vmul.f32 v0, v42;
	v0 =	vld [tilespmem:$0x1FC00]  }
0x2db: {  	v61 =	vmul.f32 v52, v39;
	s19 =	smul.f32 $7.812500000e-03, s20  }
0x2dc: {  	v36 =	vmul.f32 v11, v43;
	v58 =	vmul.f32 v14, v40;
	s12 =	smul.f32 s10, s10;
	s16 =	ssub.f32 $1.500000000e+00, s18;
	v52 =	vadd.f32 v1, v34  }
0x2dd: {  	s23 =	smul.f32 s19, s19;
	v15 =	vmul.f32 v17, v43;
	v3 =	vmul.f32 v21, v38  }
0x2de: {  	s21 =	spop (v2sf);
	s17 =	smul.f32 s16, s2;
	v17 =	vmul.f32 v22, v39;
	v6 =	vmul.f32 v23, v44;
	[tilespmem:s0+$0xC0] =	vst v52  }
0x2df: {  	s18 =	smul.f32 $7.812500000e-03, s21;
	v4 =	vmul.f32 v24, v46;
	v1 =	vmul.f32 v0, v43;
	v0 =	vld [tilespmem:$0x1FC10]  }
0x2e0: {  	s24 =	spop (v2sf);
	s2 =	smul.f32 s17, s11;
	v14 =	vadd.f32 v15, v28;
	v15 =	vmul.f32 v12, v45;
	v12 =	vadd.f32 v58, v27  }
0x2e1: {  	s11 =	smul.f32 $7.812500000e-03, s24;
	v58 =	vmul.f32 v8, v40;
	v11 =	vadd.f32 v3, v47;
	v10 =	vadd.f32 v17, v48  }
0x2e2: {  	s26 =	spop (v2sf);
	v9 =	vadd.f32 v6, v49;
	v8 =	vadd.f32 v4, v50;
	s16 =	smul.f32 s2, s17;
	v5 =	vmul.f32 v26, v42  }
0x2e3: {  	s21 =	simm.s32 $0x4;
	s20 =	smul.f32 $7.812500000e-03, s26;
	v4 =	vadd.f32 v36, v28;
	s23 =	ssub.f32 s11, s23;
	v6 =	vadd.f32 v58, v27  }
0x2e4: {  	s2 =	smul.f32 s18, s18;
	s11 =	simm.s32 $0x6800;
	s16 =	ssub.f32 $1.500000000e+00, s16;
	v7 =	vadd.f32 v5, v34;
	v5 =	vadd.f32 v15, v25;
	v0 =	vmul.f32 v0, v45  }
.LBB2_10:
0x2e5: {  	_ =	sdelay $0x1  }
0x2e6: {  	s16 =	smul.f32 s16, s17  }
0x2e7: {  	v20 =	vld [tilespmem:s11+$0x190];
	[tilespmem:s0+$0x130] =	vst v8  }
0x2e8: {  	[tilespmem:s0+$0xD0] =	vst v14;
	v24 =	vmul.f32 s16, v29;
	v29 =	vld [tilespmem:s11+$0x1C0]  }
0x2e9: {  	v17 =	vadd.f32 v61, v48;
	v18 =	vadd.f32 v62, v49;
	[tilespmem:s0+$0x110] =	vst v10;
	v10 =	vmul.f32 s16, v30;
	v30 =	vld [tilespmem:s11+$0x1D0];
	s26 =	spop (v2sf)  }
0x2ea: {  	v16 =	vld [tilespmem:s11+$0x180];
	v23 =	vadd.f32 v0, v25;
	[tilespmem:s0+$0xE0] =	vst v13;
	v13 =	vadd.f32 v63, v50;
	s17 =	smul.f32 $7.812500000e-03, s26  }
0x2eb: {  	v19 =	vld [tilespmem:s11+$0x1B0];
	v21 =	vadd.f32 v2, v34;
	[tilespmem:s0+$0xF0] =	vst v12;
	v2 =	vmul.f32 s16, v41;
	v3 =	vmul.f32 s16, v32;
	s26 =	smul.f32 s16, s25  }
0x2ec: {  	v22 =	vadd.f32 v1, v28;
	[tilespmem:s0+$0x100] =	vst v11;
	v12 =	vmul.f32 s16, v53;
	v25 =	vmul.f32 s16, v31;
	v31 =	vld [tilespmem:s11+$0x1E0]  }
0x2ed: {  	v14 =	vld [tilespmem:s11+$0x1A0];
	[tilespmem:s0+$0x120] =	vst v9;
	v1 =	vmul.f32 s16, v51;
	v0 =	vmul.f32 s16, v33;
	v32 =	vmovc v20;
	v11 =	vmov s26  }
0x2ee: {  	s12 =	ssub.f32 s20, s12;
	[tilespmem:s0+$0x150] =	vst v4;
	v4 =	vld [tilespmem:s11+$0x20];
	v20 =	vmul.f32 v20, v32;
	v52 =	vadd.f32 v30, v29;
	v12 =	vsub.f32 v12, v11  }
0x2ef: {  	s23 =	sadd.f32 $9.999999960e-13, s23;
	[tilespmem:s0+$0x160] =	vst v5;
	v53 =	vld [tilespmem:s11+$0x1F0];
	v28 =	vmul.f32 v29, v29;
	v2 =	vsub.f32 v2, v11;
	v3 =	vsub.f32 v3, v11  }
0x2f0: {  	v5 =	vld [tilespmem:s11+$0x30];
	s12 =	sadd.f32 $9.999999960e-13, s12;
	v41 =	vmovc v16;
	v58 =	vmul.f32 v30, v30;
	v15 =	vsub.f32 v1, v11;
	v63 =	vsub.f32 v0, v11  }
0x2f1: {  	[tilespmem:s0+$0x170] =	vst v6;
	v6 =	vld [tilespmem:s11+$0x40];
	s24 =	sshra.s32 s23, $0x1;
	s2 =	ssub.f32 s17, s2;
	v36 =	vmul.f32 v31, v31;
	v1 =	vsub.f32 v10, v11;
	v10 =	vadd.f32 v32, v41  }
0x2f2: {  	[tilespmem:s0+$0x1B0] =	vst v13;
	v13 =	vld [tilespmem:s11+$0xB0];
	s20 =	ssub.s32 $0x5F3759DF, s24;
	s25 =	smul.f32 $5.000000000e-01, s23;
	v8 =	vmul.f32 v12, v40;
	v9 =	vmul.f32 v2, v38;
	v2 =	vsub.f32 v24, v11  }
0x2f3: {  	s23 =	sshra.s32 s12, $0x1;
	s12 =	smul.f32 $5.000000000e-01, s12;
	v0 =	vld [tilespmem:s11+$0x10];
	s26 =	sadd.f32 $9.999999960e-13, s2;
	v61 =	vmul.f32 v3, v39;
	v3 =	vsub.f32 v25, v11;
	v11 =	vadd.f32 v19, v14  }
0x2f4: {  	[tilespmem:s0+$0x140] =	vst v7;
	s2 =	ssub.s32 $0x5F3759DF, s23;
	s23 =	smul.f32 s20, s25;
	v12 =	vmul.f32 v16, v41;
	v25 =	vadd.f32 v53, v31;
	v7 =	vadd.f32 v8, v27;
	v8 =	vld [tilespmem:s11+$0x60]  }
0x2f5: {  	v24 =	vmul.f32 v14, v14;
	s24 =	sshra.s32 s26, $0x1;
	s17 =	smul.f32 $5.000000000e-01, s26;
	v27 =	vmul.f32 v19, v19;
	v38 =	vadd.f32 v9, v47;
	v9 =	vld [tilespmem:s11+$0x70]  }
0x2f6: {  	s23 =	smul.f32 s20, s23;
	s16 =	ssub.s32 $0x5F3759DF, s24;
	v39 =	vadd.f32 v11, v10;
	v16 =	vadd.f32 v25, v52;
	v25 =	vmul.f32 v53, v53;
	v10 =	vld [tilespmem:s11+$0x80]  }
0x2f7: {  	[tilespmem:s0+$0x190] =	vst v17;
	v62 =	vmul.f32 v4, v4;
	v17 =	vadd.f32 v58, v28;
	v20 =	vadd.f32 v20, v12;
	v12 =	vld [tilespmem:s11+$0xA0];
	s26 =	smul.f32 s16, s17  }
0x2f8: {  	[tilespmem:s0+$0x1A0] =	vst v18;
	v40 =	vmul.f32 v5, v5;
	s24 =	smul.f32 s2, s12;
	v11 =	vld [tilespmem:s11+$0x90];
	v24 =	vadd.f32 v27, v24;
	v25 =	vadd.f32 v25, v36  }
0x2f9: {  	v42 =	vmul.f32 v6, v6;
	[tilespmem:s13+$0x1F0] =	vst v7;
	v7 =	vld [tilespmem:s11+$0x50];
	v27 =	vadd.f32 v5, v4;
	v18 =	vadd.f32 v16, v39;
	s26 =	smul.f32 s16, s26  }
0x2fa: {  	v52 =	vmov v14;
	v14 =	vld [tilespmem:s11+$0xF0];
	s23 =	ssub.f32 $1.500000000e+00, s23;
	[tilespmem:s13+$0x180] =	vst v38;
	v38 =	vadd.f32 v40, v62;
	v20 =	vadd.f32 v24, v20  }
0x2fb: {  	v63 =	vmul.f32 v63, v46;
	v58 =	vmovc v37;
	s24 =	smul.f32 s2, s24;
	v16 =	vld [tilespmem:s11+$0xC0];
	v24 =	vadd.f32 v25, v17;
	s26 =	ssub.f32 $1.500000000e+00, s26;
	v25 =	vadd.f32 v9, v8  }
0x2fc: {  	s20 =	smul.f32 s20, s23;
	[tilespmem:s0+$0x1C0] =	vst v21;
	v17 =	vld [tilespmem:s11+$0xD0];
	v45 =	vmul.f32 v8, v8;
	v35 =	vmul.f32 v10, v10;
	v49 =	vadd.f32 v13, v12  }
0x2fd: {  	(xrf2) =	vadd.scan.msk.f32 $0xffff, v18;
	v18 =	vld [tilespmem:s11+$0xE0];
	v36 =	vmul.f32 v11, v11;
	v20 =	vadd.f32 v24, v20;
	v24 =	vadd.f32 v11, v10;
	s16 =	smul.f32 s16, s26  }
0x2fe: {  	[tilespmem:s0+$0x1D0] =	vst v22;
	v21 =	vld [tilespmem:s11+$0x110];
	s23 =	smul.f32 s20, s25;
	v47 =	vmul.f32 v9, v9;
	v43 =	vadd.f32 v7, v6;
	v28 =	vmul.f32 v7, v7  }
0x2ff: {  	[tilespmem:s0+$0x1E0] =	vst v23;
	v23 =	vld [tilespmem:s11+$0x150];
	v48 =	vmul.f32 v12, v12;
	v50 =	vadd.f32 v36, v35;
	v35 =	vadd.f32 v49, v24;
	s26 =	smul.f32 s16, s17  }
0x300: {  	s23 =	smul.f32 s23, s20;
	(xrf2) =	vadd.scan.msk.f32 $0xffff, v20;
	v20 =	vld [tilespmem:s11+$0x100];
	v37 =	vadd.f32 v25, v43;
	v22 =	vadd.f32 v28, v42;
	v25 =	vmul.f32 v13, v13  }
0x301: {  	s24 =	ssub.f32 $1.500000000e+00, s24;
	v62 =	vmul.f32 v16, v16;
	v24 =	vld [tilespmem:s11+$0x120];
	v28 =	vadd.f32 v47, v45;
	v45 =	vadd.f32 v17, v16;
	s26 =	smul.f32 s26, s16  }
0x302: {  	v51 =	vmovc v19;
	s23 =	ssub.f32 $1.500000000e+00, s23;
	v47 =	vmul.f32 v17, v17;
	v49 =	vadd.f32 v14, v18;
	v19 =	vadd.f32 v25, v48;
	v25 =	vld [tilespmem:s11+$0x130]  }
0x303: {  	s2 =	smul.f32 s2, s24;
	v42 =	vmul.f32 v14, v14;
	v28 =	vadd.f32 v28, v22;
	v48 =	vmul.f32 v18, v18;
	v22 =	vld [tilespmem:s11+$0x140];
	s26 =	ssub.f32 $1.500000000e+00, s26  }
0x304: {  	v46 =	vld [tilespmem:s11+$0x0];
	s20 =	smul.f32 s23, s20;
	v34 =	vadd.f32 v47, v62;
	v62 =	vmul.f32 v15, v44;
	v36 =	vadd.f32 v49, v45  }
0x305: {  	v15 =	vld [tilespmem:s11+$0x160];
	v33 =	vadd.f32 v19, v50;
	v43 =	vmul.f32 v20, v20;
	v50 =	vmul.f32 v21, v21;
	s16 =	smul.f32 s26, s16  }
0x306: {  	v40 =	vadd.f32 v21, v20;
	v39 =	vadd.f32 v42, v48;
	v19 =	vld [tilespmem:s11+$0x170];
	s26 =	smul.f32 s20, s25  }
0x307: {  	s24 =	smul.f32 s2, s12;
	v49 =	vmul.f32 v23, v23;
	v45, _, _ =	vpop (xrf2);
	v43 =	vadd.f32 v50, v43;
	v47 =	vadd.f32 v25, v24  }
0x308: {  	v34 =	vadd.f32 v39, v34;
	(v2sf) =	vpush v45, $0xF;
	v39 =	vmul.f32 v22, v22;
	s23 =	smul.f32 s26, s20  }
0x309: {  	v26 =	vmul.f32 v0, v0;
	v48 =	vadd.f32 v23, v22;
	v40 =	vadd.f32 v47, v40  }
0x30a: {  	s24 =	smul.f32 s24, s2;
	v42 =	vmul.f32 v24, v24;
	v45, _, _ =	vpop (xrf2);
	v39 =	vadd.f32 v49, v39;
	v49 =	vadd.f32 v0, v46;
	s23 =	ssub.f32 $1.500000000e+00, s23  }
0x30b: {  	v50 =	vmul.f32 v46, v46;
	(v2sf) =	vpush v45, $0xF;
	v45 =	vadd.f32 v19, v15  }
0x30c: {  	s24 =	ssub.f32 $1.500000000e+00, s24;
	v35 =	vadd.f32 v36, v35;
	v44 =	vmul.f32 v25, v25;
	v27 =	vadd.f32 v27, v49;
	s20 =	smul.f32 s23, s20  }
0x30d: {  	v26 =	vadd.f32 v26, v50;
	v36 =	vadd.f32 v45, v48  }
0x30e: {  	s2 =	smul.f32 s24, s2;
	v42 =	vadd.f32 v44, v42;
	(xrf2) =	vadd.scan.msk.f32 $0xffff, v35;
	v37 =	vadd.f32 v37, v27;
	v35 =	vmul.f32 s20, v54  }
0x30f: {  	v27 =	vmul.f32 s20, v55;
	v55 =	vmovc v5;
	v5 =	vadd.f32 v34, v33;
	v33 =	vadd.f32 v36, v40;
	v40 =	vmovc v6  }
0x310: {  	s12 =	smul.f32 s2, s12;
	v54 =	vmovc v0;
	v0 =	vadd.f32 v42, v43;
	v42 =	vmul.f32 s20, v56;
	v56 =	vmovc v4;
	v4 =	vadd.f32 v38, v26;
	v38 =	vld [tilespmem:$0x1FA10]  }
0x311: {  	v6 =	vld [tilespmem:$0x1FA20];
	v26 =	vmov v7;
	[tilespmem:$0x1FA10] =	vst v40  }
0x312: {  	s12 =	smul.f32 s12, s2;
	[tilespmem:$0x1FA20] =	vst v26;
	v26 =	vld [tilespmem:$0x1FA30];
	v40 =	vmov v8  }
0x313: {  	[tilespmem:$0x1FA30] =	vst v40;
	v40 =	vld [tilespmem:$0x1FA60]  }
0x314: {  	s12 =	ssub.f32 $1.500000000e+00, s12;
	_ =	sdelay $0x1  }
0x315: {  	s2 =	smul.f32 s12, s2;
	_ =	sdelay $0x1  }
0x316: {  	v8 =	vmov v9;
	v36 =	vmul.f32 s2, v40;
	v40 =	vmov v10  }
0x317: {  	v4 =	vadd.f32 v28, v4;
	v28 =	vld [tilespmem:$0x1FA40];
	[tilespmem:$0x1FA40] =	vst v8  }
0x318: {  	v8 =	vld [tilespmem:$0x1FA50];
	v10 =	vmov v11;
	[tilespmem:$0x1FA50] =	vst v40  }
0x319: {  	[tilespmem:$0x1FA60] =	vst v10;
	v10 =	vld [tilespmem:$0x1FA70];
	v40 =	vmov v12  }
0x31a: {  	[tilespmem:$0x1FA70] =	vst v40;
	v40 =	vld [tilespmem:$0x1FA90];
	_ =	sdelay $0x4  }
0x31b: {  	(xrf2) =	vadd.scan.msk.f32 $0xffff, v37;
	v37 =	vmul.f32 s2, v40;
	v40 =	vld [tilespmem:$0x1FAA0];
	_ =	sdelay $0x1  }
0x31c: {  	v44 =	vmul.f32 v15, v15;
	v47 =	vmul.f32 v19, v19;
	_ =	sdelay $0x1  }
0x31d: {  	v44 =	vadd.f32 v47, v44  }
0x31e: {  	v34 =	vmul.f32 s20, v38;
	v11 =	vld [tilespmem:$0x1FA80];
	v38 =	vmul.f32 s2, v40;
	v40 =	vmov v13  }
0x31f: {  	v39 =	vadd.f32 v44, v39;
	[tilespmem:$0x1FA80] =	vst v40;
	v40 =	vld [tilespmem:$0x1FAC0]  }
0x320: {  	s17 =	smul.f32 s16, s17  }
0x321: {  	s25 =	smul.f32 s20, s19;
	v0 =	vadd.f32 v39, v0;
	v39 =	vld [tilespmem:$0x1FAB0]  }
0x322: {  	s17 =	smul.f32 s17, s16  }
0x323: {  	v7 =	vmov s25;
	v13 =	vmov v16  }
0x324: {  	s17 =	ssub.f32 $1.500000000e+00, s17;
	[tilespmem:$0x1FA90] =	vst v13;
	v13 =	vsub.f32 v35, v7;
	v35 =	vmul.f32 s2, v40;
	v40 =	vld [tilespmem:$0x1FAD0];
	_ =	sdelay $0x1  }
0x325: {  	s24 =	smul.f32 s17, s16;
	v16 =	vmul.f32 s2, v39;
	v39 =	vmov v17  }
0x326: {  	s10 =	smul.f32 s2, s10;
	s26 =	spop (v2sf)  }
0x327: {  	s25 =	smul.f32 $7.812500000e-03, s26  }
0x328: {  	v43 =	vld [tilespmem:$0x1FEA0];
	[tilespmem:$0x1FAA0] =	vst v39;
	v39 =	vmovc v18;
	v18 =	vmul.f32 s24, v40;
	v40 =	vmul.f32 s24, v57;
	v57 =	vmov v14  }
0x329: {  	(xrf2) =	vadd.scan.msk.f32 $0xffff, v33;
	v9 =	vmov s10;
	v8 =	vmul.f32 s2, v8;
	s10 =	smul.f32 s25, s25;
	s16 =	spop (v2sf);
	[tilespmem:$0x1FAC0] =	vst v57;
	v57 =	vld [tilespmem:$0x1FB00]  }
0x32a: {  	(xrf2) =	vadd.scan.msk.f32 $0xffff, v4;
	v4, _, _ =	vpop (xrf2);
	v11 =	vmul.f32 s2, v11;
	v10 =	vmul.f32 s2, v10;
	s2 =	smul.f32 $7.812500000e-03, s16  }
0x32b: {  	s17 =	smul.f32 s24, s18;
	(v2sf) =	vpush v4, $0xF;
	v4 =	vld [tilespmem:$0x1FAF0]  }
0x32c: {  	v45 =	vmul.f32 s20, v60;
	v6 =	vmul.f32 s20, v6;
	s2 =	ssub.f32 s2, s10  }
0x32d: {  	v60 =	vmovc v46;
	v46 =	vld [tilespmem:$0x1FE80];
	v33 =	vmov s17;
	v1 =	vmul.f32 v1, v43;
	v26 =	vmul.f32 s20, v26  }
0x32e: {  	v44 =	vld [tilespmem:$0x1FE70];
	(xrf2) =	vadd.scan.msk.f32 $0xffff, v5;
	v5 =	vsub.f32 v34, v7;
	s2 =	sadd.f32 $9.999999960e-13, s2;
	v14 =	vmovc v20;
	v20 =	vmul.f32 s24, v57;
	v57 =	vmov v21  }
0x32f: {  	v28 =	vmul.f32 s20, v28;
	v34 =	vld [tilespmem:$0x1FF10];
	v6 =	vsub.f32 v6, v7;
	v26 =	vsub.f32 v26, v7  }
0x330: {  	v12 =	vsub.f32 v45, v7;
	v45 =	vld [tilespmem:$0x1FEB0];
	v4 =	vmul.f32 s24, v4;
	v11 =	vsub.f32 v11, v9;
	[tilespmem:$0x1FAB0] =	vst v39;
	s17 =	sshra.s32 s2, $0x1;
	s20 =	smul.f32 $5.000000000e-01, s2  }
0x331: {  	v6 =	vmul.f32 v6, v43;
	v10 =	vsub.f32 v10, v9;
	v39 =	vld [tilespmem:$0x1FAE0];
	s18 =	ssub.s32 $0x5F3759DF, s17;
	[tilespmem:$0x1FAE0] =	vst v57;
	v57 =	vmov v24  }
0x332: {  	v4 =	vsub.f32 v4, v33;
	v11 =	vmul.f32 v11, v46;
	v17 =	vsub.f32 v42, v7;
	v42 =	vld [tilespmem:$0x1FE90];
	s10 =	smul.f32 s18, s20  }
0x333: {  	v10 =	vmul.f32 v10, v44;
	v16 =	vsub.f32 v16, v9;
	[tilespmem:$0x1FAD0] =	vst v14;
	v21 =	vmul.f32 s24, v59;
	v59 =	vld [tilespmem:$0x1FE50]  }
0x334: {  	v14 =	vsub.f32 v27, v7;
	v27 =	vld [tilespmem:$0x1FB10];
	v7 =	vsub.f32 v28, v7;
	s10 =	smul.f32 s18, s10;
	[tilespmem:$0x1FAF0] =	vst v57;
	v57 =	vmov v25;
	v25, _, _ =	vpop (xrf2)  }
0x335: {  	v28 =	vld [tilespmem:$0x1FF20];
	(xrf2) =	vadd.scan.msk.f32 $0xffff, v0;
	v0 =	vmul.f32 v17, v44;
	v17 =	vsub.f32 v36, v9;
	(v2sf) =	vpush v25, $0xF;
	v36, _, _ =	vpop (xrf2)  }
0x336: {  	v50 =	vld [tilespmem:$0x1FF00];
	v4 =	vmul.f32 v4, v44;
	v16 =	vmul.f32 v16, v45;
	s10 =	ssub.f32 $1.500000000e+00, s10;
	(v2sf) =	vpush v36, $0xF  }
0x337: {  	v23 =	vmovc v23;
	v49 =	vld [tilespmem:$0x1FEF0];
	v8 =	vsub.f32 v8, v9;
	v5 =	vmul.f32 v5, v42;
	v24 =	vmul.f32 s24, v58  }
0x338: {  	s2 =	smul.f32 s18, s10;
	v12 =	vmul.f32 v12, v59;
	v59 =	vmov v15;
	v15 =	vsub.f32 v38, v9;
	v38 =	vld [tilespmem:$0x1FE50];
	v58, _, _ =	vpop (xrf2)  }
0x339: {  	v47 =	vld [tilespmem:$0x1FED0];
	v5 =	vadd.f32 v5, v34;
	[tilespmem:$0x1FB10] =	vst v23;
	v23 =	vmul.f32 v26, v45;
	(v2sf) =	vpush v58, $0xF  }
0x33a: {  	v18 =	vsub.f32 v18, v33;
	v27 =	vmul.f32 s24, v27;
	v6 =	vadd.f32 v6, v28;
	s23 =	smul.f32 s2, s20;
	v25 =	vld [tilespmem:$0x1FE60];
	v26, _, _ =	vpop (xrf2)  }
0x33b: {  	s0 =	smov.u32 s13;
	v48 =	vld [tilespmem:$0x1FEE0];
	v39 =	vmul.f32 s24, v39;
	v20 =	vsub.f32 v20, v33;
	(v2sf) =	vpush v26, $0xF  }
0x33c: {  	[tilespmem:s0+$0x40] =	vst v5;
	v14 =	vmul.f32 v14, v46;
	v27 =	vsub.f32 v27, v33;
	s16 =	smul.f32 s23, s2;
	v36 =	vld [tilespmem:$0x1FEC0];
	v0 =	vadd.f32 v0, v49  }
0x33d: {  	v21 =	vsub.f32 v21, v33;
	[tilespmem:s0+$0x50] =	vst v6;
	v58 =	vsub.f32 v39, v33;
	v39 =	vld [tilespmem:$0x1FE60];
	v8 =	vmul.f32 v8, v38  }
0x33e: {  	v20 =	vmul.f32 v20, v42;
	v24 =	vsub.f32 v24, v33;
	s16 =	ssub.f32 $1.500000000e+00, s16;
	[tilespmem:s0+$0x20] =	vst v0;
	v0 =	vmul.f32 v3, v45;
	v3 =	vld [tilespmem:$0x1FE30]  }
0x33f: {  	v12 =	vadd.f32 v12, v47;
	v13 =	vmul.f32 v13, v25;
	v25 =	vmovc v22;
	v6 =	vadd.f32 v8, v47  }
0x340: {  	s19 =	spop (v2sf);
	v15 =	vmul.f32 v15, v43;
	v18 =	vmul.f32 v18, v38;
	s17 =	smul.f32 s16, s2;
	[tilespmem:$0x1FB00] =	vst v25;
	v25 =	vsub.f32 v40, v33;
	v40 =	vld [tilespmem:$0x1FEC0]  }
0x341: {  	s10 =	smul.f32 $7.812500000e-03, s19;
	v22 =	vsub.f32 v37, v9;
	v9 =	vsub.f32 v35, v9;
	v7 =	vmul.f32 v7, v36;
	[tilespmem:s0+$0x80] =	vst v6;
	v6 =	vld [tilespmem:$0x1FE30];
	v26, _, _ =	vpop (xrf2)  }
0x342: {  	[tilespmem:s0+$0x0] =	vst v12;
	s2 =	smul.f32 s17, s20;
	v12 =	vadd.f32 v13, v48;
	(v2sf) =	vpush v26, $0xF;
	v26 =	vmul.f32 v27, v43;
	v27 =	vld [tilespmem:$0x1FE40]  }
0x343: {  	s12 =	smul.f32 s10, s10;
	v37 =	vmovc v19;
	v19 =	vmul.f32 v58, v39;
	v58 =	vadd.f32 v11, v50;
	v3 =	vadd.f32 v23, v3  }
0x344: {  	v11 =	vadd.f32 v18, v47;
	v25 =	vmul.f32 v25, v46;
	s16 =	smul.f32 s2, s17;
	[tilespmem:s0+$0x10] =	vst v12;
	v12 =	vadd.f32 v14, v50;
	s24 =	spop (v2sf)  }
0x345: {  	s21 =	sadd.s32 $0x4, s21;
	v17 =	vmul.f32 v17, v39;
	v14 =	vadd.f32 v15, v28;
	[tilespmem:s0+$0x60] =	vst v3;
	v3 =	vadd.f32 v10, v49;
	s19 =	smul.f32 $7.812500000e-03, s24;
	s26 =	spop (v2sf)  }
0x346: {  	p4 =	slt.u32 s21, $0xC4;
	[tilespmem:s0+$0xB0] =	vst v58;
	v10 =	vadd.f32 v19, v48;
	v8 =	vadd.f32 v25, v50;
	v25 =	vld [tilespmem:$0x1FE30];
	v9 =	vmul.f32 v9, v40;
	s18 =	smul.f32 $7.812500000e-03, s26  }
.Ltmp8:
0x347: {  	v22 =	vmul.f32 v22, v42;
	[tilespmem:s0+$0x30] =	vst v12;
	v13 =	vadd.f32 v16, v6;
	v5 =	vadd.f32 v7, v27;
	(pc) =	sbr.rel @p4 .LBB2_10-.Ltmp8, $4  }
0x348: {  	v24 =	vmul.f32 v24, v40;
	[tilespmem:s0+$0xA0] =	vst v3;
	v7 =	vadd.f32 v17, v48;
	v12 =	vadd.f32 v9, v27;
	s24 =	spop (v2sf);
	s23 =	smul.f32 s19, s19  }
0x349: {  	v21 =	vmul.f32 v21, v45;
	s16 =	ssub.f32 $1.500000000e+00, s16;
	v9 =	vadd.f32 v4, v49;
	[tilespmem:s0+$0x70] =	vst v5;
	v5 =	vadd.f32 v22, v34;
	s24 =	smul.f32 $7.812500000e-03, s24  }
0x34a: {  	s13 =	smov.u32 s11;
	v2 =	vmul.f32 v2, v42;
	v4 =	vadd.f32 v26, v28;
	v6 =	vadd.f32 v24, v27;
	[tilespmem:s0+$0x90] =	vst v7;
	s26 =	spop (v2sf);
	s2 =	smul.f32 s18, s18  }
0x34b: {  	s11 =	sadd.s32 $0x200, s11;
	v33 =	vmovc v51;
	v51 =	vmov v52;
	v7 =	vadd.f32 v20, v34;
	s20 =	smul.f32 $7.812500000e-03, s26;
	[tilespmem:s0+$0xC0] =	vst v5;
	v5 =	vadd.f32 v21, v25;
	s23 =	ssub.f32 s24, s23  }
0x34c: {  	_ = 	snop  }
0x34d: {  	s21 =	sadd.f32 $9.999999960e-13, s23;
	_ =	sdelay $0x1  }
0x34e: {  	s23 =	sshra.s32 s21, $0x1;
	s21 =	smul.f32 $5.000000000e-01, s21  }
0x34f: {  	s12 =	ssub.f32 s20, s12;
	s20 =	ssub.s32 $0x5F3759DF, s23  }
0x350: {  	s11 =	spop (v2sf);
	s23 =	smul.f32 s20, s21  }
0x351: {  	s12 =	sadd.f32 $9.999999960e-13, s12;
	s11 =	smul.f32 $7.812500000e-03, s11  }
0x352: {  	s26 =	smul.f32 s20, s23  }
0x353: {  	s24 =	sshra.s32 s12, $0x1;
	s12 =	smul.f32 $5.000000000e-01, s12;
	s2 =	ssub.f32 s11, s2  }
0x354: {  	s23 =	ssub.s32 $0x5F3759DF, s24;
	s11 =	smul.f32 s16, s17;
	s17 =	ssub.f32 $1.500000000e+00, s26  }
0x355: {  	s24 =	smul.f32 s23, s12  }
0x356: {  	s16 =	sadd.f32 $9.999999960e-13, s2;
	s17 =	smul.f32 s20, s17  }
0x357: {  	s20 =	smul.f32 s23, s24  }
0x358: {  	s2 =	smul.f32 $5.000000000e-01, s16;
	s16 =	sshra.s32 s16, $0x1  }
0x359: {  	s16 =	ssub.s32 $0x5F3759DF, s16;
	s24 =	smul.f32 s17, s21  }
0x35a: {  	s20 =	ssub.f32 $1.500000000e+00, s20;
	s26 =	smul.f32 s16, s2  }
0x35b: {  	s24 =	smul.f32 s24, s17  }
0x35c: {  	s20 =	smul.f32 s23, s20  }
0x35d: {  	s23 =	smul.f32 s16, s26;
	s24 =	ssub.f32 $1.500000000e+00, s24  }
0x35e: {  	[tilespmem:s0+$0xD0] =	vst v14;
	s26 =	smul.f32 s20, s12  }
0x35f: {  	[tilespmem:s0+$0xE0] =	vst v13;
	s17 =	smul.f32 s24, s17  }
0x360: {  	v13 =	vld [tilespmem:$0x1FA10];
	s26 =	smul.f32 s26, s20  }
0x361: {  	v21 =	vld [tilespmem:$0x1FA20];
	[tilespmem:s0+$0xF0] =	vst v12;
	s21 =	smul.f32 s17, s21  }
0x362: {  	v12 =	vld [tilespmem:$0x1FA30];
	[tilespmem:s0+$0x100] =	vst v11;
	s25 =	smul.f32 s11, s25;
	s24 =	ssub.f32 $1.500000000e+00, s26  }
0x363: {  	v11 =	vld [tilespmem:$0x1FA40];
	[tilespmem:s0+$0x110] =	vst v10;
	v16 =	vmul.f32 s11, v41;
	s23 =	ssub.f32 $1.500000000e+00, s23;
	s21 =	smul.f32 s21, s17  }
0x364: {  	[tilespmem:s0+$0x120] =	vst v9;
	v15 =	vmul.f32 s11, v53;
	v3 =	vmov s25;
	s20 =	smul.f32 s24, s20  }
0x365: {  	[tilespmem:s0+$0x130] =	vst v8;
	v16 =	vsub.f32 v16, v3;
	s16 =	smul.f32 s16, s23;
	s21 =	ssub.f32 $1.500000000e+00, s21  }
0x366: {  	[tilespmem:s0+$0x140] =	vst v7;
	v15 =	vsub.f32 v15, v3;
	s12 =	smul.f32 s20, s12  }
0x367: {  	v2 =	vadd.f32 v2, v34;
	v35 =	vld [tilespmem:$0x1FA50];
	v16 =	vmul.f32 v16, v38;
	s17 =	smul.f32 s21, s17  }
0x368: {  	v1 =	vadd.f32 v1, v28;
	v0 =	vadd.f32 v0, v25;
	v36 =	vld [tilespmem:$0x1FA60];
	[tilespmem:s0+$0x150] =	vst v4;
	v15 =	vmul.f32 v15, v40;
	s26 =	smul.f32 s16, s2  }
0x369: {  	v22 =	vld [tilespmem:$0x1FA70];
	v53 =	vadd.f32 v16, v47;
	s12 =	smul.f32 s12, s20;
	v17 =	vmul.f32 s17, v60;
	v18 =	vmul.f32 s17, v54  }
0x36a: {  	v23 =	vld [tilespmem:$0x1FA80];
	[tilespmem:s0+$0x160] =	vst v5;
	s19 =	smul.f32 s17, s19;
	v58 =	vmul.f32 s17, v56;
	v60 =	vadd.f32 v61, v48;
	v61 =	vadd.f32 v62, v49  }
0x36b: {  	v5 =	vld [tilespmem:$0x1FA90];
	s23 =	smul.f32 s26, s16;
	v19 =	vmul.f32 s17, v55;
	s12 =	ssub.f32 $1.500000000e+00, s12;
	v62 =	vadd.f32 v63, v50;
	v63 =	vadd.f32 v15, v27  }
0x36c: {  	v24 =	vld [tilespmem:$0x1FAA0];
	[tilespmem:s0+$0x170] =	vst v6;
	v13 =	vmul.f32 s17, v13;
	v21 =	vmul.f32 s17, v21;
	v20 =	vmov s19  }
0x36d: {  	v6 =	vld [tilespmem:$0x1FAB0];
	s24 =	ssub.f32 $1.500000000e+00, s23;
	v12 =	vmul.f32 s17, v12;
	v11 =	vmul.f32 s17, v11;
	s12 =	smul.f32 s12, s20;
	[tilespmem:s13+$0x1F0] =	vst v63;
	v17 =	vsub.f32 v17, v20  }
0x36e: {  	v18 =	vsub.f32 v18, v20;
	v14 =	vsub.f32 v58, v20;
	v7 =	vld [tilespmem:$0x1FAC0];
	[tilespmem:s13+$0x180] =	vst v53;
	v53 =	vmul.f32 s11, v31  }
0x36f: {  	s16 =	smul.f32 s24, s16;
	v10 =	vsub.f32 v21, v20;
	v15 =	vmul.f32 s12, v35;
	v21 =	vmul.f32 s12, v36  }
0x370: {  	v19 =	vsub.f32 v19, v20;
	v22 =	vmul.f32 s12, v22;
	v23 =	vmul.f32 s12, v23  }
0x371: {  	s2 =	smul.f32 s16, s2;
	v13 =	vsub.f32 v13, v20;
	v5 =	vmul.f32 s12, v5;
	v24 =	vmul.f32 s12, v24  }
0x372: {  	v12 =	vsub.f32 v12, v20;
	s10 =	smul.f32 s12, s10;
	v6 =	vmul.f32 s12, v6;
	v36 =	vmul.f32 s11, v32  }
0x373: {  	v9 =	vsub.f32 v11, v20;
	v54 =	vmul.f32 v17, v38;
	v58 =	vmul.f32 v18, v39  }
0x374: {  	s2 =	smul.f32 s2, s16;
	[tilespmem:s0+$0x1A0] =	vst v61;
	v14 =	vmul.f32 v14, v44;
	v61 =	vmul.f32 v19, v46;
	v41 =	vmov s10  }
0x375: {  	[tilespmem:s0+$0x190] =	vst v60;
	v15 =	vsub.f32 v15, v41;
	v21 =	vsub.f32 v21, v41;
	v7 =	vmul.f32 s12, v7  }
0x376: {  	[tilespmem:s0+$0x1B0] =	vst v62;
	s2 =	ssub.f32 $1.500000000e+00, s2;
	v13 =	vmul.f32 v13, v42;
	v22 =	vsub.f32 v22, v41;
	v23 =	vsub.f32 v23, v41  }
0x377: {  	v10 =	vmul.f32 v10, v43;
	v5 =	vsub.f32 v5, v41;
	v4 =	vsub.f32 v7, v41;
	v7 =	vld [tilespmem:$0x1FAD0];
	[tilespmem:s0+$0x1C0] =	vst v2  }
0x378: {  	v12 =	vmul.f32 v12, v45;
	s2 =	smul.f32 s2, s16;
	v52 =	vsub.f32 v24, v41;
	v8 =	vadd.f32 v54, v47;
	v56 =	vld [tilespmem:$0x1FAE0];
	[tilespmem:s0+$0x1D0] =	vst v1  }
0x379: {  	v9 =	vmul.f32 v9, v40;
	v6 =	vsub.f32 v6, v41;
	v17 =	vadd.f32 v58, v48;
	v1 =	vld [tilespmem:$0x1FAF0];
	[tilespmem:s0+$0x1E0] =	vst v0  }
0x37a: {  	v14 =	vadd.f32 v14, v49;
	v18 =	vadd.f32 v61, v50;
	v60 =	vmul.f32 s2, v57;
	[tilespmem:s13+$0x0] =	vst v8  }
0x37b: {  	v13 =	vadd.f32 v13, v34;
	v62 =	vmul.f32 s2, v59;
	v63 =	vmul.f32 s2, v37;
	v8 =	vld [tilespmem:$0x1FB00];
	[tilespmem:s13+$0x10] =	vst v17  }
0x37c: {  	v10 =	vadd.f32 v10, v28;
	v19 =	vmul.f32 v15, v38;
	v21 =	vmul.f32 v21, v39;
	v17 =	vld [tilespmem:$0x1FB10];
	[tilespmem:s13+$0x20] =	vst v14  }
0x37d: {  	v12 =	vadd.f32 v12, v25;
	v22 =	vmul.f32 v22, v44;
	v23 =	vmul.f32 v23, v46;
	[tilespmem:s13+$0x30] =	vst v18  }
0x37e: {  	v9 =	vadd.f32 v9, v27;
	v5 =	vmul.f32 v5, v42;
	v11 =	vmul.f32 v52, v43;
	[tilespmem:s13+$0x40] =	vst v13  }
0x37f: {  	s25 =	smul.f32 s2, s18;
	v6 =	vmul.f32 v6, v45;
	v37 =	vmul.f32 s11, v51;
	v15 =	vadd.f32 v21, v48;
	[tilespmem:s13+$0x50] =	vst v10  }
0x380: {  	v52 =	vmul.f32 s11, v30;
	v5 =	vadd.f32 v5, v34;
	v35 =	vadd.f32 v11, v28;
	[tilespmem:s13+$0x60] =	vst v12  }
0x381: {  	v55 =	vmov s25;
	v6 =	vadd.f32 v6, v25;
	v57 =	vsub.f32 v37, v3;
	[tilespmem:s13+$0x70] =	vst v9  }
0x382: {  	v51 =	vmul.f32 s11, v29;
	v59 =	vsub.f32 v52, v3;
	v0 =	vsub.f32 v60, v55;
	[tilespmem:s13+$0x90] =	vst v15  }
0x383: {  	v26 =	vsub.f32 v62, v55;
	v2 =	vsub.f32 v63, v55;
	v4 =	vmul.f32 v4, v40;
	[tilespmem:s13+$0xC0] =	vst v5  }
0x384: {  	v41 =	vmul.f32 s11, v33;
	v13 =	vadd.f32 v19, v47;
	v12 =	vadd.f32 v22, v49;
	[tilespmem:s13+$0xD0] =	vst v35  }
0x385: {  	v9 =	vadd.f32 v23, v50;
	v4 =	vadd.f32 v4, v27;
	[tilespmem:s13+$0xE0] =	vst v6;
	v0 =	vmul.f32 v0, v46  }
0x386: {  	v2 =	vmul.f32 v2, v40;
	v6 =	vsub.f32 v41, v3;
	v7 =	vmul.f32 s2, v7;
	[tilespmem:s13+$0x80] =	vst v13  }
0x387: {  	v16 =	vmul.f32 s2, v56;
	[tilespmem:s13+$0xA0] =	vst v12;
	v0 =	vadd.f32 v0, v50;
	v56 =	vmul.f32 v26, v45  }
0x388: {  	[tilespmem:s13+$0xF0] =	vst v4;
	v4 =	vsub.f32 v51, v3;
	v2 =	vadd.f32 v2, v27;
	v6 =	vmul.f32 v6, v46  }
0x389: {  	[tilespmem:s13+$0xB0] =	vst v9;
	v1 =	vmul.f32 s2, v1;
	v7 =	vsub.f32 v7, v55;
	v8 =	vmul.f32 s2, v8  }
0x38a: {  	v20 =	vsub.f32 v16, v55;
	[tilespmem:s13+$0x130] =	vst v0;
	v5 =	vadd.f32 v56, v25;
	v0 =	vmul.f32 v57, v44  }
0x38b: {  	[tilespmem:s13+$0x170] =	vst v2;
	v60 =	vmul.f32 v4, v42;
	v62 =	vadd.f32 v6, v50;
	v1 =	vsub.f32 v1, v55  }
0x38c: {  	v17 =	vmul.f32 s2, v17;
	v7 =	vmul.f32 v7, v38;
	[tilespmem:s13+$0x160] =	vst v5;
	v0 =	vadd.f32 v0, v49  }
0x38d: {  	v8 =	vsub.f32 v8, v55;
	v2 =	vadd.f32 v60, v34;
	[tilespmem:s13+$0x1B0] =	vst v62;
	v1 =	vmul.f32 v1, v44  }
0x38e: {  	v10 =	vmul.f32 v20, v39;
	v24 =	vsub.f32 v17, v55;
	v7 =	vadd.f32 v7, v47;
	[tilespmem:s13+$0x1A0] =	vst v0  }
0x38f: {  	v55 =	vsub.f32 v36, v3;
	v8 =	vmul.f32 v8, v42;
	[tilespmem:s13+$0x1C0] =	vst v2;
	v1 =	vadd.f32 v1, v49  }
0x390: {  	v3 =	vsub.f32 v53, v3;
	v10 =	vadd.f32 v10, v48;
	[tilespmem:s13+$0x100] =	vst v7;
	v54 =	vmul.f32 v24, v43  }
0x391: {  	v8 =	vadd.f32 v8, v34;
	[tilespmem:s13+$0x120] =	vst v1;
	v1 =	vmul.f32 v55, v39  }
0x392: {  	v63 =	vmul.f32 v3, v45;
	[tilespmem:s13+$0x110] =	vst v10;
	v58 =	vadd.f32 v54, v28  }
0x393: {  	s26 =	smul.u32 $0xC8, s31;
	v61 =	vmul.f32 v59, v43;
	[tilespmem:s13+$0x140] =	vst v8;
	v1 =	vadd.f32 v1, v48  }
0x394: {  	v0 =	vadd.f32 v63, v25;
	[tilespmem:s13+$0x150] =	vst v58  }
0x395: {  	s0 =	sadd.s32 s7, s26;
	[tilespmem:s13+$0x190] =	vst v1;
	v1 =	vadd.f32 v61, v28  }
0x396: {  	s26 =	rddreg [dreg:$0x2];
	s0 =	sshll.u32 s0, $0x4;
	[tilespmem:s13+$0x1E0] =	vst v0  }
0x397: {  	s31 =	simm.s32 $0x6400;
	s0 =	sadd.s32 s26, s0;
	[tilespmem:s13+$0x1D0] =	vst v1  }
0x398: {  	[hbm4b:s0+s4] =	stream.linear.scatter [tilespmem:s31], [sflag:$0xE], $0x6400, $0x38;
	[tilespmem:$0x1A980] =	vst v63  }
.LBB2_12:
.Ltmp9:
0x399: {  	(pc) =	sbr.rel @p3 .LBB2_14-.Ltmp9, $1  }
0x39a: {  	_ =	sdelay $0x3  }
0x39b: {  	s0 =	smul.u32 $0x320, s29  }
0x39c: {  	s2 =	rddreg [dreg:$0x7]  }
0x39d: {  	s0 =	sadd.s32 s0, s2  }
0x39e: {  	s0 =	sshrl.u32 s0, $0x3  }
0x39f: {  	s10 =	simm.s32 $0x19100;
	s25 =	sadd.s32 s5, s0  }
0x3a0: {  	[tilespmem:s10], [sflag:$0x2] =	stream.linear.gather [hbm4b:s25+s4], $0xC8, $0x38;
	[tilespmem:$0x1A980] =	vst v63  }
0x3a1: {  	s31 =	simm.s32 $0x19500;
	s0 =	sadd.s32 s6, s0  }
0x3a2: {  	[tilespmem:s31], [sflag:$0x2] =	stream.linear.gather [hbm4b:s0+s4], $0xC8, $0x38;
	[tilespmem:$0x1A980] =	vst v63  }
0x3a3: {  	_ =	swait.ge [sflag:s22], $0xC8  }
0x3a4: {  	[sflag:s22] =	ssyncset.done $0x0  }
0x3a5: {  	[sflag:s22] =	ssyncadd.s32 $0xFFFFFF38  }
0x3a6: {  	_ =	swait.ge [sflag:s22], $0xC8  }
0x3a7: {  	v5 =	vld [tilespmem:$0x1FFE0]  }
0x3a8: {  	v32 =	vld [tilespmem:$0x1FF30]  }
0x3a9: {  	v35 =	vld [tilespmem:$0x1FF40]  }
0x3aa: {  	v37 =	vld [tilespmem:$0x1FF50]  }
0x3ab: {  	v51 =	vld [tilespmem:$0x1FF60]  }
0x3ac: {  	v53 =	vld [tilespmem:$0x1FF70]  }
0x3ad: {  	v55 =	vld [tilespmem:$0x1FF80]  }
0x3ae: {  	v57 =	vld [tilespmem:$0x1FF90]  }
0x3af: {  	v59 =	vld [tilespmem:$0x1FFA0]  }
0x3b0: {  	v60 =	vld [tilespmem:$0x1FFB0]  }
0x3b1: {  	v61 =	vld [tilespmem:$0x1FFC0]  }
0x3b2: {  	[sflag:s22] =	ssyncset.done $0x0;
	v62 =	vld [tilespmem:$0x1FFD0]  }
0x3b3: {  	v63 =	vld [tilespmem:$0x1FFF0];
	[sflag:s22] =	ssyncadd.s32 $0xFFFFFF38  }
0x3b4: {  	v0 =	vld [tilespmem:$0x19400]  }
0x3b5: {  	v1 =	vld [tilespmem:$0x19410]  }
0x3b6: {  	v2 =	vld [tilespmem:$0x19420]  }
0x3b7: {  	v3 =	vld [tilespmem:$0x19430]  }
0x3b8: {  	v4 =	vld [tilespmem:$0x19440]  }
0x3b9: {  	v26 =	vld [tilespmem:$0x19450];
	v0 =	vadd.s32 v5, v0  }
0x3ba: {  	v33 =	vld [tilespmem:$0x19460];
	[tilespmem:$0x19800] =	vst v0;
	v0 =	vadd.s32 v32, v1  }
0x3bb: {  	v36 =	vld [tilespmem:$0x19470];
	[tilespmem:$0x19810] =	vst v0;
	v0 =	vadd.s32 v35, v2  }
0x3bc: {  	v41 =	vld [tilespmem:$0x19480];
	[tilespmem:$0x19820] =	vst v0;
	v0 =	vadd.s32 v37, v3  }
0x3bd: {  	v52 =	vld [tilespmem:$0x19490];
	[tilespmem:$0x19830] =	vst v0;
	v0 =	vadd.s32 v51, v4  }
0x3be: {  	v54 =	vld [tilespmem:$0x194A0];
	[tilespmem:$0x19840] =	vst v0;
	v0 =	vadd.s32 v53, v26  }
0x3bf: {  	v56 =	vld [tilespmem:$0x194B0];
	[tilespmem:$0x19850] =	vst v0;
	v0 =	vadd.s32 v55, v33  }
0x3c0: {  	v58 =	vld [tilespmem:$0x194B8];
	[tilespmem:$0x19860] =	vst v0;
	v0 =	vadd.s32 v57, v36  }
0x3c1: {  	[tilespmem:$0x19870] =	vst v0;
	v0 =	vadd.s32 v59, v41  }
0x3c2: {  	[tilespmem:$0x19880] =	vst v0;
	v0 =	vadd.s32 v60, v52  }
0x3c3: {  	[tilespmem:$0x19890] =	vst v0;
	v0 =	vadd.s32 v61, v54  }
0x3c4: {  	[tilespmem:$0x198A0] =	vst v0;
	v0 =	vadd.s32 v62, v56  }
0x3c5: {  	[tilespmem:$0x198B0] =	vst v0;
	v0 =	vadd.s32 v63, v58  }
0x3c6: {  	[tilespmem:$0x198B8] =	vst v0  }
.LBB2_14:
0x3c7: {  	p4 =	sgt.u32 s14, $0x7B  }
0x3c8: {  	s0 =	simm.s32 @!p4 $0xD  }
0x3c9: {  	_ =	swait.ge @!p4 [sflag:s0], $0x6400  }
0x3ca: {  	s2 =	simm.s32 @!p3 $0x19000;
	[sflag:s0] =	ssyncset.done @!p4 $0x0  }
0x3cb: {  	s10 =	simm.s32 @!p3 $0x0;
	[sflag:s0] =	ssyncadd.s32 @!p4 $0xFFFF9C00;
	s0 =	simm.s32 @!p3 $0x68  }
0x3cc: {  	[tilespmem:s10], [sflag:$0x5] =	stream.indirect.gather @!p3 [hbm4b:s1+s0], $0x80, s2, s0, $0xb8;
	[tilespmem:$0x1A980] =	vst v63  }
0x3cd: {  	s0 =	simm.s32 @!p3 $0x60;
	s2 =	simm.s32 @!p3 $0x19068;
	s10 =	simm.s32 @!p3 $0x3400  }
0x3ce: {  	[tilespmem:s10], [sflag:$0x5] =	stream.indirect.gather @!p3 [hbm4b:s1+s0], $0x80, s2, s0, $0xb8;
	[tilespmem:$0x1A980] =	vst v63  }
0x3cf: {  	s0 =	simm.s32 @!p1 $0x8  }
0x3d0: {  	_ =	swait.ge @!p1 [sflag:s0], $0x3400  }
0x3d1: {  	[sflag:s0] =	ssyncset.done @!p1 $0x0  }
0x3d2: {  	[sflag:s0] =	ssyncadd.s32 @!p1 $0xFFFFCC00  }
0x3d3: {  	_ =	swait.ge @!p1 [sflag:s0], $0x3000  }
.Ltmp10:
0x3d4: {  	s2 =	simm.s32 @!p1 $0x19B00;
	[sflag:s0] =	ssyncset.done @!p1 $0x0;
	(pc) =	sbr.rel @p2 .LBB2_18-.Ltmp10, $4  }
0x3d5: {  	s10 =	simm.s32 @!p1 $0x12C00;
	[sflag:s0] =	ssyncadd.s32 @!p1 $0xFFFFD000;
	s0 =	simm.s32 @!p1 $0x68  }
0x3d6: {  	[tilespmem:s10], [sflag:$0xC] =	stream.indirect.gather.add.f32 @!p1 [spmem:s3], $0x80, s2, s0, $0xb8;
	[tilespmem:$0x1A980] =	vst v63  }
0x3d7: {  	s0 =	simm.s32 @!p1 $0x60;
	s2 =	simm.s32 @!p1 $0x19B68;
	s10 =	simm.s32 @!p1 $0x16000  }
0x3d8: {  	[tilespmem:s10], [sflag:$0xC] =	stream.indirect.gather.add.f32 @!p1 [spmem:s3], $0x80, s2, s0, $0xb8;
	[tilespmem:$0x1A980] =	vst v63  }
0x3d9: {  	s0 =	simm.s32 $0xB  }
0x3da: {  	_ =	swait.ge [sflag:s0], $0x3400  }
0x3db: {  	[sflag:s0] =	ssyncset.done $0x0  }
0x3dc: {  	[sflag:s0] =	ssyncadd.s32 $0xFFFFCC00  }
0x3dd: {  	_ =	swait.ge [sflag:s0], $0x3000  }
0x3de: {  	[sflag:s0] =	ssyncset.done $0x0  }
0x3df: {  	[sflag:s0] =	ssyncadd.s32 $0xFFFFD000;
	s0 =	simm.s32 $0xC800  }
0x3e0: {  	v29 =	vld [tilespmem:s0+$0x180]  }
0x3e1: {  	v13 =	vld [tilespmem:s0+$0x190]  }
0x3e2: {  	v30 =	vld [tilespmem:s0+$0x1A0]  }
0x3e3: {  	v31 =	vld [tilespmem:s0+$0x1B0]  }
0x3e4: {  	v37 =	vld [tilespmem:s0+$0x1C0]  }
0x3e5: {  	v35 =	vld [tilespmem:s0+$0x1D0]  }
0x3e6: {  	v36 =	vld [tilespmem:s0+$0x1E0]  }
0x3e7: {  	v14 =	vld [tilespmem:s0+$0x1F0];
	_ =	sdelay $0x1  }
0x3e8: {  	v0 =	vadd.f32 v13, v29;
	v1 =	vmul.f32 v29, v29;
	v2 =	vmul.f32 v13, v13  }
0x3e9: {  	v3 =	vadd.f32 v31, v30;
	v4 =	vmul.f32 v30, v30;
	v5 =	vmul.f32 v31, v31  }
0x3ea: {  	v6 =	vadd.f32 v35, v37;
	v7 =	vmul.f32 v37, v37;
	v8 =	vmul.f32 v35, v35  }
0x3eb: {  	v9 =	vadd.f32 v14, v36;
	v10 =	vmul.f32 v36, v36;
	v11 =	vmul.f32 v14, v14  }
0x3ec: {  	v1 =	vadd.f32 v2, v1;
	v2 =	vadd.f32 v5, v4  }
0x3ed: {  	v4 =	vadd.f32 v8, v7;
	v5 =	vadd.f32 v11, v10  }
0x3ee: {  	v0 =	vadd.f32 v3, v0;
	v3 =	vadd.f32 v9, v6  }
0x3ef: {  	v1 =	vadd.f32 v2, v1;
	v2 =	vadd.f32 v5, v4  }
0x3f0: {  	v0 =	vadd.f32 v3, v0  }
0x3f1: {  	v1 =	vadd.f32 v2, v1  }
0x3f2: {  	(xrf2) =	vadd.scan.msk.f32 $0xffff, v0  }
0x3f3: {  	(xrf2) =	vadd.scan.msk.f32 $0xffff, v1;
	_ =	sdelay $0x8  }
0x3f4: {  	v0, _, _ =	vpop (xrf2)  }
0x3f5: {  	(v2sf) =	vpush v0, $0xF;
	v0, _, _ =	vpop (xrf2)  }
0x3f6: {  	(v2sf) =	vpush v0, $0xF;
	_ =	sdelay $0x1  }
0x3f7: {  	v61 =	vld [tilespmem:s0+$0x80]  }
0x3f8: {  	v24 =	vld [tilespmem:s0+$0xA0]  }
0x3f9: {  	v6 =	vld [tilespmem:s0+$0x40]  }
0x3fa: {  	v7 =	vld [tilespmem:s0+$0x60]  }
0x3fb: {  	v9 =	vld [tilespmem:s0+$0x70]  }
0x3fc: {  	v10 =	vld [tilespmem:s0+$0x90]  }
0x3fd: {  	v4 =	vld [tilespmem:s0+$0x20]  }
0x3fe: {  	v3 =	vld [tilespmem:s0+$0x30]  }
0x3ff: {  	v5 =	vld [tilespmem:s0+$0x50]  }
0x400: {  	v2 =	vld [tilespmem:s0+$0x10];
	[tilespmem:$0x1F910] =	vst v24  }
0x401: {  	v25 =	vld [tilespmem:s0+$0xB0]  }
0x402: {  	v63 =	vld [tilespmem:s0+$0xD0]  }
0x403: {  	v21 =	vmul.f32 v61, v61;
	v1 =	vld [tilespmem:s0+$0xC0];
	s2 =	spop (v2sf)  }
0x404: {  	v11 =	vmul.f32 v6, v6;
	v62 =	vld [tilespmem:s0+$0xE0];
	v17 =	vadd.f32 v9, v7;
	v18 =	vmul.f32 v7, v7;
	s10 =	smul.f32 $7.812500000e-03, s2;
	s21 =	spop (v2sf)  }
0x405: {  	v19 =	vmul.f32 v9, v9;
	v26 =	vld [tilespmem:s0+$0xF0];
	v20 =	vadd.f32 v10, v61;
	v22 =	vmul.f32 v10, v10;
	s2 =	smul.f32 $7.812500000e-03, s21  }
0x406: {  	v58 =	vld [tilespmem:s0+$0x100];
	v8 =	vmul.f32 v3, v3;
	v12 =	vadd.f32 v5, v6;
	v0 =	vmul.f32 v4, v4;
	s11 =	smul.f32 s10, s10  }
0x407: {  	v27 =	vld [tilespmem:s0+$0x110];
	v16 =	vmul.f32 v5, v5;
	v57 =	vadd.f32 v19, v18;
	v59 =	vadd.f32 v22, v21;
	[tilespmem:$0x1F920] =	vst v25  }
0x408: {  	v17 =	vadd.f32 v17, v12;
	v28 =	vld [tilespmem:s0+$0x120];
	[tilespmem:$0x1F930] =	vst v1;
	v23 =	vadd.f32 v8, v0;
	s2 =	ssub.f32 s2, s11  }
0x409: {  	v12 =	vmul.f32 v25, v25;
	v33 =	vld [tilespmem:s0+$0x130];
	v8 =	vadd.f32 v16, v11;
	v11 =	vadd.f32 v25, v24  }
0x40a: {  	v52 =	vmul.f32 v62, v62;
	v51 =	vadd.f32 v63, v1;
	v0 =	vmul.f32 v24, v24;
	s2 =	sadd.f32 $9.999999960e-13, s2  }
0x40b: {  	v60 =	vmul.f32 v1, v1;
	v24 =	vadd.f32 v26, v62;
	v20 =	vadd.f32 v11, v20  }
0x40c: {  	v1 =	vld [tilespmem:s0+$0x0];
	v25 =	vmul.f32 v26, v26;
	v16 =	vadd.f32 v57, v8;
	v8 =	vadd.f32 v12, v0;
	s23 =	sshra.s32 s2, $0x1;
	s2 =	smul.f32 $5.000000000e-01, s2  }
0x40d: {  	v41 =	vld [tilespmem:s0+$0x140];
	[tilespmem:$0x1F940] =	vst v26;
	v11 =	vmul.f32 v63, v63;
	v21 =	vadd.f32 v24, v51;
	v24 =	vadd.f32 v27, v58;
	s11 =	ssub.s32 $0x5F3759DF, s23  }
0x40e: {  	v12 =	vld [tilespmem:s0+$0x160];
	v22 =	vadd.f32 v25, v52;
	v25 =	vadd.f32 v33, v28;
	s12 =	smul.f32 s11, s2  }
0x40f: {  	v15 =	vadd.f32 v3, v4;
	v26 =	vmul.f32 v58, v58;
	v19 =	vadd.f32 v11, v60;
	v11 =	vld [tilespmem:s0+$0x150];
	[tilespmem:$0x1F970] =	vst v27  }
0x410: {  	v18 =	vadd.f32 v8, v59;
	v27 =	vmul.f32 v27, v27;
	v0 =	vmovc v28;
	v24 =	vadd.f32 v25, v24;
	v8 =	vld [tilespmem:s0+$0x170];
	s12 =	smul.f32 s11, s12  }
0x411: {  	v25 =	vmul.f32 v1, v1;
	v20 =	vadd.f32 v21, v20;
	[tilespmem:$0x1F980] =	vst v28;
	v28 =	vmul.f32 v2, v2  }
0x412: {  	v55 =	vmul.f32 v41, v41;
	v26 =	vadd.f32 v27, v26;
	v27 =	vadd.f32 v2, v1;
	s12 =	ssub.f32 $1.500000000e+00, s12  }
0x413: {  	v32 =	vmul.f32 v0, v0;
	v19 =	vadd.f32 v22, v19;
	v25 =	vadd.f32 v28, v25  }
0x414: {  	v57 =	vmul.f32 v12, v12;
	v15 =	vadd.f32 v15, v27;
	v27 =	vmul.f32 v33, v33;
	s11 =	smul.f32 s11, s12  }
0x415: {  	v53 =	vadd.f32 v11, v41;
	v56 =	vmul.f32 v11, v11;
	v54 =	vadd.f32 v8, v12  }
0x416: {  	v23 =	vadd.f32 v23, v25;
	v15 =	vadd.f32 v17, v15;
	v28 =	vmul.f32 v8, v8;
	s12 =	smul.f32 s11, s2  }
0x417: {  	(xrf2) =	vadd.scan.msk.f32 $0xffff, v20;
	v27 =	vadd.f32 v27, v32;
	v22 =	vadd.f32 v54, v53  }
0x418: {  	(xrf2) =	vadd.scan.msk.f32 $0xffff, v15;
	v15 =	vadd.f32 v56, v55;
	v20 =	vadd.f32 v28, v57;
	s12 =	smul.f32 s12, s11  }
0x419: {  	v16 =	vadd.f32 v16, v23;
	v59 =	vadd.f32 v22, v24  }
0x41a: {  	v60 =	vadd.f32 v27, v26;
	v15 =	vadd.f32 v20, v15;
	s12 =	ssub.f32 $1.500000000e+00, s12  }
0x41b: {  	v20 =	vadd.f32 v19, v18;
	(xrf2) =	vadd.scan.msk.f32 $0xffff, v59  }
0x41c: {  	v15 =	vadd.f32 v15, v60;
	(xrf2) =	vadd.scan.msk.f32 $0xffff, v16;
	s11 =	smul.f32 s12, s11  }
0x41d: {  	(xrf2) =	vadd.scan.msk.f32 $0xffff, v20  }
0x41e: {  	(xrf2) =	vadd.scan.msk.f32 $0xffff, v15;
	s2 =	smul.f32 s11, s2;
	_ =	sdelay $0x1  }
0x41f: {  	s2 =	smul.f32 s2, s11;
	_ =	sdelay $0x1  }
0x420: {  	s2 =	ssub.f32 $1.500000000e+00, s2  }
0x421: {  	v15, _, _ =	vpop (xrf2)  }
0x422: {  	[tilespmem:$0x1F990] =	vst v33;
	(v2sf) =	vpush v15, $0xF;
	v22, _, _ =	vpop (xrf2);
	s2 =	smul.f32 s2, s11  }
0x423: {  	s13 =	simm.s32 $0xCA00;
	[tilespmem:$0x1F9A0] =	vst v41;
	(v2sf) =	vpush v22, $0xF;
	v15, _, _ =	vpop (xrf2)  }
0x424: {  	v51 =	vld [tilespmem:s13+$0x1A0];
	(v2sf) =	vpush v15, $0xF;
	v15, _, _ =	vpop (xrf2);
	s10 =	smul.f32 s2, s10  }
0x425: {  	v33 =	vld [tilespmem:s13+$0x1B0];
	(v2sf) =	vpush v15, $0xF;
	v15, _, _ =	vpop (xrf2);
	v14 =	vmul.f32 s2, v14  }
0x426: {  	v41 =	vld [tilespmem:s13+$0x180];
	(v2sf) =	vpush v15, $0xF;
	v15, _, _ =	vpop (xrf2);
	v17 =	vmov s10  }
0x427: {  	v32 =	vld [tilespmem:s13+$0x190];
	(v2sf) =	vpush v15, $0xF;
	v15 =	vmul.f32 s2, v29;
	v0 =	vsub.f32 v14, v17  }
0x428: {  	v29 =	vld [tilespmem:s13+$0x1C0]  }
0x429: {  	v13 =	vmul.f32 s2, v13;
	v23 =	vmul.f32 s2, v30;
	v30 =	vld [tilespmem:s13+$0x1D0];
	[tilespmem:$0x1F950] =	vst v0;
	v0 =	vsub.f32 v15, v17;
	_ =	sdelay $0x1  }
0x42a: {  	v56 =	vmul.f32 s2, v31;
	v31 =	vld [tilespmem:s13+$0x1E0];
	[tilespmem:$0x1F960] =	vst v0;
	v0 =	vsub.f32 v13, v17;
	_ =	sdelay $0x1  }
0x42b: {  	[tilespmem:$0x1F9B0] =	vst v0;
	v0 =	vsub.f32 v23, v17;
	_ =	sdelay $0x1  }
0x42c: {  	v57 =	vmul.f32 s2, v37;
	v53 =	vld [tilespmem:s13+$0x1F0];
	[tilespmem:$0x1F9C0] =	vst v0;
	v0 =	vsub.f32 v56, v17;
	_ =	sdelay $0x1  }
0x42d: {  	v14 =	vmul.f32 s2, v35;
	[tilespmem:$0x1F9D0] =	vst v0;
	v0 =	vsub.f32 v57, v17;
	_ =	sdelay $0x1  }
0x42e: {  	s24 =	spop (v2sf);
	v26 =	vld [tilespmem:s13+$0x10];
	[tilespmem:$0x1F9E0] =	vst v0;
	v0 =	vsub.f32 v14, v17  }
0x42f: {  	s25 =	spop (v2sf)  }
0x430: {  	s14 =	smul.f32 $7.812500000e-03, s25;
	v13 =	vmul.f32 s2, v36;
	[tilespmem:$0x1F9F0] =	vst v0  }
0x431: {  	s19 =	spop (v2sf);
	v25 =	vld [tilespmem:s13+$0x20]  }
0x432: {  	s16 =	smul.f32 s14, s14;
	s20 =	spop (v2sf);
	v0 =	vsub.f32 v13, v17;
	v35 =	vld [tilespmem:s13+$0x30]  }
0x433: {  	s11 =	smul.f32 $7.812500000e-03, s24;
	s18 =	spop (v2sf);
	v36 =	vld [tilespmem:s13+$0x40]  }
0x434: {  	s18 =	smul.f32 $7.812500000e-03, s18;
	v52 =	vld [tilespmem:s13+$0x50];
	[tilespmem:$0x1FA00] =	vst v0  }
0x435: {  	v19 =	vmul.f32 v32, v32;
	v60 =	vmul.f32 v33, v33;
	s31 =	smul.f32 s11, s11;
	v15 =	vadd.f32 v33, v51;
	v54 =	vld [tilespmem:s13+$0x60]  }
0x436: {  	v16 =	vmul.f32 v41, v41;
	v18 =	vadd.f32 v30, v29;
	s2 =	smul.f32 $7.812500000e-03, s20;
	v14 =	vadd.f32 v32, v41;
	v55 =	vld [tilespmem:s13+$0x70]  }
0x437: {  	s12 =	ssub.f32 s18, s31;
	v37 =	vmul.f32 v29, v29;
	v59 =	vadd.f32 v53, v31;
	v13 =	vmul.f32 v30, v30;
	v24 =	vld [tilespmem:s13+$0x80]  }
0x438: {  	v20 =	vmul.f32 v51, v51;
	s10 =	smul.f32 $7.812500000e-03, s19;
	s2 =	ssub.f32 s2, s16;
	v57 =	vmul.f32 v31, v31;
	v14 =	vadd.f32 v15, v14;
	v27 =	vld [tilespmem:s13+$0x90]  }
0x439: {  	s21 =	spop (v2sf);
	s12 =	sadd.f32 $9.999999960e-13, s12;
	v15 =	vadd.f32 v59, v18;
	v59 =	vmul.f32 v53, v53;
	v13 =	vadd.f32 v13, v37;
	v37 =	vld [tilespmem:s13+$0xA0]  }
0x43a: {  	v16 =	vadd.f32 v19, v16;
	s17 =	smul.f32 s10, s10;
	s2 =	sadd.f32 $9.999999960e-13, s2;
	v56 =	vld [tilespmem:s13+$0xB0];
	[tilespmem:$0x1F800] =	vst v36  }
0x43b: {  	v60 =	vadd.f32 v60, v20;
	s16 =	smul.f32 $7.812500000e-03, s21;
	v17 =	vadd.f32 v59, v57;
	[tilespmem:$0x1F810] =	vst v52  }
0x43c: {  	s20 =	sshra.s32 s12, $0x1;
	s23 =	sshra.s32 s2, $0x1;
	s18 =	smul.f32 $5.000000000e-01, s2;
	v14 =	vadd.f32 v15, v14;
	v15 =	vmul.f32 v36, v36;
	v59 =	vadd.f32 v52, v36;
	v36 =	vld [tilespmem:s13+$0xC0];
	[tilespmem:$0x1F820] =	vst v54  }
0x43d: {  	v16 =	vadd.f32 v60, v16;
	s16 =	ssub.f32 s16, s17;
	s17 =	smul.f32 $5.000000000e-01, s12;
	s24 =	ssub.s32 $0x5F3759DF, s23;
	v13 =	vadd.f32 v17, v13;
	[tilespmem:$0x1F830] =	vst v55  }
0x43e: {  	s20 =	ssub.s32 $0x5F3759DF, s20;
	s19 =	smul.f32 s24, s18;
	v18 =	vmul.f32 v25, v25;
	v60 =	vadd.f32 v55, v54;
	v22 =	vmul.f32 v54, v54;
	v54 =	vld [tilespmem:s13+$0xD0]  }
0x43f: {  	s16 =	sadd.f32 $9.999999960e-13, s16;
	s21 =	smul.f32 s20, s17;
	v20 =	vmul.f32 v35, v35;
	v21 =	vmul.f32 v52, v52;
	v52 =	vld [tilespmem:s13+$0xE0];
	[tilespmem:$0x1F840] =	vst v24  }
0x440: {  	s19 =	smul.f32 s24, s19;
	v13 =	vadd.f32 v13, v16;
	v23 =	vmul.f32 v55, v55;
	v57 =	vadd.f32 v27, v24;
	[tilespmem:$0x1F850] =	vst v27  }
0x441: {  	s12 =	smul.f32 $5.000000000e-01, s16;
	s16 =	sshra.s32 s16, $0x1;
	(xrf2) =	vadd.scan.msk.f32 $0xffff, v14;
	v14 =	vadd.f32 v20, v18;
	v16 =	vadd.f32 v60, v59;
	v59 =	vmul.f32 v24, v24;
	v24 =	vld [tilespmem:s13+$0xF0]  }
0x442: {  	s21 =	smul.f32 s20, s21;
	s16 =	ssub.s32 $0x5F3759DF, s16;
	s19 =	ssub.f32 $1.500000000e+00, s19;
	v15 =	vadd.f32 v21, v15;
	(xrf2) =	vadd.scan.msk.f32 $0xffff, v13;
	v60 =	vmul.f32 v27, v27;
	v27 =	vld [tilespmem:s13+$0x100];
	[tilespmem:$0x1F860] =	vst v37  }
0x443: {  	s23 =	smul.f32 s16, s12;
	v13 =	vadd.f32 v56, v37;
	v19 =	vmul.f32 v37, v37;
	[tilespmem:$0x1F870] =	vst v56;
	v55 =	vmul.f32 v36, v36  }
0x444: {  	s2 =	smul.f32 s24, s19;
	v20 =	vadd.f32 v23, v22;
	v37 =	vmul.f32 v56, v56;
	v18 =	vadd.f32 v60, v59;
	v60 =	vld [tilespmem:s13+$0x0]  }
0x445: {  	s21 =	ssub.f32 $1.500000000e+00, s21;
	s25 =	smul.f32 s16, s23;
	v59 =	vld [tilespmem:s13+$0x110];
	v56 =	vmul.f32 v54, v54  }
0x446: {  	s31 =	smul.f32 s2, s18;
	v15 =	vadd.f32 v20, v15;
	v19 =	vadd.f32 v37, v19;
	v37 =	vld [tilespmem:s13+$0x120]  }
0x447: {  	s20 =	smul.f32 s20, s21;
	v20 =	vadd.f32 v35, v25;
	v17 =	vadd.f32 v56, v55;
	v55 =	vmov v35;
	v35 =	vld [tilespmem:s13+$0x130];
	[tilespmem:$0x1F880] =	vst v36  }
0x448: {  	s23 =	smul.f32 s31, s2;
	v13 =	vadd.f32 v13, v57;
	[tilespmem:$0x1F890] =	vst v54  }
0x449: {  	s19 =	ssub.f32 $1.500000000e+00, s25;
	v21 =	vadd.f32 v54, v36;
	v22 =	vadd.f32 v24, v52;
	v36 =	vld [tilespmem:s13+$0x140];
	[tilespmem:$0x1F8A0] =	vst v52  }
0x44a: {  	s21 =	smul.f32 s20, s17;
	s24 =	ssub.f32 $1.500000000e+00, s23;
	v57 =	vmul.f32 v52, v52;
	[tilespmem:$0x1F8B0] =	vst v24;
	v56 =	vmov v25;
	v25 =	vadd.f32 v26, v60  }
0x44b: {  	s16 =	smul.f32 s16, s19;
	v18 =	vadd.f32 v19, v18;
	v24 =	vmul.f32 v24, v24;
	v54 =	vadd.f32 v22, v21;
	v52 =	vld [tilespmem:s13+$0x150]  }
0x44c: {  	s2 =	smul.f32 s24, s2;
	v19 =	vmul.f32 v27, v27;
	v22 =	vmul.f32 v59, v59;
	v0 =	vld [tilespmem:s13+$0x160];
	v20 =	vadd.f32 v20, v25  }
0x44d: {  	s21 =	smul.f32 s21, s20;
	v21 =	vadd.f32 v24, v57;
	v24 =	vld [tilespmem:s13+$0x170];
	v13 =	vadd.f32 v54, v13  }
0x44e: {  	s18 =	smul.f32 s2, s18;
	v57, _, _ =	vpop (xrf2);
	v19 =	vadd.f32 v22, v19;
	v16 =	vadd.f32 v16, v20  }
0x44f: {  	s25 =	smul.f32 s16, s12;
	(v2sf) =	vpush v57, $0xF;
	v57 =	vadd.f32 v59, v27;
	(xrf2) =	vadd.scan.msk.f32 $0xffff, v13  }
0x450: {  	s18 =	smul.f32 s18, s2;
	[tilespmem:$0x1F8D0] =	vst v59;
	v22 =	vmul.f32 v37, v37;
	v54, _, _ =	vpop (xrf2);
	v59 =	vadd.f32 v35, v37;
	(xrf2) =	vadd.scan.msk.f32 $0xffff, v16  }
0x451: {  	s21 =	ssub.f32 $1.500000000e+00, s21;
	[tilespmem:$0x1F8E0] =	vst v37;
	v13 =	vmul.f32 v26, v26;
	v17 =	vadd.f32 v21, v17;
	(v2sf) =	vpush v54, $0xF;
	v54 =	vmovc v26  }
0x452: {  	s19 =	smul.f32 s25, s16;
	s18 =	ssub.f32 $1.500000000e+00, s18;
	v26 =	vmul.f32 v60, v60;
	v23 =	vadd.f32 v52, v36;
	v37 =	vmovc v24;
	v24 =	vadd.f32 v24, v0  }
0x453: {  	s20 =	smul.f32 s21, s20;
	v25 =	vmul.f32 v36, v36;
	v16 =	vadd.f32 v59, v57;
	v57 =	vmovc v35;
	v35 =	vmul.f32 v35, v35  }
0x454: {  	s2 =	smul.f32 s18, s2;
	[tilespmem:$0x1F8F0] =	vst v36;
	v36 =	vmul.f32 v0, v0;
	v13 =	vadd.f32 v13, v26;
	v23 =	vadd.f32 v24, v23  }
0x455: {  	s17 =	smul.f32 s20, s17;
	[tilespmem:$0x1F8C0] =	vst v27;
	v27 =	vmul.f32 v37, v37;
	v24 =	vmul.f32 v52, v52;
	v20 =	vadd.f32 v35, v22  }
0x456: {  	s31 =	ssub.f32 $1.500000000e+00, s19;
	v3 =	vmul.f32 s2, v3;
	v13 =	vadd.f32 v14, v13;
	v16 =	vadd.f32 v23, v16  }
0x457: {  	s17 =	smul.f32 s17, s20;
	v6 =	vmul.f32 s2, v6;
	[tilespmem:$0x1F900] =	vst v52;
	v22 =	vadd.f32 v27, v36;
	v52 =	vadd.f32 v24, v25  }
0x458: {  	s16 =	smul.f32 s31, s16;
	v17 =	vadd.f32 v17, v18;
	v59 =	vmovc v0;
	v0 =	vmul.f32 s2, v1;
	v13 =	vadd.f32 v15, v13;
	(xrf2) =	vadd.scan.msk.f32 $0xffff, v16  }
0x459: {  	s14 =	smul.f32 s2, s14;
	v1 =	vmul.f32 s2, v2;
	v14 =	vadd.f32 v20, v19;
	v20 =	vadd.f32 v22, v52;
	v15, _, _ =	vpop (xrf2)  }
0x45a: {  	s19 =	ssub.f32 $1.500000000e+00, s17;
	v2 =	vmul.f32 s2, v4;
	v4 =	vmul.f32 s2, v5;
	(xrf2) =	vadd.scan.msk.f32 $0xffff, v13;
	(v2sf) =	vpush v15, $0xF;
	v15, _, _ =	vpop (xrf2)  }
0x45b: {  	s12 =	smul.f32 s16, s12;
	v21 =	vld [tilespmem:$0x1F930];
	v14 =	vadd.f32 v20, v14;
	(v2sf) =	vpush v15, $0xF;
	v15 =	vmov s14  }
0x45c: {  	v5 =	vmul.f32 s2, v7;
	s14 =	smul.f32 s19, s20;
	v0 =	vsub.f32 v0, v15;
	v1 =	vsub.f32 v1, v15  }
0x45d: {  	v7 =	vmul.f32 s2, v9;
	s20 =	smul.f32 s12, s16;
	v2 =	vsub.f32 v2, v15;
	v3 =	vsub.f32 v3, v15  }
0x45e: {  	v26 =	vld [tilespmem:$0x1F9A0];
	v6 =	vsub.f32 v6, v15;
	v4 =	vsub.f32 v4, v15;
	s11 =	smul.f32 s14, s11  }
0x45f: {  	v5 =	vsub.f32 v5, v15;
	v7 =	vsub.f32 v7, v15;
	v15 =	vld [tilespmem:$0x1F920];
	v9 =	vmul.f32 s14, v61  }
0x460: {  	v24 =	vld [tilespmem:$0x1F990];
	v10 =	vmul.f32 s14, v10;
	v16 =	vmul.f32 s14, v21;
	s2 =	ssub.f32 $1.500000000e+00, s20;
	v23 =	vmov s11  }
0x461: {  	(xrf2) =	vadd.scan.msk.f32 $0xffff, v17;
	v22 =	vmul.f32 s14, v63;
	v9 =	vsub.f32 v9, v23  }
0x462: {  	v35 =	vmul.f32 s14, v62;
	s2 =	smul.f32 s2, s16;
	v13, _, _ =	vpop (xrf2);
	v10 =	vsub.f32 v10, v23;
	(xrf2) =	vadd.scan.msk.f32 $0xffff, v14;
	v14 =	vld [tilespmem:$0x1F940];
	v16 =	vsub.f32 v16, v23  }
0x463: {  	s21 =	spop (v2sf);
	v17 =	vsub.f32 v22, v23;
	(v2sf) =	vpush v13, $0xF;
	v13 =	vld [tilespmem:$0x1F910]  }
0x464: {  	v19 =	vsub.f32 v35, v23;
	v35 =	vld [tilespmem:$0x1F970];
	v15 =	vmul.f32 s14, v15;
	v36, _, _ =	vpop (xrf2);
	s10 =	smul.f32 s2, s10;
	v63 =	vmul.f32 s2, v58  }
0x465: {  	s23 =	spop (v2sf);
	v24 =	vmul.f32 s2, v24;
	v26 =	vmul.f32 s2, v26;
	(v2sf) =	vpush v36, $0xF;
	v36 =	vld [tilespmem:$0x1F980]  }
0x466: {  	v11 =	vmul.f32 s2, v11;
	v12 =	vmul.f32 s2, v12;
	v25 =	vmov s10  }
0x467: {  	v8 =	vmul.f32 s2, v8;
	v15 =	vsub.f32 v15, v23;
	v21 =	vsub.f32 v63, v25  }
0x468: {  	v24 =	vsub.f32 v24, v25;
	v14 =	vmul.f32 s14, v14;
	v13 =	vmul.f32 s14, v13  }
0x469: {  	v26 =	vsub.f32 v26, v25;
	v11 =	vsub.f32 v11, v25;
	v22 =	vmul.f32 s2, v35  }
0x46a: {  	v14 =	vsub.f32 v14, v23;
	v13 =	vsub.f32 v13, v23;
	v23 =	vmul.f32 s2, v36  }
0x46b: {  	v12 =	vsub.f32 v12, v25;
	v8 =	vsub.f32 v8, v25  }
0x46c: {  	v22 =	vsub.f32 v22, v25;
	v23 =	vsub.f32 v23, v25;
	v25 =	vld [tilespmem:$0x1F9C0];
	_ =	sdelay $0x1  }
0x46d: {  	v52 =	vld [tilespmem:$0x1F950]  }
0x46e: {  	v61 =	vld [tilespmem:$0x1F960]  }
0x46f: {  	v27 =	vld [tilespmem:$0x1FE40];
	v62, _, _ =	vpop (xrf2)  }
0x470: {  	(v2sf) =	vpush v62, $0xF;
	v62 =	vmul.f32 v25, v44;
	v25 =	vld [tilespmem:$0x1F9D0];
	_ =	sdelay $0x1  }
0x471: {  	v18 =	vmul.f32 v52, v40  }
0x472: {  	s21 =	smul.f32 $7.812500000e-03, s21;
	v20 =	vmul.f32 v61, v38  }
0x473: {  	v28 =	vld [tilespmem:$0x1FF20];
	v18 =	vadd.f32 v18, v27;
	s12 =	smul.f32 $7.812500000e-03, s23;
	v0 =	vmul.f32 v0, v38  }
0x474: {  	v52 =	vld [tilespmem:$0x1F9B0];
	s24 =	smul.f32 s21, s21;
	v1 =	vmul.f32 v1, v39;
	v20 =	vadd.f32 v20, v47;
	v63 =	vmul.f32 v25, v46;
	v25, _, _ =	vpop (xrf2)  }
0x475: {  	v2 =	vmul.f32 v2, v44;
	v0 =	vadd.f32 v0, v47;
	(v2sf) =	vpush v25, $0xF;
	v25 =	vld [tilespmem:$0x1FE30];
	[tilespmem:s0+$0x1F0] =	vst v18  }
0x476: {  	v3 =	vmul.f32 v3, v46;
	s11 =	ssub.f32 s12, s24;
	v1 =	vadd.f32 v1, v48;
	[tilespmem:s0+$0x180] =	vst v20  }
0x477: {  	v6 =	vmul.f32 v6, v42;
	v2 =	vadd.f32 v2, v49;
	[tilespmem:s0+$0x0] =	vst v0  }
0x478: {  	v4 =	vmul.f32 v4, v43;
	v3 =	vadd.f32 v3, v50;
	s11 =	sadd.f32 $9.999999960e-13, s11;
	[tilespmem:s0+$0x10] =	vst v1  }
0x479: {  	v7 =	vmul.f32 v7, v40;
	v6 =	vadd.f32 v6, v34;
	[tilespmem:s0+$0x20] =	vst v2  }
0x47a: {  	v4 =	vadd.f32 v4, v28;
	v9 =	vmul.f32 v9, v38;
	s25 =	sshra.s32 s11, $0x1;
	s11 =	smul.f32 $5.000000000e-01, s11;
	[tilespmem:s0+$0x30] =	vst v3  }
0x47b: {  	v7 =	vadd.f32 v7, v27;
	v10 =	vmul.f32 v10, v39;
	s31 =	ssub.s32 $0x5F3759DF, s25;
	[tilespmem:s0+$0x40] =	vst v6  }
0x47c: {  	v9 =	vadd.f32 v9, v47;
	s12 =	smul.f32 s31, s11;
	v0 =	vmul.f32 v13, v44;
	[tilespmem:s0+$0x50] =	vst v4  }
0x47d: {  	v5 =	vmul.f32 v5, v45;
	v10 =	vadd.f32 v10, v48;
	[tilespmem:s0+$0x70] =	vst v7  }
0x47e: {  	s14 =	smul.f32 s31, s12;
	[tilespmem:s0+$0x80] =	vst v9;
	v0 =	vadd.f32 v0, v49  }
0x47f: {  	[tilespmem:s0+$0x90] =	vst v10;
	v5 =	vadd.f32 v5, v25  }
0x480: {  	s2 =	ssub.f32 $1.500000000e+00, s14;
	[tilespmem:s0+$0xA0] =	vst v0  }
0x481: {  	[tilespmem:s0+$0x60] =	vst v5  }
0x482: {  	s2 =	smul.f32 s31, s2;
	v13 =	vmul.f32 v15, v46;
	v0 =	vld [tilespmem:$0x1F9E0];
	_ =	sdelay $0x1  }
0x483: {  	s16 =	spop (v2sf);
	s17 =	smul.f32 s2, s11;
	v35 =	vadd.f32 v13, v50  }
0x484: {  	s10 =	smul.f32 $7.812500000e-03, s16;
	v2 =	vmul.f32 v19, v45  }
0x485: {  	s18 =	smul.f32 s17, s2;
	[tilespmem:s0+$0xB0] =	vst v35  }
0x486: {  	s19 =	spop (v2sf);
	v1 =	vmul.f32 v16, v42;
	v13 =	vadd.f32 v2, v25;
	v2 =	vmul.f32 v0, v42;
	v0 =	vld [tilespmem:$0x1F9F0]  }
0x487: {  	v61 =	vmul.f32 v52, v39;
	s12 =	smul.f32 s10, s10;
	s14 =	ssub.f32 $1.500000000e+00, s18  }
0x488: {  	v36 =	vmul.f32 v11, v43;
	v58 =	vmul.f32 v14, v40;
	s19 =	smul.f32 $7.812500000e-03, s19;
	v52 =	vadd.f32 v1, v34  }
0x489: {  	s17 =	smul.f32 s14, s2;
	v15 =	vmul.f32 v17, v43;
	v3 =	vmul.f32 v21, v38  }
0x48a: {  	s23 =	smul.f32 s19, s19;
	v17 =	vmul.f32 v22, v39;
	v6 =	vmul.f32 v23, v44;
	[tilespmem:s0+$0xC0] =	vst v52  }
0x48b: {  	s20 =	spop (v2sf);
	v4 =	vmul.f32 v24, v46;
	s2 =	smul.f32 s17, s11;
	v1 =	vmul.f32 v0, v43;
	v0 =	vld [tilespmem:$0x1FA00]  }
0x48c: {  	s18 =	smul.f32 $7.812500000e-03, s20;
	v14 =	vadd.f32 v15, v28;
	v15 =	vmul.f32 v12, v45;
	v12 =	vadd.f32 v58, v27  }
0x48d: {  	s24 =	spop (v2sf);
	v58 =	vmul.f32 v8, v40;
	v11 =	vadd.f32 v3, v47;
	v10 =	vadd.f32 v17, v48;
	s25 =	smul.f32 s2, s17  }
0x48e: {  	s31 =	spop (v2sf);
	s11 =	smul.f32 $7.812500000e-03, s24;
	v9 =	vadd.f32 v6, v49;
	v8 =	vadd.f32 v4, v50;
	v5 =	vmul.f32 v26, v42  }
0x48f: {  	s14 =	simm.s32 $0x4;
	s20 =	smul.f32 $7.812500000e-03, s31;
	v4 =	vadd.f32 v36, v28;
	v6 =	vadd.f32 v58, v27;
	s16 =	ssub.f32 $1.500000000e+00, s25  }
0x490: {  	s2 =	smul.f32 s18, s18;
	s23 =	ssub.f32 s11, s23;
	s11 =	simm.s32 $0xCC00;
	v7 =	vadd.f32 v5, v34;
	v5 =	vadd.f32 v15, v25;
	v0 =	vmul.f32 v0, v45  }
.LBB2_16:
0x491: {  	v16 =	vld [tilespmem:s11+$0x180];
	s16 =	smul.f32 s16, s17  }
0x492: {  	v17 =	vadd.f32 v61, v48;
	v18 =	vadd.f32 v62, v49;
	v20 =	vld [tilespmem:s11+$0x190];
	[tilespmem:s0+$0xD0] =	vst v14  }
0x493: {  	v19 =	vld [tilespmem:s11+$0x1B0];
	v23 =	vadd.f32 v0, v25;
	[tilespmem:s0+$0xE0] =	vst v13;
	v21 =	vadd.f32 v2, v34;
	v2 =	vmul.f32 s16, v41  }
0x494: {  	v14 =	vld [tilespmem:s11+$0x1A0];
	[tilespmem:s0+$0xF0] =	vst v12;
	v22 =	vadd.f32 v1, v28;
	s25 =	smul.f32 s16, s21;
	v3 =	vmul.f32 s16, v32;
	v1 =	vmul.f32 s16, v51  }
0x495: {  	v13 =	vadd.f32 v63, v50;
	[tilespmem:s0+$0x100] =	vst v11;
	v12 =	vmul.f32 s16, v53;
	v24 =	vmul.f32 s16, v29;
	v29 =	vld [tilespmem:s11+$0x1C0]  }
0x496: {  	[tilespmem:s0+$0x110] =	vst v10;
	v0 =	vmul.f32 s16, v33;
	v10 =	vmul.f32 s16, v30;
	v30 =	vld [tilespmem:s11+$0x1D0];
	v11 =	vmov s25  }
0x497: {  	[tilespmem:s0+$0x130] =	vst v8;
	v25 =	vmul.f32 s16, v31;
	v31 =	vld [tilespmem:s11+$0x1E0];
	v12 =	vsub.f32 v12, v11;
	v2 =	vsub.f32 v2, v11  }
0x498: {  	[tilespmem:s0+$0x120] =	vst v9;
	v53 =	vld [tilespmem:s11+$0x1F0];
	v3 =	vsub.f32 v3, v11;
	v15 =	vsub.f32 v1, v11  }
0x499: {  	[tilespmem:s0+$0x150] =	vst v4;
	v4 =	vld [tilespmem:s11+$0x20];
	v41 =	vmovc v16;
	v32 =	vmov v20;
	v63 =	vsub.f32 v0, v11;
	v1 =	vsub.f32 v10, v11  }
0x49a: {  	[tilespmem:s0+$0x160] =	vst v5;
	v5 =	vld [tilespmem:s11+$0x30];
	s31 =	spop (v2sf);
	v10 =	vadd.f32 v32, v41;
	v20 =	vmul.f32 v20, v32;
	v8 =	vmul.f32 v12, v40  }
0x49b: {  	[tilespmem:s0+$0x170] =	vst v6;
	v6 =	vld [tilespmem:s11+$0x40];
	s17 =	smul.f32 $7.812500000e-03, s31;
	v9 =	vmul.f32 v2, v38;
	v2 =	vsub.f32 v24, v11;
	v61 =	vmul.f32 v3, v39  }
0x49c: {  	s24 =	sadd.f32 $9.999999960e-13, s23;
	[tilespmem:s0+$0x1B0] =	vst v13;
	v13 =	vld [tilespmem:s11+$0xB0];
	v3 =	vsub.f32 v25, v11;
	v11 =	vadd.f32 v19, v14;
	v12 =	vmul.f32 v16, v41  }
0x49d: {  	v0 =	vld [tilespmem:s11+$0x10];
	s2 =	ssub.f32 s17, s2;
	v52 =	vadd.f32 v30, v29;
	v24 =	vmul.f32 v14, v14;
	v25 =	vadd.f32 v53, v31  }
0x49e: {  	s12 =	ssub.f32 s20, s12;
	[tilespmem:s0+$0x140] =	vst v7;
	s21 =	smul.f32 $5.000000000e-01, s24;
	s31 =	sshra.s32 s24, $0x1;
	v28 =	vmul.f32 v29, v29;
	v58 =	vmul.f32 v30, v30;
	v7 =	vadd.f32 v8, v27;
	v8 =	vld [tilespmem:s11+$0x60]  }
0x49f: {  	s20 =	ssub.s32 $0x5F3759DF, s31;
	v36 =	vmul.f32 v31, v31;
	s23 =	sadd.f32 $9.999999960e-13, s2;
	v27 =	vmul.f32 v19, v19;
	v38 =	vadd.f32 v9, v47;
	v9 =	vld [tilespmem:s11+$0x70]  }
0x4a0: {  	s31 =	smul.f32 s20, s21;
	v39 =	vadd.f32 v11, v10;
	v16 =	vadd.f32 v25, v52;
	v25 =	vmul.f32 v53, v53;
	v10 =	vld [tilespmem:s11+$0x80]  }
0x4a1: {  	[tilespmem:s0+$0x190] =	vst v17;
	v62 =	vmul.f32 v4, v4;
	v20 =	vadd.f32 v20, v12;
	v17 =	vadd.f32 v58, v28;
	v12 =	vld [tilespmem:s11+$0xA0];
	s25 =	sshra.s32 s23, $0x1;
	s17 =	smul.f32 $5.000000000e-01, s23  }
0x4a2: {  	[tilespmem:s0+$0x1A0] =	vst v18;
	v40 =	vmul.f32 v5, v5;
	v11 =	vld [tilespmem:s11+$0x90];
	s23 =	smul.f32 s20, s31;
	v24 =	vadd.f32 v27, v24;
	v25 =	vadd.f32 v25, v36;
	s16 =	ssub.s32 $0x5F3759DF, s25  }
0x4a3: {  	v42 =	vmul.f32 v6, v6;
	[tilespmem:s13+$0x1F0] =	vst v7;
	v7 =	vld [tilespmem:s11+$0x50];
	v27 =	vadd.f32 v5, v4;
	v18 =	vadd.f32 v16, v39;
	s25 =	smul.f32 s16, s17  }
0x4a4: {  	v63 =	vmul.f32 v63, v46;
	[tilespmem:s13+$0x180] =	vst v38;
	v16 =	vld [tilespmem:s11+$0xC0];
	v38 =	vadd.f32 v40, v62;
	s23 =	ssub.f32 $1.500000000e+00, s23;
	v20 =	vadd.f32 v24, v20  }
0x4a5: {  	s12 =	sadd.f32 $9.999999960e-13, s12;
	v52 =	vmovc v14;
	v58 =	vmov v37;
	v14 =	vld [tilespmem:s11+$0xF0];
	v24 =	vadd.f32 v25, v17;
	v25 =	vadd.f32 v9, v8;
	s25 =	smul.f32 s16, s25  }
0x4a6: {  	[tilespmem:s0+$0x1C0] =	vst v21;
	v17 =	vld [tilespmem:s11+$0xD0];
	v45 =	vmul.f32 v8, v8;
	v35 =	vmul.f32 v10, v10;
	v49 =	vadd.f32 v13, v12;
	s20 =	smul.f32 s20, s23  }
0x4a7: {  	s24 =	sshra.s32 s12, $0x1;
	s12 =	smul.f32 $5.000000000e-01, s12;
	(xrf2) =	vadd.scan.msk.f32 $0xffff, v18;
	v18 =	vld [tilespmem:s11+$0xE0];
	v36 =	vmul.f32 v11, v11;
	v20 =	vadd.f32 v24, v20;
	v24 =	vadd.f32 v11, v10  }
0x4a8: {  	s2 =	ssub.s32 $0x5F3759DF, s24;
	[tilespmem:s0+$0x1D0] =	vst v22;
	v21 =	vld [tilespmem:s11+$0x110];
	v47 =	vmul.f32 v9, v9;
	v43 =	vadd.f32 v7, v6;
	v28 =	vmul.f32 v7, v7;
	s31 =	ssub.f32 $1.500000000e+00, s25;
	s25 =	smul.f32 s20, s21  }
0x4a9: {  	s24 =	smul.f32 s2, s12;
	[tilespmem:s0+$0x1E0] =	vst v23;
	v23 =	vld [tilespmem:s11+$0x150];
	v48 =	vmul.f32 v12, v12;
	v50 =	vadd.f32 v36, v35;
	v35 =	vadd.f32 v49, v24  }
0x4aa: {  	(xrf2) =	vadd.scan.msk.f32 $0xffff, v20;
	v20 =	vld [tilespmem:s11+$0x100];
	v37 =	vadd.f32 v25, v43;
	v22 =	vadd.f32 v28, v42;
	v25 =	vmul.f32 v13, v13;
	s23 =	smul.f32 s25, s20  }
0x4ab: {  	s24 =	smul.f32 s2, s24;
	v62 =	vmul.f32 v16, v16;
	v24 =	vld [tilespmem:s11+$0x120];
	v28 =	vadd.f32 v47, v45;
	v45 =	vadd.f32 v17, v16  }
0x4ac: {  	v51 =	vmovc v19;
	v47 =	vmul.f32 v17, v17;
	v49 =	vadd.f32 v14, v18;
	v19 =	vadd.f32 v25, v48;
	v25 =	vld [tilespmem:s11+$0x130];
	s23 =	ssub.f32 $1.500000000e+00, s23  }
0x4ad: {  	s24 =	ssub.f32 $1.500000000e+00, s24;
	v42 =	vmul.f32 v14, v14;
	v28 =	vadd.f32 v28, v22;
	v48 =	vmul.f32 v18, v18;
	v22 =	vld [tilespmem:s11+$0x140]  }
0x4ae: {  	v46 =	vld [tilespmem:s11+$0x0];
	v34 =	vadd.f32 v47, v62;
	v62 =	vmul.f32 v15, v44;
	v36 =	vadd.f32 v49, v45;
	s20 =	smul.f32 s23, s20  }
0x4af: {  	s2 =	smul.f32 s2, s24;
	v15 =	vld [tilespmem:s11+$0x160];
	v33 =	vadd.f32 v19, v50;
	v43 =	vmul.f32 v20, v20;
	v50 =	vmul.f32 v21, v21  }
0x4b0: {  	v40 =	vadd.f32 v21, v20;
	v39 =	vadd.f32 v42, v48;
	v19 =	vld [tilespmem:s11+$0x170];
	s21 =	smul.f32 s20, s21  }
0x4b1: {  	s24 =	smul.f32 s2, s12;
	v49 =	vmul.f32 v23, v23;
	v45, _, _ =	vpop (xrf2);
	v43 =	vadd.f32 v50, v43;
	v47 =	vadd.f32 v25, v24  }
0x4b2: {  	v34 =	vadd.f32 v39, v34;
	(v2sf) =	vpush v45, $0xF;
	v39 =	vmul.f32 v22, v22;
	s21 =	smul.f32 s21, s20  }
0x4b3: {  	v26 =	vmul.f32 v0, v0;
	v48 =	vadd.f32 v23, v22;
	v40 =	vadd.f32 v47, v40  }
0x4b4: {  	s24 =	smul.f32 s24, s2;
	v42 =	vmul.f32 v24, v24;
	v45, _, _ =	vpop (xrf2);
	v39 =	vadd.f32 v49, v39;
	v49 =	vadd.f32 v0, v46;
	s21 =	ssub.f32 $1.500000000e+00, s21  }
0x4b5: {  	v50 =	vmul.f32 v46, v46;
	(v2sf) =	vpush v45, $0xF;
	v45 =	vadd.f32 v19, v15  }
0x4b6: {  	s24 =	ssub.f32 $1.500000000e+00, s24;
	v35 =	vadd.f32 v36, v35;
	v44 =	vmul.f32 v25, v25;
	v27 =	vadd.f32 v27, v49;
	s20 =	smul.f32 s21, s20  }
0x4b7: {  	v26 =	vadd.f32 v26, v50;
	v36 =	vadd.f32 v45, v48  }
0x4b8: {  	s2 =	smul.f32 s24, s2;
	v42 =	vadd.f32 v44, v42;
	(xrf2) =	vadd.scan.msk.f32 $0xffff, v35;
	v37 =	vadd.f32 v37, v27;
	v35 =	vmul.f32 s20, v54  }
0x4b9: {  	v27 =	vmul.f32 s20, v55;
	v55 =	vmovc v5;
	v5 =	vadd.f32 v34, v33;
	v33 =	vadd.f32 v36, v40;
	v40 =	vmovc v6  }
0x4ba: {  	s12 =	smul.f32 s2, s12;
	v54 =	vmovc v0;
	v0 =	vadd.f32 v42, v43;
	v42 =	vmul.f32 s20, v56;
	v56 =	vmovc v4;
	v4 =	vadd.f32 v38, v26;
	v38 =	vld [tilespmem:$0x1F800]  }
0x4bb: {  	v6 =	vld [tilespmem:$0x1F810];
	v26 =	vmov v7;
	[tilespmem:$0x1F800] =	vst v40  }
0x4bc: {  	s12 =	smul.f32 s12, s2;
	[tilespmem:$0x1F810] =	vst v26;
	v26 =	vld [tilespmem:$0x1F820];
	v40 =	vmov v8  }
0x4bd: {  	[tilespmem:$0x1F820] =	vst v40;
	v40 =	vld [tilespmem:$0x1F850]  }
0x4be: {  	s12 =	ssub.f32 $1.500000000e+00, s12;
	_ =	sdelay $0x1  }
0x4bf: {  	s2 =	smul.f32 s12, s2;
	_ =	sdelay $0x1  }
0x4c0: {  	v8 =	vmov v9;
	v36 =	vmul.f32 s2, v40;
	v40 =	vmov v10  }
0x4c1: {  	v4 =	vadd.f32 v28, v4;
	v28 =	vld [tilespmem:$0x1F830];
	[tilespmem:$0x1F830] =	vst v8  }
0x4c2: {  	v8 =	vld [tilespmem:$0x1F840];
	v10 =	vmov v11;
	[tilespmem:$0x1F840] =	vst v40  }
0x4c3: {  	[tilespmem:$0x1F850] =	vst v10;
	v10 =	vld [tilespmem:$0x1F860];
	v40 =	vmov v12  }
0x4c4: {  	[tilespmem:$0x1F860] =	vst v40;
	v40 =	vld [tilespmem:$0x1F880];
	_ =	sdelay $0x1  }
0x4c5: {  	s16 =	smul.f32 s16, s31;
	_ =	sdelay $0x1  }
0x4c6: {  	s31 =	smul.f32 s16, s17  }
0x4c7: {  	(xrf2) =	vadd.scan.msk.f32 $0xffff, v37;
	v37 =	vmul.f32 s2, v40;
	v40 =	vld [tilespmem:$0x1F890]  }
0x4c8: {  	s25 =	smul.f32 s31, s16  }
0x4c9: {  	v44 =	vmul.f32 v15, v15;
	v47 =	vmul.f32 v19, v19  }
0x4ca: {  	s31 =	ssub.f32 $1.500000000e+00, s25  }
0x4cb: {  	v44 =	vadd.f32 v47, v44  }
0x4cc: {  	s16 =	smul.f32 s31, s16;
	v34 =	vmul.f32 s20, v38;
	v11 =	vld [tilespmem:$0x1F870];
	v38 =	vmul.f32 s2, v40;
	v40 =	vmov v13  }
0x4cd: {  	v39 =	vadd.f32 v44, v39;
	[tilespmem:$0x1F870] =	vst v40;
	v40 =	vld [tilespmem:$0x1F8B0]  }
0x4ce: {  	s17 =	smul.f32 s16, s17  }
0x4cf: {  	s31 =	smul.f32 s20, s19;
	v0 =	vadd.f32 v39, v0;
	v39 =	vld [tilespmem:$0x1F8A0];
	_ =	sdelay $0x1  }
0x4d0: {  	s17 =	smul.f32 s17, s16;
	v7 =	vmov s31;
	v13 =	vmov v16  }
0x4d1: {  	[tilespmem:$0x1F880] =	vst v13;
	v13 =	vsub.f32 v35, v7;
	v35 =	vmul.f32 s2, v40;
	v40 =	vld [tilespmem:$0x1F8C0]  }
0x4d2: {  	s17 =	ssub.f32 $1.500000000e+00, s17  }
0x4d3: {  	v16 =	vmul.f32 s2, v39;
	v39 =	vmov v17  }
0x4d4: {  	s25 =	smul.f32 s17, s16  }
0x4d5: {  	s10 =	smul.f32 s2, s10  }
0x4d6: {  	s17 =	smul.f32 s25, s18;
	s16 =	spop (v2sf);
	[tilespmem:$0x1F890] =	vst v39;
	v39 =	vmovc v18;
	v18 =	vmul.f32 s25, v40;
	v40 =	vmul.f32 s25, v57;
	v57 =	vmov v14  }
0x4d7: {  	s21 =	smul.f32 $7.812500000e-03, s16;
	[tilespmem:$0x1F8B0] =	vst v57;
	v57 =	vld [tilespmem:$0x1F8F0]  }
0x4d8: {  	v43 =	vld [tilespmem:$0x1FEA0];
	(xrf2) =	vadd.scan.msk.f32 $0xffff, v33  }
0x4d9: {  	v9 =	vmov s10;
	(xrf2) =	vadd.scan.msk.f32 $0xffff, v4;
	v33 =	vmov s17;
	v4, _, _ =	vpop (xrf2);
	v8 =	vmul.f32 s2, v8;
	s10 =	smul.f32 s21, s21;
	s17 =	spop (v2sf)  }
0x4da: {  	(v2sf) =	vpush v4, $0xF;
	v4 =	vld [tilespmem:$0x1F8E0];
	v11 =	vmul.f32 s2, v11;
	v10 =	vmul.f32 s2, v10;
	s2 =	smul.f32 $7.812500000e-03, s17  }
0x4db: {  	v45 =	vmul.f32 s20, v60  }
0x4dc: {  	v60 =	vmovc v46;
	v46 =	vld [tilespmem:$0x1FE80];
	v6 =	vmul.f32 s20, v6;
	s2 =	ssub.f32 s2, s10;
	v14 =	vmovc v20;
	v20 =	vmul.f32 s25, v57;
	v57 =	vmov v21  }
0x4dd: {  	v44 =	vld [tilespmem:$0x1FE70];
	v1 =	vmul.f32 v1, v43;
	v26 =	vmul.f32 s20, v26;
	(xrf2) =	vadd.scan.msk.f32 $0xffff, v5  }
0x4de: {  	v50 =	vld [tilespmem:$0x1FF00];
	v28 =	vmul.f32 s20, v28;
	v5 =	vsub.f32 v34, v7;
	v6 =	vsub.f32 v6, v7;
	[tilespmem:$0x1F8A0] =	vst v39;
	s2 =	sadd.f32 $9.999999960e-13, s2  }
0x4df: {  	v26 =	vsub.f32 v26, v7;
	v4 =	vmul.f32 s25, v4;
	v11 =	vsub.f32 v11, v9;
	v39 =	vld [tilespmem:$0x1F8D0];
	[tilespmem:$0x1F8D0] =	vst v57;
	v57 =	vmovc v24  }
0x4e0: {  	v6 =	vmul.f32 v6, v43;
	v12 =	vsub.f32 v45, v7;
	v45 =	vld [tilespmem:$0x1FEB0];
	v10 =	vsub.f32 v10, v9;
	s18 =	sshra.s32 s2, $0x1;
	s20 =	smul.f32 $5.000000000e-01, s2  }
0x4e1: {  	v4 =	vsub.f32 v4, v33;
	v11 =	vmul.f32 v11, v46;
	v17 =	vsub.f32 v42, v7;
	v42 =	vld [tilespmem:$0x1FE90];
	s19 =	ssub.s32 $0x5F3759DF, s18  }
0x4e2: {  	v10 =	vmul.f32 v10, v44;
	s10 =	smul.f32 s19, s20;
	v21 =	vmul.f32 s25, v59;
	v59 =	vld [tilespmem:$0x1FE50];
	[tilespmem:$0x1F8E0] =	vst v57;
	v57 =	vmov v25;
	v25, _, _ =	vpop (xrf2)  }
0x4e3: {  	v34 =	vld [tilespmem:$0x1FF10];
	v4 =	vmul.f32 v4, v44;
	v16 =	vsub.f32 v16, v9;
	[tilespmem:$0x1F8C0] =	vst v14;
	(v2sf) =	vpush v25, $0xF  }
0x4e4: {  	v14 =	vsub.f32 v27, v7;
	v27 =	vld [tilespmem:$0x1F900];
	s10 =	smul.f32 s19, s10;
	(xrf2) =	vadd.scan.msk.f32 $0xffff, v0;
	v0 =	vmul.f32 v17, v44;
	v17 =	vsub.f32 v36, v9;
	v36, _, _ =	vpop (xrf2)  }
0x4e5: {  	v16 =	vmul.f32 v16, v45;
	v7 =	vsub.f32 v28, v7;
	v28 =	vld [tilespmem:$0x1FF20];
	(v2sf) =	vpush v36, $0xF  }
0x4e6: {  	v23 =	vmovc v23;
	v49 =	vld [tilespmem:$0x1FEF0];
	v8 =	vsub.f32 v8, v9;
	v5 =	vmul.f32 v5, v42;
	s10 =	ssub.f32 $1.500000000e+00, s10;
	v24 =	vmul.f32 s25, v58  }
0x4e7: {  	v12 =	vmul.f32 v12, v59;
	v59 =	vmov v15;
	v15 =	vsub.f32 v38, v9;
	v38 =	vld [tilespmem:$0x1FE50];
	v58, _, _ =	vpop (xrf2)  }
0x4e8: {  	v47 =	vld [tilespmem:$0x1FED0];
	v5 =	vadd.f32 v5, v34;
	[tilespmem:$0x1F900] =	vst v23;
	v23 =	vmul.f32 v26, v45;
	s2 =	smul.f32 s19, s10;
	(v2sf) =	vpush v58, $0xF;
	v26, _, _ =	vpop (xrf2)  }
0x4e9: {  	v18 =	vsub.f32 v18, v33;
	v27 =	vmul.f32 s25, v27;
	v25 =	vld [tilespmem:$0x1FE60];
	(v2sf) =	vpush v26, $0xF  }
0x4ea: {  	s0 =	smov.u32 s13;
	v48 =	vld [tilespmem:$0x1FEE0];
	v39 =	vmul.f32 s25, v39;
	v6 =	vadd.f32 v6, v28;
	v20 =	vsub.f32 v20, v33;
	s24 =	smul.f32 s2, s20  }
0x4eb: {  	[tilespmem:s0+$0x40] =	vst v5;
	v14 =	vmul.f32 v14, v46;
	v27 =	vsub.f32 v27, v33;
	v36 =	vld [tilespmem:$0x1FEC0];
	v0 =	vadd.f32 v0, v49  }
0x4ec: {  	v21 =	vsub.f32 v21, v33;
	[tilespmem:s0+$0x50] =	vst v6;
	s16 =	smul.f32 s24, s2;
	v58 =	vsub.f32 v39, v33;
	v39 =	vld [tilespmem:$0x1FE60];
	v8 =	vmul.f32 v8, v38  }
0x4ed: {  	v20 =	vmul.f32 v20, v42;
	v24 =	vsub.f32 v24, v33;
	[tilespmem:s0+$0x20] =	vst v0;
	v0 =	vmul.f32 v3, v45;
	v3 =	vld [tilespmem:$0x1FE30]  }
0x4ee: {  	s23 =	spop (v2sf);
	v12 =	vadd.f32 v12, v47;
	s16 =	ssub.f32 $1.500000000e+00, s16;
	v13 =	vmul.f32 v13, v25;
	v25 =	vmovc v22;
	v6 =	vadd.f32 v8, v47  }
0x4ef: {  	s10 =	smul.f32 $7.812500000e-03, s23;
	v15 =	vmul.f32 v15, v43;
	v18 =	vmul.f32 v18, v38;
	[tilespmem:$0x1F8F0] =	vst v25;
	v25 =	vsub.f32 v40, v33;
	v40 =	vld [tilespmem:$0x1FEC0]  }
0x4f0: {  	s17 =	smul.f32 s16, s2;
	v22 =	vsub.f32 v37, v9;
	v9 =	vsub.f32 v35, v9;
	v7 =	vmul.f32 v7, v36;
	[tilespmem:s0+$0x80] =	vst v6;
	v6 =	vld [tilespmem:$0x1FE30];
	v26, _, _ =	vpop (xrf2)  }
0x4f1: {  	s12 =	smul.f32 s10, s10;
	[tilespmem:s0+$0x0] =	vst v12;
	v12 =	vadd.f32 v13, v48;
	(v2sf) =	vpush v26, $0xF;
	v26 =	vmul.f32 v27, v43;
	v27 =	vld [tilespmem:$0x1FE40]  }
0x4f2: {  	v37 =	vmovc v19;
	s2 =	smul.f32 s17, s20;
	v19 =	vmul.f32 v58, v39;
	v58 =	vadd.f32 v11, v50;
	v3 =	vadd.f32 v23, v3;
	s25 =	spop (v2sf)  }
0x4f3: {  	v11 =	vadd.f32 v18, v47;
	v25 =	vmul.f32 v25, v46;
	[tilespmem:s0+$0x10] =	vst v12;
	v12 =	vadd.f32 v14, v50;
	s19 =	smul.f32 $7.812500000e-03, s25  }
0x4f4: {  	s14 =	sadd.s32 $0x4, s14;
	v17 =	vmul.f32 v17, v39;
	v14 =	vadd.f32 v15, v28;
	[tilespmem:s0+$0x60] =	vst v3;
	v3 =	vadd.f32 v10, v49;
	s31 =	spop (v2sf);
	s25 =	smul.f32 s2, s17  }
0x4f5: {  	p2 =	slt.u32 s14, $0xC4;
	[tilespmem:s0+$0xB0] =	vst v58;
	v10 =	vadd.f32 v19, v48;
	v8 =	vadd.f32 v25, v50;
	v25 =	vld [tilespmem:$0x1FE30];
	v9 =	vmul.f32 v9, v40;
	s18 =	smul.f32 $7.812500000e-03, s31  }
.Ltmp11:
0x4f6: {  	v22 =	vmul.f32 v22, v42;
	[tilespmem:s0+$0x30] =	vst v12;
	v13 =	vadd.f32 v16, v6;
	v5 =	vadd.f32 v7, v27;
	(pc) =	sbr.rel @p2 .LBB2_16-.Ltmp11, $4  }
0x4f7: {  	v24 =	vmul.f32 v24, v40;
	[tilespmem:s0+$0xA0] =	vst v3;
	v7 =	vadd.f32 v17, v48;
	v12 =	vadd.f32 v9, v27;
	s24 =	spop (v2sf);
	s23 =	smul.f32 s19, s19  }
0x4f8: {  	v21 =	vmul.f32 v21, v45;
	v9 =	vadd.f32 v4, v49;
	[tilespmem:s0+$0x70] =	vst v5;
	v5 =	vadd.f32 v22, v34;
	s24 =	smul.f32 $7.812500000e-03, s24;
	s31 =	spop (v2sf)  }
0x4f9: {  	s13 =	smov.u32 s11;
	v2 =	vmul.f32 v2, v42;
	v4 =	vadd.f32 v26, v28;
	v6 =	vadd.f32 v24, v27;
	[tilespmem:s0+$0x90] =	vst v7;
	s16 =	ssub.f32 $1.500000000e+00, s25;
	s2 =	smul.f32 s18, s18  }
0x4fa: {  	s11 =	sadd.s32 $0x200, s11;
	v33 =	vmovc v51;
	v51 =	vmov v52;
	v7 =	vadd.f32 v20, v34;
	s20 =	smul.f32 $7.812500000e-03, s31;
	[tilespmem:s0+$0xC0] =	vst v5;
	v5 =	vadd.f32 v21, v25;
	s23 =	ssub.f32 s24, s23  }
0x4fb: {  	_ = 	snop  }
0x4fc: {  	s14 =	sadd.f32 $9.999999960e-13, s23;
	_ =	sdelay $0x1  }
0x4fd: {  	s23 =	sshra.s32 s14, $0x1;
	s14 =	smul.f32 $5.000000000e-01, s14  }
0x4fe: {  	s12 =	ssub.f32 s20, s12;
	s20 =	ssub.s32 $0x5F3759DF, s23  }
0x4ff: {  	s11 =	spop (v2sf);
	s23 =	smul.f32 s20, s14  }
0x500: {  	s12 =	sadd.f32 $9.999999960e-13, s12;
	s11 =	smul.f32 $7.812500000e-03, s11  }
0x501: {  	s31 =	smul.f32 s20, s23  }
0x502: {  	s23 =	sshra.s32 s12, $0x1;
	s12 =	smul.f32 $5.000000000e-01, s12;
	s2 =	ssub.f32 s11, s2  }
0x503: {  	s11 =	smul.f32 s16, s17;
	s23 =	ssub.s32 $0x5F3759DF, s23;
	s17 =	ssub.f32 $1.500000000e+00, s31  }
0x504: {  	s24 =	smul.f32 s23, s12  }
0x505: {  	s25 =	sadd.f32 $9.999999960e-13, s2;
	s17 =	smul.f32 s20, s17  }
0x506: {  	s24 =	smul.f32 s23, s24  }
0x507: {  	s2 =	smul.f32 $5.000000000e-01, s25;
	s16 =	sshra.s32 s25, $0x1  }
0x508: {  	s16 =	ssub.s32 $0x5F3759DF, s16;
	s31 =	smul.f32 s17, s14  }
0x509: {  	s20 =	ssub.f32 $1.500000000e+00, s24;
	s25 =	smul.f32 s16, s2  }
0x50a: {  	s24 =	smul.f32 s31, s17  }
0x50b: {  	s20 =	smul.f32 s23, s20  }
0x50c: {  	s25 =	smul.f32 s16, s25;
	s24 =	ssub.f32 $1.500000000e+00, s24  }
0x50d: {  	[tilespmem:s0+$0xD0] =	vst v14;
	s31 =	smul.f32 s20, s12  }
0x50e: {  	[tilespmem:s0+$0xE0] =	vst v13;
	s17 =	smul.f32 s24, s17  }
0x50f: {  	v13 =	vld [tilespmem:$0x1F800];
	s31 =	smul.f32 s31, s20  }
0x510: {  	v21 =	vld [tilespmem:$0x1F810];
	[tilespmem:s0+$0xF0] =	vst v12;
	s23 =	ssub.f32 $1.500000000e+00, s25;
	s14 =	smul.f32 s17, s14  }
0x511: {  	v12 =	vld [tilespmem:$0x1F820];
	[tilespmem:s0+$0x100] =	vst v11;
	s21 =	smul.f32 s11, s21;
	s25 =	ssub.f32 $1.500000000e+00, s31  }
0x512: {  	v11 =	vld [tilespmem:$0x1F830];
	[tilespmem:s0+$0x110] =	vst v10;
	v16 =	vmul.f32 s11, v41;
	s14 =	smul.f32 s14, s17  }
0x513: {  	[tilespmem:s0+$0x120] =	vst v9;
	v15 =	vmul.f32 s11, v53;
	v3 =	vmov s21;
	s20 =	smul.f32 s25, s20  }
0x514: {  	[tilespmem:s0+$0x130] =	vst v8;
	v16 =	vsub.f32 v16, v3;
	s16 =	smul.f32 s16, s23;
	s14 =	ssub.f32 $1.500000000e+00, s14  }
0x515: {  	[tilespmem:s0+$0x140] =	vst v7;
	v15 =	vsub.f32 v15, v3;
	s12 =	smul.f32 s20, s12  }
0x516: {  	v2 =	vadd.f32 v2, v34;
	v35 =	vld [tilespmem:$0x1F840];
	v16 =	vmul.f32 v16, v38;
	s14 =	smul.f32 s14, s17  }
0x517: {  	v1 =	vadd.f32 v1, v28;
	v0 =	vadd.f32 v0, v25;
	v36 =	vld [tilespmem:$0x1F850];
	[tilespmem:s0+$0x150] =	vst v4;
	v15 =	vmul.f32 v15, v40;
	s31 =	smul.f32 s16, s2  }
0x518: {  	v22 =	vld [tilespmem:$0x1F860];
	v53 =	vadd.f32 v16, v47;
	s12 =	smul.f32 s12, s20;
	v17 =	vmul.f32 s14, v60;
	v18 =	vmul.f32 s14, v54  }
0x519: {  	v23 =	vld [tilespmem:$0x1F870];
	[tilespmem:s0+$0x160] =	vst v5;
	s17 =	smul.f32 s14, s19;
	v58 =	vmul.f32 s14, v56;
	v60 =	vadd.f32 v61, v48;
	v61 =	vadd.f32 v62, v49  }
0x51a: {  	v5 =	vld [tilespmem:$0x1F880];
	s21 =	smul.f32 s31, s16;
	v19 =	vmul.f32 s14, v55;
	s12 =	ssub.f32 $1.500000000e+00, s12;
	v62 =	vadd.f32 v63, v50;
	v63 =	vadd.f32 v15, v27  }
0x51b: {  	v24 =	vld [tilespmem:$0x1F890];
	[tilespmem:s0+$0x170] =	vst v6;
	v13 =	vmul.f32 s14, v13;
	v21 =	vmul.f32 s14, v21;
	v20 =	vmov s17  }
0x51c: {  	v6 =	vld [tilespmem:$0x1F8A0];
	s23 =	ssub.f32 $1.500000000e+00, s21;
	v12 =	vmul.f32 s14, v12;
	v11 =	vmul.f32 s14, v11;
	s12 =	smul.f32 s12, s20;
	[tilespmem:s13+$0x1F0] =	vst v63;
	v17 =	vsub.f32 v17, v20  }
0x51d: {  	v18 =	vsub.f32 v18, v20;
	v14 =	vsub.f32 v58, v20;
	v7 =	vld [tilespmem:$0x1F8B0];
	[tilespmem:s13+$0x180] =	vst v53;
	v53 =	vmul.f32 s11, v31  }
0x51e: {  	s16 =	smul.f32 s23, s16;
	v10 =	vsub.f32 v21, v20;
	v15 =	vmul.f32 s12, v35;
	v21 =	vmul.f32 s12, v36  }
0x51f: {  	v19 =	vsub.f32 v19, v20;
	v22 =	vmul.f32 s12, v22;
	v23 =	vmul.f32 s12, v23  }
0x520: {  	s2 =	smul.f32 s16, s2;
	v13 =	vsub.f32 v13, v20;
	v5 =	vmul.f32 s12, v5;
	v24 =	vmul.f32 s12, v24  }
0x521: {  	v12 =	vsub.f32 v12, v20;
	s10 =	smul.f32 s12, s10;
	v6 =	vmul.f32 s12, v6;
	v36 =	vmul.f32 s11, v32  }
0x522: {  	v9 =	vsub.f32 v11, v20;
	v54 =	vmul.f32 v17, v38;
	v58 =	vmul.f32 v18, v39  }
0x523: {  	s2 =	smul.f32 s2, s16;
	[tilespmem:s0+$0x1A0] =	vst v61;
	v14 =	vmul.f32 v14, v44;
	v61 =	vmul.f32 v19, v46;
	v41 =	vmov s10  }
0x524: {  	[tilespmem:s0+$0x190] =	vst v60;
	v15 =	vsub.f32 v15, v41;
	v21 =	vsub.f32 v21, v41;
	v7 =	vmul.f32 s12, v7  }
0x525: {  	[tilespmem:s0+$0x1B0] =	vst v62;
	s2 =	ssub.f32 $1.500000000e+00, s2;
	v13 =	vmul.f32 v13, v42;
	v22 =	vsub.f32 v22, v41;
	v23 =	vsub.f32 v23, v41  }
0x526: {  	v10 =	vmul.f32 v10, v43;
	v5 =	vsub.f32 v5, v41;
	v4 =	vsub.f32 v7, v41;
	v7 =	vld [tilespmem:$0x1F8C0];
	[tilespmem:s0+$0x1C0] =	vst v2  }
0x527: {  	v12 =	vmul.f32 v12, v45;
	s2 =	smul.f32 s2, s16;
	v52 =	vsub.f32 v24, v41;
	v8 =	vadd.f32 v54, v47;
	v56 =	vld [tilespmem:$0x1F8D0];
	[tilespmem:s0+$0x1D0] =	vst v1  }
0x528: {  	v9 =	vmul.f32 v9, v40;
	v6 =	vsub.f32 v6, v41;
	v17 =	vadd.f32 v58, v48;
	v1 =	vld [tilespmem:$0x1F8E0];
	[tilespmem:s0+$0x1E0] =	vst v0  }
0x529: {  	v14 =	vadd.f32 v14, v49;
	v18 =	vadd.f32 v61, v50;
	v60 =	vmul.f32 s2, v57;
	[tilespmem:s13+$0x0] =	vst v8  }
0x52a: {  	v13 =	vadd.f32 v13, v34;
	v62 =	vmul.f32 s2, v59;
	v63 =	vmul.f32 s2, v37;
	v8 =	vld [tilespmem:$0x1F8F0];
	[tilespmem:s13+$0x10] =	vst v17  }
0x52b: {  	v10 =	vadd.f32 v10, v28;
	v19 =	vmul.f32 v15, v38;
	v21 =	vmul.f32 v21, v39;
	v17 =	vld [tilespmem:$0x1F900];
	[tilespmem:s13+$0x20] =	vst v14  }
0x52c: {  	v12 =	vadd.f32 v12, v25;
	v22 =	vmul.f32 v22, v44;
	v23 =	vmul.f32 v23, v46;
	[tilespmem:s13+$0x30] =	vst v18  }
0x52d: {  	v9 =	vadd.f32 v9, v27;
	v5 =	vmul.f32 v5, v42;
	v11 =	vmul.f32 v52, v43;
	[tilespmem:s13+$0x40] =	vst v13  }
0x52e: {  	s24 =	smul.f32 s2, s18;
	v6 =	vmul.f32 v6, v45;
	v37 =	vmul.f32 s11, v51;
	v15 =	vadd.f32 v21, v48;
	[tilespmem:s13+$0x50] =	vst v10  }
0x52f: {  	v52 =	vmul.f32 s11, v30;
	v5 =	vadd.f32 v5, v34;
	v35 =	vadd.f32 v11, v28;
	[tilespmem:s13+$0x60] =	vst v12  }
0x530: {  	v55 =	vmov s24;
	v6 =	vadd.f32 v6, v25;
	v57 =	vsub.f32 v37, v3;
	[tilespmem:s13+$0x70] =	vst v9  }
0x531: {  	v51 =	vmul.f32 s11, v29;
	v59 =	vsub.f32 v52, v3;
	v0 =	vsub.f32 v60, v55;
	[tilespmem:s13+$0x90] =	vst v15  }
0x532: {  	v26 =	vsub.f32 v62, v55;
	v2 =	vsub.f32 v63, v55;
	v4 =	vmul.f32 v4, v40;
	[tilespmem:s13+$0xC0] =	vst v5  }
0x533: {  	v41 =	vmul.f32 s11, v33;
	v13 =	vadd.f32 v19, v47;
	v12 =	vadd.f32 v22, v49;
	[tilespmem:s13+$0xD0] =	vst v35  }
0x534: {  	v9 =	vadd.f32 v23, v50;
	v4 =	vadd.f32 v4, v27;
	[tilespmem:s13+$0xE0] =	vst v6;
	v0 =	vmul.f32 v0, v46  }
0x535: {  	v2 =	vmul.f32 v2, v40;
	v6 =	vsub.f32 v41, v3;
	v7 =	vmul.f32 s2, v7;
	[tilespmem:s13+$0x80] =	vst v13  }
0x536: {  	v16 =	vmul.f32 s2, v56;
	[tilespmem:s13+$0xA0] =	vst v12;
	v0 =	vadd.f32 v0, v50;
	v56 =	vmul.f32 v26, v45  }
0x537: {  	[tilespmem:s13+$0xF0] =	vst v4;
	v4 =	vsub.f32 v51, v3;
	v2 =	vadd.f32 v2, v27;
	v6 =	vmul.f32 v6, v46  }
0x538: {  	[tilespmem:s13+$0xB0] =	vst v9;
	v1 =	vmul.f32 s2, v1;
	v7 =	vsub.f32 v7, v55;
	v8 =	vmul.f32 s2, v8  }
0x539: {  	v20 =	vsub.f32 v16, v55;
	[tilespmem:s13+$0x130] =	vst v0;
	v5 =	vadd.f32 v56, v25;
	v0 =	vmul.f32 v57, v44  }
0x53a: {  	[tilespmem:s13+$0x170] =	vst v2;
	v60 =	vmul.f32 v4, v42;
	v62 =	vadd.f32 v6, v50;
	v1 =	vsub.f32 v1, v55  }
0x53b: {  	v17 =	vmul.f32 s2, v17;
	v7 =	vmul.f32 v7, v38;
	[tilespmem:s13+$0x160] =	vst v5;
	v0 =	vadd.f32 v0, v49  }
0x53c: {  	v8 =	vsub.f32 v8, v55;
	v2 =	vadd.f32 v60, v34;
	[tilespmem:s13+$0x1B0] =	vst v62;
	v1 =	vmul.f32 v1, v44  }
0x53d: {  	v10 =	vmul.f32 v20, v39;
	v24 =	vsub.f32 v17, v55;
	v7 =	vadd.f32 v7, v47;
	[tilespmem:s13+$0x1A0] =	vst v0  }
0x53e: {  	v55 =	vsub.f32 v36, v3;
	v8 =	vmul.f32 v8, v42;
	[tilespmem:s13+$0x1C0] =	vst v2;
	v1 =	vadd.f32 v1, v49  }
0x53f: {  	v3 =	vsub.f32 v53, v3;
	v10 =	vadd.f32 v10, v48;
	[tilespmem:s13+$0x100] =	vst v7;
	v54 =	vmul.f32 v24, v43  }
0x540: {  	v8 =	vadd.f32 v8, v34;
	[tilespmem:s13+$0x120] =	vst v1;
	v1 =	vmul.f32 v55, v39  }
0x541: {  	v63 =	vmul.f32 v3, v45;
	[tilespmem:s13+$0x110] =	vst v10;
	v58 =	vadd.f32 v54, v28  }
0x542: {  	s25 =	smul.u32 $0xC8, s15;
	v61 =	vmul.f32 v59, v43;
	[tilespmem:s13+$0x140] =	vst v8;
	v1 =	vadd.f32 v1, v48  }
0x543: {  	v0 =	vadd.f32 v63, v25;
	[tilespmem:s13+$0x150] =	vst v58  }
0x544: {  	s0 =	sadd.s32 s7, s25;
	[tilespmem:s13+$0x190] =	vst v1;
	v1 =	vadd.f32 v61, v28  }
0x545: {  	s0 =	sshll.u32 s0, $0x4;
	[tilespmem:s13+$0x1E0] =	vst v0  }
0x546: {  	s31 =	simm.s32 $0xC800;
	s0 =	sadd.s32 s26, s0;
	[tilespmem:s13+$0x1D0] =	vst v1  }
0x547: {  	[hbm4b:s0+s4] =	stream.linear.scatter [tilespmem:s31], [sflag:$0xF], $0x6400, $0x38;
	[tilespmem:$0x1A980] =	vst v63  }
.LBB2_18:
.Ltmp12:
0x548: {  	(pc) =	sbr.rel @p3 .LBB2_20-.Ltmp12, $1  }
0x549: {  	_ =	sdelay $0x3  }
0x54a: {  	s0 =	smul.u32 $0x320, s29  }
0x54b: {  	s2 =	rddreg [dreg:$0x8]  }
0x54c: {  	s0 =	sadd.s32 s0, s2  }
0x54d: {  	s0 =	sshrl.u32 s0, $0x3  }
0x54e: {  	s10 =	simm.s32 $0x19200;
	s16 =	sadd.s32 s5, s0  }
0x54f: {  	[tilespmem:s10], [sflag:$0x3] =	stream.linear.gather [hbm4b:s16+s4], $0xC8, $0x38;
	[tilespmem:$0x1A980] =	vst v63  }
0x550: {  	s17 =	simm.s32 $0x19600;
	s0 =	sadd.s32 s6, s0  }
0x551: {  	[tilespmem:s17], [sflag:$0x3] =	stream.linear.gather [hbm4b:s0+s4], $0xC8, $0x38;
	[tilespmem:$0x1A980] =	vst v63  }
0x552: {  	_ =	swait.ge [sflag:s9], $0xC8  }
0x553: {  	[sflag:s9] =	ssyncset.done $0x0  }
0x554: {  	[sflag:s9] =	ssyncadd.s32 $0xFFFFFF38  }
0x555: {  	_ =	swait.ge [sflag:s9], $0xC8  }
0x556: {  	v5 =	vld [tilespmem:$0x1FFE0]  }
0x557: {  	v32 =	vld [tilespmem:$0x1FF30]  }
0x558: {  	v35 =	vld [tilespmem:$0x1FF40]  }
0x559: {  	v37 =	vld [tilespmem:$0x1FF50]  }
0x55a: {  	v51 =	vld [tilespmem:$0x1FF60]  }
0x55b: {  	v53 =	vld [tilespmem:$0x1FF70]  }
0x55c: {  	v55 =	vld [tilespmem:$0x1FF80]  }
0x55d: {  	v57 =	vld [tilespmem:$0x1FF90]  }
0x55e: {  	v59 =	vld [tilespmem:$0x1FFA0]  }
0x55f: {  	v60 =	vld [tilespmem:$0x1FFB0]  }
0x560: {  	v61 =	vld [tilespmem:$0x1FFC0]  }
0x561: {  	[sflag:s9] =	ssyncset.done $0x0;
	v62 =	vld [tilespmem:$0x1FFD0]  }
0x562: {  	v63 =	vld [tilespmem:$0x1FFF0];
	[sflag:s9] =	ssyncadd.s32 $0xFFFFFF38  }
0x563: {  	v0 =	vld [tilespmem:$0x19500]  }
0x564: {  	v1 =	vld [tilespmem:$0x19510]  }
0x565: {  	v2 =	vld [tilespmem:$0x19520]  }
0x566: {  	v3 =	vld [tilespmem:$0x19530]  }
0x567: {  	v4 =	vld [tilespmem:$0x19540]  }
0x568: {  	v26 =	vld [tilespmem:$0x19550];
	v0 =	vadd.s32 v5, v0  }
0x569: {  	v33 =	vld [tilespmem:$0x19560];
	[tilespmem:$0x19900] =	vst v0;
	v0 =	vadd.s32 v32, v1  }
0x56a: {  	v36 =	vld [tilespmem:$0x19570];
	[tilespmem:$0x19910] =	vst v0;
	v0 =	vadd.s32 v35, v2  }
0x56b: {  	v41 =	vld [tilespmem:$0x19580];
	[tilespmem:$0x19920] =	vst v0;
	v0 =	vadd.s32 v37, v3  }
0x56c: {  	v52 =	vld [tilespmem:$0x19590];
	[tilespmem:$0x19930] =	vst v0;
	v0 =	vadd.s32 v51, v4  }
0x56d: {  	v54 =	vld [tilespmem:$0x195A0];
	[tilespmem:$0x19940] =	vst v0;
	v0 =	vadd.s32 v53, v26  }
0x56e: {  	v56 =	vld [tilespmem:$0x195B0];
	[tilespmem:$0x19950] =	vst v0;
	v0 =	vadd.s32 v55, v33  }
0x56f: {  	v58 =	vld [tilespmem:$0x195B8];
	[tilespmem:$0x19960] =	vst v0;
	v0 =	vadd.s32 v57, v36  }
0x570: {  	[tilespmem:$0x19970] =	vst v0;
	v0 =	vadd.s32 v59, v41  }
0x571: {  	[tilespmem:$0x19980] =	vst v0;
	v0 =	vadd.s32 v60, v52  }
0x572: {  	[tilespmem:$0x19990] =	vst v0;
	v0 =	vadd.s32 v61, v54  }
0x573: {  	[tilespmem:$0x199A0] =	vst v0;
	v0 =	vadd.s32 v62, v56  }
0x574: {  	p2 =	seq.s32 s29, $0x0;
	[tilespmem:$0x199B0] =	vst v0;
	v0 =	vadd.s32 v63, v58  }
0x575: {  	s0 =	simm.s32 @!p2 $0xE;
	[tilespmem:$0x199B8] =	vst v0  }
0x576: {  	_ =	swait.ge @!p2 [sflag:s0], $0x6400  }
0x577: {  	s18 =	simm.s32 $0x68;
	[sflag:s0] =	ssyncset.done @!p2 $0x0  }
0x578: {  	s19 =	simm.s32 $0x6400;
	s20 =	simm.s32 $0x19100;
	[sflag:s0] =	ssyncadd.s32 @!p2 $0xFFFF9C00  }
0x579: {  	[tilespmem:s19], [sflag:$0x6] =	stream.indirect.gather [hbm4b:s1+s18], $0x80, s20, s18, $0xb8;
	[tilespmem:$0x1A980] =	vst v63  }
0x57a: {  	s21 =	simm.s32 $0x60;
	s23 =	simm.s32 $0x19168;
	s11 =	simm.s32 $0x9800  }
0x57b: {  	[tilespmem:s11], [sflag:$0x6] =	stream.indirect.gather [hbm4b:s1+s21], $0x80, s23, s21, $0xb8;
	[tilespmem:$0x1A980] =	vst v63  }
0x57c: {  	_ =	swait.ge [sflag:s30], $0x3400  }
0x57d: {  	[sflag:s30] =	ssyncset.done $0x0  }
0x57e: {  	[sflag:s30] =	ssyncadd.s32 $0xFFFFCC00  }
0x57f: {  	_ =	swait.ge [sflag:s30], $0x3000  }
0x580: {  	[sflag:s30] =	ssyncset.done $0x0  }
0x581: {  	s24 =	simm.s32 $0x19800;
	[sflag:s30] =	ssyncadd.s32 $0xFFFFD000  }
0x582: {  	[tilespmem:s4], [sflag:$0x9] =	stream.indirect.gather.add.f32 [spmem:s3], $0x80, s24, s18, $0xb8;
	[tilespmem:$0x1A980] =	vst v63  }
0x583: {  	s25 =	simm.s32 $0x19868;
	s31 =	simm.s32 $0x3400  }
0x584: {  	[tilespmem:s31], [sflag:$0x9] =	stream.indirect.gather.add.f32 [spmem:s3], $0x80, s25, s21, $0xb8;
	[tilespmem:$0x1A980] =	vst v63  }
.LBB2_20:
.Ltmp13:
0x585: {  	(pc) =	sbr.rel @p1 .LBB2_24-.Ltmp13, $1  }
0x586: {  	_ =	sdelay $0x3  }
0x587: {  	_ =	swait.ge [sflag:s28], $0x3400  }
0x588: {  	[sflag:s28] =	ssyncset.done $0x0  }
0x589: {  	[sflag:s28] =	ssyncadd.s32 $0xFFFFCC00  }
0x58a: {  	_ =	swait.ge [sflag:s28], $0x3000  }
0x58b: {  	[sflag:s28] =	ssyncset.done $0x0  }
0x58c: {  	s0 =	simm.s32 $0x12C00;
	[sflag:s28] =	ssyncadd.s32 $0xFFFFD000  }
0x58d: {  	v29 =	vld [tilespmem:s0+$0x180]  }
0x58e: {  	v13 =	vld [tilespmem:s0+$0x190]  }
0x58f: {  	v30 =	vld [tilespmem:s0+$0x1A0]  }
0x590: {  	v31 =	vld [tilespmem:s0+$0x1B0]  }
0x591: {  	v37 =	vld [tilespmem:s0+$0x1C0]  }
0x592: {  	v35 =	vld [tilespmem:s0+$0x1D0]  }
0x593: {  	v36 =	vld [tilespmem:s0+$0x1E0]  }
0x594: {  	v14 =	vld [tilespmem:s0+$0x1F0];
	_ =	sdelay $0x1  }
0x595: {  	v0 =	vadd.f32 v13, v29;
	v1 =	vmul.f32 v29, v29;
	v2 =	vmul.f32 v13, v13  }
0x596: {  	v3 =	vadd.f32 v31, v30;
	v4 =	vmul.f32 v30, v30;
	v5 =	vmul.f32 v31, v31  }
0x597: {  	v6 =	vadd.f32 v35, v37;
	v7 =	vmul.f32 v37, v37;
	v8 =	vmul.f32 v35, v35  }
0x598: {  	v9 =	vadd.f32 v14, v36;
	v10 =	vmul.f32 v36, v36;
	v11 =	vmul.f32 v14, v14  }
0x599: {  	v1 =	vadd.f32 v2, v1;
	v2 =	vadd.f32 v5, v4  }
0x59a: {  	v4 =	vadd.f32 v8, v7;
	v5 =	vadd.f32 v11, v10  }
0x59b: {  	v0 =	vadd.f32 v3, v0;
	v3 =	vadd.f32 v9, v6  }
0x59c: {  	v1 =	vadd.f32 v2, v1;
	v2 =	vadd.f32 v5, v4  }
0x59d: {  	v0 =	vadd.f32 v3, v0  }
0x59e: {  	v1 =	vadd.f32 v2, v1  }
0x59f: {  	(xrf2) =	vadd.scan.msk.f32 $0xffff, v0  }
0x5a0: {  	(xrf2) =	vadd.scan.msk.f32 $0xffff, v1;
	_ =	sdelay $0x8  }
0x5a1: {  	v0, _, _ =	vpop (xrf2)  }
0x5a2: {  	(v2sf) =	vpush v0, $0xF;
	v0, _, _ =	vpop (xrf2)  }
0x5a3: {  	(v2sf) =	vpush v0, $0xF;
	_ =	sdelay $0x1  }
0x5a4: {  	v61 =	vld [tilespmem:s0+$0x80]  }
0x5a5: {  	v24 =	vld [tilespmem:s0+$0xA0]  }
0x5a6: {  	v6 =	vld [tilespmem:s0+$0x40]  }
0x5a7: {  	v7 =	vld [tilespmem:s0+$0x60]  }
0x5a8: {  	v9 =	vld [tilespmem:s0+$0x70]  }
0x5a9: {  	v10 =	vld [tilespmem:s0+$0x90]  }
0x5aa: {  	v4 =	vld [tilespmem:s0+$0x20]  }
0x5ab: {  	v3 =	vld [tilespmem:s0+$0x30]  }
0x5ac: {  	v5 =	vld [tilespmem:s0+$0x50]  }
0x5ad: {  	v2 =	vld [tilespmem:s0+$0x10];
	[tilespmem:$0x1F700] =	vst v24  }
0x5ae: {  	v25 =	vld [tilespmem:s0+$0xB0]  }
0x5af: {  	v62 =	vld [tilespmem:s0+$0xE0]  }
0x5b0: {  	v21 =	vmul.f32 v61, v61;
	v11 =	vmul.f32 v6, v6;
	v1 =	vld [tilespmem:s0+$0xC0];
	s2 =	spop (v2sf)  }
0x5b1: {  	v63 =	vld [tilespmem:s0+$0xD0];
	v17 =	vadd.f32 v9, v7;
	v18 =	vmul.f32 v7, v7;
	v19 =	vmul.f32 v9, v9;
	s10 =	smul.f32 $7.812500000e-03, s2;
	s16 =	spop (v2sf)  }
0x5b2: {  	v26 =	vld [tilespmem:s0+$0xF0];
	v20 =	vadd.f32 v10, v61;
	v22 =	vmul.f32 v10, v10;
	v12 =	vadd.f32 v5, v6;
	s2 =	smul.f32 $7.812500000e-03, s16  }
0x5b3: {  	v58 =	vld [tilespmem:s0+$0x100];
	v8 =	vmul.f32 v3, v3;
	v57 =	vadd.f32 v19, v18;
	v0 =	vmul.f32 v4, v4;
	s11 =	smul.f32 s10, s10  }
0x5b4: {  	v27 =	vld [tilespmem:s0+$0x110];
	v16 =	vmul.f32 v5, v5;
	v59 =	vadd.f32 v22, v21;
	v17 =	vadd.f32 v17, v12;
	[tilespmem:$0x1F710] =	vst v25  }
0x5b5: {  	v12 =	vmul.f32 v25, v25;
	v52 =	vmul.f32 v62, v62;
	v28 =	vld [tilespmem:s0+$0x120];
	[tilespmem:$0x1F720] =	vst v1;
	v23 =	vadd.f32 v8, v0;
	s2 =	ssub.f32 s2, s11  }
0x5b6: {  	v60 =	vmul.f32 v1, v1;
	v33 =	vld [tilespmem:s0+$0x130];
	v8 =	vadd.f32 v16, v11;
	v11 =	vadd.f32 v25, v24  }
0x5b7: {  	v51 =	vadd.f32 v63, v1;
	v0 =	vmul.f32 v24, v24;
	v24 =	vadd.f32 v26, v62;
	s2 =	sadd.f32 $9.999999960e-13, s2  }
0x5b8: {  	v1 =	vld [tilespmem:s0+$0x0];
	v25 =	vmul.f32 v26, v26;
	v20 =	vadd.f32 v11, v20;
	v16 =	vadd.f32 v57, v8  }
0x5b9: {  	v41 =	vld [tilespmem:s0+$0x140];
	[tilespmem:$0x1F730] =	vst v26;
	v11 =	vmul.f32 v63, v63;
	v8 =	vadd.f32 v12, v0;
	v21 =	vadd.f32 v24, v51;
	s17 =	sshra.s32 s2, $0x1;
	s2 =	smul.f32 $5.000000000e-01, s2  }
0x5ba: {  	v12 =	vld [tilespmem:s0+$0x160];
	v24 =	vadd.f32 v27, v58;
	v22 =	vadd.f32 v25, v52;
	s11 =	ssub.s32 $0x5F3759DF, s17  }
0x5bb: {  	v25 =	vadd.f32 v33, v28;
	v19 =	vadd.f32 v11, v60;
	v11 =	vld [tilespmem:s0+$0x150];
	[tilespmem:$0x1F760] =	vst v27;
	s12 =	smul.f32 s11, s2  }
0x5bc: {  	v26 =	vmul.f32 v58, v58;
	v18 =	vadd.f32 v8, v59;
	v27 =	vmul.f32 v27, v27;
	v8 =	vld [tilespmem:s0+$0x170]  }
0x5bd: {  	v15 =	vadd.f32 v3, v4;
	v0 =	vmovc v28;
	v24 =	vadd.f32 v25, v24;
	v25 =	vmul.f32 v1, v1;
	s12 =	smul.f32 s11, s12  }
0x5be: {  	[tilespmem:$0x1F770] =	vst v28;
	v28 =	vmul.f32 v2, v2;
	v26 =	vadd.f32 v27, v26;
	v27 =	vadd.f32 v2, v1  }
0x5bf: {  	v55 =	vmul.f32 v41, v41;
	v20 =	vadd.f32 v21, v20;
	v19 =	vadd.f32 v22, v19;
	s12 =	ssub.f32 $1.500000000e+00, s12  }
0x5c0: {  	v32 =	vmul.f32 v0, v0;
	v25 =	vadd.f32 v28, v25;
	v15 =	vadd.f32 v15, v27  }
0x5c1: {  	v57 =	vmul.f32 v12, v12;
	v53 =	vadd.f32 v11, v41;
	v54 =	vadd.f32 v8, v12;
	s11 =	smul.f32 s11, s12  }
0x5c2: {  	v27 =	vmul.f32 v33, v33;
	v56 =	vmul.f32 v11, v11;
	v15 =	vadd.f32 v17, v15  }
0x5c3: {  	(xrf2) =	vadd.scan.msk.f32 $0xffff, v20;
	v23 =	vadd.f32 v23, v25;
	v28 =	vmul.f32 v8, v8;
	v22 =	vadd.f32 v54, v53;
	s12 =	smul.f32 s11, s2  }
0x5c4: {  	v27 =	vadd.f32 v27, v32;
	(xrf2) =	vadd.scan.msk.f32 $0xffff, v15;
	v15 =	vadd.f32 v56, v55  }
0x5c5: {  	v20 =	vadd.f32 v28, v57;
	v59 =	vadd.f32 v22, v24;
	s12 =	smul.f32 s12, s11  }
0x5c6: {  	v16 =	vadd.f32 v16, v23;
	v60 =	vadd.f32 v27, v26  }
0x5c7: {  	v15 =	vadd.f32 v20, v15;
	v20 =	vadd.f32 v19, v18;
	(xrf2) =	vadd.scan.msk.f32 $0xffff, v59;
	s12 =	ssub.f32 $1.500000000e+00, s12  }
0x5c8: {  	(xrf2) =	vadd.scan.msk.f32 $0xffff, v16  }
0x5c9: {  	v15 =	vadd.f32 v15, v60;
	(xrf2) =	vadd.scan.msk.f32 $0xffff, v20;
	s11 =	smul.f32 s12, s11;
	_ =	sdelay $0x1  }
0x5ca: {  	(xrf2) =	vadd.scan.msk.f32 $0xffff, v15;
	s2 =	smul.f32 s11, s2;
	_ =	sdelay $0x1  }
0x5cb: {  	s2 =	smul.f32 s2, s11  }
0x5cc: {  	v15, _, _ =	vpop (xrf2)  }
0x5cd: {  	(v2sf) =	vpush v15, $0xF;
	v22, _, _ =	vpop (xrf2);
	s2 =	ssub.f32 $1.500000000e+00, s2  }
0x5ce: {  	(v2sf) =	vpush v22, $0xF  }
0x5cf: {  	[tilespmem:$0x1F780] =	vst v33;
	v15, _, _ =	vpop (xrf2);
	s2 =	smul.f32 s2, s11  }
0x5d0: {  	s13 =	simm.s32 $0x12E00;
	[tilespmem:$0x1F790] =	vst v41;
	(v2sf) =	vpush v15, $0xF;
	v15, _, _ =	vpop (xrf2)  }
0x5d1: {  	v51 =	vld [tilespmem:s13+$0x1A0];
	(v2sf) =	vpush v15, $0xF;
	v15, _, _ =	vpop (xrf2);
	s10 =	smul.f32 s2, s10  }
0x5d2: {  	v33 =	vld [tilespmem:s13+$0x1B0];
	(v2sf) =	vpush v15, $0xF;
	v14 =	vmul.f32 s2, v14  }
0x5d3: {  	v41 =	vld [tilespmem:s13+$0x180];
	v15, _, _ =	vpop (xrf2);
	v17 =	vmov s10  }
0x5d4: {  	v32 =	vld [tilespmem:s13+$0x190];
	(v2sf) =	vpush v15, $0xF;
	v15 =	vmul.f32 s2, v29;
	v0 =	vsub.f32 v14, v17  }
0x5d5: {  	v29 =	vld [tilespmem:s13+$0x1C0]  }
0x5d6: {  	v13 =	vmul.f32 s2, v13;
	v23 =	vmul.f32 s2, v30;
	v30 =	vld [tilespmem:s13+$0x1D0];
	[tilespmem:$0x1F740] =	vst v0;
	v0 =	vsub.f32 v15, v17;
	_ =	sdelay $0x1  }
0x5d7: {  	v56 =	vmul.f32 s2, v31;
	v31 =	vld [tilespmem:s13+$0x1E0];
	[tilespmem:$0x1F750] =	vst v0;
	v0 =	vsub.f32 v13, v17;
	_ =	sdelay $0x1  }
0x5d8: {  	[tilespmem:$0x1F7A0] =	vst v0;
	v0 =	vsub.f32 v23, v17;
	_ =	sdelay $0x1  }
0x5d9: {  	s18 =	spop (v2sf);
	v57 =	vmul.f32 s2, v37;
	v53 =	vld [tilespmem:s13+$0x1F0];
	[tilespmem:$0x1F7B0] =	vst v0;
	v0 =	vsub.f32 v56, v17  }
0x5da: {  	s19 =	spop (v2sf)  }
0x5db: {  	s14 =	smul.f32 $7.812500000e-03, s19;
	v14 =	vmul.f32 s2, v35;
	[tilespmem:$0x1F7C0] =	vst v0;
	v0 =	vsub.f32 v57, v17  }
0x5dc: {  	s21 =	spop (v2sf)  }
0x5dd: {  	s15 =	smul.f32 s14, s14;
	s23 =	spop (v2sf);
	v26 =	vld [tilespmem:s13+$0x10];
	[tilespmem:$0x1F7D0] =	vst v0;
	v0 =	vsub.f32 v14, v17  }
0x5de: {  	s11 =	smul.f32 $7.812500000e-03, s18;
	s17 =	spop (v2sf)  }
0x5df: {  	s17 =	smul.f32 $7.812500000e-03, s17;
	v13 =	vmul.f32 s2, v36;
	[tilespmem:$0x1F7E0] =	vst v0  }
0x5e0: {  	s2 =	smul.f32 $7.812500000e-03, s23;
	v25 =	vld [tilespmem:s13+$0x20]  }
0x5e1: {  	s20 =	smul.f32 s11, s11;
	v0 =	vsub.f32 v13, v17;
	v35 =	vld [tilespmem:s13+$0x30]  }
0x5e2: {  	s10 =	smul.f32 $7.812500000e-03, s21;
	s2 =	ssub.f32 s2, s15;
	v36 =	vld [tilespmem:s13+$0x40]  }
0x5e3: {  	s24 =	spop (v2sf);
	s12 =	ssub.f32 s17, s20;
	v52 =	vld [tilespmem:s13+$0x50];
	[tilespmem:$0x1F7F0] =	vst v0  }
0x5e4: {  	v19 =	vmul.f32 v32, v32;
	v60 =	vmul.f32 v33, v33;
	s16 =	smul.f32 s10, s10;
	v15 =	vadd.f32 v33, v51;
	s2 =	sadd.f32 $9.999999960e-13, s2;
	v54 =	vld [tilespmem:s13+$0x60]  }
0x5e5: {  	v16 =	vmul.f32 v41, v41;
	v18 =	vadd.f32 v30, v29;
	s15 =	smul.f32 $7.812500000e-03, s24;
	v14 =	vadd.f32 v32, v41;
	v55 =	vld [tilespmem:s13+$0x70]  }
0x5e6: {  	s12 =	sadd.f32 $9.999999960e-13, s12;
	v37 =	vmul.f32 v29, v29;
	s25 =	sshra.s32 s2, $0x1;
	s17 =	smul.f32 $5.000000000e-01, s2;
	v59 =	vadd.f32 v53, v31;
	v13 =	vmul.f32 v30, v30;
	v24 =	vld [tilespmem:s13+$0x80]  }
0x5e7: {  	v20 =	vmul.f32 v51, v51;
	s15 =	ssub.f32 s15, s16;
	v57 =	vmul.f32 v31, v31;
	s31 =	ssub.s32 $0x5F3759DF, s25;
	v14 =	vadd.f32 v15, v14;
	v27 =	vld [tilespmem:s13+$0x90]  }
0x5e8: {  	s18 =	smul.f32 s31, s17;
	v15 =	vadd.f32 v59, v18;
	v59 =	vmul.f32 v53, v53;
	v13 =	vadd.f32 v13, v37;
	v37 =	vld [tilespmem:s13+$0xA0]  }
0x5e9: {  	v16 =	vadd.f32 v19, v16;
	s21 =	sadd.f32 $9.999999960e-13, s15;
	s15 =	smul.f32 $5.000000000e-01, s12;
	v56 =	vld [tilespmem:s13+$0xB0];
	[tilespmem:$0x1F5F0] =	vst v36  }
0x5ea: {  	v60 =	vadd.f32 v60, v20;
	s19 =	sshra.s32 s12, $0x1;
	s18 =	smul.f32 s31, s18;
	v17 =	vadd.f32 v59, v57;
	[tilespmem:$0x1F600] =	vst v52  }
0x5eb: {  	s19 =	ssub.s32 $0x5F3759DF, s19;
	s12 =	smul.f32 $5.000000000e-01, s21;
	s16 =	sshra.s32 s21, $0x1;
	v14 =	vadd.f32 v15, v14;
	v15 =	vmul.f32 v36, v36;
	v59 =	vadd.f32 v52, v36;
	v36 =	vld [tilespmem:s13+$0xC0];
	[tilespmem:$0x1F610] =	vst v54  }
0x5ec: {  	v16 =	vadd.f32 v60, v16;
	s20 =	smul.f32 s19, s15;
	s16 =	ssub.s32 $0x5F3759DF, s16;
	s18 =	ssub.f32 $1.500000000e+00, s18;
	v13 =	vadd.f32 v17, v13;
	[tilespmem:$0x1F620] =	vst v55  }
0x5ed: {  	s21 =	smul.f32 s16, s12;
	v18 =	vmul.f32 v25, v25;
	v60 =	vadd.f32 v55, v54;
	v22 =	vmul.f32 v54, v54;
	v54 =	vld [tilespmem:s13+$0xD0]  }
0x5ee: {  	s2 =	smul.f32 s31, s18;
	v20 =	vmul.f32 v35, v35;
	v21 =	vmul.f32 v52, v52;
	v52 =	vld [tilespmem:s13+$0xE0];
	[tilespmem:$0x1F630] =	vst v24  }
0x5ef: {  	s20 =	smul.f32 s19, s20;
	v13 =	vadd.f32 v13, v16;
	v23 =	vmul.f32 v55, v55;
	v57 =	vadd.f32 v27, v24;
	[tilespmem:$0x1F640] =	vst v27  }
0x5f0: {  	(xrf2) =	vadd.scan.msk.f32 $0xffff, v14;
	s24 =	smul.f32 s2, s17;
	v14 =	vadd.f32 v20, v18;
	v16 =	vadd.f32 v60, v59;
	v59 =	vmul.f32 v24, v24;
	v24 =	vld [tilespmem:s13+$0xF0]  }
0x5f1: {  	s23 =	smul.f32 s16, s21;
	v15 =	vadd.f32 v21, v15;
	(xrf2) =	vadd.scan.msk.f32 $0xffff, v13;
	v60 =	vmul.f32 v27, v27;
	v27 =	vld [tilespmem:s13+$0x100];
	[tilespmem:$0x1F650] =	vst v37  }
0x5f2: {  	s20 =	ssub.f32 $1.500000000e+00, s20;
	v13 =	vadd.f32 v56, v37;
	v19 =	vmul.f32 v37, v37;
	s21 =	smul.f32 s24, s2;
	[tilespmem:$0x1F660] =	vst v56;
	v55 =	vmul.f32 v36, v36  }
0x5f3: {  	s18 =	ssub.f32 $1.500000000e+00, s23;
	v20 =	vadd.f32 v23, v22;
	v37 =	vmul.f32 v56, v56;
	v18 =	vadd.f32 v60, v59;
	v60 =	vld [tilespmem:s13+$0x0]  }
0x5f4: {  	s19 =	smul.f32 s19, s20;
	s25 =	ssub.f32 $1.500000000e+00, s21;
	v59 =	vld [tilespmem:s13+$0x110];
	v56 =	vmul.f32 v54, v54  }
0x5f5: {  	s16 =	smul.f32 s16, s18;
	v15 =	vadd.f32 v20, v15;
	v19 =	vadd.f32 v37, v19;
	v37 =	vld [tilespmem:s13+$0x120]  }
0x5f6: {  	v20 =	vadd.f32 v35, v25;
	s2 =	smul.f32 s25, s2;
	v17 =	vadd.f32 v56, v55;
	v55 =	vmov v35;
	v35 =	vld [tilespmem:s13+$0x130];
	[tilespmem:$0x1F670] =	vst v36  }
0x5f7: {  	s20 =	smul.f32 s19, s15;
	v13 =	vadd.f32 v13, v57;
	[tilespmem:$0x1F680] =	vst v54  }
0x5f8: {  	v21 =	vadd.f32 v54, v36;
	v57 =	vmul.f32 v52, v52;
	s17 =	smul.f32 s2, s17;
	v22 =	vadd.f32 v24, v52;
	v36 =	vld [tilespmem:s13+$0x140];
	[tilespmem:$0x1F690] =	vst v52  }
0x5f9: {  	s31 =	smul.f32 s16, s12;
	v18 =	vadd.f32 v19, v18;
	[tilespmem:$0x1F6A0] =	vst v24;
	v24 =	vmul.f32 v24, v24  }
0x5fa: {  	v19 =	vmul.f32 v27, v27;
	s17 =	smul.f32 s17, s2;
	v54 =	vadd.f32 v22, v21;
	v22 =	vmul.f32 v59, v59;
	v52 =	vld [tilespmem:s13+$0x150]  }
0x5fb: {  	s20 =	smul.f32 s20, s19;
	v56 =	vmov v25;
	v25 =	vadd.f32 v26, v60;
	v0 =	vld [tilespmem:s13+$0x160];
	v21 =	vadd.f32 v24, v57  }
0x5fc: {  	s17 =	ssub.f32 $1.500000000e+00, s17;
	v24 =	vld [tilespmem:s13+$0x170];
	v13 =	vadd.f32 v54, v13;
	v57, _, _ =	vpop (xrf2);
	v19 =	vadd.f32 v22, v19  }
0x5fd: {  	s20 =	ssub.f32 $1.500000000e+00, s20;
	s18 =	smul.f32 s31, s16;
	[tilespmem:$0x1F6C0] =	vst v59;
	v22 =	vmul.f32 v37, v37;
	v20 =	vadd.f32 v20, v25;
	(v2sf) =	vpush v57, $0xF  }
0x5fe: {  	v57 =	vadd.f32 v59, v27;
	s2 =	smul.f32 s17, s2;
	v54, _, _ =	vpop (xrf2);
	(xrf2) =	vadd.scan.msk.f32 $0xffff, v13;
	v13 =	vmul.f32 v26, v26;
	v59 =	vadd.f32 v35, v37  }
0x5ff: {  	s19 =	smul.f32 s20, s19;
	s20 =	ssub.f32 $1.500000000e+00, s18;
	[tilespmem:$0x1F6D0] =	vst v37;
	v16 =	vadd.f32 v16, v20;
	(v2sf) =	vpush v54, $0xF;
	v25 =	vmul.f32 v36, v36  }
0x600: {  	v54 =	vmovc v26;
	[tilespmem:$0x1F6E0] =	vst v36;
	v26 =	vmul.f32 v60, v60;
	v3 =	vmul.f32 s2, v3;
	v23 =	vadd.f32 v52, v36  }
0x601: {  	s16 =	smul.f32 s20, s16;
	v6 =	vmul.f32 s2, v6;
	v36 =	vmul.f32 v0, v0;
	(xrf2) =	vadd.scan.msk.f32 $0xffff, v16;
	v37 =	vmovc v24;
	v24 =	vadd.f32 v24, v0  }
0x602: {  	v16 =	vadd.f32 v59, v57;
	v57 =	vmovc v35;
	v35 =	vmul.f32 v35, v35;
	v13 =	vadd.f32 v13, v26  }
0x603: {  	s12 =	smul.f32 s16, s12;
	[tilespmem:$0x1F6B0] =	vst v27;
	v59 =	vmovc v0;
	v27 =	vmul.f32 v37, v37;
	v0 =	vmul.f32 s2, v1;
	v23 =	vadd.f32 v24, v23  }
0x604: {  	v1 =	vmul.f32 s2, v2;
	v2 =	vmul.f32 s2, v4  }
0x605: {  	s23 =	smul.f32 s12, s16;
	v4 =	vmul.f32 s2, v5;
	v13 =	vadd.f32 v14, v13;
	v16 =	vadd.f32 v23, v16  }
0x606: {  	v26 =	vld [tilespmem:$0x1F790];
	v5 =	vmul.f32 s2, v7;
	v24 =	vmul.f32 v52, v52  }
0x607: {  	s14 =	smul.f32 s2, s14;
	v7 =	vmul.f32 s2, v9;
	s2 =	ssub.f32 $1.500000000e+00, s23;
	v20 =	vadd.f32 v35, v22;
	v13 =	vadd.f32 v15, v13;
	(xrf2) =	vadd.scan.msk.f32 $0xffff, v16  }
0x608: {  	s15 =	smul.f32 s19, s15;
	[tilespmem:$0x1F6F0] =	vst v52;
	v22 =	vadd.f32 v27, v36;
	v52 =	vadd.f32 v24, v25  }
0x609: {  	v17 =	vadd.f32 v21, v17;
	s2 =	smul.f32 s2, s16;
	v15, _, _ =	vpop (xrf2);
	(xrf2) =	vadd.scan.msk.f32 $0xffff, v13  }
0x60a: {  	s15 =	smul.f32 s15, s19;
	v14 =	vadd.f32 v20, v19;
	v20 =	vadd.f32 v22, v52  }
0x60b: {  	v17 =	vadd.f32 v17, v18;
	v26 =	vmul.f32 s2, v26;
	(v2sf) =	vpush v15, $0xF;
	v15, _, _ =	vpop (xrf2)  }
0x60c: {  	s21 =	ssub.f32 $1.500000000e+00, s15;
	v14 =	vadd.f32 v20, v14;
	(v2sf) =	vpush v15, $0xF;
	v15 =	vmov s14  }
0x60d: {  	s10 =	smul.f32 s2, s10;
	v11 =	vmul.f32 s2, v11;
	v0 =	vsub.f32 v0, v15;
	v1 =	vsub.f32 v1, v15  }
0x60e: {  	v24 =	vld [tilespmem:$0x1F780];
	v12 =	vmul.f32 s2, v12;
	s14 =	smul.f32 s21, s19;
	v2 =	vsub.f32 v2, v15;
	v3 =	vsub.f32 v3, v15  }
0x60f: {  	v21 =	vld [tilespmem:$0x1F720];
	v8 =	vmul.f32 s2, v8;
	v6 =	vsub.f32 v6, v15;
	v4 =	vsub.f32 v4, v15  }
0x610: {  	v25 =	vmov s10;
	(xrf2) =	vadd.scan.msk.f32 $0xffff, v17;
	v5 =	vsub.f32 v5, v15;
	v7 =	vsub.f32 v7, v15;
	v15 =	vld [tilespmem:$0x1F710];
	s11 =	smul.f32 s14, s11  }
0x611: {  	v26 =	vsub.f32 v26, v25;
	v11 =	vsub.f32 v11, v25;
	v35 =	vmul.f32 s14, v62;
	v13, _, _ =	vpop (xrf2);
	(xrf2) =	vadd.scan.msk.f32 $0xffff, v14;
	v14 =	vld [tilespmem:$0x1F730]  }
0x612: {  	v12 =	vsub.f32 v12, v25;
	s24 =	spop (v2sf);
	v23 =	vmov s11;
	(v2sf) =	vpush v13, $0xF;
	v13 =	vld [tilespmem:$0x1F700]  }
0x613: {  	v24 =	vmul.f32 s2, v24;
	v9 =	vmul.f32 s14, v61;
	v19 =	vsub.f32 v35, v23;
	v35 =	vld [tilespmem:$0x1F760];
	v36, _, _ =	vpop (xrf2)  }
0x614: {  	v10 =	vmul.f32 s14, v10;
	s25 =	spop (v2sf);
	v16 =	vmul.f32 s14, v21;
	(v2sf) =	vpush v36, $0xF;
	v36 =	vld [tilespmem:$0x1F770]  }
0x615: {  	v8 =	vsub.f32 v8, v25;
	v22 =	vmul.f32 s14, v63;
	v63 =	vmul.f32 s2, v58  }
0x616: {  	v9 =	vsub.f32 v9, v23;
	v10 =	vsub.f32 v10, v23;
	v15 =	vmul.f32 s14, v15  }
0x617: {  	v16 =	vsub.f32 v16, v23;
	v14 =	vmul.f32 s14, v14;
	v13 =	vmul.f32 s14, v13  }
0x618: {  	v17 =	vsub.f32 v22, v23;
	v15 =	vsub.f32 v15, v23;
	v22 =	vmul.f32 s2, v35  }
0x619: {  	v14 =	vsub.f32 v14, v23;
	v13 =	vsub.f32 v13, v23;
	v23 =	vmul.f32 s2, v36  }
0x61a: {  	v24 =	vsub.f32 v24, v25;
	v21 =	vsub.f32 v63, v25  }
0x61b: {  	v22 =	vsub.f32 v22, v25;
	v23 =	vsub.f32 v23, v25;
	v25 =	vld [tilespmem:$0x1F7B0];
	_ =	sdelay $0x1  }
0x61c: {  	v52 =	vld [tilespmem:$0x1F740]  }
0x61d: {  	v61 =	vld [tilespmem:$0x1F750]  }
0x61e: {  	v27 =	vld [tilespmem:$0x1FE40];
	v62, _, _ =	vpop (xrf2)  }
0x61f: {  	(v2sf) =	vpush v62, $0xF;
	v62 =	vmul.f32 v25, v44;
	v25 =	vld [tilespmem:$0x1F7C0];
	_ =	sdelay $0x1  }
0x620: {  	v18 =	vmul.f32 v52, v40  }
0x621: {  	v20 =	vmul.f32 v61, v38  }
0x622: {  	v28 =	vld [tilespmem:$0x1FF20];
	s19 =	smul.f32 $7.812500000e-03, s24;
	v18 =	vadd.f32 v18, v27;
	v0 =	vmul.f32 v0, v38  }
0x623: {  	v52 =	vld [tilespmem:$0x1F7A0];
	s12 =	smul.f32 $7.812500000e-03, s25;
	v1 =	vmul.f32 v1, v39;
	v20 =	vadd.f32 v20, v47;
	v63 =	vmul.f32 v25, v46;
	v25, _, _ =	vpop (xrf2)  }
0x624: {  	s31 =	smul.f32 s19, s19;
	v2 =	vmul.f32 v2, v44;
	v0 =	vadd.f32 v0, v47;
	(v2sf) =	vpush v25, $0xF;
	v25 =	vld [tilespmem:$0x1FE30];
	[tilespmem:s0+$0x1F0] =	vst v18  }
0x625: {  	v3 =	vmul.f32 v3, v46;
	v1 =	vadd.f32 v1, v48;
	[tilespmem:s0+$0x180] =	vst v20  }
0x626: {  	v6 =	vmul.f32 v6, v42;
	s11 =	ssub.f32 s12, s31;
	v2 =	vadd.f32 v2, v49;
	[tilespmem:s0+$0x0] =	vst v0  }
0x627: {  	v4 =	vmul.f32 v4, v43;
	v3 =	vadd.f32 v3, v50;
	[tilespmem:s0+$0x10] =	vst v1  }
0x628: {  	v7 =	vmul.f32 v7, v40;
	v6 =	vadd.f32 v6, v34;
	s11 =	sadd.f32 $9.999999960e-13, s11;
	[tilespmem:s0+$0x20] =	vst v2  }
0x629: {  	v4 =	vadd.f32 v4, v28;
	v9 =	vmul.f32 v9, v38;
	[tilespmem:s0+$0x30] =	vst v3  }
0x62a: {  	v7 =	vadd.f32 v7, v27;
	v10 =	vmul.f32 v10, v39;
	s14 =	sshra.s32 s11, $0x1;
	s11 =	smul.f32 $5.000000000e-01, s11;
	[tilespmem:s0+$0x40] =	vst v6  }
0x62b: {  	v9 =	vadd.f32 v9, v47;
	s15 =	ssub.s32 $0x5F3759DF, s14;
	v0 =	vmul.f32 v13, v44;
	[tilespmem:s0+$0x50] =	vst v4  }
0x62c: {  	v5 =	vmul.f32 v5, v45;
	v10 =	vadd.f32 v10, v48;
	s12 =	smul.f32 s15, s11;
	[tilespmem:s0+$0x70] =	vst v7  }
0x62d: {  	[tilespmem:s0+$0x80] =	vst v9;
	v0 =	vadd.f32 v0, v49  }
0x62e: {  	s16 =	smul.f32 s15, s12;
	[tilespmem:s0+$0x90] =	vst v10;
	v5 =	vadd.f32 v5, v25  }
0x62f: {  	[tilespmem:s0+$0xA0] =	vst v0  }
0x630: {  	s2 =	ssub.f32 $1.500000000e+00, s16;
	[tilespmem:s0+$0x60] =	vst v5  }
0x631: {  	v13 =	vmul.f32 v15, v46;
	v0 =	vld [tilespmem:$0x1F7D0]  }
0x632: {  	s2 =	smul.f32 s15, s2  }
0x633: {  	v35 =	vadd.f32 v13, v50  }
0x634: {  	s17 =	spop (v2sf);
	s18 =	smul.f32 s2, s11;
	v2 =	vmul.f32 v19, v45  }
0x635: {  	s10 =	smul.f32 $7.812500000e-03, s17;
	[tilespmem:s0+$0xB0] =	vst v35  }
0x636: {  	s21 =	spop (v2sf);
	s20 =	smul.f32 s18, s2;
	v1 =	vmul.f32 v16, v42;
	v13 =	vadd.f32 v2, v25;
	v2 =	vmul.f32 v0, v42;
	v0 =	vld [tilespmem:$0x1F7E0]  }
0x637: {  	v61 =	vmul.f32 v52, v39;
	s12 =	smul.f32 s10, s10;
	s23 =	spop (v2sf)  }
0x638: {  	v36 =	vmul.f32 v11, v43;
	v58 =	vmul.f32 v14, v40;
	s15 =	smul.f32 $7.812500000e-03, s23;
	s14 =	ssub.f32 $1.500000000e+00, s20;
	v52 =	vadd.f32 v1, v34  }
0x639: {  	s18 =	smul.f32 $7.812500000e-03, s21;
	v15 =	vmul.f32 v17, v43;
	v3 =	vmul.f32 v21, v38  }
0x63a: {  	v17 =	vmul.f32 v22, v39;
	v6 =	vmul.f32 v23, v44;
	s17 =	smul.f32 s14, s2;
	[tilespmem:s0+$0xC0] =	vst v52  }
0x63b: {  	s21 =	smul.f32 s18, s18;
	v4 =	vmul.f32 v24, v46;
	v1 =	vmul.f32 v0, v43;
	v0 =	vld [tilespmem:$0x1F7F0]  }
0x63c: {  	s24 =	spop (v2sf);
	v14 =	vadd.f32 v15, v28;
	v15 =	vmul.f32 v12, v45;
	v12 =	vadd.f32 v58, v27;
	s2 =	smul.f32 s17, s11  }
0x63d: {  	v58 =	vmul.f32 v8, v40;
	v11 =	vadd.f32 v3, v47;
	v10 =	vadd.f32 v17, v48;
	s11 =	smul.f32 $7.812500000e-03, s24  }
0x63e: {  	s31 =	spop (v2sf);
	v9 =	vadd.f32 v6, v49;
	v8 =	vadd.f32 v4, v50;
	s25 =	smul.f32 s2, s17;
	v5 =	vmul.f32 v26, v42  }
0x63f: {  	s20 =	smul.f32 $7.812500000e-03, s31;
	s14 =	simm.s32 $0x4;
	v4 =	vadd.f32 v36, v28;
	v6 =	vadd.f32 v58, v27;
	s21 =	ssub.f32 s11, s21  }
0x640: {  	s2 =	smul.f32 s15, s15;
	s11 =	simm.s32 $0x13000;
	s16 =	ssub.f32 $1.500000000e+00, s25;
	v7 =	vadd.f32 v5, v34;
	v5 =	vadd.f32 v15, v25;
	v0 =	vmul.f32 v0, v45  }
.LBB2_22:
0x641: {  	v16 =	vld [tilespmem:s11+$0x180]  }
0x642: {  	v20 =	vld [tilespmem:s11+$0x190];
	s16 =	smul.f32 s16, s17;
	[tilespmem:s0+$0xD0] =	vst v14  }
0x643: {  	v17 =	vadd.f32 v61, v48;
	v18 =	vadd.f32 v62, v49;
	v19 =	vld [tilespmem:s11+$0x1B0];
	[tilespmem:s0+$0xE0] =	vst v13  }
0x644: {  	v23 =	vadd.f32 v0, v25;
	v21 =	vadd.f32 v2, v34;
	v14 =	vld [tilespmem:s11+$0x1A0];
	[tilespmem:s0+$0xF0] =	vst v12;
	v2 =	vmul.f32 s16, v41  }
0x645: {  	v22 =	vadd.f32 v1, v28;
	[tilespmem:s0+$0x150] =	vst v4;
	v4 =	vld [tilespmem:s11+$0x20];
	s25 =	smul.f32 s16, s19;
	v3 =	vmul.f32 s16, v32;
	v1 =	vmul.f32 s16, v51  }
0x646: {  	v13 =	vadd.f32 v63, v50;
	[tilespmem:s0+$0x100] =	vst v11;
	v12 =	vmul.f32 s16, v53;
	v24 =	vmul.f32 s16, v29;
	v29 =	vld [tilespmem:s11+$0x1C0]  }
0x647: {  	[tilespmem:s0+$0x110] =	vst v10;
	v0 =	vmul.f32 s16, v33;
	v10 =	vmul.f32 s16, v30;
	v30 =	vld [tilespmem:s11+$0x1D0];
	v11 =	vmov s25  }
0x648: {  	[tilespmem:s0+$0x130] =	vst v8;
	v25 =	vmul.f32 s16, v31;
	v31 =	vld [tilespmem:s11+$0x1E0];
	v12 =	vsub.f32 v12, v11;
	v2 =	vsub.f32 v2, v11  }
0x649: {  	[tilespmem:s0+$0x120] =	vst v9;
	v53 =	vld [tilespmem:s11+$0x1F0];
	v32 =	vmov v20;
	v3 =	vsub.f32 v3, v11;
	v15 =	vsub.f32 v1, v11  }
0x64a: {  	v41 =	vmovc v16;
	v63 =	vsub.f32 v0, v11;
	v1 =	vsub.f32 v10, v11;
	v20 =	vmul.f32 v20, v32  }
0x64b: {  	[tilespmem:s0+$0x160] =	vst v5;
	v5 =	vld [tilespmem:s11+$0x30];
	v10 =	vadd.f32 v32, v41;
	v62 =	vmul.f32 v4, v4;
	v8 =	vmul.f32 v12, v40  }
0x64c: {  	[tilespmem:s0+$0x170] =	vst v6;
	v6 =	vld [tilespmem:s11+$0x40];
	v9 =	vmul.f32 v2, v38;
	v2 =	vsub.f32 v24, v11;
	v61 =	vmul.f32 v3, v39  }
0x64d: {  	s24 =	sadd.f32 $9.999999960e-13, s21;
	[tilespmem:s0+$0x1B0] =	vst v13;
	v13 =	vld [tilespmem:s11+$0xB0];
	v3 =	vsub.f32 v25, v11;
	v11 =	vadd.f32 v19, v14;
	v12 =	vmul.f32 v16, v41  }
0x64e: {  	v0 =	vld [tilespmem:s11+$0x10];
	v52 =	vadd.f32 v30, v29;
	v24 =	vmul.f32 v14, v14;
	v25 =	vadd.f32 v53, v31  }
0x64f: {  	[tilespmem:s0+$0x140] =	vst v7;
	s31 =	sshra.s32 s24, $0x1;
	s19 =	smul.f32 $5.000000000e-01, s24;
	v28 =	vmul.f32 v29, v29;
	v58 =	vmul.f32 v30, v30;
	v7 =	vadd.f32 v8, v27;
	v8 =	vld [tilespmem:s11+$0x60]  }
0x650: {  	s12 =	ssub.f32 s20, s12;
	s20 =	ssub.s32 $0x5F3759DF, s31;
	v36 =	vmul.f32 v31, v31;
	v27 =	vmul.f32 v19, v19;
	v38 =	vadd.f32 v9, v47;
	v9 =	vld [tilespmem:s11+$0x70]  }
0x651: {  	s23 =	spop (v2sf);
	s31 =	smul.f32 s20, s19;
	v39 =	vadd.f32 v11, v10;
	v16 =	vadd.f32 v25, v52;
	v25 =	vmul.f32 v53, v53;
	v10 =	vld [tilespmem:s11+$0x80]  }
0x652: {  	[tilespmem:s0+$0x190] =	vst v17;
	s17 =	smul.f32 $7.812500000e-03, s23;
	v42 =	vmul.f32 v6, v6;
	v20 =	vadd.f32 v20, v12;
	v17 =	vadd.f32 v58, v28;
	v12 =	vld [tilespmem:s11+$0xA0]  }
0x653: {  	s12 =	sadd.f32 $9.999999960e-13, s12;
	[tilespmem:s0+$0x1A0] =	vst v18;
	s21 =	smul.f32 s20, s31;
	v40 =	vmul.f32 v5, v5;
	v11 =	vld [tilespmem:s11+$0x90];
	v24 =	vadd.f32 v27, v24;
	v25 =	vadd.f32 v25, v36  }
0x654: {  	s2 =	ssub.f32 s17, s2;
	v63 =	vmul.f32 v63, v46;
	[tilespmem:s13+$0x1F0] =	vst v7;
	v7 =	vld [tilespmem:s11+$0x50];
	v27 =	vadd.f32 v5, v4;
	v18 =	vadd.f32 v16, v39  }
0x655: {  	s21 =	ssub.f32 $1.500000000e+00, s21;
	[tilespmem:s13+$0x180] =	vst v38;
	v16 =	vld [tilespmem:s11+$0xC0];
	v52 =	vmov v14;
	v38 =	vadd.f32 v40, v62;
	v20 =	vadd.f32 v24, v20  }
0x656: {  	s24 =	sshra.s32 s12, $0x1;
	s12 =	smul.f32 $5.000000000e-01, s12;
	s23 =	sadd.f32 $9.999999960e-13, s2;
	v58 =	vmovc v37;
	v14 =	vld [tilespmem:s11+$0xF0];
	v24 =	vadd.f32 v25, v17;
	v25 =	vadd.f32 v9, v8;
	v45 =	vmul.f32 v8, v8  }
0x657: {  	s20 =	smul.f32 s20, s21;
	[tilespmem:s0+$0x1C0] =	vst v21;
	v17 =	vld [tilespmem:s11+$0xD0];
	v47 =	vmul.f32 v9, v9;
	v35 =	vmul.f32 v10, v10;
	v49 =	vadd.f32 v13, v12  }
0x658: {  	s25 =	sshra.s32 s23, $0x1;
	s17 =	smul.f32 $5.000000000e-01, s23;
	(xrf2) =	vadd.scan.msk.f32 $0xffff, v18;
	v18 =	vld [tilespmem:s11+$0xE0];
	v36 =	vmul.f32 v11, v11;
	v20 =	vadd.f32 v24, v20;
	v24 =	vadd.f32 v11, v10  }
0x659: {  	s2 =	ssub.s32 $0x5F3759DF, s24;
	s16 =	ssub.s32 $0x5F3759DF, s25;
	[tilespmem:s0+$0x1D0] =	vst v22;
	s25 =	smul.f32 s20, s19;
	v21 =	vld [tilespmem:s11+$0x110];
	v48 =	vmul.f32 v12, v12;
	v43 =	vadd.f32 v7, v6;
	v28 =	vmul.f32 v7, v7  }
0x65a: {  	s23 =	smul.f32 s2, s12;
	[tilespmem:s0+$0x1E0] =	vst v23;
	v23 =	vld [tilespmem:s11+$0x150];
	v50 =	vadd.f32 v36, v35;
	v62 =	vmul.f32 v16, v16;
	v35 =	vadd.f32 v49, v24  }
0x65b: {  	s21 =	smul.f32 s25, s20;
	(xrf2) =	vadd.scan.msk.f32 $0xffff, v20;
	v20 =	vld [tilespmem:s11+$0x100];
	v37 =	vadd.f32 v25, v43;
	v22 =	vadd.f32 v28, v42;
	v25 =	vmul.f32 v13, v13  }
0x65c: {  	s23 =	smul.f32 s2, s23;
	v24 =	vld [tilespmem:s11+$0x120];
	v28 =	vadd.f32 v47, v45;
	v45 =	vadd.f32 v17, v16;
	v47 =	vmul.f32 v17, v17  }
0x65d: {  	v51 =	vmovc v19;
	s21 =	ssub.f32 $1.500000000e+00, s21;
	v49 =	vadd.f32 v14, v18;
	v42 =	vmul.f32 v14, v14;
	v19 =	vadd.f32 v25, v48;
	v25 =	vld [tilespmem:s11+$0x130]  }
0x65e: {  	s23 =	ssub.f32 $1.500000000e+00, s23;
	v28 =	vadd.f32 v28, v22;
	v48 =	vmul.f32 v18, v18;
	v34 =	vadd.f32 v47, v62;
	v22 =	vld [tilespmem:s11+$0x140]  }
0x65f: {  	v46 =	vld [tilespmem:s11+$0x0];
	s20 =	smul.f32 s21, s20;
	v62 =	vmul.f32 v15, v44;
	v36 =	vadd.f32 v49, v45;
	v33 =	vadd.f32 v19, v50  }
0x660: {  	s2 =	smul.f32 s2, s23;
	v15 =	vld [tilespmem:s11+$0x160];
	v43 =	vmul.f32 v20, v20;
	v40 =	vadd.f32 v21, v20;
	v50 =	vmul.f32 v21, v21  }
0x661: {  	s19 =	smul.f32 s20, s19;
	v39 =	vadd.f32 v42, v48;
	v19 =	vld [tilespmem:s11+$0x170];
	v35 =	vadd.f32 v36, v35  }
0x662: {  	s23 =	smul.f32 s2, s12;
	v49 =	vmul.f32 v23, v23;
	v45, _, _ =	vpop (xrf2);
	v43 =	vadd.f32 v50, v43;
	v47 =	vadd.f32 v25, v24  }
0x663: {  	s19 =	smul.f32 s19, s20;
	v34 =	vadd.f32 v39, v34;
	(v2sf) =	vpush v45, $0xF;
	v39 =	vmul.f32 v22, v22  }
0x664: {  	v26 =	vmul.f32 v0, v0;
	v48 =	vadd.f32 v23, v22;
	v40 =	vadd.f32 v47, v40  }
0x665: {  	s23 =	smul.f32 s23, s2;
	s19 =	ssub.f32 $1.500000000e+00, s19;
	v50 =	vmul.f32 v46, v46;
	v45, _, _ =	vpop (xrf2);
	v39 =	vadd.f32 v49, v39;
	v49 =	vadd.f32 v0, v46  }
0x666: {  	v42 =	vmul.f32 v24, v24;
	(v2sf) =	vpush v45, $0xF;
	v45 =	vadd.f32 v19, v15  }
0x667: {  	s23 =	ssub.f32 $1.500000000e+00, s23;
	v44 =	vmul.f32 v25, v25;
	s19 =	smul.f32 s19, s20;
	v26 =	vadd.f32 v26, v50;
	v27 =	vadd.f32 v27, v49  }
0x668: {  	v36 =	vadd.f32 v45, v48  }
0x669: {  	s2 =	smul.f32 s23, s2;
	v42 =	vadd.f32 v44, v42;
	(xrf2) =	vadd.scan.msk.f32 $0xffff, v35;
	v35 =	vmul.f32 s19, v54;
	v54 =	vmovc v0;
	v37 =	vadd.f32 v37, v27  }
0x66a: {  	v27 =	vmul.f32 s19, v55;
	v55 =	vmovc v5;
	v5 =	vadd.f32 v34, v33;
	v33 =	vadd.f32 v36, v40;
	v40 =	vmovc v6  }
0x66b: {  	s12 =	smul.f32 s2, s12;
	v0 =	vadd.f32 v42, v43;
	v42 =	vmul.f32 s19, v56;
	v56 =	vmovc v4;
	v4 =	vadd.f32 v38, v26;
	v38 =	vld [tilespmem:$0x1F5F0];
	v26 =	vmovc v7  }
0x66c: {  	v6 =	vld [tilespmem:$0x1F600];
	[tilespmem:$0x1F600] =	vst v26  }
0x66d: {  	s12 =	smul.f32 s12, s2;
	v26 =	vld [tilespmem:$0x1F610];
	[tilespmem:$0x1F5F0] =	vst v40;
	v40 =	vmov v8  }
0x66e: {  	[tilespmem:$0x1F610] =	vst v40;
	v40 =	vld [tilespmem:$0x1F640]  }
0x66f: {  	s12 =	ssub.f32 $1.500000000e+00, s12;
	_ =	sdelay $0x1  }
0x670: {  	s2 =	smul.f32 s12, s2;
	_ =	sdelay $0x1  }
0x671: {  	v8 =	vmov v9;
	v36 =	vmul.f32 s2, v40;
	v40 =	vmov v10  }
0x672: {  	s24 =	smul.f32 s16, s17;
	v4 =	vadd.f32 v28, v4;
	v28 =	vld [tilespmem:$0x1F620];
	[tilespmem:$0x1F620] =	vst v8  }
0x673: {  	v8 =	vld [tilespmem:$0x1F630];
	v10 =	vmov v11;
	[tilespmem:$0x1F630] =	vst v40  }
0x674: {  	s24 =	smul.f32 s16, s24;
	[tilespmem:$0x1F640] =	vst v10;
	v10 =	vld [tilespmem:$0x1F650];
	v40 =	vmov v12  }
0x675: {  	[tilespmem:$0x1F650] =	vst v40;
	v40 =	vld [tilespmem:$0x1F670]  }
0x676: {  	s24 =	ssub.f32 $1.500000000e+00, s24;
	_ =	sdelay $0x1  }
0x677: {  	s16 =	smul.f32 s16, s24;
	_ =	sdelay $0x1  }
0x678: {  	s31 =	smul.f32 s16, s17;
	(xrf2) =	vadd.scan.msk.f32 $0xffff, v37;
	v37 =	vmul.f32 s2, v40;
	v40 =	vld [tilespmem:$0x1F680];
	_ =	sdelay $0x1  }
0x679: {  	s24 =	smul.f32 s31, s16;
	v44 =	vmul.f32 v15, v15;
	v47 =	vmul.f32 v19, v19;
	_ =	sdelay $0x1  }
0x67a: {  	s24 =	ssub.f32 $1.500000000e+00, s24;
	v44 =	vadd.f32 v47, v44  }
0x67b: {  	v34 =	vmul.f32 s19, v38;
	v11 =	vld [tilespmem:$0x1F660];
	v38 =	vmul.f32 s2, v40;
	v40 =	vmov v13  }
0x67c: {  	s16 =	smul.f32 s24, s16;
	v39 =	vadd.f32 v44, v39;
	[tilespmem:$0x1F660] =	vst v40;
	v40 =	vld [tilespmem:$0x1F6A0]  }
0x67d: {  	s31 =	smul.f32 s19, s18  }
0x67e: {  	s17 =	smul.f32 s16, s17;
	v0 =	vadd.f32 v39, v0;
	v39 =	vld [tilespmem:$0x1F690];
	_ =	sdelay $0x1  }
0x67f: {  	v7 =	vmov s31;
	s17 =	smul.f32 s17, s16;
	v13 =	vmov v16  }
0x680: {  	[tilespmem:$0x1F670] =	vst v13;
	v13 =	vsub.f32 v35, v7;
	v35 =	vmul.f32 s2, v40;
	v40 =	vld [tilespmem:$0x1F6B0]  }
0x681: {  	s17 =	ssub.f32 $1.500000000e+00, s17  }
0x682: {  	v16 =	vmul.f32 s2, v39;
	v39 =	vmov v17  }
0x683: {  	s25 =	smul.f32 s17, s16  }
0x684: {  	v45 =	vmul.f32 s19, v60;
	v28 =	vmul.f32 s19, v28  }
0x685: {  	s10 =	smul.f32 s2, s10;
	s16 =	spop (v2sf);
	[tilespmem:$0x1F680] =	vst v39;
	v39 =	vmovc v18;
	v18 =	vmul.f32 s25, v40;
	v40 =	vmul.f32 s25, v57;
	v57 =	vmov v14  }
0x686: {  	v6 =	vmul.f32 s19, v6;
	v26 =	vmul.f32 s19, v26;
	s19 =	smul.f32 $7.812500000e-03, s16;
	[tilespmem:$0x1F6A0] =	vst v57;
	v57 =	vld [tilespmem:$0x1F6E0]  }
0x687: {  	v43 =	vld [tilespmem:$0x1FEA0];
	(xrf2) =	vadd.scan.msk.f32 $0xffff, v33  }
0x688: {  	(xrf2) =	vadd.scan.msk.f32 $0xffff, v4;
	v9 =	vmov s10;
	v4, _, _ =	vpop (xrf2);
	v8 =	vmul.f32 s2, v8;
	s10 =	smul.f32 s19, s19;
	s17 =	spop (v2sf)  }
0x689: {  	(v2sf) =	vpush v4, $0xF;
	v4 =	vld [tilespmem:$0x1F6D0];
	v11 =	vmul.f32 s2, v11;
	v10 =	vmul.f32 s2, v10;
	s2 =	smul.f32 $7.812500000e-03, s17;
	_ =	sdelay $0x1  }
0x68a: {  	v60 =	vmovc v46;
	v46 =	vld [tilespmem:$0x1FE80];
	s15 =	smul.f32 s25, s15;
	s2 =	ssub.f32 s2, s10;
	v14 =	vmov v20;
	v20 =	vmul.f32 s25, v57;
	v57 =	vmov v21  }
0x68b: {  	v44 =	vld [tilespmem:$0x1FE70];
	v1 =	vmul.f32 v1, v43;
	(xrf2) =	vadd.scan.msk.f32 $0xffff, v5  }
0x68c: {  	v50 =	vld [tilespmem:$0x1FF00];
	v5 =	vsub.f32 v34, v7;
	v33 =	vmov s15;
	v6 =	vsub.f32 v6, v7;
	[tilespmem:$0x1F690] =	vst v39;
	s2 =	sadd.f32 $9.999999960e-13, s2  }
0x68d: {  	v26 =	vsub.f32 v26, v7;
	v4 =	vmul.f32 s25, v4;
	v11 =	vsub.f32 v11, v9;
	v39 =	vld [tilespmem:$0x1F6C0];
	[tilespmem:$0x1F6C0] =	vst v57;
	v57 =	vmovc v24  }
0x68e: {  	v6 =	vmul.f32 v6, v43;
	v12 =	vsub.f32 v45, v7;
	v45 =	vld [tilespmem:$0x1FEB0];
	v10 =	vsub.f32 v10, v9;
	s18 =	sshra.s32 s2, $0x1;
	s20 =	smul.f32 $5.000000000e-01, s2  }
0x68f: {  	v4 =	vsub.f32 v4, v33;
	v11 =	vmul.f32 v11, v46;
	v17 =	vsub.f32 v42, v7;
	v42 =	vld [tilespmem:$0x1FE90];
	s21 =	ssub.s32 $0x5F3759DF, s18  }
0x690: {  	v10 =	vmul.f32 v10, v44;
	s10 =	smul.f32 s21, s20;
	v21 =	vmul.f32 s25, v59;
	v59 =	vld [tilespmem:$0x1FE50];
	[tilespmem:$0x1F6D0] =	vst v57;
	v57 =	vmov v25;
	v25, _, _ =	vpop (xrf2)  }
0x691: {  	v34 =	vld [tilespmem:$0x1FF10];
	v4 =	vmul.f32 v4, v44;
	v16 =	vsub.f32 v16, v9;
	[tilespmem:$0x1F6B0] =	vst v14;
	(v2sf) =	vpush v25, $0xF  }
0x692: {  	v14 =	vsub.f32 v27, v7;
	v27 =	vld [tilespmem:$0x1F6F0];
	s10 =	smul.f32 s21, s10;
	(xrf2) =	vadd.scan.msk.f32 $0xffff, v0;
	v0 =	vmul.f32 v17, v44;
	v17 =	vsub.f32 v36, v9;
	v36, _, _ =	vpop (xrf2)  }
0x693: {  	v16 =	vmul.f32 v16, v45;
	v7 =	vsub.f32 v28, v7;
	v28 =	vld [tilespmem:$0x1FF20];
	(v2sf) =	vpush v36, $0xF  }
0x694: {  	v23 =	vmovc v23;
	v49 =	vld [tilespmem:$0x1FEF0];
	v8 =	vsub.f32 v8, v9;
	v5 =	vmul.f32 v5, v42;
	s10 =	ssub.f32 $1.500000000e+00, s10;
	v24 =	vmul.f32 s25, v58  }
0x695: {  	v12 =	vmul.f32 v12, v59;
	v59 =	vmov v15;
	v15 =	vsub.f32 v38, v9;
	v38 =	vld [tilespmem:$0x1FE50];
	v58, _, _ =	vpop (xrf2)  }
0x696: {  	v47 =	vld [tilespmem:$0x1FED0];
	v5 =	vadd.f32 v5, v34;
	[tilespmem:$0x1F6F0] =	vst v23;
	v23 =	vmul.f32 v26, v45;
	s2 =	smul.f32 s21, s10;
	(v2sf) =	vpush v58, $0xF;
	v26, _, _ =	vpop (xrf2)  }
0x697: {  	v18 =	vsub.f32 v18, v33;
	v27 =	vmul.f32 s25, v27;
	v25 =	vld [tilespmem:$0x1FE60];
	(v2sf) =	vpush v26, $0xF  }
0x698: {  	s0 =	smov.u32 s13;
	v48 =	vld [tilespmem:$0x1FEE0];
	v39 =	vmul.f32 s25, v39;
	v6 =	vadd.f32 v6, v28;
	v20 =	vsub.f32 v20, v33;
	s24 =	smul.f32 s2, s20  }
0x699: {  	[tilespmem:s0+$0x40] =	vst v5;
	v14 =	vmul.f32 v14, v46;
	v27 =	vsub.f32 v27, v33;
	v36 =	vld [tilespmem:$0x1FEC0];
	v0 =	vadd.f32 v0, v49  }
0x69a: {  	v21 =	vsub.f32 v21, v33;
	[tilespmem:s0+$0x50] =	vst v6;
	s15 =	smul.f32 s24, s2;
	v58 =	vsub.f32 v39, v33;
	v39 =	vld [tilespmem:$0x1FE60];
	v8 =	vmul.f32 v8, v38  }
0x69b: {  	v20 =	vmul.f32 v20, v42;
	v24 =	vsub.f32 v24, v33;
	[tilespmem:s0+$0x20] =	vst v0;
	v0 =	vmul.f32 v3, v45;
	v3 =	vld [tilespmem:$0x1FE30]  }
0x69c: {  	s23 =	spop (v2sf);
	v12 =	vadd.f32 v12, v47;
	s15 =	ssub.f32 $1.500000000e+00, s15;
	v13 =	vmul.f32 v13, v25;
	v25 =	vmovc v22;
	v6 =	vadd.f32 v8, v47  }
0x69d: {  	s10 =	smul.f32 $7.812500000e-03, s23;
	v15 =	vmul.f32 v15, v43;
	v18 =	vmul.f32 v18, v38;
	[tilespmem:$0x1F6E0] =	vst v25;
	v25 =	vsub.f32 v40, v33;
	v40 =	vld [tilespmem:$0x1FEC0]  }
0x69e: {  	s17 =	smul.f32 s15, s2;
	v22 =	vsub.f32 v37, v9;
	v9 =	vsub.f32 v35, v9;
	v7 =	vmul.f32 v7, v36;
	[tilespmem:s0+$0x80] =	vst v6;
	v6 =	vld [tilespmem:$0x1FE30];
	v26, _, _ =	vpop (xrf2)  }
0x69f: {  	s12 =	smul.f32 s10, s10;
	[tilespmem:s0+$0x0] =	vst v12;
	v12 =	vadd.f32 v13, v48;
	(v2sf) =	vpush v26, $0xF;
	v26 =	vmul.f32 v27, v43;
	v27 =	vld [tilespmem:$0x1FE40]  }
0x6a0: {  	v37 =	vmovc v19;
	s2 =	smul.f32 s17, s20;
	v19 =	vmul.f32 v58, v39;
	v58 =	vadd.f32 v11, v50;
	v3 =	vadd.f32 v23, v3;
	s25 =	spop (v2sf)  }
0x6a1: {  	v11 =	vadd.f32 v18, v47;
	v25 =	vmul.f32 v25, v46;
	[tilespmem:s0+$0x10] =	vst v12;
	v12 =	vadd.f32 v14, v50;
	s18 =	smul.f32 $7.812500000e-03, s25  }
0x6a2: {  	s14 =	sadd.s32 $0x4, s14;
	v17 =	vmul.f32 v17, v39;
	v14 =	vadd.f32 v15, v28;
	[tilespmem:s0+$0x60] =	vst v3;
	v3 =	vadd.f32 v10, v49;
	s31 =	spop (v2sf);
	s25 =	smul.f32 s2, s17  }
0x6a3: {  	p1 =	slt.u32 s14, $0xC4;
	[tilespmem:s0+$0xB0] =	vst v58;
	v10 =	vadd.f32 v19, v48;
	v8 =	vadd.f32 v25, v50;
	v25 =	vld [tilespmem:$0x1FE30];
	v9 =	vmul.f32 v9, v40;
	s15 =	smul.f32 $7.812500000e-03, s31  }
.Ltmp14:
0x6a4: {  	v22 =	vmul.f32 v22, v42;
	[tilespmem:s0+$0x30] =	vst v12;
	v13 =	vadd.f32 v16, v6;
	v5 =	vadd.f32 v7, v27;
	(pc) =	sbr.rel @p1 .LBB2_22-.Ltmp14, $4  }
0x6a5: {  	v24 =	vmul.f32 v24, v40;
	[tilespmem:s0+$0xA0] =	vst v3;
	v7 =	vadd.f32 v17, v48;
	v12 =	vadd.f32 v9, v27;
	s23 =	spop (v2sf);
	s21 =	smul.f32 s18, s18  }
0x6a6: {  	v21 =	vmul.f32 v21, v45;
	v9 =	vadd.f32 v4, v49;
	[tilespmem:s0+$0x70] =	vst v5;
	v5 =	vadd.f32 v22, v34;
	s24 =	smul.f32 $7.812500000e-03, s23;
	s31 =	spop (v2sf)  }
0x6a7: {  	s13 =	smov.u32 s11;
	v2 =	vmul.f32 v2, v42;
	v4 =	vadd.f32 v26, v28;
	v6 =	vadd.f32 v24, v27;
	[tilespmem:s0+$0x90] =	vst v7;
	s16 =	ssub.f32 $1.500000000e+00, s25;
	s2 =	smul.f32 s15, s15  }
0x6a8: {  	s11 =	sadd.s32 $0x200, s11;
	v33 =	vmovc v51;
	v51 =	vmov v52;
	v7 =	vadd.f32 v20, v34;
	s20 =	smul.f32 $7.812500000e-03, s31;
	[tilespmem:s0+$0xC0] =	vst v5;
	v5 =	vadd.f32 v21, v25;
	s21 =	ssub.f32 s24, s21  }
0x6a9: {  	_ = 	snop  }
0x6aa: {  	s14 =	sadd.f32 $9.999999960e-13, s21;
	_ =	sdelay $0x1  }
0x6ab: {  	s21 =	sshra.s32 s14, $0x1;
	s14 =	smul.f32 $5.000000000e-01, s14  }
0x6ac: {  	s12 =	ssub.f32 s20, s12;
	s25 =	ssub.s32 $0x5F3759DF, s21  }
0x6ad: {  	s11 =	spop (v2sf);
	s21 =	smul.f32 s25, s14  }
0x6ae: {  	s12 =	sadd.f32 $9.999999960e-13, s12;
	s11 =	smul.f32 $7.812500000e-03, s11  }
0x6af: {  	s23 =	smul.f32 s25, s21  }
0x6b0: {  	s24 =	sshra.s32 s12, $0x1;
	s12 =	smul.f32 $5.000000000e-01, s12;
	s2 =	ssub.f32 s11, s2  }
0x6b1: {  	s21 =	ssub.s32 $0x5F3759DF, s24;
	s11 =	smul.f32 s16, s17;
	s17 =	ssub.f32 $1.500000000e+00, s23  }
0x6b2: {  	s23 =	smul.f32 s21, s12  }
0x6b3: {  	s31 =	sadd.f32 $9.999999960e-13, s2;
	s17 =	smul.f32 s25, s17  }
0x6b4: {  	s25 =	smul.f32 s21, s23  }
0x6b5: {  	s2 =	smul.f32 $5.000000000e-01, s31;
	s16 =	sshra.s32 s31, $0x1  }
0x6b6: {  	s16 =	ssub.s32 $0x5F3759DF, s16;
	s31 =	smul.f32 s17, s14  }
0x6b7: {  	s20 =	ssub.f32 $1.500000000e+00, s25;
	s24 =	smul.f32 s16, s2  }
0x6b8: {  	s23 =	smul.f32 s31, s17  }
0x6b9: {  	s20 =	smul.f32 s21, s20  }
0x6ba: {  	s25 =	smul.f32 s16, s24;
	s23 =	ssub.f32 $1.500000000e+00, s23  }
0x6bb: {  	[tilespmem:s0+$0xD0] =	vst v14;
	s31 =	smul.f32 s20, s12  }
0x6bc: {  	[tilespmem:s0+$0xE0] =	vst v13;
	s17 =	smul.f32 s23, s17  }
0x6bd: {  	v13 =	vld [tilespmem:$0x1F5F0];
	s24 =	smul.f32 s31, s20  }
0x6be: {  	v21 =	vld [tilespmem:$0x1F600];
	[tilespmem:s0+$0xF0] =	vst v12;
	s21 =	ssub.f32 $1.500000000e+00, s25;
	s14 =	smul.f32 s17, s14  }
0x6bf: {  	v12 =	vld [tilespmem:$0x1F610];
	[tilespmem:s0+$0x100] =	vst v11;
	s19 =	smul.f32 s11, s19;
	s25 =	ssub.f32 $1.500000000e+00, s24  }
0x6c0: {  	v11 =	vld [tilespmem:$0x1F620];
	[tilespmem:s0+$0x110] =	vst v10;
	v16 =	vmul.f32 s11, v41;
	s14 =	smul.f32 s14, s17  }
0x6c1: {  	[tilespmem:s0+$0x120] =	vst v9;
	v15 =	vmul.f32 s11, v53;
	v3 =	vmov s19;
	s20 =	smul.f32 s25, s20  }
0x6c2: {  	[tilespmem:s0+$0x130] =	vst v8;
	v16 =	vsub.f32 v16, v3;
	s16 =	smul.f32 s16, s21;
	s14 =	ssub.f32 $1.500000000e+00, s14  }
0x6c3: {  	[tilespmem:s0+$0x140] =	vst v7;
	v15 =	vsub.f32 v15, v3;
	s12 =	smul.f32 s20, s12  }
0x6c4: {  	v2 =	vadd.f32 v2, v34;
	v35 =	vld [tilespmem:$0x1F630];
	v16 =	vmul.f32 v16, v38;
	s14 =	smul.f32 s14, s17  }
0x6c5: {  	v1 =	vadd.f32 v1, v28;
	v0 =	vadd.f32 v0, v25;
	v36 =	vld [tilespmem:$0x1F640];
	[tilespmem:s0+$0x150] =	vst v4;
	v15 =	vmul.f32 v15, v40;
	s31 =	smul.f32 s16, s2  }
0x6c6: {  	v22 =	vld [tilespmem:$0x1F650];
	v53 =	vadd.f32 v16, v47;
	s12 =	smul.f32 s12, s20;
	v17 =	vmul.f32 s14, v60;
	v18 =	vmul.f32 s14, v54  }
0x6c7: {  	v23 =	vld [tilespmem:$0x1F660];
	[tilespmem:s0+$0x160] =	vst v5;
	s17 =	smul.f32 s14, s18;
	v58 =	vmul.f32 s14, v56;
	v60 =	vadd.f32 v61, v48;
	v61 =	vadd.f32 v62, v49  }
0x6c8: {  	v5 =	vld [tilespmem:$0x1F670];
	s21 =	smul.f32 s31, s16;
	v19 =	vmul.f32 s14, v55;
	s12 =	ssub.f32 $1.500000000e+00, s12;
	v62 =	vadd.f32 v63, v50;
	v63 =	vadd.f32 v15, v27  }
0x6c9: {  	v24 =	vld [tilespmem:$0x1F680];
	[tilespmem:s0+$0x170] =	vst v6;
	v13 =	vmul.f32 s14, v13;
	v21 =	vmul.f32 s14, v21;
	v20 =	vmov s17  }
0x6ca: {  	v6 =	vld [tilespmem:$0x1F690];
	s23 =	ssub.f32 $1.500000000e+00, s21;
	v12 =	vmul.f32 s14, v12;
	v11 =	vmul.f32 s14, v11;
	s12 =	smul.f32 s12, s20;
	[tilespmem:s13+$0x1F0] =	vst v63;
	v17 =	vsub.f32 v17, v20  }
0x6cb: {  	v18 =	vsub.f32 v18, v20;
	v14 =	vsub.f32 v58, v20;
	v7 =	vld [tilespmem:$0x1F6A0];
	[tilespmem:s13+$0x180] =	vst v53;
	v53 =	vmul.f32 s11, v31  }
0x6cc: {  	s16 =	smul.f32 s23, s16;
	v10 =	vsub.f32 v21, v20;
	v15 =	vmul.f32 s12, v35;
	v21 =	vmul.f32 s12, v36  }
0x6cd: {  	v19 =	vsub.f32 v19, v20;
	v22 =	vmul.f32 s12, v22;
	v23 =	vmul.f32 s12, v23  }
0x6ce: {  	s2 =	smul.f32 s16, s2;
	v13 =	vsub.f32 v13, v20;
	v5 =	vmul.f32 s12, v5;
	v24 =	vmul.f32 s12, v24  }
0x6cf: {  	v12 =	vsub.f32 v12, v20;
	s10 =	smul.f32 s12, s10;
	v6 =	vmul.f32 s12, v6;
	v36 =	vmul.f32 s11, v32  }
0x6d0: {  	v9 =	vsub.f32 v11, v20;
	v54 =	vmul.f32 v17, v38;
	v58 =	vmul.f32 v18, v39  }
0x6d1: {  	s2 =	smul.f32 s2, s16;
	[tilespmem:s0+$0x1A0] =	vst v61;
	v14 =	vmul.f32 v14, v44;
	v61 =	vmul.f32 v19, v46;
	v41 =	vmov s10  }
0x6d2: {  	[tilespmem:s0+$0x190] =	vst v60;
	v15 =	vsub.f32 v15, v41;
	v21 =	vsub.f32 v21, v41;
	v7 =	vmul.f32 s12, v7  }
0x6d3: {  	[tilespmem:s0+$0x1B0] =	vst v62;
	s2 =	ssub.f32 $1.500000000e+00, s2;
	v13 =	vmul.f32 v13, v42;
	v22 =	vsub.f32 v22, v41;
	v23 =	vsub.f32 v23, v41  }
0x6d4: {  	v10 =	vmul.f32 v10, v43;
	v5 =	vsub.f32 v5, v41;
	v4 =	vsub.f32 v7, v41;
	v7 =	vld [tilespmem:$0x1F6B0];
	[tilespmem:s0+$0x1C0] =	vst v2  }
0x6d5: {  	v12 =	vmul.f32 v12, v45;
	s2 =	smul.f32 s2, s16;
	v52 =	vsub.f32 v24, v41;
	v8 =	vadd.f32 v54, v47;
	v56 =	vld [tilespmem:$0x1F6C0];
	[tilespmem:s0+$0x1D0] =	vst v1  }
0x6d6: {  	v9 =	vmul.f32 v9, v40;
	v6 =	vsub.f32 v6, v41;
	v17 =	vadd.f32 v58, v48;
	v1 =	vld [tilespmem:$0x1F6D0];
	[tilespmem:s0+$0x1E0] =	vst v0  }
0x6d7: {  	v14 =	vadd.f32 v14, v49;
	v18 =	vadd.f32 v61, v50;
	v60 =	vmul.f32 s2, v57;
	[tilespmem:s13+$0x0] =	vst v8  }
0x6d8: {  	v13 =	vadd.f32 v13, v34;
	v62 =	vmul.f32 s2, v59;
	v63 =	vmul.f32 s2, v37;
	v8 =	vld [tilespmem:$0x1F6E0];
	[tilespmem:s13+$0x10] =	vst v17  }
0x6d9: {  	v10 =	vadd.f32 v10, v28;
	v19 =	vmul.f32 v15, v38;
	v21 =	vmul.f32 v21, v39;
	v17 =	vld [tilespmem:$0x1F6F0];
	[tilespmem:s13+$0x20] =	vst v14  }
0x6da: {  	v12 =	vadd.f32 v12, v25;
	v22 =	vmul.f32 v22, v44;
	v23 =	vmul.f32 v23, v46;
	[tilespmem:s13+$0x30] =	vst v18  }
0x6db: {  	v9 =	vadd.f32 v9, v27;
	v5 =	vmul.f32 v5, v42;
	v11 =	vmul.f32 v52, v43;
	[tilespmem:s13+$0x40] =	vst v13  }
0x6dc: {  	s24 =	smul.f32 s2, s15;
	v6 =	vmul.f32 v6, v45;
	v37 =	vmul.f32 s11, v51;
	v15 =	vadd.f32 v21, v48;
	[tilespmem:s13+$0x50] =	vst v10  }
0x6dd: {  	v52 =	vmul.f32 s11, v30;
	v5 =	vadd.f32 v5, v34;
	v35 =	vadd.f32 v11, v28;
	[tilespmem:s13+$0x60] =	vst v12  }
0x6de: {  	v55 =	vmov s24;
	v6 =	vadd.f32 v6, v25;
	v57 =	vsub.f32 v37, v3;
	[tilespmem:s13+$0x70] =	vst v9  }
0x6df: {  	v51 =	vmul.f32 s11, v29;
	v59 =	vsub.f32 v52, v3;
	v0 =	vsub.f32 v60, v55;
	[tilespmem:s13+$0x90] =	vst v15  }
0x6e0: {  	v26 =	vsub.f32 v62, v55;
	v2 =	vsub.f32 v63, v55;
	v4 =	vmul.f32 v4, v40;
	[tilespmem:s13+$0xC0] =	vst v5  }
0x6e1: {  	v41 =	vmul.f32 s11, v33;
	v13 =	vadd.f32 v19, v47;
	v12 =	vadd.f32 v22, v49;
	[tilespmem:s13+$0xD0] =	vst v35  }
0x6e2: {  	v9 =	vadd.f32 v23, v50;
	v4 =	vadd.f32 v4, v27;
	[tilespmem:s13+$0xE0] =	vst v6;
	v0 =	vmul.f32 v0, v46  }
0x6e3: {  	v2 =	vmul.f32 v2, v40;
	v6 =	vsub.f32 v41, v3;
	v7 =	vmul.f32 s2, v7;
	[tilespmem:s13+$0x80] =	vst v13  }
0x6e4: {  	v16 =	vmul.f32 s2, v56;
	[tilespmem:s13+$0xA0] =	vst v12;
	v0 =	vadd.f32 v0, v50;
	v56 =	vmul.f32 v26, v45  }
0x6e5: {  	[tilespmem:s13+$0xF0] =	vst v4;
	v4 =	vsub.f32 v51, v3;
	v2 =	vadd.f32 v2, v27;
	v6 =	vmul.f32 v6, v46  }
0x6e6: {  	[tilespmem:s13+$0xB0] =	vst v9;
	v1 =	vmul.f32 s2, v1;
	v7 =	vsub.f32 v7, v55;
	v8 =	vmul.f32 s2, v8  }
0x6e7: {  	v20 =	vsub.f32 v16, v55;
	[tilespmem:s13+$0x130] =	vst v0;
	v5 =	vadd.f32 v56, v25;
	v0 =	vmul.f32 v57, v44  }
0x6e8: {  	[tilespmem:s13+$0x170] =	vst v2;
	v60 =	vmul.f32 v4, v42;
	v62 =	vadd.f32 v6, v50;
	v1 =	vsub.f32 v1, v55  }
0x6e9: {  	v17 =	vmul.f32 s2, v17;
	v7 =	vmul.f32 v7, v38;
	[tilespmem:s13+$0x160] =	vst v5;
	v0 =	vadd.f32 v0, v49  }
0x6ea: {  	v8 =	vsub.f32 v8, v55;
	v2 =	vadd.f32 v60, v34;
	[tilespmem:s13+$0x1B0] =	vst v62;
	v1 =	vmul.f32 v1, v44  }
0x6eb: {  	v10 =	vmul.f32 v20, v39;
	v24 =	vsub.f32 v17, v55;
	v7 =	vadd.f32 v7, v47;
	[tilespmem:s13+$0x1A0] =	vst v0  }
0x6ec: {  	v55 =	vsub.f32 v36, v3;
	v8 =	vmul.f32 v8, v42;
	[tilespmem:s13+$0x1C0] =	vst v2;
	v1 =	vadd.f32 v1, v49  }
0x6ed: {  	v3 =	vsub.f32 v53, v3;
	v10 =	vadd.f32 v10, v48;
	[tilespmem:s13+$0x100] =	vst v7;
	v54 =	vmul.f32 v24, v43  }
0x6ee: {  	v8 =	vadd.f32 v8, v34;
	[tilespmem:s13+$0x120] =	vst v1;
	v1 =	vmul.f32 v55, v39  }
0x6ef: {  	v63 =	vmul.f32 v3, v45;
	[tilespmem:s13+$0x110] =	vst v10;
	v58 =	vadd.f32 v54, v28  }
0x6f0: {  	s25 =	smul.u32 $0xC8, s8;
	v61 =	vmul.f32 v59, v43;
	[tilespmem:s13+$0x140] =	vst v8;
	v1 =	vadd.f32 v1, v48  }
.Ltmp15:
0x6f1: {  	v0 =	vadd.f32 v63, v25;
	[tilespmem:s13+$0x150] =	vst v58;
	(pc) =	sbr.rel .LBB2_24-.Ltmp15, $4  }
0x6f2: {  	s0 =	sadd.s32 s7, s25;
	[tilespmem:s13+$0x190] =	vst v1;
	v1 =	vadd.f32 v61, v28  }
0x6f3: {  	s0 =	sshll.u32 s0, $0x4;
	[tilespmem:s13+$0x1E0] =	vst v0  }
0x6f4: {  	s31 =	simm.s32 $0x12C00;
	s0 =	sadd.s32 s26, s0;
	[tilespmem:s13+$0x1D0] =	vst v1  }
0x6f5: {  	[hbm4b:s0+s4] =	stream.linear.scatter [tilespmem:s31], [sflag:$0x10], $0x6400, $0x38;
	[tilespmem:$0x1A980] =	vst v63  }
.LBB2_26:
0x6f6: {  	_ =	sfence.sel $0x180000  }
0x6f7: {  	[bflag:$0x0] =	sbarrier.arrive $0xFFFF  }
0x6f8: {  	_ =	strace $0x90000047  }
0x6f9: {  	[bflag:$0x2] =	sbarrier.arrive $0xFFFF  }
0x6fa: {  	s0 =	rddreg [dreg:$0x4]  }
0x6fb: {  	s0 =	sadd.s32 @!p0 $0x100000, s0  }
0x6fc: {  	[sflag:s0] =	ssyncadd.tile.s32 @!p0 $0x1;
	_ =	shalt  }
.Lfunc_end2:
_tile_overlayer_lowered:
.L_overlay_start_2:
0x6fd: {  	(tag) =	ssettag $0x2  }
0x6fe: {  	s0 =	rddreg [dreg:$0x0];
	s2 =	stileid.u32  }
0x6ff: {  	s1 =	rddreg [dreg:$0x1];
	p0 =	sne.s32 s2, $0x0  }
0x700: {  	s3 =	rddreg [dreg:$0x2];
	[bflag:$0x3] =	sbarrier.arrive $0xFFFF;
	s2 =	simm.s32 @!p0 $0x1C11  }
0x701: {  	[timem:s3], [sflag:s2] =	dma.local @!p0 [hbm:s0], s1  }
0x702: {  	s0 =	simm.s32 @!p0 $0x11  }
0x703: {  	_ =	swait.ge @!p0 [sflag:s0], s1  }
0x704: {  	s1 =	ssub.s32 @!p0 $0x0, s1;
	[sflag:s0] =	ssyncset.done @!p0 $0x0  }
0x705: {  	[sflag:s0] =	ssyncadd.s32 @!p0 s1  }
0x706: {  	[bflag:$0x3] =	sbarrier.arrive $0xFFFF  }
0x707: {  	_ =	shalt  }

</sc_bundles>
